<compile_context>
chip_gen: v7x
topology: tpu7x:2x2x1
jax: 0.10.2.dev20260603
libtpu: 0.0.44.dev20260713+nightly
codegen_flags: <defaults>
</compile_context>

<pallas_src>
import functools

import jax
import jax.numpy as jnp
from jax import lax
from jax.experimental import pallas as pl
from jax.experimental.pallas import tpu as pltpu
from jax.experimental.pallas import tpu_sc as plsc

NC = 2
NS = 16
NW = NC * NS
G = 128


def _tc_prep(x, W, A2, BN):
    N, D = x.shape
    K = A2.shape[1]

    def body(x_ref, w_ref, a2_ref, h_ref, t_ref):
        h = jnp.dot(x_ref[...], w_ref[...], preferred_element_type=jnp.float32)
        h_ref[...] = h
        t_ref[...] = jnp.dot(h, a2_ref[...], preferred_element_type=jnp.float32)

    return pl.pallas_call(
        body,
        grid=(N // BN,),
        in_specs=[
            pl.BlockSpec((BN, D), lambda i: (i, 0)),
            pl.BlockSpec((D, D), lambda i: (0, 0)),
            pl.BlockSpec((D, K), lambda i: (0, 0)),
        ],
        out_specs=[
            pl.BlockSpec((BN, D), lambda i: (i, 0)),
            pl.BlockSpec((BN, K), lambda i: (i, 0)),
        ],
        out_shape=[
            jax.ShapeDtypeStruct((N, D), jnp.float32),
            jax.ShapeDtypeStruct((N, K), jnp.float32),
        ],
    )(x, W, A2)


def _tc_finish(parts, dens, Bsel, bias2d, BN):
    _, N, D = parts.shape

    def body(p_ref, d_ref, b_ref, bias_ref, o_ref):
        acc = p_ref[0] + p_ref[1]
        den = d_ref[0] + d_ref[1]
        dex = jnp.dot(den, b_ref[...], preferred_element_type=jnp.float32)
        o_ref[...] = jnp.maximum(acc / (dex + 1e-16) + bias_ref[...], 0.0)

    return pl.pallas_call(
        body,
        grid=(N // BN,),
        in_specs=[
            pl.BlockSpec((2, BN, D), lambda i: (0, i, 0)),
            pl.BlockSpec((2, BN, 16), lambda i: (0, i, 0)),
            pl.BlockSpec((16, D), lambda i: (0, 0)),
            pl.BlockSpec((1, D), lambda i: (0, 0)),
        ],
        out_specs=pl.BlockSpec((BN, D), lambda i: (i, 0)),
        out_shape=jax.ShapeDtypeStruct((N, D), jnp.float32),
    )(parts, dens, Bsel, bias2d)


def _edge_pass_a(ei4, s_tab, d_tab, z16, CH):
    NP = z16.shape[0]
    NROWS = ei4.shape[0]
    mesh = plsc.VectorSubcoreMesh(core_axis_name="c", subcore_axis_name="s")
    rpw = NP // NS
    gps = NROWS // NW
    GB = CH * G

    data_set = [
        pltpu.VMEM((GB, 16), jnp.float32),
        pltpu.VMEM((GB, 16), jnp.float32),
        pltpu.SemaphoreType.DMA,
    ]
    idx_set = [
        pltpu.VMEM((2, CH, G), jnp.int32),
        pltpu.SemaphoreType.DMA,
    ]

    @functools.partial(
        pl.kernel,
        out_type=[
            jax.ShapeDtypeStruct((NROWS, GB, 16), jnp.float32),
            jax.ShapeDtypeStruct((NC, NP, 16), jnp.float32),
        ],
        mesh=mesh,
        scratch_types=data_set * 2 + idx_set * 4 + [
            pltpu.VMEM_SHARED((NP, 16), jnp.float32),
        ],
        compiler_params=pltpu.CompilerParams(use_tc_tiling_on_sc=False),
    )
    def kern(ei_hbm, stab_hbm, dtab_hbm, z16_hbm, p_hbm, dparts_hbm, *scratch):
        dsets = [scratch[i * 3:(i + 1) * 3] for i in range(2)]
        isets = [scratch[6 + i * 2: 6 + (i + 1) * 2] for i in range(4)]
        den_sh = scratch[14]
        c = lax.axis_index("c")
        s = lax.axis_index("s")
        wid = c * NS + s
        pltpu.sync_copy(z16_hbm.at[pl.ds(s * rpw, rpw)],
                        den_sh.at[pl.ds(s * rpw, rpw)])
        plsc.subcore_barrier()

        row0 = wid * gps
        last = row0 + gps - 1

        def issue_idx(row, it):
            pltpu.async_copy(ei_hbm.at[row], it[0], it[1])

        def wait_idx(it):
            pltpu.make_async_copy(ei_hbm.at[0], it[0], it[1]).wait()

        def issue_gathers(dt, it):
            for k in range(CH):
                sl = pl.ds(k * G, G)
                pltpu.async_copy(stab_hbm.at[it[0].at[0, k]], dt[0].at[sl], dt[2])
                pltpu.async_copy(dtab_hbm.at[it[0].at[1, k]], dt[1].at[sl], dt[2])

        def wait_gathers(dt, it):
            for k in range(CH):
                sl = pl.ds(k * G, G)
                pltpu.make_async_copy(
                    stab_hbm.at[it[0].at[0, k]], dt[0].at[sl], dt[2]).wait()
                pltpu.make_async_copy(
                    dtab_hbm.at[it[0].at[1, k]], dt[1].at[sl], dt[2]).wait()

        def compute(row, dt, it):
            srow, drow = dt[0], dt[1]

            def cbody(e, carry2):
                v = srow[e, :] + drow[e, :]
                v = jnp.maximum(v, 0.2 * v)
                srow[e, :] = jnp.exp(v)
                return carry2

            lax.fori_loop(0, GB, cbody, 0)
            pltpu.sync_copy(srow, p_hbm.at[row])
            for k in range(CH):
                pltpu.sync_copy(srow.at[pl.ds(k * G, G)],
                                den_sh.at[it[0].at[1, k]], add=True)

        issue_idx(row0, isets[0])
        issue_idx(row0 + 1, isets[1])
        wait_idx(isets[0])
        issue_gathers(dsets[0], isets[0])
        issue_idx(row0 + 2, isets[2])

        def body(j, carry):
            g0 = row0 + 4 * j
            for p in range(4):
                wait_gathers(dsets[p % 2], isets[p])
                wait_idx(isets[(p + 1) % 4])
                issue_gathers(dsets[(p + 1) % 2], isets[(p + 1) % 4])
                issue_idx(jnp.minimum(g0 + p + 3, last), isets[(p + 3) % 4])
                compute(g0 + p, dsets[p % 2], isets[p])
            return carry

        lax.fori_loop(0, gps // 4, body, 0)
        wait_gathers(dsets[0], isets[0])
        wait_idx(isets[1])
        wait_idx(isets[2])
        plsc.subcore_barrier()
        pltpu.sync_copy(den_sh.at[pl.ds(s * rpw, rpw)],
                        dparts_hbm.at[c, pl.ds(s * rpw, rpw)])

    return kern(ei4, s_tab, d_tab, z16)


def _edge_pass_b(ei3, p3d, h, zD):
    NP, D = zD.shape[0], zD.shape[1]
    NROWS = ei3.shape[0]
    mesh = plsc.VectorSubcoreMesh(core_axis_name="c", subcore_axis_name="s")
    rpw = NP // NS
    gps = NROWS // NW
    HB = D // 16

    data_set = [
        pltpu.VMEM((G, 16), jnp.float32),
        pltpu.VMEM((G, D), jnp.float32),
        pltpu.SemaphoreType.DMA,
    ]
    idx_set = [
        pltpu.VMEM((2, G), jnp.int32),
        pltpu.SemaphoreType.DMA,
    ]

    @functools.partial(
        pl.kernel,
        out_type=jax.ShapeDtypeStruct((NC, NP, D), jnp.float32),
        mesh=mesh,
        scratch_types=data_set * 2 + idx_set * 4 + [
            pltpu.VMEM_SHARED((NP, D), jnp.float32),
        ],
        compiler_params=pltpu.CompilerParams(use_tc_tiling_on_sc=False),
    )
    def kern(ei_hbm, p_hbm, h_hbm, zD_hbm, outp_hbm, *scratch):
        dsets = [scratch[i * 3:(i + 1) * 3] for i in range(2)]
        isets = [scratch[6 + i * 2: 6 + (i + 1) * 2] for i in range(4)]
        out_sh = scratch[14]
        c = lax.axis_index("c")
        s = lax.axis_index("s")
        wid = c * NS + s
        pltpu.sync_copy(zD_hbm.at[pl.ds(s * rpw, rpw)],
                        out_sh.at[pl.ds(s * rpw, rpw)])
        plsc.subcore_barrier()

        row0 = wid * gps
        last = row0 + gps - 1

        def issue_idx(row, it):
            pltpu.async_copy(ei_hbm.at[row], it[0], it[1])

        def wait_idx(it):
            pltpu.make_async_copy(ei_hbm.at[0], it[0], it[1]).wait()

        def issue_gathers(row, dt, it):
            pltpu.async_copy(p_hbm.at[row], dt[0], dt[2])
            pltpu.async_copy(h_hbm.at[it[0].at[0]], dt[1], dt[2])

        def wait_gathers(dt, it):
            pltpu.make_async_copy(p_hbm.at[0], dt[0], dt[2]).wait()
            pltpu.make_async_copy(h_hbm.at[it[0].at[0]], dt[1], dt[2]).wait()

        def compute(dt, it):
            prow, hrows = dt[0], dt[1]

            def mbody(e, carry2):
                pv = prow[e, :]
                for hb in range(HB):
                    cs = pv[hb]
                    hrows[e, pl.ds(hb * 16, 16)] = hrows[e, pl.ds(hb * 16, 16)] * cs
                return carry2

            lax.fori_loop(0, G, mbody, 0)
            pltpu.sync_copy(hrows, out_sh.at[it[0].at[1]], add=True)

        issue_idx(row0, isets[0])
        issue_idx(row0 + 1, isets[1])
        wait_idx(isets[0])
        issue_gathers(row0, dsets[0], isets[0])
        issue_idx(row0 + 2, isets[2])

        def body(j, carry):
            g0 = row0 + 4 * j
            for p in range(4):
                wait_gathers(dsets[p % 2], isets[p])
                wait_idx(isets[(p + 1) % 4])
                issue_gathers(jnp.minimum(g0 + p + 1, last),
                              dsets[(p + 1) % 2], isets[(p + 1) % 4])
                issue_idx(jnp.minimum(g0 + p + 3, last), isets[(p + 3) % 4])
                compute(dsets[p % 2], isets[p])
            return carry

        lax.fori_loop(0, gps // 4, body, 0)
        wait_gathers(dsets[0], isets[0])
        wait_idx(isets[1])
        wait_idx(isets[2])
        plsc.subcore_barrier()
        pltpu.sync_copy(out_sh.at[pl.ds(s * rpw, rpw)],
                        outp_hbm.at[c, pl.ds(s * rpw, rpw)])

    return kern(ei3, p3d, h, zD)


def kernel(x, edge_index, W, att_src, att_dst, bias):
    N, D = x.shape
    E = edge_index.shape[1]
    H, C = att_src.shape

    eye = jnp.eye(H, dtype=jnp.float32)
    Asrc = (att_src[:, :, None] * eye[:, None, :]).reshape(H * C, H)
    Adst = (att_dst[:, :, None] * eye[:, None, :]).reshape(H * C, H)
    A2 = jnp.concatenate([Asrc, Asrc, Adst, Adst], axis=1)

    NP = ((N + 2047) // 2048) * 2048
    xp = jnp.concatenate([x, jnp.zeros((NP - N, D), jnp.float32)], axis=0)
    h, t = _tc_prep(xp, W, A2, BN=1024)
    s_tab = t[:, :16]
    d_tab = t[:, 16:]

    CH = 4
    NG = ((E + NW * G * CH * 4 - 1) // (NW * G * CH * 4)) * NW * G * CH * 4
    pad1 = (N + jnp.arange(NG - E, dtype=jnp.int32) % (NP - N))
    pad = jnp.stack([pad1, pad1])
    eif = jnp.concatenate([edge_index, pad], axis=1)
    ei3 = eif.reshape(2, NG // G, G).transpose(1, 0, 2)
    ei4 = eif.reshape(2, NG // (CH * G), CH, G).transpose(1, 0, 2, 3)
    z16 = jnp.zeros((NP, 16), jnp.float32)
    zD = jnp.zeros((NP, D), jnp.float32)

    p4d, dens = _edge_pass_a(ei4, s_tab, d_tab, z16, CH)
    p3d = p4d.reshape(NG // G, G, 16)
    parts = _edge_pass_b(ei3, p3d, h, zD)

    l = jnp.arange(D)
    Bsel = (jnp.arange(16)[:, None] == (l[None, :] // C)).astype(jnp.float32)
    out = _tc_finish(parts, dens, Bsel, bias.reshape(1, D), BN=1024)
    return out[:N]

# --- scband reference (transcript-rebuilt; emitter-appended) ---
"""Pipeline reference for scband-gatconv-18159121728106 (READ-ONLY COPY).

The authoritative reference and input builder live on the scoring server;
editing this copy changes nothing except your own understanding.
"""

import jax, jax.numpy as jnp
import numpy as np

N = 10000
E = 320000
D = 128
H = 8
C = 16


def setup_inputs(seed: int = 0) -> dict:
    key = jax.random.key(seed)
    k1, k2, k3, k4, k5, k6 = jax.random.split(key, 6)
    x = jax.random.normal(k1, (N, D), dtype=jnp.float32)
    edge_index = jax.random.randint(k2, (2, E), 0, N, dtype=jnp.int32)
    W = jax.random.normal(k3, (D, H * C), dtype=jnp.float32) * (1.0 / np.sqrt(D))
    att_src = jax.random.normal(k4, (H, C), dtype=jnp.float32) * (1.0 / np.sqrt(C))
    att_dst = jax.random.normal(k5, (H, C), dtype=jnp.float32) * (1.0 / np.sqrt(C))
    bias = jnp.zeros((H * C,), dtype=jnp.float32)
    return {"x": x, "edge_index": edge_index, "W": W, "att_src": att_src, "att_dst": att_dst, "bias": bias}


def reference(x, edge_index, W, att_src, att_dst, bias):
    # PyG-style GATConv (concat=True, negative_slope=0.2) followed by ReLU (self.unlinear)
    n = x.shape[0]
    h = (x @ W).reshape(n, H, C)                      # [N, H, C]
    a_src = (h * att_src[None, :, :]).sum(-1)          # [N, H]
    a_dst = (h * att_dst[None, :, :]).sum(-1)          # [N, H]
    src = edge_index[0]
    dst = edge_index[1]
    alpha = a_src[src] + a_dst[dst]                    # [E, H]
    alpha = jax.nn.leaky_relu(alpha, negative_slope=0.2)
    # softmax over incoming edges per destination node
    amax = jax.ops.segment_max(alpha, dst, num_segments=n)
    amax = jnp.where(jnp.isfinite(amax), amax, 0.0)
    ealpha = jnp.exp(alpha - amax[dst])
    denom = jax.ops.segment_sum(ealpha, dst, num_segments=n)
    coef = ealpha / (denom[dst] + 1e-16)               # [E, H]
    msg = h[src] * coef[:, :, None]                    # [E, H, C]
    out = jax.ops.segment_sum(msg, dst, num_segments=n)  # [N, H, C]
    out = out.reshape(n, H * C) + bias
    return jax.nn.relu(out)

if __name__ == "__main__":
    import jax
    _d = setup_inputs()
    print(jax.jit(kernel)(*tuple(_d.values())))

</pallas_src>

<mosaic_0001>
#map = affine_map<(d0, d1) -> (0, 0, 0, 0)>
#map1 = affine_map<(d0, d1) -> (0, 0)>
#map2 = affine_map<(d0, d1) -> (0, 0, 0)>
module attributes {stable_mosaic.version = 14 : i64} {
  func.func @kern(%arg0: i32, %arg1: i32, %arg2: memref<640x2x4x128xi32, #tpu.memory_space<hbm>>, %arg3: memref<10240x16xf32, #tpu.memory_space<hbm>>, %arg4: memref<10240x16xf32, #tpu.memory_space<hbm>>, %arg5: memref<10240x16xf32, #tpu.memory_space<hbm>>, %arg6: memref<640x512x16xf32, #tpu.memory_space<hbm>>, %arg7: memref<2x10240x16xf32, #tpu.memory_space<hbm>>, %arg8: memref<512x16xf32, #tpu.memory_space<vmem>>, %arg9: memref<512x16xf32, #tpu.memory_space<vmem>>, %arg10: memref<!tpu.dma_semaphore, #tpu.memory_space<semaphore_mem>>, %arg11: memref<512x16xf32, #tpu.memory_space<vmem>>, %arg12: memref<512x16xf32, #tpu.memory_space<vmem>>, %arg13: memref<!tpu.dma_semaphore, #tpu.memory_space<semaphore_mem>>, %arg14: memref<2x4x128xi32, #tpu.memory_space<vmem>>, %arg15: memref<!tpu.dma_semaphore, #tpu.memory_space<semaphore_mem>>, %arg16: memref<2x4x128xi32, #tpu.memory_space<vmem>>, %arg17: memref<!tpu.dma_semaphore, #tpu.memory_space<semaphore_mem>>, %arg18: memref<2x4x128xi32, #tpu.memory_space<vmem>>, %arg19: memref<!tpu.dma_semaphore, #tpu.memory_space<semaphore_mem>>, %arg20: memref<2x4x128xi32, #tpu.memory_space<vmem>>, %arg21: memref<!tpu.dma_semaphore, #tpu.memory_space<semaphore_mem>>, %arg22: memref<10240x16xf32, #tpu.memory_space<vmem_shared>>) attributes {dimension_semantics = [#tpu.dimension_semantics<core_parallel>, #tpu.dimension_semantics<subcore_parallel>], iteration_bounds = array<i64: 2, 16>, scalar_prefetch = 0 : i64, scratch_operands = 15 : i64, tpu.core_type = #tpu.core_type<sc_vector_subcore>, window_params = [{transform_indices = #map}, {transform_indices = #map1}, {transform_indices = #map1}, {transform_indices = #map1}, {transform_indices = #map2}, {transform_indices = #map2}]} {
    %mul3A = arith.constant 16 : i32
    %mul3A_0 = arith.muli %arg0, %mul3A : i32
    %add3A = arith.addi %mul3A_0, %arg1 : i32
    %mul3A_1 = arith.constant 640 : i32
    %mul3A_2 = arith.muli %arg1, %mul3A_1 : i32
    %mul3A_3 = arith.constant 640 : i32
    %mul3A_4 = arith.muli %arg1, %mul3A_3 : i32
    "tpu.region"() ({
      %run_scoped3A = tpu.sem_alloc : memref<!tpu.dma_semaphore, #tpu.memory_space<semaphore_mem>>
      %dma_start3A_261 = arith.constant 0 : i32
      %dma_start3A_262 = tpu.memref_slice %arg22[%mul3A_4, %dma_start3A_261] : memref<10240x16xf32, #tpu.memory_space<vmem_shared>> -> memref<640x16xf32, #tpu.memory_space<vmem_shared>>
      %dma_start3A_263 = arith.constant 0 : i32
      %dma_start3A_264 = tpu.memref_slice %arg5[%mul3A_2, %dma_start3A_263] : memref<10240x16xf32, #tpu.memory_space<hbm>> -> memref<640x16xf32, #tpu.memory_space<hbm>>
      tpu.enqueue_dma source(%dma_start3A_264 : memref<640x16xf32, #tpu.memory_space<hbm>>) target(%dma_start3A_262 : memref<640x16xf32, #tpu.memory_space<vmem_shared>>) target_semaphore(%run_scoped3A : memref<!tpu.dma_semaphore, #tpu.memory_space<semaphore_mem>>)
      %dma_wait3A_265 = arith.constant 0 : i32
      %dma_wait3A_266 = tpu.memref_slice %arg22[%mul3A_4, %dma_wait3A_265] : memref<10240x16xf32, #tpu.memory_space<vmem_shared>> -> memref<640x16xf32, #tpu.memory_space<vmem_shared>>
      %dma_wait3A_267 = arith.constant 0 : i32
      %dma_wait3A_268 = tpu.memref_slice %arg5[%mul3A_2, %dma_wait3A_267] : memref<10240x16xf32, #tpu.memory_space<hbm>> -> memref<640x16xf32, #tpu.memory_space<hbm>>
      tpu.wait_dma2 semaphore(%run_scoped3A : memref<!tpu.dma_semaphore, #tpu.memory_space<semaphore_mem>>) src(%dma_wait3A_268 : memref<640x16xf32, #tpu.memory_space<hbm>>) dst(%dma_wait3A_266 : memref<640x16xf32, #tpu.memory_space<vmem_shared>>)
      tpu.yield
    }) : () -> ()
    %barrier3A = arith.constant 0 : index
    tpu.barrier barrier_id(%barrier3A)
    %mul3A_5 = arith.constant 20 : i32
    %mul3A_6 = arith.muli %add3A, %mul3A_5 : i32
    %add3A_7 = arith.constant 20 : i32
    %add3A_8 = arith.addi %mul3A_6, %add3A_7 : i32
    %sub3A = arith.constant 1 : i32
    %sub3A_9 = arith.subi %add3A_8, %sub3A : i32
    %dma_start3A = arith.constant 0 : i32
    %dma_start3A_10 = arith.constant 0 : i32
    %dma_start3A_11 = arith.constant 0 : i32
    %dma_start3A_12 = tpu.memref_slice %arg2[%mul3A_6, %dma_start3A, %dma_start3A_10, %dma_start3A_11] : memref<640x2x4x128xi32, #tpu.memory_space<hbm>> -> memref<1x2x4x128xi32, #tpu.memory_space<hbm>>
    %dma_start3A_13 = tpu.memref_squeeze %dma_start3A_12 : memref<1x2x4x128xi32, #tpu.memory_space<hbm>> -> memref<2x4x128xi32, #tpu.memory_space<hbm>>
    %dma_start3A_14 = arith.constant 0 : i32
    %dma_start3A_15 = arith.constant 0 : i32
    %dma_start3A_16 = arith.constant 0 : i32
    %dma_start3A_17 = tpu.memref_slice %arg2[%mul3A_6, %dma_start3A_14, %dma_start3A_15, %dma_start3A_16] : memref<640x2x4x128xi32, #tpu.memory_space<hbm>> -> memref<1x2x4x128xi32, #tpu.memory_space<hbm>>
    %dma_start3A_18 = tpu.memref_squeeze %dma_start3A_17 : memref<1x2x4x128xi32, #tpu.memory_space<hbm>> -> memref<2x4x128xi32, #tpu.memory_space<hbm>>
    tpu.enqueue_dma source(%dma_start3A_18 : memref<2x4x128xi32, #tpu.memory_space<hbm>>) target(%arg14 : memref<2x4x128xi32, #tpu.memory_space<vmem>>) target_semaphore(%arg15 : memref<!tpu.dma_semaphore, #tpu.memory_space<semaphore_mem>>)
    %add3A_19 = arith.constant 1 : i32
    %add3A_20 = arith.addi %mul3A_6, %add3A_19 : i32
    %dma_start3A_21 = arith.constant 0 : i32
    %dma_start3A_22 = arith.constant 0 : i32
    %dma_start3A_23 = arith.constant 0 : i32
    %dma_start3A_24 = tpu.memref_slice %arg2[%add3A_20, %dma_start3A_21, %dma_start3A_22, %dma_start3A_23] : memref<640x2x4x128xi32, #tpu.memory_space<hbm>> -> memref<1x2x4x128xi32, #tpu.memory_space<hbm>>
    %dma_start3A_25 = tpu.memref_squeeze %dma_start3A_24 : memref<1x2x4x128xi32, #tpu.memory_space<hbm>> -> memref<2x4x128xi32, #tpu.memory_space<hbm>>
    %dma_start3A_26 = arith.constant 0 : i32
    %dma_start3A_27 = arith.constant 0 : i32
    %dma_start3A_28 = arith.constant 0 : i32
    %dma_start3A_29 = tpu.memref_slice %arg2[%add3A_20, %dma_start3A_26, %dma_start3A_27, %dma_start3A_28] : memref<640x2x4x128xi32, #tpu.memory_space<hbm>> -> memref<1x2x4x128xi32, #tpu.memory_space<hbm>>
    %dma_start3A_30 = tpu.memref_squeeze %dma_start3A_29 : memref<1x2x4x128xi32, #tpu.memory_space<hbm>> -> memref<2x4x128xi32, #tpu.memory_space<hbm>>
    tpu.enqueue_dma source(%dma_start3A_30 : memref<2x4x128xi32, #tpu.memory_space<hbm>>) target(%arg16 : memref<2x4x128xi32, #tpu.memory_space<vmem>>) target_semaphore(%arg17 : memref<!tpu.dma_semaphore, #tpu.memory_space<semaphore_mem>>)
    %dma_wait3A = arith.constant 0 : i32
    %dma_wait3A_31 = arith.constant 0 : i32
    %dma_wait3A_32 = arith.constant 0 : i32
    %dma_wait3A_33 = arith.constant 0 : i32
    %dma_wait3A_34 = tpu.memref_slice %arg2[%dma_wait3A, %dma_wait3A_31, %dma_wait3A_32, %dma_wait3A_33] : memref<640x2x4x128xi32, #tpu.memory_space<hbm>> -> memref<1x2x4x128xi32, #tpu.memory_space<hbm>>
    %dma_wait3A_35 = tpu.memref_squeeze %dma_wait3A_34 : memref<1x2x4x128xi32, #tpu.memory_space<hbm>> -> memref<2x4x128xi32, #tpu.memory_space<hbm>>
    %dma_wait3A_36 = arith.constant 0 : i32
    %dma_wait3A_37 = arith.constant 0 : i32
    %dma_wait3A_38 = arith.constant 0 : i32
    %dma_wait3A_39 = tpu.memref_slice %arg2[%dma_wait3A, %dma_wait3A_36, %dma_wait3A_37, %dma_wait3A_38] : memref<640x2x4x128xi32, #tpu.memory_space<hbm>> -> memref<1x2x4x128xi32, #tpu.memory_space<hbm>>
    %dma_wait3A_40 = tpu.memref_squeeze %dma_wait3A_39 : memref<1x2x4x128xi32, #tpu.memory_space<hbm>> -> memref<2x4x128xi32, #tpu.memory_space<hbm>>
    tpu.wait_dma2 semaphore(%arg15 : memref<!tpu.dma_semaphore, #tpu.memory_space<semaphore_mem>>) src(%dma_wait3A_40 : memref<2x4x128xi32, #tpu.memory_space<hbm>>) dst(%arg14 : memref<2x4x128xi32, #tpu.memory_space<vmem>>)
    %dma_start3A_41 = arith.constant 0 : i32
    %dma_start3A_42 = arith.constant 0 : i32
    %dma_start3A_43 = arith.constant 0 : i32
    %dma_start3A_44 = arith.constant 0 : i32
    %dma_start3A_45 = tpu.memref_slice %arg8[%dma_start3A_43, %dma_start3A_44] : memref<512x16xf32, #tpu.memory_space<vmem>> -> memref<128x16xf32, #tpu.memory_space<vmem>>
    %dma_start3A_46 = arith.constant 0 : i32
    %dma_start3A_47 = tpu.memref_slice %arg14[%dma_start3A_41, %dma_start3A_42, %dma_start3A_46] : memref<2x4x128xi32, #tpu.memory_space<vmem>> -> memref<1x1x128xi32, #tpu.memory_space<vmem>>
    %dma_start3A_48 = tpu.memref_squeeze %dma_start3A_47 : memref<1x1x128xi32, #tpu.memory_space<vmem>> -> memref<128xi32, #tpu.memory_space<vmem>>
    %dma_start3A_49 = arith.constant 0 : i32
    %dma_start3A_50 = arith.constant 0 : i32
    %dma_start3A_51 = tpu.memref_slice %arg3[%dma_start3A_49, %dma_start3A_50] : memref<10240x16xf32, #tpu.memory_space<hbm>> -> memref<10240x16xf32, #tpu.memory_space<hbm>>
    tpu.enqueue_indirect_dma source(%dma_start3A_51 : memref<10240x16xf32, #tpu.memory_space<hbm>>) target(%dma_start3A_45 : memref<128x16xf32, #tpu.memory_space<vmem>>) offsets(%dma_start3A_48 : memref<128xi32, #tpu.memory_space<vmem>>) semaphore(%arg10 : memref<!tpu.dma_semaphore, #tpu.memory_space<semaphore_mem>>)
    %dma_start3A_52 = arith.constant 1 : i32
    %dma_start3A_53 = arith.constant 0 : i32
    %dma_start3A_54 = arith.constant 0 : i32
    %dma_start3A_55 = arith.constant 0 : i32
    %dma_start3A_56 = tpu.memref_slice %arg9[%dma_start3A_54, %dma_start3A_55] : memref<512x16xf32, #tpu.memory_space<vmem>> -> memref<128x16xf32, #tpu.memory_space<vmem>>
    %dma_start3A_57 = arith.constant 0 : i32
    %dma_start3A_58 = tpu.memref_slice %arg14[%dma_start3A_52, %dma_start3A_53, %dma_start3A_57] : memref<2x4x128xi32, #tpu.memory_space<vmem>> -> memref<1x1x128xi32, #tpu.memory_space<vmem>>
    %dma_start3A_59 = tpu.memref_squeeze %dma_start3A_58 : memref<1x1x128xi32, #tpu.memory_space<vmem>> -> memref<128xi32, #tpu.memory_space<vmem>>
    %dma_start3A_60 = arith.constant 0 : i32
    %dma_start3A_61 = arith.constant 0 : i32
    %dma_start3A_62 = tpu.memref_slice %arg4[%dma_start3A_60, %dma_start3A_61] : memref<10240x16xf32, #tpu.memory_space<hbm>> -> memref<10240x16xf32, #tpu.memory_space<hbm>>
    tpu.enqueue_indirect_dma source(%dma_start3A_62 : memref<10240x16xf32, #tpu.memory_space<hbm>>) target(%dma_start3A_56 : memref<128x16xf32, #tpu.memory_space<vmem>>) offsets(%dma_start3A_59 : memref<128xi32, #tpu.memory_space<vmem>>) semaphore(%arg10 : memref<!tpu.dma_semaphore, #tpu.memory_space<semaphore_mem>>)
    %dma_start3A_63 = arith.constant 0 : i32
    %dma_start3A_64 = arith.constant 1 : i32
    %dma_start3A_65 = arith.constant 128 : i32
    %dma_start3A_66 = arith.constant 0 : i32
    %dma_start3A_67 = tpu.memref_slice %arg8[%dma_start3A_65, %dma_start3A_66] : memref<512x16xf32, #tpu.memory_space<vmem>> -> memref<128x16xf32, #tpu.memory_space<vmem>>
    %dma_start3A_68 = arith.constant 0 : i32
    %dma_start3A_69 = tpu.memref_slice %arg14[%dma_start3A_63, %dma_start3A_64, %dma_start3A_68] : memref<2x4x128xi32, #tpu.memory_space<vmem>> -> memref<1x1x128xi32, #tpu.memory_space<vmem>>
    %dma_start3A_70 = tpu.memref_squeeze %dma_start3A_69 : memref<1x1x128xi32, #tpu.memory_space<vmem>> -> memref<128xi32, #tpu.memory_space<vmem>>
    %dma_start3A_71 = arith.constant 0 : i32
    %dma_start3A_72 = arith.constant 0 : i32
    %dma_start3A_73 = tpu.memref_slice %arg3[%dma_start3A_71, %dma_start3A_72] : memref<10240x16xf32, #tpu.memory_space<hbm>> -> memref<10240x16xf32, #tpu.memory_space<hbm>>
    tpu.enqueue_indirect_dma source(%dma_start3A_73 : memref<10240x16xf32, #tpu.memory_space<hbm>>) target(%dma_start3A_67 : memref<128x16xf32, #tpu.memory_space<vmem>>) offsets(%dma_start3A_70 : memref<128xi32, #tpu.memory_space<vmem>>) semaphore(%arg10 : memref<!tpu.dma_semaphore, #tpu.memory_space<semaphore_mem>>)
    %dma_start3A_74 = arith.constant 1 : i32
    %dma_start3A_75 = arith.constant 1 : i32
    %dma_start3A_76 = arith.constant 128 : i32
    %dma_start3A_77 = arith.constant 0 : i32
    %dma_start3A_78 = tpu.memref_slice %arg9[%dma_start3A_76, %dma_start3A_77] : memref<512x16xf32, #tpu.memory_space<vmem>> -> memref<128x16xf32, #tpu.memory_space<vmem>>
    %dma_start3A_79 = arith.constant 0 : i32
    %dma_start3A_80 = tpu.memref_slice %arg14[%dma_start3A_74, %dma_start3A_75, %dma_start3A_79] : memref<2x4x128xi32, #tpu.memory_space<vmem>> -> memref<1x1x128xi32, #tpu.memory_space<vmem>>
    %dma_start3A_81 = tpu.memref_squeeze %dma_start3A_80 : memref<1x1x128xi32, #tpu.memory_space<vmem>> -> memref<128xi32, #tpu.memory_space<vmem>>
    %dma_start3A_82 = arith.constant 0 : i32
    %dma_start3A_83 = arith.constant 0 : i32
    %dma_start3A_84 = tpu.memref_slice %arg4[%dma_start3A_82, %dma_start3A_83] : memref<10240x16xf32, #tpu.memory_space<hbm>> -> memref<10240x16xf32, #tpu.memory_space<hbm>>
    tpu.enqueue_indirect_dma source(%dma_start3A_84 : memref<10240x16xf32, #tpu.memory_space<hbm>>) target(%dma_start3A_78 : memref<128x16xf32, #tpu.memory_space<vmem>>) offsets(%dma_start3A_81 : memref<128xi32, #tpu.memory_space<vmem>>) semaphore(%arg10 : memref<!tpu.dma_semaphore, #tpu.memory_space<semaphore_mem>>)
    %dma_start3A_85 = arith.constant 0 : i32
    %dma_start3A_86 = arith.constant 2 : i32
    %dma_start3A_87 = arith.constant 256 : i32
    %dma_start3A_88 = arith.constant 0 : i32
    %dma_start3A_89 = tpu.memref_slice %arg8[%dma_start3A_87, %dma_start3A_88] : memref<512x16xf32, #tpu.memory_space<vmem>> -> memref<128x16xf32, #tpu.memory_space<vmem>>
    %dma_start3A_90 = arith.constant 0 : i32
    %dma_start3A_91 = tpu.memref_slice %arg14[%dma_start3A_85, %dma_start3A_86, %dma_start3A_90] : memref<2x4x128xi32, #tpu.memory_space<vmem>> -> memref<1x1x128xi32, #tpu.memory_space<vmem>>
    %dma_start3A_92 = tpu.memref_squeeze %dma_start3A_91 : memref<1x1x128xi32, #tpu.memory_space<vmem>> -> memref<128xi32, #tpu.memory_space<vmem>>
    %dma_start3A_93 = arith.constant 0 : i32
    %dma_start3A_94 = arith.constant 0 : i32
    %dma_start3A_95 = tpu.memref_slice %arg3[%dma_start3A_93, %dma_start3A_94] : memref<10240x16xf32, #tpu.memory_space<hbm>> -> memref<10240x16xf32, #tpu.memory_space<hbm>>
    tpu.enqueue_indirect_dma source(%dma_start3A_95 : memref<10240x16xf32, #tpu.memory_space<hbm>>) target(%dma_start3A_89 : memref<128x16xf32, #tpu.memory_space<vmem>>) offsets(%dma_start3A_92 : memref<128xi32, #tpu.memory_space<vmem>>) semaphore(%arg10 : memref<!tpu.dma_semaphore, #tpu.memory_space<semaphore_mem>>)
    %dma_start3A_96 = arith.constant 1 : i32
    %dma_start3A_97 = arith.constant 2 : i32
    %dma_start3A_98 = arith.constant 256 : i32
    %dma_start3A_99 = arith.constant 0 : i32
    %dma_start3A_100 = tpu.memref_slice %arg9[%dma_start3A_98, %dma_start3A_99] : memref<512x16xf32, #tpu.memory_space<vmem>> -> memref<128x16xf32, #tpu.memory_space<vmem>>
    %dma_start3A_101 = arith.constant 0 : i32
    %dma_start3A_102 = tpu.memref_slice %arg14[%dma_start3A_96, %dma_start3A_97, %dma_start3A_101] : memref<2x4x128xi32, #tpu.memory_space<vmem>> -> memref<1x1x128xi32, #tpu.memory_space<vmem>>
    %dma_start3A_103 = tpu.memref_squeeze %dma_start3A_102 : memref<1x1x128xi32, #tpu.memory_space<vmem>> -> memref<128xi32, #tpu.memory_space<vmem>>
    %dma_start3A_104 = arith.constant 0 : i32
    %dma_start3A_105 = arith.constant 0 : i32
    %dma_start3A_106 = tpu.memref_slice %arg4[%dma_start3A_104, %dma_start3A_105] : memref<10240x16xf32, #tpu.memory_space<hbm>> -> memref<10240x16xf32, #tpu.memory_space<hbm>>
    tpu.enqueue_indirect_dma source(%dma_start3A_106 : memref<10240x16xf32, #tpu.memory_space<hbm>>) target(%dma_start3A_100 : memref<128x16xf32, #tpu.memory_space<vmem>>) offsets(%dma_start3A_103 : memref<128xi32, #tpu.memory_space<vmem>>) semaphore(%arg10 : memref<!tpu.dma_semaphore, #tpu.memory_space<semaphore_mem>>)
    %dma_start3A_107 = arith.constant 0 : i32
    %dma_start3A_108 = arith.constant 3 : i32
    %dma_start3A_109 = arith.constant 384 : i32
    %dma_start3A_110 = arith.constant 0 : i32
    %dma_start3A_111 = tpu.memref_slice %arg8[%dma_start3A_109, %dma_start3A_110] : memref<512x16xf32, #tpu.memory_space<vmem>> -> memref<128x16xf32, #tpu.memory_space<vmem>>
    %dma_start3A_112 = arith.constant 0 : i32
    %dma_start3A_113 = tpu.memref_slice %arg14[%dma_start3A_107, %dma_start3A_108, %dma_start3A_112] : memref<2x4x128xi32, #tpu.memory_space<vmem>> -> memref<1x1x128xi32, #tpu.memory_space<vmem>>
    %dma_start3A_114 = tpu.memref_squeeze %dma_start3A_113 : memref<1x1x128xi32, #tpu.memory_space<vmem>> -> memref<128xi32, #tpu.memory_space<vmem>>
    %dma_start3A_115 = arith.constant 0 : i32
    %dma_start3A_116 = arith.constant 0 : i32
    %dma_start3A_117 = tpu.memref_slice %arg3[%dma_start3A_115, %dma_start3A_116] : memref<10240x16xf32, #tpu.memory_space<hbm>> -> memref<10240x16xf32, #tpu.memory_space<hbm>>
    tpu.enqueue_indirect_dma source(%dma_start3A_117 : memref<10240x16xf32, #tpu.memory_space<hbm>>) target(%dma_start3A_111 : memref<128x16xf32, #tpu.memory_space<vmem>>) offsets(%dma_start3A_114 : memref<128xi32, #tpu.memory_space<vmem>>) semaphore(%arg10 : memref<!tpu.dma_semaphore, #tpu.memory_space<semaphore_mem>>)
    %dma_start3A_118 = arith.constant 1 : i32
    %dma_start3A_119 = arith.constant 3 : i32
    %dma_start3A_120 = arith.constant 384 : i32
    %dma_start3A_121 = arith.constant 0 : i32
    %dma_start3A_122 = tpu.memref_slice %arg9[%dma_start3A_120, %dma_start3A_121] : memref<512x16xf32, #tpu.memory_space<vmem>> -> memref<128x16xf32, #tpu.memory_space<vmem>>
    %dma_start3A_123 = arith.constant 0 : i32
    %dma_start3A_124 = tpu.memref_slice %arg14[%dma_start3A_118, %dma_start3A_119, %dma_start3A_123] : memref<2x4x128xi32, #tpu.memory_space<vmem>> -> memref<1x1x128xi32, #tpu.memory_space<vmem>>
    %dma_start3A_125 = tpu.memref_squeeze %dma_start3A_124 : memref<1x1x128xi32, #tpu.memory_space<vmem>> -> memref<128xi32, #tpu.memory_space<vmem>>
    %dma_start3A_126 = arith.constant 0 : i32
    %dma_start3A_127 = arith.constant 0 : i32
    %dma_start3A_128 = tpu.memref_slice %arg4[%dma_start3A_126, %dma_start3A_127] : memref<10240x16xf32, #tpu.memory_space<hbm>> -> memref<10240x16xf32, #tpu.memory_space<hbm>>
    tpu.enqueue_indirect_dma source(%dma_start3A_128 : memref<10240x16xf32, #tpu.memory_space<hbm>>) target(%dma_start3A_122 : memref<128x16xf32, #tpu.memory_space<vmem>>) offsets(%dma_start3A_125 : memref<128xi32, #tpu.memory_space<vmem>>) semaphore(%arg10 : memref<!tpu.dma_semaphore, #tpu.memory_space<semaphore_mem>>)
    %add3A_129 = arith.constant 2 : i32
    %add3A_130 = arith.addi %mul3A_6, %add3A_129 : i32
    %dma_start3A_131 = arith.constant 0 : i32
    %dma_start3A_132 = arith.constant 0 : i32
    %dma_start3A_133 = arith.constant 0 : i32
    %dma_start3A_134 = tpu.memref_slice %arg2[%add3A_130, %dma_start3A_131, %dma_start3A_132, %dma_start3A_133] : memref<640x2x4x128xi32, #tpu.memory_space<hbm>> -> memref<1x2x4x128xi32, #tpu.memory_space<hbm>>
    %dma_start3A_135 = tpu.memref_squeeze %dma_start3A_134 : memref<1x2x4x128xi32, #tpu.memory_space<hbm>> -> memref<2x4x128xi32, #tpu.memory_space<hbm>>
    %dma_start3A_136 = arith.constant 0 : i32
    %dma_start3A_137 = arith.constant 0 : i32
    %dma_start3A_138 = arith.constant 0 : i32
    %dma_start3A_139 = tpu.memref_slice %arg2[%add3A_130, %dma_start3A_136, %dma_start3A_137, %dma_start3A_138] : memref<640x2x4x128xi32, #tpu.memory_space<hbm>> -> memref<1x2x4x128xi32, #tpu.memory_space<hbm>>
    %dma_start3A_140 = tpu.memref_squeeze %dma_start3A_139 : memref<1x2x4x128xi32, #tpu.memory_space<hbm>> -> memref<2x4x128xi32, #tpu.memory_space<hbm>>
    tpu.enqueue_dma source(%dma_start3A_140 : memref<2x4x128xi32, #tpu.memory_space<hbm>>) target(%arg18 : memref<2x4x128xi32, #tpu.memory_space<vmem>>) target_semaphore(%arg19 : memref<!tpu.dma_semaphore, #tpu.memory_space<semaphore_mem>>)
    %scan3A = arith.constant 0 : i32
    %scan3A_141 = arith.constant 0 : i32
    %scan3A_142 = arith.constant 5 : i32
    %scan3A_143 = arith.addi %scan3A_141, %scan3A_142 : i32
    %scan3A_144 = arith.constant 1 : i32
    scf.for %scan3A_261 = %scan3A_141 to %scan3A_143 step %scan3A_144  : i32 {
      %mul3A_262 = arith.constant 4 : i32
      %mul3A_263 = arith.muli %mul3A_262, %scan3A_261 : i32
      %add3A_264 = arith.addi %mul3A_6, %mul3A_263 : i32
      %dma_wait3A_265 = arith.constant 0 : i32
      %dma_wait3A_266 = arith.constant 0 : i32
      %dma_wait3A_267 = arith.constant 0 : i32
      %dma_wait3A_268 = arith.constant 0 : i32
      %dma_wait3A_269 = tpu.memref_slice %arg8[%dma_wait3A_267, %dma_wait3A_268] : memref<512x16xf32, #tpu.memory_space<vmem>> -> memref<128x16xf32, #tpu.memory_space<vmem>>
      %dma_wait3A_270 = arith.constant 0 : i32
      %dma_wait3A_271 = tpu.memref_slice %arg14[%dma_wait3A_265, %dma_wait3A_266, %dma_wait3A_270] : memref<2x4x128xi32, #tpu.memory_space<vmem>> -> memref<1x1x128xi32, #tpu.memory_space<vmem>>
      %dma_wait3A_272 = tpu.memref_squeeze %dma_wait3A_271 : memref<1x1x128xi32, #tpu.memory_space<vmem>> -> memref<128xi32, #tpu.memory_space<vmem>>
      %dma_wait3A_273 = arith.constant 0 : i32
      %dma_wait3A_274 = arith.constant 0 : i32
      %dma_wait3A_275 = tpu.memref_slice %arg3[%dma_wait3A_273, %dma_wait3A_274] : memref<10240x16xf32, #tpu.memory_space<hbm>> -> memref<10240x16xf32, #tpu.memory_space<hbm>>
      tpu.wait_indirect_dma semaphore(%arg10 : memref<!tpu.dma_semaphore, #tpu.memory_space<semaphore_mem>>) src(%dma_wait3A_275 : memref<10240x16xf32, #tpu.memory_space<hbm>>) dst(%dma_wait3A_269 : memref<128x16xf32, #tpu.memory_space<vmem>>)
      %dma_wait3A_276 = arith.constant 1 : i32
      %dma_wait3A_277 = arith.constant 0 : i32
      %dma_wait3A_278 = arith.constant 0 : i32
      %dma_wait3A_279 = arith.constant 0 : i32
      %dma_wait3A_280 = tpu.memref_slice %arg9[%dma_wait3A_278, %dma_wait3A_279] : memref<512x16xf32, #tpu.memory_space<vmem>> -> memref<128x16xf32, #tpu.memory_space<vmem>>
      %dma_wait3A_281 = arith.constant 0 : i32
      %dma_wait3A_282 = tpu.memref_slice %arg14[%dma_wait3A_276, %dma_wait3A_277, %dma_wait3A_281] : memref<2x4x128xi32, #tpu.memory_space<vmem>> -> memref<1x1x128xi32, #tpu.memory_space<vmem>>
      %dma_wait3A_283 = tpu.memref_squeeze %dma_wait3A_282 : memref<1x1x128xi32, #tpu.memory_space<vmem>> -> memref<128xi32, #tpu.memory_space<vmem>>
      %dma_wait3A_284 = arith.constant 0 : i32
      %dma_wait3A_285 = arith.constant 0 : i32
      %dma_wait3A_286 = tpu.memref_slice %arg4[%dma_wait3A_284, %dma_wait3A_285] : memref<10240x16xf32, #tpu.memory_space<hbm>> -> memref<10240x16xf32, #tpu.memory_space<hbm>>
      tpu.wait_indirect_dma semaphore(%arg10 : memref<!tpu.dma_semaphore, #tpu.memory_space<semaphore_mem>>) src(%dma_wait3A_286 : memref<10240x16xf32, #tpu.memory_space<hbm>>) dst(%dma_wait3A_280 : memref<128x16xf32, #tpu.memory_space<vmem>>)
      %dma_wait3A_287 = arith.constant 0 : i32
      %dma_wait3A_288 = arith.constant 1 : i32
      %dma_wait3A_289 = arith.constant 128 : i32
      %dma_wait3A_290 = arith.constant 0 : i32
      %dma_wait3A_291 = tpu.memref_slice %arg8[%dma_wait3A_289, %dma_wait3A_290] : memref<512x16xf32, #tpu.memory_space<vmem>> -> memref<128x16xf32, #tpu.memory_space<vmem>>
      %dma_wait3A_292 = arith.constant 0 : i32
      %dma_wait3A_293 = tpu.memref_slice %arg14[%dma_wait3A_287, %dma_wait3A_288, %dma_wait3A_292] : memref<2x4x128xi32, #tpu.memory_space<vmem>> -> memref<1x1x128xi32, #tpu.memory_space<vmem>>
      %dma_wait3A_294 = tpu.memref_squeeze %dma_wait3A_293 : memref<1x1x128xi32, #tpu.memory_space<vmem>> -> memref<128xi32, #tpu.memory_space<vmem>>
      %dma_wait3A_295 = arith.constant 0 : i32
      %dma_wait3A_296 = arith.constant 0 : i32
      %dma_wait3A_297 = tpu.memref_slice %arg3[%dma_wait3A_295, %dma_wait3A_296] : memref<10240x16xf32, #tpu.memory_space<hbm>> -> memref<10240x16xf32, #tpu.memory_space<hbm>>
      tpu.wait_indirect_dma semaphore(%arg10 : memref<!tpu.dma_semaphore, #tpu.memory_space<semaphore_mem>>) src(%dma_wait3A_297 : memref<10240x16xf32, #tpu.memory_space<hbm>>) dst(%dma_wait3A_291 : memref<128x16xf32, #tpu.memory_space<vmem>>)
      %dma_wait3A_298 = arith.constant 1 : i32
      %dma_wait3A_299 = arith.constant 1 : i32
      %dma_wait3A_300 = arith.constant 128 : i32
      %dma_wait3A_301 = arith.constant 0 : i32
      %dma_wait3A_302 = tpu.memref_slice %arg9[%dma_wait3A_300, %dma_wait3A_301] : memref<512x16xf32, #tpu.memory_space<vmem>> -> memref<128x16xf32, #tpu.memory_space<vmem>>
      %dma_wait3A_303 = arith.constant 0 : i32
      %dma_wait3A_304 = tpu.memref_slice %arg14[%dma_wait3A_298, %dma_wait3A_299, %dma_wait3A_303] : memref<2x4x128xi32, #tpu.memory_space<vmem>> -> memref<1x1x128xi32, #tpu.memory_space<vmem>>
      %dma_wait3A_305 = tpu.memref_squeeze %dma_wait3A_304 : memref<1x1x128xi32, #tpu.memory_space<vmem>> -> memref<128xi32, #tpu.memory_space<vmem>>
      %dma_wait3A_306 = arith.constant 0 : i32
      %dma_wait3A_307 = arith.constant 0 : i32
      %dma_wait3A_308 = tpu.memref_slice %arg4[%dma_wait3A_306, %dma_wait3A_307] : memref<10240x16xf32, #tpu.memory_space<hbm>> -> memref<10240x16xf32, #tpu.memory_space<hbm>>
      tpu.wait_indirect_dma semaphore(%arg10 : memref<!tpu.dma_semaphore, #tpu.memory_space<semaphore_mem>>) src(%dma_wait3A_308 : memref<10240x16xf32, #tpu.memory_space<hbm>>) dst(%dma_wait3A_302 : memref<128x16xf32, #tpu.memory_space<vmem>>)
      %dma_wait3A_309 = arith.constant 0 : i32
      %dma_wait3A_310 = arith.constant 2 : i32
      %dma_wait3A_311 = arith.constant 256 : i32
      %dma_wait3A_312 = arith.constant 0 : i32
      %dma_wait3A_313 = tpu.memref_slice %arg8[%dma_wait3A_311, %dma_wait3A_312] : memref<512x16xf32, #tpu.memory_space<vmem>> -> memref<128x16xf32, #tpu.memory_space<vmem>>
      %dma_wait3A_314 = arith.constant 0 : i32
      %dma_wait3A_315 = tpu.memref_slice %arg14[%dma_wait3A_309, %dma_wait3A_310, %dma_wait3A_314] : memref<2x4x128xi32, #tpu.memory_space<vmem>> -> memref<1x1x128xi32, #tpu.memory_space<vmem>>
      %dma_wait3A_316 = tpu.memref_squeeze %dma_wait3A_315 : memref<1x1x128xi32, #tpu.memory_space<vmem>> -> memref<128xi32, #tpu.memory_space<vmem>>
      %dma_wait3A_317 = arith.constant 0 : i32
      %dma_wait3A_318 = arith.constant 0 : i32
      %dma_wait3A_319 = tpu.memref_slice %arg3[%dma_wait3A_317, %dma_wait3A_318] : memref<10240x16xf32, #tpu.memory_space<hbm>> -> memref<10240x16xf32, #tpu.memory_space<hbm>>
      tpu.wait_indirect_dma semaphore(%arg10 : memref<!tpu.dma_semaphore, #tpu.memory_space<semaphore_mem>>) src(%dma_wait3A_319 : memref<10240x16xf32, #tpu.memory_space<hbm>>) dst(%dma_wait3A_313 : memref<128x16xf32, #tpu.memory_space<vmem>>)
      %dma_wait3A_320 = arith.constant 1 : i32
      %dma_wait3A_321 = arith.constant 2 : i32
      %dma_wait3A_322 = arith.constant 256 : i32
      %dma_wait3A_323 = arith.constant 0 : i32
      %dma_wait3A_324 = tpu.memref_slice %arg9[%dma_wait3A_322, %dma_wait3A_323] : memref<512x16xf32, #tpu.memory_space<vmem>> -> memref<128x16xf32, #tpu.memory_space<vmem>>
      %dma_wait3A_325 = arith.constant 0 : i32
      %dma_wait3A_326 = tpu.memref_slice %arg14[%dma_wait3A_320, %dma_wait3A_321, %dma_wait3A_325] : memref<2x4x128xi32, #tpu.memory_space<vmem>> -> memref<1x1x128xi32, #tpu.memory_space<vmem>>
      %dma_wait3A_327 = tpu.memref_squeeze %dma_wait3A_326 : memref<1x1x128xi32, #tpu.memory_space<vmem>> -> memref<128xi32, #tpu.memory_space<vmem>>
      %dma_wait3A_328 = arith.constant 0 : i32
      %dma_wait3A_329 = arith.constant 0 : i32
      %dma_wait3A_330 = tpu.memref_slice %arg4[%dma_wait3A_328, %dma_wait3A_329] : memref<10240x16xf32, #tpu.memory_space<hbm>> -> memref<10240x16xf32, #tpu.memory_space<hbm>>
      tpu.wait_indirect_dma semaphore(%arg10 : memref<!tpu.dma_semaphore, #tpu.memory_space<semaphore_mem>>) src(%dma_wait3A_330 : memref<10240x16xf32, #tpu.memory_space<hbm>>) dst(%dma_wait3A_324 : memref<128x16xf32, #tpu.memory_space<vmem>>)
      %dma_wait3A_331 = arith.constant 0 : i32
      %dma_wait3A_332 = arith.constant 3 : i32
      %dma_wait3A_333 = arith.constant 384 : i32
      %dma_wait3A_334 = arith.constant 0 : i32
      %dma_wait3A_335 = tpu.memref_slice %arg8[%dma_wait3A_333, %dma_wait3A_334] : memref<512x16xf32, #tpu.memory_space<vmem>> -> memref<128x16xf32, #tpu.memory_space<vmem>>
      %dma_wait3A_336 = arith.constant 0 : i32
      %dma_wait3A_337 = tpu.memref_slice %arg14[%dma_wait3A_331, %dma_wait3A_332, %dma_wait3A_336] : memref<2x4x128xi32, #tpu.memory_space<vmem>> -> memref<1x1x128xi32, #tpu.memory_space<vmem>>
      %dma_wait3A_338 = tpu.memref_squeeze %dma_wait3A_337 : memref<1x1x128xi32, #tpu.memory_space<vmem>> -> memref<128xi32, #tpu.memory_space<vmem>>
      %dma_wait3A_339 = arith.constant 0 : i32
      %dma_wait3A_340 = arith.constant 0 : i32
      %dma_wait3A_341 = tpu.memref_slice %arg3[%dma_wait3A_339, %dma_wait3A_340] : memref<10240x16xf32, #tpu.memory_space<hbm>> -> memref<10240x16xf32, #tpu.memory_space<hbm>>
      tpu.wait_indirect_dma semaphore(%arg10 : memref<!tpu.dma_semaphore, #tpu.memory_space<semaphore_mem>>) src(%dma_wait3A_341 : memref<10240x16xf32, #tpu.memory_space<hbm>>) dst(%dma_wait3A_335 : memref<128x16xf32, #tpu.memory_space<vmem>>)
      %dma_wait3A_342 = arith.constant 1 : i32
      %dma_wait3A_343 = arith.constant 3 : i32
      %dma_wait3A_344 = arith.constant 384 : i32
      %dma_wait3A_345 = arith.constant 0 : i32
      %dma_wait3A_346 = tpu.memref_slice %arg9[%dma_wait3A_344, %dma_wait3A_345] : memref<512x16xf32, #tpu.memory_space<vmem>> -> memref<128x16xf32, #tpu.memory_space<vmem>>
      %dma_wait3A_347 = arith.constant 0 : i32
      %dma_wait3A_348 = tpu.memref_slice %arg14[%dma_wait3A_342, %dma_wait3A_343, %dma_wait3A_347] : memref<2x4x128xi32, #tpu.memory_space<vmem>> -> memref<1x1x128xi32, #tpu.memory_space<vmem>>
      %dma_wait3A_349 = tpu.memref_squeeze %dma_wait3A_348 : memref<1x1x128xi32, #tpu.memory_space<vmem>> -> memref<128xi32, #tpu.memory_space<vmem>>
      %dma_wait3A_350 = arith.constant 0 : i32
      %dma_wait3A_351 = arith.constant 0 : i32
      %dma_wait3A_352 = tpu.memref_slice %arg4[%dma_wait3A_350, %dma_wait3A_351] : memref<10240x16xf32, #tpu.memory_space<hbm>> -> memref<10240x16xf32, #tpu.memory_space<hbm>>
      tpu.wait_indirect_dma semaphore(%arg10 : memref<!tpu.dma_semaphore, #tpu.memory_space<semaphore_mem>>) src(%dma_wait3A_352 : memref<10240x16xf32, #tpu.memory_space<hbm>>) dst(%dma_wait3A_346 : memref<128x16xf32, #tpu.memory_space<vmem>>)
      %dma_wait3A_353 = arith.constant 0 : i32
      %dma_wait3A_354 = arith.constant 0 : i32
      %dma_wait3A_355 = arith.constant 0 : i32
      %dma_wait3A_356 = arith.constant 0 : i32
      %dma_wait3A_357 = tpu.memref_slice %arg2[%dma_wait3A_353, %dma_wait3A_354, %dma_wait3A_355, %dma_wait3A_356] : memref<640x2x4x128xi32, #tpu.memory_space<hbm>> -> memref<1x2x4x128xi32, #tpu.memory_space<hbm>>
      %dma_wait3A_358 = tpu.memref_squeeze %dma_wait3A_357 : memref<1x2x4x128xi32, #tpu.memory_space<hbm>> -> memref<2x4x128xi32, #tpu.memory_space<hbm>>
      %dma_wait3A_359 = arith.constant 0 : i32
      %dma_wait3A_360 = arith.constant 0 : i32
      %dma_wait3A_361 = arith.constant 0 : i32
      %dma_wait3A_362 = tpu.memref_slice %arg2[%dma_wait3A_353, %dma_wait3A_359, %dma_wait3A_360, %dma_wait3A_361] : memref<640x2x4x128xi32, #tpu.memory_space<hbm>> -> memref<1x2x4x128xi32, #tpu.memory_space<hbm>>
      %dma_wait3A_363 = tpu.memref_squeeze %dma_wait3A_362 : memref<1x2x4x128xi32, #tpu.memory_space<hbm>> -> memref<2x4x128xi32, #tpu.memory_space<hbm>>
      tpu.wait_dma2 semaphore(%arg17 : memref<!tpu.dma_semaphore, #tpu.memory_space<semaphore_mem>>) src(%dma_wait3A_363 : memref<2x4x128xi32, #tpu.memory_space<hbm>>) dst(%arg16 : memref<2x4x128xi32, #tpu.memory_space<vmem>>)
      %dma_start3A_364 = arith.constant 0 : i32
      %dma_start3A_365 = arith.constant 0 : i32
      %dma_start3A_366 = arith.constant 0 : i32
      %dma_start3A_367 = arith.constant 0 : i32
      %dma_start3A_368 = tpu.memref_slice %arg11[%dma_start3A_366, %dma_start3A_367] : memref<512x16xf32, #tpu.memory_space<vmem>> -> memref<128x16xf32, #tpu.memory_space<vmem>>
      %dma_start3A_369 = arith.constant 0 : i32
      %dma_start3A_370 = tpu.memref_slice %arg16[%dma_start3A_364, %dma_start3A_365, %dma_start3A_369] : memref<2x4x128xi32, #tpu.memory_space<vmem>> -> memref<1x1x128xi32, #tpu.memory_space<vmem>>
      %dma_start3A_371 = tpu.memref_squeeze %dma_start3A_370 : memref<1x1x128xi32, #tpu.memory_space<vmem>> -> memref<128xi32, #tpu.memory_space<vmem>>
      %dma_start3A_372 = arith.constant 0 : i32
      %dma_start3A_373 = arith.constant 0 : i32
      %dma_start3A_374 = tpu.memref_slice %arg3[%dma_start3A_372, %dma_start3A_373] : memref<10240x16xf32, #tpu.memory_space<hbm>> -> memref<10240x16xf32, #tpu.memory_space<hbm>>
      tpu.enqueue_indirect_dma source(%dma_start3A_374 : memref<10240x16xf32, #tpu.memory_space<hbm>>) target(%dma_start3A_368 : memref<128x16xf32, #tpu.memory_space<vmem>>) offsets(%dma_start3A_371 : memref<128xi32, #tpu.memory_space<vmem>>) semaphore(%arg13 : memref<!tpu.dma_semaphore, #tpu.memory_space<semaphore_mem>>)
      %dma_start3A_375 = arith.constant 1 : i32
      %dma_start3A_376 = arith.constant 0 : i32
      %dma_start3A_377 = arith.constant 0 : i32
      %dma_start3A_378 = arith.constant 0 : i32
      %dma_start3A_379 = tpu.memref_slice %arg12[%dma_start3A_377, %dma_start3A_378] : memref<512x16xf32, #tpu.memory_space<vmem>> -> memref<128x16xf32, #tpu.memory_space<vmem>>
      %dma_start3A_380 = arith.constant 0 : i32
      %dma_start3A_381 = tpu.memref_slice %arg16[%dma_start3A_375, %dma_start3A_376, %dma_start3A_380] : memref<2x4x128xi32, #tpu.memory_space<vmem>> -> memref<1x1x128xi32, #tpu.memory_space<vmem>>
      %dma_start3A_382 = tpu.memref_squeeze %dma_start3A_381 : memref<1x1x128xi32, #tpu.memory_space<vmem>> -> memref<128xi32, #tpu.memory_space<vmem>>
      %dma_start3A_383 = arith.constant 0 : i32
      %dma_start3A_384 = arith.constant 0 : i32
      %dma_start3A_385 = tpu.memref_slice %arg4[%dma_start3A_383, %dma_start3A_384] : memref<10240x16xf32, #tpu.memory_space<hbm>> -> memref<10240x16xf32, #tpu.memory_space<hbm>>
      tpu.enqueue_indirect_dma source(%dma_start3A_385 : memref<10240x16xf32, #tpu.memory_space<hbm>>) target(%dma_start3A_379 : memref<128x16xf32, #tpu.memory_space<vmem>>) offsets(%dma_start3A_382 : memref<128xi32, #tpu.memory_space<vmem>>) semaphore(%arg13 : memref<!tpu.dma_semaphore, #tpu.memory_space<semaphore_mem>>)
      %dma_start3A_386 = arith.constant 0 : i32
      %dma_start3A_387 = arith.constant 1 : i32
      %dma_start3A_388 = arith.constant 128 : i32
      %dma_start3A_389 = arith.constant 0 : i32
      %dma_start3A_390 = tpu.memref_slice %arg11[%dma_start3A_388, %dma_start3A_389] : memref<512x16xf32, #tpu.memory_space<vmem>> -> memref<128x16xf32, #tpu.memory_space<vmem>>
      %dma_start3A_391 = arith.constant 0 : i32
      %dma_start3A_392 = tpu.memref_slice %arg16[%dma_start3A_386, %dma_start3A_387, %dma_start3A_391] : memref<2x4x128xi32, #tpu.memory_space<vmem>> -> memref<1x1x128xi32, #tpu.memory_space<vmem>>
      %dma_start3A_393 = tpu.memref_squeeze %dma_start3A_392 : memref<1x1x128xi32, #tpu.memory_space<vmem>> -> memref<128xi32, #tpu.memory_space<vmem>>
      %dma_start3A_394 = arith.constant 0 : i32
      %dma_start3A_395 = arith.constant 0 : i32
      %dma_start3A_396 = tpu.memref_slice %arg3[%dma_start3A_394, %dma_start3A_395] : memref<10240x16xf32, #tpu.memory_space<hbm>> -> memref<10240x16xf32, #tpu.memory_space<hbm>>
      tpu.enqueue_indirect_dma source(%dma_start3A_396 : memref<10240x16xf32, #tpu.memory_space<hbm>>) target(%dma_start3A_390 : memref<128x16xf32, #tpu.memory_space<vmem>>) offsets(%dma_start3A_393 : memref<128xi32, #tpu.memory_space<vmem>>) semaphore(%arg13 : memref<!tpu.dma_semaphore, #tpu.memory_space<semaphore_mem>>)
      %dma_start3A_397 = arith.constant 1 : i32
      %dma_start3A_398 = arith.constant 1 : i32
      %dma_start3A_399 = arith.constant 128 : i32
      %dma_start3A_400 = arith.constant 0 : i32
      %dma_start3A_401 = tpu.memref_slice %arg12[%dma_start3A_399, %dma_start3A_400] : memref<512x16xf32, #tpu.memory_space<vmem>> -> memref<128x16xf32, #tpu.memory_space<vmem>>
      %dma_start3A_402 = arith.constant 0 : i32
      %dma_start3A_403 = tpu.memref_slice %arg16[%dma_start3A_397, %dma_start3A_398, %dma_start3A_402] : memref<2x4x128xi32, #tpu.memory_space<vmem>> -> memref<1x1x128xi32, #tpu.memory_space<vmem>>
      %dma_start3A_404 = tpu.memref_squeeze %dma_start3A_403 : memref<1x1x128xi32, #tpu.memory_space<vmem>> -> memref<128xi32, #tpu.memory_space<vmem>>
      %dma_start3A_405 = arith.constant 0 : i32
      %dma_start3A_406 = arith.constant 0 : i32
      %dma_start3A_407 = tpu.memref_slice %arg4[%dma_start3A_405, %dma_start3A_406] : memref<10240x16xf32, #tpu.memory_space<hbm>> -> memref<10240x16xf32, #tpu.memory_space<hbm>>
      tpu.enqueue_indirect_dma source(%dma_start3A_407 : memref<10240x16xf32, #tpu.memory_space<hbm>>) target(%dma_start3A_401 : memref<128x16xf32, #tpu.memory_space<vmem>>) offsets(%dma_start3A_404 : memref<128xi32, #tpu.memory_space<vmem>>) semaphore(%arg13 : memref<!tpu.dma_semaphore, #tpu.memory_space<semaphore_mem>>)
      %dma_start3A_408 = arith.constant 0 : i32
      %dma_start3A_409 = arith.constant 2 : i32
      %dma_start3A_410 = arith.constant 256 : i32
      %dma_start3A_411 = arith.constant 0 : i32
      %dma_start3A_412 = tpu.memref_slice %arg11[%dma_start3A_410, %dma_start3A_411] : memref<512x16xf32, #tpu.memory_space<vmem>> -> memref<128x16xf32, #tpu.memory_space<vmem>>
      %dma_start3A_413 = arith.constant 0 : i32
      %dma_start3A_414 = tpu.memref_slice %arg16[%dma_start3A_408, %dma_start3A_409, %dma_start3A_413] : memref<2x4x128xi32, #tpu.memory_space<vmem>> -> memref<1x1x128xi32, #tpu.memory_space<vmem>>
      %dma_start3A_415 = tpu.memref_squeeze %dma_start3A_414 : memref<1x1x128xi32, #tpu.memory_space<vmem>> -> memref<128xi32, #tpu.memory_space<vmem>>
      %dma_start3A_416 = arith.constant 0 : i32
      %dma_start3A_417 = arith.constant 0 : i32
      %dma_start3A_418 = tpu.memref_slice %arg3[%dma_start3A_416, %dma_start3A_417] : memref<10240x16xf32, #tpu.memory_space<hbm>> -> memref<10240x16xf32, #tpu.memory_space<hbm>>
      tpu.enqueue_indirect_dma source(%dma_start3A_418 : memref<10240x16xf32, #tpu.memory_space<hbm>>) target(%dma_start3A_412 : memref<128x16xf32, #tpu.memory_space<vmem>>) offsets(%dma_start3A_415 : memref<128xi32, #tpu.memory_space<vmem>>) semaphore(%arg13 : memref<!tpu.dma_semaphore, #tpu.memory_space<semaphore_mem>>)
      %dma_start3A_419 = arith.constant 1 : i32
      %dma_start3A_420 = arith.constant 2 : i32
      %dma_start3A_421 = arith.constant 256 : i32
      %dma_start3A_422 = arith.constant 0 : i32
      %dma_start3A_423 = tpu.memref_slice %arg12[%dma_start3A_421, %dma_start3A_422] : memref<512x16xf32, #tpu.memory_space<vmem>> -> memref<128x16xf32, #tpu.memory_space<vmem>>
      %dma_start3A_424 = arith.constant 0 : i32
      %dma_start3A_425 = tpu.memref_slice %arg16[%dma_start3A_419, %dma_start3A_420, %dma_start3A_424] : memref<2x4x128xi32, #tpu.memory_space<vmem>> -> memref<1x1x128xi32, #tpu.memory_space<vmem>>
      %dma_start3A_426 = tpu.memref_squeeze %dma_start3A_425 : memref<1x1x128xi32, #tpu.memory_space<vmem>> -> memref<128xi32, #tpu.memory_space<vmem>>
      %dma_start3A_427 = arith.constant 0 : i32
      %dma_start3A_428 = arith.constant 0 : i32
      %dma_start3A_429 = tpu.memref_slice %arg4[%dma_start3A_427, %dma_start3A_428] : memref<10240x16xf32, #tpu.memory_space<hbm>> -> memref<10240x16xf32, #tpu.memory_space<hbm>>
      tpu.enqueue_indirect_dma source(%dma_start3A_429 : memref<10240x16xf32, #tpu.memory_space<hbm>>) target(%dma_start3A_423 : memref<128x16xf32, #tpu.memory_space<vmem>>) offsets(%dma_start3A_426 : memref<128xi32, #tpu.memory_space<vmem>>) semaphore(%arg13 : memref<!tpu.dma_semaphore, #tpu.memory_space<semaphore_mem>>)
      %dma_start3A_430 = arith.constant 0 : i32
      %dma_start3A_431 = arith.constant 3 : i32
      %dma_start3A_432 = arith.constant 384 : i32
      %dma_start3A_433 = arith.constant 0 : i32
      %dma_start3A_434 = tpu.memref_slice %arg11[%dma_start3A_432, %dma_start3A_433] : memref<512x16xf32, #tpu.memory_space<vmem>> -> memref<128x16xf32, #tpu.memory_space<vmem>>
      %dma_start3A_435 = arith.constant 0 : i32
      %dma_start3A_436 = tpu.memref_slice %arg16[%dma_start3A_430, %dma_start3A_431, %dma_start3A_435] : memref<2x4x128xi32, #tpu.memory_space<vmem>> -> memref<1x1x128xi32, #tpu.memory_space<vmem>>
      %dma_start3A_437 = tpu.memref_squeeze %dma_start3A_436 : memref<1x1x128xi32, #tpu.memory_space<vmem>> -> memref<128xi32, #tpu.memory_space<vmem>>
      %dma_start3A_438 = arith.constant 0 : i32
      %dma_start3A_439 = arith.constant 0 : i32
      %dma_start3A_440 = tpu.memref_slice %arg3[%dma_start3A_438, %dma_start3A_439] : memref<10240x16xf32, #tpu.memory_space<hbm>> -> memref<10240x16xf32, #tpu.memory_space<hbm>>
      tpu.enqueue_indirect_dma source(%dma_start3A_440 : memref<10240x16xf32, #tpu.memory_space<hbm>>) target(%dma_start3A_434 : memref<128x16xf32, #tpu.memory_space<vmem>>) offsets(%dma_start3A_437 : memref<128xi32, #tpu.memory_space<vmem>>) semaphore(%arg13 : memref<!tpu.dma_semaphore, #tpu.memory_space<semaphore_mem>>)
      %dma_start3A_441 = arith.constant 1 : i32
      %dma_start3A_442 = arith.constant 3 : i32
      %dma_start3A_443 = arith.constant 384 : i32
      %dma_start3A_444 = arith.constant 0 : i32
      %dma_start3A_445 = tpu.memref_slice %arg12[%dma_start3A_443, %dma_start3A_444] : memref<512x16xf32, #tpu.memory_space<vmem>> -> memref<128x16xf32, #tpu.memory_space<vmem>>
      %dma_start3A_446 = arith.constant 0 : i32
      %dma_start3A_447 = tpu.memref_slice %arg16[%dma_start3A_441, %dma_start3A_442, %dma_start3A_446] : memref<2x4x128xi32, #tpu.memory_space<vmem>> -> memref<1x1x128xi32, #tpu.memory_space<vmem>>
      %dma_start3A_448 = tpu.memref_squeeze %dma_start3A_447 : memref<1x1x128xi32, #tpu.memory_space<vmem>> -> memref<128xi32, #tpu.memory_space<vmem>>
      %dma_start3A_449 = arith.constant 0 : i32
      %dma_start3A_450 = arith.constant 0 : i32
      %dma_start3A_451 = tpu.memref_slice %arg4[%dma_start3A_449, %dma_start3A_450] : memref<10240x16xf32, #tpu.memory_space<hbm>> -> memref<10240x16xf32, #tpu.memory_space<hbm>>
      tpu.enqueue_indirect_dma source(%dma_start3A_451 : memref<10240x16xf32, #tpu.memory_space<hbm>>) target(%dma_start3A_445 : memref<128x16xf32, #tpu.memory_space<vmem>>) offsets(%dma_start3A_448 : memref<128xi32, #tpu.memory_space<vmem>>) semaphore(%arg13 : memref<!tpu.dma_semaphore, #tpu.memory_space<semaphore_mem>>)
      %add3A_452 = arith.constant 0 : i32
      %add3A_453 = arith.addi %add3A_264, %add3A_452 : i32
      %add3A_454 = arith.constant 3 : i32
      %add3A_455 = arith.addi %add3A_453, %add3A_454 : i32
      %min3A = arith.minsi %add3A_455, %sub3A_9 : i32
      %dma_start3A_456 = arith.constant 0 : i32
      %dma_start3A_457 = arith.constant 0 : i32
      %dma_start3A_458 = arith.constant 0 : i32
      %dma_start3A_459 = tpu.memref_slice %arg2[%min3A, %dma_start3A_456, %dma_start3A_457, %dma_start3A_458] : memref<640x2x4x128xi32, #tpu.memory_space<hbm>> -> memref<1x2x4x128xi32, #tpu.memory_space<hbm>>
      %dma_start3A_460 = tpu.memref_squeeze %dma_start3A_459 : memref<1x2x4x128xi32, #tpu.memory_space<hbm>> -> memref<2x4x128xi32, #tpu.memory_space<hbm>>
      %dma_start3A_461 = arith.constant 0 : i32
      %dma_start3A_462 = arith.constant 0 : i32
      %dma_start3A_463 = arith.constant 0 : i32
      %dma_start3A_464 = tpu.memref_slice %arg2[%min3A, %dma_start3A_461, %dma_start3A_462, %dma_start3A_463] : memref<640x2x4x128xi32, #tpu.memory_space<hbm>> -> memref<1x2x4x128xi32, #tpu.memory_space<hbm>>
      %dma_start3A_465 = tpu.memref_squeeze %dma_start3A_464 : memref<1x2x4x128xi32, #tpu.memory_space<hbm>> -> memref<2x4x128xi32, #tpu.memory_space<hbm>>
      tpu.enqueue_dma source(%dma_start3A_465 : memref<2x4x128xi32, #tpu.memory_space<hbm>>) target(%arg20 : memref<2x4x128xi32, #tpu.memory_space<vmem>>) target_semaphore(%arg21 : memref<!tpu.dma_semaphore, #tpu.memory_space<semaphore_mem>>)
      %add3A_466 = arith.constant 0 : i32
      %add3A_467 = arith.addi %add3A_264, %add3A_466 : i32
      %scan3A_468 = arith.constant 0 : i32
      %scan3A_469 = arith.constant 0 : i32
      %scan3A_470 = arith.constant 512 : i32
      %scan3A_471 = arith.addi %scan3A_469, %scan3A_470 : i32
      %scan3A_472 = arith.constant 1 : i32
      scf.for %scan3A_1135 = %scan3A_469 to %scan3A_471 step %scan3A_472  : i32 {
        %get3A = arith.index_cast %scan3A_1135 : i32 to index
        %get3A_1136 = arith.constant 0 : index
        %get3A_1137 = tpu.vector_load %arg8[%get3A, %get3A_1136] {strides = array<i32>} : memref<512x16xf32, #tpu.memory_space<vmem>>, vector<1x16xf32>,
        %get3A_1138 = vector.shape_cast %get3A_1137 : vector<1x16xf32> to vector<16xf32>
        %get3A_1139 = arith.index_cast %scan3A_1135 : i32 to index
        %get3A_1140 = arith.constant 0 : index
        %get3A_1141 = tpu.vector_load %arg9[%get3A_1139, %get3A_1140] {strides = array<i32>} : memref<512x16xf32, #tpu.memory_space<vmem>>, vector<1x16xf32>,
        %get3A_1142 = vector.shape_cast %get3A_1141 : vector<1x16xf32> to vector<16xf32>
        %add3A_1143 = arith.addf %get3A_1138, %get3A_1142 : vector<16xf32>
        %mul3A_1144 = arith.constant 2.000000e-01 : f32
        %mul3A_1145 = vector.broadcast %mul3A_1144 : f32 to vector<16xf32>
        %mul3A_1146 = arith.mulf %mul3A_1145, %add3A_1143 : vector<16xf32>
        %max3A = arith.maximumf %add3A_1143, %mul3A_1146 : vector<16xf32>
        %exp3A = math.exp %max3A : vector<16xf32>
        %swap3A = arith.index_cast %scan3A_1135 : i32 to index
        %swap3A_1147 = arith.constant 0 : index
        %swap3A_1148 = tpu.vector_load %arg8[%swap3A, %swap3A_1147] {strides = array<i32>} : memref<512x16xf32, #tpu.memory_space<vmem>>, vector<1x16xf32>,
        %swap3A_1149 = vector.shape_cast %swap3A_1148 : vector<1x16xf32> to vector<16xf32>
        %swap3A_1150 = vector.shape_cast %exp3A : vector<16xf32> to vector<1x16xf32>
        tpu.vector_store %arg8[%swap3A, %swap3A_1147], %swap3A_1150 {strides = array<i32>} : memref<512x16xf32, #tpu.memory_space<vmem>>, vector<1x16xf32>,
      }
      %scan3A_473 = arith.constant 512 : i32
      "tpu.region"() ({
        %run_scoped3A_1135 = tpu.sem_alloc : memref<!tpu.dma_semaphore, #tpu.memory_space<semaphore_mem>>
        %dma_start3A_1136 = arith.constant 0 : i32
        %dma_start3A_1137 = arith.constant 0 : i32
        %dma_start3A_1138 = tpu.memref_slice %arg6[%add3A_467, %dma_start3A_1136, %dma_start3A_1137] : memref<640x512x16xf32, #tpu.memory_space<hbm>> -> memref<1x512x16xf32, #tpu.memory_space<hbm>>
        %dma_start3A_1139 = tpu.memref_squeeze %dma_start3A_1138 : memref<1x512x16xf32, #tpu.memory_space<hbm>> -> memref<512x16xf32, #tpu.memory_space<hbm>>
        %dma_start3A_1140 = arith.constant 0 : i32
        %dma_start3A_1141 = arith.constant 0 : i32
        %dma_start3A_1142 = tpu.memref_slice %arg6[%add3A_467, %dma_start3A_1140, %dma_start3A_1141] : memref<640x512x16xf32, #tpu.memory_space<hbm>> -> memref<1x512x16xf32, #tpu.memory_space<hbm>>
        %dma_start3A_1143 = tpu.memref_squeeze %dma_start3A_1142 : memref<1x512x16xf32, #tpu.memory_space<hbm>> -> memref<512x16xf32, #tpu.memory_space<hbm>>
        tpu.enqueue_dma source(%arg8 : memref<512x16xf32, #tpu.memory_space<vmem>>) target(%dma_start3A_1143 : memref<512x16xf32, #tpu.memory_space<hbm>>) target_semaphore(%run_scoped3A_1135 : memref<!tpu.dma_semaphore, #tpu.memory_space<semaphore_mem>>)
        %dma_wait3A_1144 = arith.constant 0 : i32
        %dma_wait3A_1145 = arith.constant 0 : i32
        %dma_wait3A_1146 = tpu.memref_slice %arg6[%add3A_467, %dma_wait3A_1144, %dma_wait3A_1145] : memref<640x512x16xf32, #tpu.memory_space<hbm>> -> memref<1x512x16xf32, #tpu.memory_space<hbm>>
        %dma_wait3A_1147 = tpu.memref_squeeze %dma_wait3A_1146 : memref<1x512x16xf32, #tpu.memory_space<hbm>> -> memref<512x16xf32, #tpu.memory_space<hbm>>
        %dma_wait3A_1148 = arith.constant 0 : i32
        %dma_wait3A_1149 = arith.constant 0 : i32
        %dma_wait3A_1150 = tpu.memref_slice %arg6[%add3A_467, %dma_wait3A_1148, %dma_wait3A_1149] : memref<640x512x16xf32, #tpu.memory_space<hbm>> -> memref<1x512x16xf32, #tpu.memory_space<hbm>>
        %dma_wait3A_1151 = tpu.memref_squeeze %dma_wait3A_1150 : memref<1x512x16xf32, #tpu.memory_space<hbm>> -> memref<512x16xf32, #tpu.memory_space<hbm>>
        tpu.wait_dma2 semaphore(%run_scoped3A_1135 : memref<!tpu.dma_semaphore, #tpu.memory_space<semaphore_mem>>) src(%arg8 : memref<512x16xf32, #tpu.memory_space<vmem>>) dst(%dma_wait3A_1151 : memref<512x16xf32, #tpu.memory_space<hbm>>)
        tpu.yield
      }) : () -> ()
      %run_scoped3A = arith.constant 1 : i32
      %run_scoped3A_474 = arith.constant 0 : i32
      "tpu.region"() ({
        %run_scoped3A_1135 = tpu.sem_alloc : memref<!tpu.dma_semaphore, #tpu.memory_space<semaphore_mem>>
        %dma_start3A_1136 = arith.constant 0 : i32
        %dma_start3A_1137 = arith.constant 0 : i32
        %dma_start3A_1138 = tpu.memref_slice %arg8[%dma_start3A_1136, %dma_start3A_1137] : memref<512x16xf32, #tpu.memory_space<vmem>> -> memref<128x16xf32, #tpu.memory_space<vmem>>
        %dma_start3A_1139 = arith.constant 0 : i32
        %dma_start3A_1140 = tpu.memref_slice %arg14[%run_scoped3A, %run_scoped3A_474, %dma_start3A_1139] : memref<2x4x128xi32, #tpu.memory_space<vmem>> -> memref<1x1x128xi32, #tpu.memory_space<vmem>>
        %dma_start3A_1141 = tpu.memref_squeeze %dma_start3A_1140 : memref<1x1x128xi32, #tpu.memory_space<vmem>> -> memref<128xi32, #tpu.memory_space<vmem>>
        %dma_start3A_1142 = arith.constant 0 : i32
        %dma_start3A_1143 = arith.constant 0 : i32
        %dma_start3A_1144 = tpu.memref_slice %arg22[%dma_start3A_1142, %dma_start3A_1143] : memref<10240x16xf32, #tpu.memory_space<vmem_shared>> -> memref<10240x16xf32, #tpu.memory_space<vmem_shared>>
        tpu.enqueue_indirect_dma source(%dma_start3A_1138 : memref<128x16xf32, #tpu.memory_space<vmem>>) target(%dma_start3A_1144 : memref<10240x16xf32, #tpu.memory_space<vmem_shared>>) offsets(%dma_start3A_1141 : memref<128xi32, #tpu.memory_space<vmem>>) semaphore(%run_scoped3A_1135 : memref<!tpu.dma_semaphore, #tpu.memory_space<semaphore_mem>>) {add = true}
        %dma_wait3A_1145 = arith.constant 0 : i32
        %dma_wait3A_1146 = arith.constant 0 : i32
        %dma_wait3A_1147 = tpu.memref_slice %arg8[%dma_wait3A_1145, %dma_wait3A_1146] : memref<512x16xf32, #tpu.memory_space<vmem>> -> memref<128x16xf32, #tpu.memory_space<vmem>>
        %dma_wait3A_1148 = arith.constant 0 : i32
        %dma_wait3A_1149 = tpu.memref_slice %arg14[%run_scoped3A, %run_scoped3A_474, %dma_wait3A_1148] : memref<2x4x128xi32, #tpu.memory_space<vmem>> -> memref<1x1x128xi32, #tpu.memory_space<vmem>>
        %dma_wait3A_1150 = tpu.memref_squeeze %dma_wait3A_1149 : memref<1x1x128xi32, #tpu.memory_space<vmem>> -> memref<128xi32, #tpu.memory_space<vmem>>
        %dma_wait3A_1151 = arith.constant 0 : i32
        %dma_wait3A_1152 = arith.constant 0 : i32
        %dma_wait3A_1153 = tpu.memref_slice %arg22[%dma_wait3A_1151, %dma_wait3A_1152] : memref<10240x16xf32, #tpu.memory_space<vmem_shared>> -> memref<10240x16xf32, #tpu.memory_space<vmem_shared>>
        tpu.wait_indirect_dma semaphore(%run_scoped3A_1135 : memref<!tpu.dma_semaphore, #tpu.memory_space<semaphore_mem>>) src(%dma_wait3A_1147 : memref<128x16xf32, #tpu.memory_space<vmem>>) dst(%dma_wait3A_1153 : memref<10240x16xf32, #tpu.memory_space<vmem_shared>>)
        tpu.yield
      }) : () -> ()
      %run_scoped3A_475 = arith.constant 1 : i32
      %run_scoped3A_476 = arith.constant 1 : i32
      "tpu.region"() ({
        %run_scoped3A_1135 = tpu.sem_alloc : memref<!tpu.dma_semaphore, #tpu.memory_space<semaphore_mem>>
        %dma_start3A_1136 = arith.constant 128 : i32
        %dma_start3A_1137 = arith.constant 0 : i32
        %dma_start3A_1138 = tpu.memref_slice %arg8[%dma_start3A_1136, %dma_start3A_1137] : memref<512x16xf32, #tpu.memory_space<vmem>> -> memref<128x16xf32, #tpu.memory_space<vmem>>
        %dma_start3A_1139 = arith.constant 0 : i32
        %dma_start3A_1140 = tpu.memref_slice %arg14[%run_scoped3A_475, %run_scoped3A_476, %dma_start3A_1139] : memref<2x4x128xi32, #tpu.memory_space<vmem>> -> memref<1x1x128xi32, #tpu.memory_space<vmem>>
        %dma_start3A_1141 = tpu.memref_squeeze %dma_start3A_1140 : memref<1x1x128xi32, #tpu.memory_space<vmem>> -> memref<128xi32, #tpu.memory_space<vmem>>
        %dma_start3A_1142 = arith.constant 0 : i32
        %dma_start3A_1143 = arith.constant 0 : i32
        %dma_start3A_1144 = tpu.memref_slice %arg22[%dma_start3A_1142, %dma_start3A_1143] : memref<10240x16xf32, #tpu.memory_space<vmem_shared>> -> memref<10240x16xf32, #tpu.memory_space<vmem_shared>>
        tpu.enqueue_indirect_dma source(%dma_start3A_1138 : memref<128x16xf32, #tpu.memory_space<vmem>>) target(%dma_start3A_1144 : memref<10240x16xf32, #tpu.memory_space<vmem_shared>>) offsets(%dma_start3A_1141 : memref<128xi32, #tpu.memory_space<vmem>>) semaphore(%run_scoped3A_1135 : memref<!tpu.dma_semaphore, #tpu.memory_space<semaphore_mem>>) {add = true}
        %dma_wait3A_1145 = arith.constant 128 : i32
        %dma_wait3A_1146 = arith.constant 0 : i32
        %dma_wait3A_1147 = tpu.memref_slice %arg8[%dma_wait3A_1145, %dma_wait3A_1146] : memref<512x16xf32, #tpu.memory_space<vmem>> -> memref<128x16xf32, #tpu.memory_space<vmem>>
        %dma_wait3A_1148 = arith.constant 0 : i32
        %dma_wait3A_1149 = tpu.memref_slice %arg14[%run_scoped3A_475, %run_scoped3A_476, %dma_wait3A_1148] : memref<2x4x128xi32, #tpu.memory_space<vmem>> -> memref<1x1x128xi32, #tpu.memory_space<vmem>>
        %dma_wait3A_1150 = tpu.memref_squeeze %dma_wait3A_1149 : memref<1x1x128xi32, #tpu.memory_space<vmem>> -> memref<128xi32, #tpu.memory_space<vmem>>
        %dma_wait3A_1151 = arith.constant 0 : i32
        %dma_wait3A_1152 = arith.constant 0 : i32
        %dma_wait3A_1153 = tpu.memref_slice %arg22[%dma_wait3A_1151, %dma_wait3A_1152] : memref<10240x16xf32, #tpu.memory_space<vmem_shared>> -> memref<10240x16xf32, #tpu.memory_space<vmem_shared>>
        tpu.wait_indirect_dma semaphore(%run_scoped3A_1135 : memref<!tpu.dma_semaphore, #tpu.memory_space<semaphore_mem>>) src(%dma_wait3A_1147 : memref<128x16xf32, #tpu.memory_space<vmem>>) dst(%dma_wait3A_1153 : memref<10240x16xf32, #tpu.memory_space<vmem_shared>>)
        tpu.yield
      }) : () -> ()
      %run_scoped3A_477 = arith.constant 1 : i32
      %run_scoped3A_478 = arith.constant 2 : i32
      "tpu.region"() ({
        %run_scoped3A_1135 = tpu.sem_alloc : memref<!tpu.dma_semaphore, #tpu.memory_space<semaphore_mem>>
        %dma_start3A_1136 = arith.constant 256 : i32
        %dma_start3A_1137 = arith.constant 0 : i32
        %dma_start3A_1138 = tpu.memref_slice %arg8[%dma_start3A_1136, %dma_start3A_1137] : memref<512x16xf32, #tpu.memory_space<vmem>> -> memref<128x16xf32, #tpu.memory_space<vmem>>
        %dma_start3A_1139 = arith.constant 0 : i32
        %dma_start3A_1140 = tpu.memref_slice %arg14[%run_scoped3A_477, %run_scoped3A_478, %dma_start3A_1139] : memref<2x4x128xi32, #tpu.memory_space<vmem>> -> memref<1x1x128xi32, #tpu.memory_space<vmem>>
        %dma_start3A_1141 = tpu.memref_squeeze %dma_start3A_1140 : memref<1x1x128xi32, #tpu.memory_space<vmem>> -> memref<128xi32, #tpu.memory_space<vmem>>
        %dma_start3A_1142 = arith.constant 0 : i32
        %dma_start3A_1143 = arith.constant 0 : i32
        %dma_start3A_1144 = tpu.memref_slice %arg22[%dma_start3A_1142, %dma_start3A_1143] : memref<10240x16xf32, #tpu.memory_space<vmem_shared>> -> memref<10240x16xf32, #tpu.memory_space<vmem_shared>>
        tpu.enqueue_indirect_dma source(%dma_start3A_1138 : memref<128x16xf32, #tpu.memory_space<vmem>>) target(%dma_start3A_1144 : memref<10240x16xf32, #tpu.memory_space<vmem_shared>>) offsets(%dma_start3A_1141 : memref<128xi32, #tpu.memory_space<vmem>>) semaphore(%run_scoped3A_1135 : memref<!tpu.dma_semaphore, #tpu.memory_space<semaphore_mem>>) {add = true}
        %dma_wait3A_1145 = arith.constant 256 : i32
        %dma_wait3A_1146 = arith.constant 0 : i32
        %dma_wait3A_1147 = tpu.memref_slice %arg8[%dma_wait3A_1145, %dma_wait3A_1146] : memref<512x16xf32, #tpu.memory_space<vmem>> -> memref<128x16xf32, #tpu.memory_space<vmem>>
        %dma_wait3A_1148 = arith.constant 0 : i32
        %dma_wait3A_1149 = tpu.memref_slice %arg14[%run_scoped3A_477, %run_scoped3A_478, %dma_wait3A_1148] : memref<2x4x128xi32, #tpu.memory_space<vmem>> -> memref<1x1x128xi32, #tpu.memory_space<vmem>>
        %dma_wait3A_1150 = tpu.memref_squeeze %dma_wait3A_1149 : memref<1x1x128xi32, #tpu.memory_space<vmem>> -> memref<128xi32, #tpu.memory_space<vmem>>
        %dma_wait3A_1151 = arith.constant 0 : i32
        %dma_wait3A_1152 = arith.constant 0 : i32
        %dma_wait3A_1153 = tpu.memref_slice %arg22[%dma_wait3A_1151, %dma_wait3A_1152] : memref<10240x16xf32, #tpu.memory_space<vmem_shared>> -> memref<10240x16xf32, #tpu.memory_space<vmem_shared>>
        tpu.wait_indirect_dma semaphore(%run_scoped3A_1135 : memref<!tpu.dma_semaphore, #tpu.memory_space<semaphore_mem>>) src(%dma_wait3A_1147 : memref<128x16xf32, #tpu.memory_space<vmem>>) dst(%dma_wait3A_1153 : memref<10240x16xf32, #tpu.memory_space<vmem_shared>>)
        tpu.yield
      }) : () -> ()
      %run_scoped3A_479 = arith.constant 1 : i32
      %run_scoped3A_480 = arith.constant 3 : i32
      "tpu.region"() ({
        %run_scoped3A_1135 = tpu.sem_alloc : memref<!tpu.dma_semaphore, #tpu.memory_space<semaphore_mem>>
        %dma_start3A_1136 = arith.constant 384 : i32
        %dma_start3A_1137 = arith.constant 0 : i32
        %dma_start3A_1138 = tpu.memref_slice %arg8[%dma_start3A_1136, %dma_start3A_1137] : memref<512x16xf32, #tpu.memory_space<vmem>> -> memref<128x16xf32, #tpu.memory_space<vmem>>
        %dma_start3A_1139 = arith.constant 0 : i32
        %dma_start3A_1140 = tpu.memref_slice %arg14[%run_scoped3A_479, %run_scoped3A_480, %dma_start3A_1139] : memref<2x4x128xi32, #tpu.memory_space<vmem>> -> memref<1x1x128xi32, #tpu.memory_space<vmem>>
        %dma_start3A_1141 = tpu.memref_squeeze %dma_start3A_1140 : memref<1x1x128xi32, #tpu.memory_space<vmem>> -> memref<128xi32, #tpu.memory_space<vmem>>
        %dma_start3A_1142 = arith.constant 0 : i32
        %dma_start3A_1143 = arith.constant 0 : i32
        %dma_start3A_1144 = tpu.memref_slice %arg22[%dma_start3A_1142, %dma_start3A_1143] : memref<10240x16xf32, #tpu.memory_space<vmem_shared>> -> memref<10240x16xf32, #tpu.memory_space<vmem_shared>>
        tpu.enqueue_indirect_dma source(%dma_start3A_1138 : memref<128x16xf32, #tpu.memory_space<vmem>>) target(%dma_start3A_1144 : memref<10240x16xf32, #tpu.memory_space<vmem_shared>>) offsets(%dma_start3A_1141 : memref<128xi32, #tpu.memory_space<vmem>>) semaphore(%run_scoped3A_1135 : memref<!tpu.dma_semaphore, #tpu.memory_space<semaphore_mem>>) {add = true}
        %dma_wait3A_1145 = arith.constant 384 : i32
        %dma_wait3A_1146 = arith.constant 0 : i32
        %dma_wait3A_1147 = tpu.memref_slice %arg8[%dma_wait3A_1145, %dma_wait3A_1146] : memref<512x16xf32, #tpu.memory_space<vmem>> -> memref<128x16xf32, #tpu.memory_space<vmem>>
        %dma_wait3A_1148 = arith.constant 0 : i32
        %dma_wait3A_1149 = tpu.memref_slice %arg14[%run_scoped3A_479, %run_scoped3A_480, %dma_wait3A_1148] : memref<2x4x128xi32, #tpu.memory_space<vmem>> -> memref<1x1x128xi32, #tpu.memory_space<vmem>>
        %dma_wait3A_1150 = tpu.memref_squeeze %dma_wait3A_1149 : memref<1x1x128xi32, #tpu.memory_space<vmem>> -> memref<128xi32, #tpu.memory_space<vmem>>
        %dma_wait3A_1151 = arith.constant 0 : i32
        %dma_wait3A_1152 = arith.constant 0 : i32
        %dma_wait3A_1153 = tpu.memref_slice %arg22[%dma_wait3A_1151, %dma_wait3A_1152] : memref<10240x16xf32, #tpu.memory_space<vmem_shared>> -> memref<10240x16xf32, #tpu.memory_space<vmem_shared>>
        tpu.wait_indirect_dma semaphore(%run_scoped3A_1135 : memref<!tpu.dma_semaphore, #tpu.memory_space<semaphore_mem>>) src(%dma_wait3A_1147 : memref<128x16xf32, #tpu.memory_space<vmem>>) dst(%dma_wait3A_1153 : memref<10240x16xf32, #tpu.memory_space<vmem_shared>>)
        tpu.yield
      }) : () -> ()
      %dma_wait3A_481 = arith.constant 0 : i32
      %dma_wait3A_482 = arith.constant 0 : i32
      %dma_wait3A_483 = arith.constant 0 : i32
      %dma_wait3A_484 = arith.constant 0 : i32
      %dma_wait3A_485 = tpu.memref_slice %arg11[%dma_wait3A_483, %dma_wait3A_484] : memref<512x16xf32, #tpu.memory_space<vmem>> -> memref<128x16xf32, #tpu.memory_space<vmem>>
      %dma_wait3A_486 = arith.constant 0 : i32
      %dma_wait3A_487 = tpu.memref_slice %arg16[%dma_wait3A_481, %dma_wait3A_482, %dma_wait3A_486] : memref<2x4x128xi32, #tpu.memory_space<vmem>> -> memref<1x1x128xi32, #tpu.memory_space<vmem>>
      %dma_wait3A_488 = tpu.memref_squeeze %dma_wait3A_487 : memref<1x1x128xi32, #tpu.memory_space<vmem>> -> memref<128xi32, #tpu.memory_space<vmem>>
      %dma_wait3A_489 = arith.constant 0 : i32
      %dma_wait3A_490 = arith.constant 0 : i32
      %dma_wait3A_491 = tpu.memref_slice %arg3[%dma_wait3A_489, %dma_wait3A_490] : memref<10240x16xf32, #tpu.memory_space<hbm>> -> memref<10240x16xf32, #tpu.memory_space<hbm>>
      tpu.wait_indirect_dma semaphore(%arg13 : memref<!tpu.dma_semaphore, #tpu.memory_space<semaphore_mem>>) src(%dma_wait3A_491 : memref<10240x16xf32, #tpu.memory_space<hbm>>) dst(%dma_wait3A_485 : memref<128x16xf32, #tpu.memory_space<vmem>>)
      %dma_wait3A_492 = arith.constant 1 : i32
      %dma_wait3A_493 = arith.constant 0 : i32
      %dma_wait3A_494 = arith.constant 0 : i32
      %dma_wait3A_495 = arith.constant 0 : i32
      %dma_wait3A_496 = tpu.memref_slice %arg12[%dma_wait3A_494, %dma_wait3A_495] : memref<512x16xf32, #tpu.memory_space<vmem>> -> memref<128x16xf32, #tpu.memory_space<vmem>>
      %dma_wait3A_497 = arith.constant 0 : i32
      %dma_wait3A_498 = tpu.memref_slice %arg16[%dma_wait3A_492, %dma_wait3A_493, %dma_wait3A_497] : memref<2x4x128xi32, #tpu.memory_space<vmem>> -> memref<1x1x128xi32, #tpu.memory_space<vmem>>
      %dma_wait3A_499 = tpu.memref_squeeze %dma_wait3A_498 : memref<1x1x128xi32, #tpu.memory_space<vmem>> -> memref<128xi32, #tpu.memory_space<vmem>>
      %dma_wait3A_500 = arith.constant 0 : i32
      %dma_wait3A_501 = arith.constant 0 : i32
      %dma_wait3A_502 = tpu.memref_slice %arg4[%dma_wait3A_500, %dma_wait3A_501] : memref<10240x16xf32, #tpu.memory_space<hbm>> -> memref<10240x16xf32, #tpu.memory_space<hbm>>
      tpu.wait_indirect_dma semaphore(%arg13 : memref<!tpu.dma_semaphore, #tpu.memory_space<semaphore_mem>>) src(%dma_wait3A_502 : memref<10240x16xf32, #tpu.memory_space<hbm>>) dst(%dma_wait3A_496 : memref<128x16xf32, #tpu.memory_space<vmem>>)
      %dma_wait3A_503 = arith.constant 0 : i32
      %dma_wait3A_504 = arith.constant 1 : i32
      %dma_wait3A_505 = arith.constant 128 : i32
      %dma_wait3A_506 = arith.constant 0 : i32
      %dma_wait3A_507 = tpu.memref_slice %arg11[%dma_wait3A_505, %dma_wait3A_506] : memref<512x16xf32, #tpu.memory_space<vmem>> -> memref<128x16xf32, #tpu.memory_space<vmem>>
      %dma_wait3A_508 = arith.constant 0 : i32
      %dma_wait3A_509 = tpu.memref_slice %arg16[%dma_wait3A_503, %dma_wait3A_504, %dma_wait3A_508] : memref<2x4x128xi32, #tpu.memory_space<vmem>> -> memref<1x1x128xi32, #tpu.memory_space<vmem>>
      %dma_wait3A_510 = tpu.memref_squeeze %dma_wait3A_509 : memref<1x1x128xi32, #tpu.memory_space<vmem>> -> memref<128xi32, #tpu.memory_space<vmem>>
      %dma_wait3A_511 = arith.constant 0 : i32
      %dma_wait3A_512 = arith.constant 0 : i32
      %dma_wait3A_513 = tpu.memref_slice %arg3[%dma_wait3A_511, %dma_wait3A_512] : memref<10240x16xf32, #tpu.memory_space<hbm>> -> memref<10240x16xf32, #tpu.memory_space<hbm>>
      tpu.wait_indirect_dma semaphore(%arg13 : memref<!tpu.dma_semaphore, #tpu.memory_space<semaphore_mem>>) src(%dma_wait3A_513 : memref<10240x16xf32, #tpu.memory_space<hbm>>) dst(%dma_wait3A_507 : memref<128x16xf32, #tpu.memory_space<vmem>>)
      %dma_wait3A_514 = arith.constant 1 : i32
      %dma_wait3A_515 = arith.constant 1 : i32
      %dma_wait3A_516 = arith.constant 128 : i32
      %dma_wait3A_517 = arith.constant 0 : i32
      %dma_wait3A_518 = tpu.memref_slice %arg12[%dma_wait3A_516, %dma_wait3A_517] : memref<512x16xf32, #tpu.memory_space<vmem>> -> memref<128x16xf32, #tpu.memory_space<vmem>>
      %dma_wait3A_519 = arith.constant 0 : i32
      %dma_wait3A_520 = tpu.memref_slice %arg16[%dma_wait3A_514, %dma_wait3A_515, %dma_wait3A_519] : memref<2x4x128xi32, #tpu.memory_space<vmem>> -> memref<1x1x128xi32, #tpu.memory_space<vmem>>
      %dma_wait3A_521 = tpu.memref_squeeze %dma_wait3A_520 : memref<1x1x128xi32, #tpu.memory_space<vmem>> -> memref<128xi32, #tpu.memory_space<vmem>>
      %dma_wait3A_522 = arith.constant 0 : i32
      %dma_wait3A_523 = arith.constant 0 : i32
      %dma_wait3A_524 = tpu.memref_slice %arg4[%dma_wait3A_522, %dma_wait3A_523] : memref<10240x16xf32, #tpu.memory_space<hbm>> -> memref<10240x16xf32, #tpu.memory_space<hbm>>
      tpu.wait_indirect_dma semaphore(%arg13 : memref<!tpu.dma_semaphore, #tpu.memory_space<semaphore_mem>>) src(%dma_wait3A_524 : memref<10240x16xf32, #tpu.memory_space<hbm>>) dst(%dma_wait3A_518 : memref<128x16xf32, #tpu.memory_space<vmem>>)
      %dma_wait3A_525 = arith.constant 0 : i32
      %dma_wait3A_526 = arith.constant 2 : i32
      %dma_wait3A_527 = arith.constant 256 : i32
      %dma_wait3A_528 = arith.constant 0 : i32
      %dma_wait3A_529 = tpu.memref_slice %arg11[%dma_wait3A_527, %dma_wait3A_528] : memref<512x16xf32, #tpu.memory_space<vmem>> -> memref<128x16xf32, #tpu.memory_space<vmem>>
      %dma_wait3A_530 = arith.constant 0 : i32
      %dma_wait3A_531 = tpu.memref_slice %arg16[%dma_wait3A_525, %dma_wait3A_526, %dma_wait3A_530] : memref<2x4x128xi32, #tpu.memory_space<vmem>> -> memref<1x1x128xi32, #tpu.memory_space<vmem>>
      %dma_wait3A_532 = tpu.memref_squeeze %dma_wait3A_531 : memref<1x1x128xi32, #tpu.memory_space<vmem>> -> memref<128xi32, #tpu.memory_space<vmem>>
      %dma_wait3A_533 = arith.constant 0 : i32
      %dma_wait3A_534 = arith.constant 0 : i32
      %dma_wait3A_535 = tpu.memref_slice %arg3[%dma_wait3A_533, %dma_wait3A_534] : memref<10240x16xf32, #tpu.memory_space<hbm>> -> memref<10240x16xf32, #tpu.memory_space<hbm>>
      tpu.wait_indirect_dma semaphore(%arg13 : memref<!tpu.dma_semaphore, #tpu.memory_space<semaphore_mem>>) src(%dma_wait3A_535 : memref<10240x16xf32, #tpu.memory_space<hbm>>) dst(%dma_wait3A_529 : memref<128x16xf32, #tpu.memory_space<vmem>>)
      %dma_wait3A_536 = arith.constant 1 : i32
      %dma_wait3A_537 = arith.constant 2 : i32
      %dma_wait3A_538 = arith.constant 256 : i32
      %dma_wait3A_539 = arith.constant 0 : i32
      %dma_wait3A_540 = tpu.memref_slice %arg12[%dma_wait3A_538, %dma_wait3A_539] : memref<512x16xf32, #tpu.memory_space<vmem>> -> memref<128x16xf32, #tpu.memory_space<vmem>>
      %dma_wait3A_541 = arith.constant 0 : i32
      %dma_wait3A_542 = tpu.memref_slice %arg16[%dma_wait3A_536, %dma_wait3A_537, %dma_wait3A_541] : memref<2x4x128xi32, #tpu.memory_space<vmem>> -> memref<1x1x128xi32, #tpu.memory_space<vmem>>
      %dma_wait3A_543 = tpu.memref_squeeze %dma_wait3A_542 : memref<1x1x128xi32, #tpu.memory_space<vmem>> -> memref<128xi32, #tpu.memory_space<vmem>>
      %dma_wait3A_544 = arith.constant 0 : i32
      %dma_wait3A_545 = arith.constant 0 : i32
      %dma_wait3A_546 = tpu.memref_slice %arg4[%dma_wait3A_544, %dma_wait3A_545] : memref<10240x16xf32, #tpu.memory_space<hbm>> -> memref<10240x16xf32, #tpu.memory_space<hbm>>
      tpu.wait_indirect_dma semaphore(%arg13 : memref<!tpu.dma_semaphore, #tpu.memory_space<semaphore_mem>>) src(%dma_wait3A_546 : memref<10240x16xf32, #tpu.memory_space<hbm>>) dst(%dma_wait3A_540 : memref<128x16xf32, #tpu.memory_space<vmem>>)
      %dma_wait3A_547 = arith.constant 0 : i32
      %dma_wait3A_548 = arith.constant 3 : i32
      %dma_wait3A_549 = arith.constant 384 : i32
      %dma_wait3A_550 = arith.constant 0 : i32
      %dma_wait3A_551 = tpu.memref_slice %arg11[%dma_wait3A_549, %dma_wait3A_550] : memref<512x16xf32, #tpu.memory_space<vmem>> -> memref<128x16xf32, #tpu.memory_space<vmem>>
      %dma_wait3A_552 = arith.constant 0 : i32
      %dma_wait3A_553 = tpu.memref_slice %arg16[%dma_wait3A_547, %dma_wait3A_548, %dma_wait3A_552] : memref<2x4x128xi32, #tpu.memory_space<vmem>> -> memref<1x1x128xi32, #tpu.memory_space<vmem>>
      %dma_wait3A_554 = tpu.memref_squeeze %dma_wait3A_553 : memref<1x1x128xi32, #tpu.memory_space<vmem>> -> memref<128xi32, #tpu.memory_space<vmem>>
      %dma_wait3A_555 = arith.constant 0 : i32
      %dma_wait3A_556 = arith.constant 0 : i32
      %dma_wait3A_557 = tpu.memref_slice %arg3[%dma_wait3A_555, %dma_wait3A_556] : memref<10240x16xf32, #tpu.memory_space<hbm>> -> memref<10240x16xf32, #tpu.memory_space<hbm>>
      tpu.wait_indirect_dma semaphore(%arg13 : memref<!tpu.dma_semaphore, #tpu.memory_space<semaphore_mem>>) src(%dma_wait3A_557 : memref<10240x16xf32, #tpu.memory_space<hbm>>) dst(%dma_wait3A_551 : memref<128x16xf32, #tpu.memory_space<vmem>>)
      %dma_wait3A_558 = arith.constant 1 : i32
      %dma_wait3A_559 = arith.constant 3 : i32
      %dma_wait3A_560 = arith.constant 384 : i32
      %dma_wait3A_561 = arith.constant 0 : i32
      %dma_wait3A_562 = tpu.memref_slice %arg12[%dma_wait3A_560, %dma_wait3A_561] : memref<512x16xf32, #tpu.memory_space<vmem>> -> memref<128x16xf32, #tpu.memory_space<vmem>>
      %dma_wait3A_563 = arith.constant 0 : i32
      %dma_wait3A_564 = tpu.memref_slice %arg16[%dma_wait3A_558, %dma_wait3A_559, %dma_wait3A_563] : memref<2x4x128xi32, #tpu.memory_space<vmem>> -> memref<1x1x128xi32, #tpu.memory_space<vmem>>
      %dma_wait3A_565 = tpu.memref_squeeze %dma_wait3A_564 : memref<1x1x128xi32, #tpu.memory_space<vmem>> -> memref<128xi32, #tpu.memory_space<vmem>>
      %dma_wait3A_566 = arith.constant 0 : i32
      %dma_wait3A_567 = arith.constant 0 : i32
      %dma_wait3A_568 = tpu.memref_slice %arg4[%dma_wait3A_566, %dma_wait3A_567] : memref<10240x16xf32, #tpu.memory_space<hbm>> -> memref<10240x16xf32, #tpu.memory_space<hbm>>
      tpu.wait_indirect_dma semaphore(%arg13 : memref<!tpu.dma_semaphore, #tpu.memory_space<semaphore_mem>>) src(%dma_wait3A_568 : memref<10240x16xf32, #tpu.memory_space<hbm>>) dst(%dma_wait3A_562 : memref<128x16xf32, #tpu.memory_space<vmem>>)
      %dma_wait3A_569 = arith.constant 0 : i32
      %dma_wait3A_570 = arith.constant 0 : i32
      %dma_wait3A_571 = arith.constant 0 : i32
      %dma_wait3A_572 = arith.constant 0 : i32
      %dma_wait3A_573 = tpu.memref_slice %arg2[%dma_wait3A_569, %dma_wait3A_570, %dma_wait3A_571, %dma_wait3A_572] : memref<640x2x4x128xi32, #tpu.memory_space<hbm>> -> memref<1x2x4x128xi32, #tpu.memory_space<hbm>>
      %dma_wait3A_574 = tpu.memref_squeeze %dma_wait3A_573 : memref<1x2x4x128xi32, #tpu.memory_space<hbm>> -> memref<2x4x128xi32, #tpu.memory_space<hbm>>
      %dma_wait3A_575 = arith.constant 0 : i32
      %dma_wait3A_576 = arith.constant 0 : i32
      %dma_wait3A_577 = arith.constant 0 : i32
      %dma_wait3A_578 = tpu.memref_slice %arg2[%dma_wait3A_569, %dma_wait3A_575, %dma_wait3A_576, %dma_wait3A_577] : memref<640x2x4x128xi32, #tpu.memory_space<hbm>> -> memref<1x2x4x128xi32, #tpu.memory_space<hbm>>
      %dma_wait3A_579 = tpu.memref_squeeze %dma_wait3A_578 : memref<1x2x4x128xi32, #tpu.memory_space<hbm>> -> memref<2x4x128xi32, #tpu.memory_space<hbm>>
      tpu.wait_dma2 semaphore(%arg19 : memref<!tpu.dma_semaphore, #tpu.memory_space<semaphore_mem>>) src(%dma_wait3A_579 : memref<2x4x128xi32, #tpu.memory_space<hbm>>) dst(%arg18 : memref<2x4x128xi32, #tpu.memory_space<vmem>>)
      %dma_start3A_580 = arith.constant 0 : i32
      %dma_start3A_581 = arith.constant 0 : i32
      %dma_start3A_582 = arith.constant 0 : i32
      %dma_start3A_583 = arith.constant 0 : i32
      %dma_start3A_584 = tpu.memref_slice %arg8[%dma_start3A_582, %dma_start3A_583] : memref<512x16xf32, #tpu.memory_space<vmem>> -> memref<128x16xf32, #tpu.memory_space<vmem>>
      %dma_start3A_585 = arith.constant 0 : i32
      %dma_start3A_586 = tpu.memref_slice %arg18[%dma_start3A_580, %dma_start3A_581, %dma_start3A_585] : memref<2x4x128xi32, #tpu.memory_space<vmem>> -> memref<1x1x128xi32, #tpu.memory_space<vmem>>
      %dma_start3A_587 = tpu.memref_squeeze %dma_start3A_586 : memref<1x1x128xi32, #tpu.memory_space<vmem>> -> memref<128xi32, #tpu.memory_space<vmem>>
      %dma_start3A_588 = arith.constant 0 : i32
      %dma_start3A_589 = arith.constant 0 : i32
      %dma_start3A_590 = tpu.memref_slice %arg3[%dma_start3A_588, %dma_start3A_589] : memref<10240x16xf32, #tpu.memory_space<hbm>> -> memref<10240x16xf32, #tpu.memory_space<hbm>>
      tpu.enqueue_indirect_dma source(%dma_start3A_590 : memref<10240x16xf32, #tpu.memory_space<hbm>>) target(%dma_start3A_584 : memref<128x16xf32, #tpu.memory_space<vmem>>) offsets(%dma_start3A_587 : memref<128xi32, #tpu.memory_space<vmem>>) semaphore(%arg10 : memref<!tpu.dma_semaphore, #tpu.memory_space<semaphore_mem>>)
      %dma_start3A_591 = arith.constant 1 : i32
      %dma_start3A_592 = arith.constant 0 : i32
      %dma_start3A_593 = arith.constant 0 : i32
      %dma_start3A_594 = arith.constant 0 : i32
      %dma_start3A_595 = tpu.memref_slice %arg9[%dma_start3A_593, %dma_start3A_594] : memref<512x16xf32, #tpu.memory_space<vmem>> -> memref<128x16xf32, #tpu.memory_space<vmem>>
      %dma_start3A_596 = arith.constant 0 : i32
      %dma_start3A_597 = tpu.memref_slice %arg18[%dma_start3A_591, %dma_start3A_592, %dma_start3A_596] : memref<2x4x128xi32, #tpu.memory_space<vmem>> -> memref<1x1x128xi32, #tpu.memory_space<vmem>>
      %dma_start3A_598 = tpu.memref_squeeze %dma_start3A_597 : memref<1x1x128xi32, #tpu.memory_space<vmem>> -> memref<128xi32, #tpu.memory_space<vmem>>
      %dma_start3A_599 = arith.constant 0 : i32
      %dma_start3A_600 = arith.constant 0 : i32
      %dma_start3A_601 = tpu.memref_slice %arg4[%dma_start3A_599, %dma_start3A_600] : memref<10240x16xf32, #tpu.memory_space<hbm>> -> memref<10240x16xf32, #tpu.memory_space<hbm>>
      tpu.enqueue_indirect_dma source(%dma_start3A_601 : memref<10240x16xf32, #tpu.memory_space<hbm>>) target(%dma_start3A_595 : memref<128x16xf32, #tpu.memory_space<vmem>>) offsets(%dma_start3A_598 : memref<128xi32, #tpu.memory_space<vmem>>) semaphore(%arg10 : memref<!tpu.dma_semaphore, #tpu.memory_space<semaphore_mem>>)
      %dma_start3A_602 = arith.constant 0 : i32
      %dma_start3A_603 = arith.constant 1 : i32
      %dma_start3A_604 = arith.constant 128 : i32
      %dma_start3A_605 = arith.constant 0 : i32
      %dma_start3A_606 = tpu.memref_slice %arg8[%dma_start3A_604, %dma_start3A_605] : memref<512x16xf32, #tpu.memory_space<vmem>> -> memref<128x16xf32, #tpu.memory_space<vmem>>
      %dma_start3A_607 = arith.constant 0 : i32
      %dma_start3A_608 = tpu.memref_slice %arg18[%dma_start3A_602, %dma_start3A_603, %dma_start3A_607] : memref<2x4x128xi32, #tpu.memory_space<vmem>> -> memref<1x1x128xi32, #tpu.memory_space<vmem>>
      %dma_start3A_609 = tpu.memref_squeeze %dma_start3A_608 : memref<1x1x128xi32, #tpu.memory_space<vmem>> -> memref<128xi32, #tpu.memory_space<vmem>>
      %dma_start3A_610 = arith.constant 0 : i32
      %dma_start3A_611 = arith.constant 0 : i32
      %dma_start3A_612 = tpu.memref_slice %arg3[%dma_start3A_610, %dma_start3A_611] : memref<10240x16xf32, #tpu.memory_space<hbm>> -> memref<10240x16xf32, #tpu.memory_space<hbm>>
      tpu.enqueue_indirect_dma source(%dma_start3A_612 : memref<10240x16xf32, #tpu.memory_space<hbm>>) target(%dma_start3A_606 : memref<128x16xf32, #tpu.memory_space<vmem>>) offsets(%dma_start3A_609 : memref<128xi32, #tpu.memory_space<vmem>>) semaphore(%arg10 : memref<!tpu.dma_semaphore, #tpu.memory_space<semaphore_mem>>)
      %dma_start3A_613 = arith.constant 1 : i32
      %dma_start3A_614 = arith.constant 1 : i32
      %dma_start3A_615 = arith.constant 128 : i32
      %dma_start3A_616 = arith.constant 0 : i32
      %dma_start3A_617 = tpu.memref_slice %arg9[%dma_start3A_615, %dma_start3A_616] : memref<512x16xf32, #tpu.memory_space<vmem>> -> memref<128x16xf32, #tpu.memory_space<vmem>>
      %dma_start3A_618 = arith.constant 0 : i32
      %dma_start3A_619 = tpu.memref_slice %arg18[%dma_start3A_613, %dma_start3A_614, %dma_start3A_618] : memref<2x4x128xi32, #tpu.memory_space<vmem>> -> memref<1x1x128xi32, #tpu.memory_space<vmem>>
      %dma_start3A_620 = tpu.memref_squeeze %dma_start3A_619 : memref<1x1x128xi32, #tpu.memory_space<vmem>> -> memref<128xi32, #tpu.memory_space<vmem>>
      %dma_start3A_621 = arith.constant 0 : i32
      %dma_start3A_622 = arith.constant 0 : i32
      %dma_start3A_623 = tpu.memref_slice %arg4[%dma_start3A_621, %dma_start3A_622] : memref<10240x16xf32, #tpu.memory_space<hbm>> -> memref<10240x16xf32, #tpu.memory_space<hbm>>
      tpu.enqueue_indirect_dma source(%dma_start3A_623 : memref<10240x16xf32, #tpu.memory_space<hbm>>) target(%dma_start3A_617 : memref<128x16xf32, #tpu.memory_space<vmem>>) offsets(%dma_start3A_620 : memref<128xi32, #tpu.memory_space<vmem>>) semaphore(%arg10 : memref<!tpu.dma_semaphore, #tpu.memory_space<semaphore_mem>>)
      %dma_start3A_624 = arith.constant 0 : i32
      %dma_start3A_625 = arith.constant 2 : i32
      %dma_start3A_626 = arith.constant 256 : i32
      %dma_start3A_627 = arith.constant 0 : i32
      %dma_start3A_628 = tpu.memref_slice %arg8[%dma_start3A_626, %dma_start3A_627] : memref<512x16xf32, #tpu.memory_space<vmem>> -> memref<128x16xf32, #tpu.memory_space<vmem>>
      %dma_start3A_629 = arith.constant 0 : i32
      %dma_start3A_630 = tpu.memref_slice %arg18[%dma_start3A_624, %dma_start3A_625, %dma_start3A_629] : memref<2x4x128xi32, #tpu.memory_space<vmem>> -> memref<1x1x128xi32, #tpu.memory_space<vmem>>
      %dma_start3A_631 = tpu.memref_squeeze %dma_start3A_630 : memref<1x1x128xi32, #tpu.memory_space<vmem>> -> memref<128xi32, #tpu.memory_space<vmem>>
      %dma_start3A_632 = arith.constant 0 : i32
      %dma_start3A_633 = arith.constant 0 : i32
      %dma_start3A_634 = tpu.memref_slice %arg3[%dma_start3A_632, %dma_start3A_633] : memref<10240x16xf32, #tpu.memory_space<hbm>> -> memref<10240x16xf32, #tpu.memory_space<hbm>>
      tpu.enqueue_indirect_dma source(%dma_start3A_634 : memref<10240x16xf32, #tpu.memory_space<hbm>>) target(%dma_start3A_628 : memref<128x16xf32, #tpu.memory_space<vmem>>) offsets(%dma_start3A_631 : memref<128xi32, #tpu.memory_space<vmem>>) semaphore(%arg10 : memref<!tpu.dma_semaphore, #tpu.memory_space<semaphore_mem>>)
      %dma_start3A_635 = arith.constant 1 : i32
      %dma_start3A_636 = arith.constant 2 : i32
      %dma_start3A_637 = arith.constant 256 : i32
      %dma_start3A_638 = arith.constant 0 : i32
      %dma_start3A_639 = tpu.memref_slice %arg9[%dma_start3A_637, %dma_start3A_638] : memref<512x16xf32, #tpu.memory_space<vmem>> -> memref<128x16xf32, #tpu.memory_space<vmem>>
      %dma_start3A_640 = arith.constant 0 : i32
      %dma_start3A_641 = tpu.memref_slice %arg18[%dma_start3A_635, %dma_start3A_636, %dma_start3A_640] : memref<2x4x128xi32, #tpu.memory_space<vmem>> -> memref<1x1x128xi32, #tpu.memory_space<vmem>>
      %dma_start3A_642 = tpu.memref_squeeze %dma_start3A_641 : memref<1x1x128xi32, #tpu.memory_space<vmem>> -> memref<128xi32, #tpu.memory_space<vmem>>
      %dma_start3A_643 = arith.constant 0 : i32
      %dma_start3A_644 = arith.constant 0 : i32
      %dma_start3A_645 = tpu.memref_slice %arg4[%dma_start3A_643, %dma_start3A_644] : memref<10240x16xf32, #tpu.memory_space<hbm>> -> memref<10240x16xf32, #tpu.memory_space<hbm>>
      tpu.enqueue_indirect_dma source(%dma_start3A_645 : memref<10240x16xf32, #tpu.memory_space<hbm>>) target(%dma_start3A_639 : memref<128x16xf32, #tpu.memory_space<vmem>>) offsets(%dma_start3A_642 : memref<128xi32, #tpu.memory_space<vmem>>) semaphore(%arg10 : memref<!tpu.dma_semaphore, #tpu.memory_space<semaphore_mem>>)
      %dma_start3A_646 = arith.constant 0 : i32
      %dma_start3A_647 = arith.constant 3 : i32
      %dma_start3A_648 = arith.constant 384 : i32
      %dma_start3A_649 = arith.constant 0 : i32
      %dma_start3A_650 = tpu.memref_slice %arg8[%dma_start3A_648, %dma_start3A_649] : memref<512x16xf32, #tpu.memory_space<vmem>> -> memref<128x16xf32, #tpu.memory_space<vmem>>
      %dma_start3A_651 = arith.constant 0 : i32
      %dma_start3A_652 = tpu.memref_slice %arg18[%dma_start3A_646, %dma_start3A_647, %dma_start3A_651] : memref<2x4x128xi32, #tpu.memory_space<vmem>> -> memref<1x1x128xi32, #tpu.memory_space<vmem>>
      %dma_start3A_653 = tpu.memref_squeeze %dma_start3A_652 : memref<1x1x128xi32, #tpu.memory_space<vmem>> -> memref<128xi32, #tpu.memory_space<vmem>>
      %dma_start3A_654 = arith.constant 0 : i32
      %dma_start3A_655 = arith.constant 0 : i32
      %dma_start3A_656 = tpu.memref_slice %arg3[%dma_start3A_654, %dma_start3A_655] : memref<10240x16xf32, #tpu.memory_space<hbm>> -> memref<10240x16xf32, #tpu.memory_space<hbm>>
      tpu.enqueue_indirect_dma source(%dma_start3A_656 : memref<10240x16xf32, #tpu.memory_space<hbm>>) target(%dma_start3A_650 : memref<128x16xf32, #tpu.memory_space<vmem>>) offsets(%dma_start3A_653 : memref<128xi32, #tpu.memory_space<vmem>>) semaphore(%arg10 : memref<!tpu.dma_semaphore, #tpu.memory_space<semaphore_mem>>)
      %dma_start3A_657 = arith.constant 1 : i32
      %dma_start3A_658 = arith.constant 3 : i32
      %dma_start3A_659 = arith.constant 384 : i32
      %dma_start3A_660 = arith.constant 0 : i32
      %dma_start3A_661 = tpu.memref_slice %arg9[%dma_start3A_659, %dma_start3A_660] : memref<512x16xf32, #tpu.memory_space<vmem>> -> memref<128x16xf32, #tpu.memory_space<vmem>>
      %dma_start3A_662 = arith.constant 0 : i32
      %dma_start3A_663 = tpu.memref_slice %arg18[%dma_start3A_657, %dma_start3A_658, %dma_start3A_662] : memref<2x4x128xi32, #tpu.memory_space<vmem>> -> memref<1x1x128xi32, #tpu.memory_space<vmem>>
      %dma_start3A_664 = tpu.memref_squeeze %dma_start3A_663 : memref<1x1x128xi32, #tpu.memory_space<vmem>> -> memref<128xi32, #tpu.memory_space<vmem>>
      %dma_start3A_665 = arith.constant 0 : i32
      %dma_start3A_666 = arith.constant 0 : i32
      %dma_start3A_667 = tpu.memref_slice %arg4[%dma_start3A_665, %dma_start3A_666] : memref<10240x16xf32, #tpu.memory_space<hbm>> -> memref<10240x16xf32, #tpu.memory_space<hbm>>
      tpu.enqueue_indirect_dma source(%dma_start3A_667 : memref<10240x16xf32, #tpu.memory_space<hbm>>) target(%dma_start3A_661 : memref<128x16xf32, #tpu.memory_space<vmem>>) offsets(%dma_start3A_664 : memref<128xi32, #tpu.memory_space<vmem>>) semaphore(%arg10 : memref<!tpu.dma_semaphore, #tpu.memory_space<semaphore_mem>>)
      %add3A_668 = arith.constant 1 : i32
      %add3A_669 = arith.addi %add3A_264, %add3A_668 : i32
      %add3A_670 = arith.constant 3 : i32
      %add3A_671 = arith.addi %add3A_669, %add3A_670 : i32
      %min3A_672 = arith.minsi %add3A_671, %sub3A_9 : i32
      %dma_start3A_673 = arith.constant 0 : i32
      %dma_start3A_674 = arith.constant 0 : i32
      %dma_start3A_675 = arith.constant 0 : i32
      %dma_start3A_676 = tpu.memref_slice %arg2[%min3A_672, %dma_start3A_673, %dma_start3A_674, %dma_start3A_675] : memref<640x2x4x128xi32, #tpu.memory_space<hbm>> -> memref<1x2x4x128xi32, #tpu.memory_space<hbm>>
      %dma_start3A_677 = tpu.memref_squeeze %dma_start3A_676 : memref<1x2x4x128xi32, #tpu.memory_space<hbm>> -> memref<2x4x128xi32, #tpu.memory_space<hbm>>
      %dma_start3A_678 = arith.constant 0 : i32
      %dma_start3A_679 = arith.constant 0 : i32
      %dma_start3A_680 = arith.constant 0 : i32
      %dma_start3A_681 = tpu.memref_slice %arg2[%min3A_672, %dma_start3A_678, %dma_start3A_679, %dma_start3A_680] : memref<640x2x4x128xi32, #tpu.memory_space<hbm>> -> memref<1x2x4x128xi32, #tpu.memory_space<hbm>>
      %dma_start3A_682 = tpu.memref_squeeze %dma_start3A_681 : memref<1x2x4x128xi32, #tpu.memory_space<hbm>> -> memref<2x4x128xi32, #tpu.memory_space<hbm>>
      tpu.enqueue_dma source(%dma_start3A_682 : memref<2x4x128xi32, #tpu.memory_space<hbm>>) target(%arg14 : memref<2x4x128xi32, #tpu.memory_space<vmem>>) target_semaphore(%arg15 : memref<!tpu.dma_semaphore, #tpu.memory_space<semaphore_mem>>)
      %add3A_683 = arith.constant 1 : i32
      %add3A_684 = arith.addi %add3A_264, %add3A_683 : i32
      %scan3A_685 = arith.constant 0 : i32
      %scan3A_686 = arith.constant 0 : i32
      %scan3A_687 = arith.constant 512 : i32
      %scan3A_688 = arith.addi %scan3A_686, %scan3A_687 : i32
      %scan3A_689 = arith.constant 1 : i32
      scf.for %scan3A_1135 = %scan3A_686 to %scan3A_688 step %scan3A_689  : i32 {
        %get3A = arith.index_cast %scan3A_1135 : i32 to index
        %get3A_1136 = arith.constant 0 : index
        %get3A_1137 = tpu.vector_load %arg11[%get3A, %get3A_1136] {strides = array<i32>} : memref<512x16xf32, #tpu.memory_space<vmem>>, vector<1x16xf32>,
        %get3A_1138 = vector.shape_cast %get3A_1137 : vector<1x16xf32> to vector<16xf32>
        %get3A_1139 = arith.index_cast %scan3A_1135 : i32 to index
        %get3A_1140 = arith.constant 0 : index
        %get3A_1141 = tpu.vector_load %arg12[%get3A_1139, %get3A_1140] {strides = array<i32>} : memref<512x16xf32, #tpu.memory_space<vmem>>, vector<1x16xf32>,
        %get3A_1142 = vector.shape_cast %get3A_1141 : vector<1x16xf32> to vector<16xf32>
        %add3A_1143 = arith.addf %get3A_1138, %get3A_1142 : vector<16xf32>
        %mul3A_1144 = arith.constant 2.000000e-01 : f32
        %mul3A_1145 = vector.broadcast %mul3A_1144 : f32 to vector<16xf32>
        %mul3A_1146 = arith.mulf %mul3A_1145, %add3A_1143 : vector<16xf32>
        %max3A = arith.maximumf %add3A_1143, %mul3A_1146 : vector<16xf32>
        %exp3A = math.exp %max3A : vector<16xf32>
        %swap3A = arith.index_cast %scan3A_1135 : i32 to index
        %swap3A_1147 = arith.constant 0 : index
        %swap3A_1148 = tpu.vector_load %arg11[%swap3A, %swap3A_1147] {strides = array<i32>} : memref<512x16xf32, #tpu.memory_space<vmem>>, vector<1x16xf32>,
        %swap3A_1149 = vector.shape_cast %swap3A_1148 : vector<1x16xf32> to vector<16xf32>
        %swap3A_1150 = vector.shape_cast %exp3A : vector<16xf32> to vector<1x16xf32>
        tpu.vector_store %arg11[%swap3A, %swap3A_1147], %swap3A_1150 {strides = array<i32>} : memref<512x16xf32, #tpu.memory_space<vmem>>, vector<1x16xf32>,
      }
      %scan3A_690 = arith.constant 512 : i32
      "tpu.region"() ({
        %run_scoped3A_1135 = tpu.sem_alloc : memref<!tpu.dma_semaphore, #tpu.memory_space<semaphore_mem>>
        %dma_start3A_1136 = arith.constant 0 : i32
        %dma_start3A_1137 = arith.constant 0 : i32
        %dma_start3A_1138 = tpu.memref_slice %arg6[%add3A_684, %dma_start3A_1136, %dma_start3A_1137] : memref<640x512x16xf32, #tpu.memory_space<hbm>> -> memref<1x512x16xf32, #tpu.memory_space<hbm>>
        %dma_start3A_1139 = tpu.memref_squeeze %dma_start3A_1138 : memref<1x512x16xf32, #tpu.memory_space<hbm>> -> memref<512x16xf32, #tpu.memory_space<hbm>>
        %dma_start3A_1140 = arith.constant 0 : i32
        %dma_start3A_1141 = arith.constant 0 : i32
        %dma_start3A_1142 = tpu.memref_slice %arg6[%add3A_684, %dma_start3A_1140, %dma_start3A_1141] : memref<640x512x16xf32, #tpu.memory_space<hbm>> -> memref<1x512x16xf32, #tpu.memory_space<hbm>>
        %dma_start3A_1143 = tpu.memref_squeeze %dma_start3A_1142 : memref<1x512x16xf32, #tpu.memory_space<hbm>> -> memref<512x16xf32, #tpu.memory_space<hbm>>
        tpu.enqueue_dma source(%arg11 : memref<512x16xf32, #tpu.memory_space<vmem>>) target(%dma_start3A_1143 : memref<512x16xf32, #tpu.memory_space<hbm>>) target_semaphore(%run_scoped3A_1135 : memref<!tpu.dma_semaphore, #tpu.memory_space<semaphore_mem>>)
        %dma_wait3A_1144 = arith.constant 0 : i32
        %dma_wait3A_1145 = arith.constant 0 : i32
        %dma_wait3A_1146 = tpu.memref_slice %arg6[%add3A_684, %dma_wait3A_1144, %dma_wait3A_1145] : memref<640x512x16xf32, #tpu.memory_space<hbm>> -> memref<1x512x16xf32, #tpu.memory_space<hbm>>
        %dma_wait3A_1147 = tpu.memref_squeeze %dma_wait3A_1146 : memref<1x512x16xf32, #tpu.memory_space<hbm>> -> memref<512x16xf32, #tpu.memory_space<hbm>>
        %dma_wait3A_1148 = arith.constant 0 : i32
        %dma_wait3A_1149 = arith.constant 0 : i32
        %dma_wait3A_1150 = tpu.memref_slice %arg6[%add3A_684, %dma_wait3A_1148, %dma_wait3A_1149] : memref<640x512x16xf32, #tpu.memory_space<hbm>> -> memref<1x512x16xf32, #tpu.memory_space<hbm>>
        %dma_wait3A_1151 = tpu.memref_squeeze %dma_wait3A_1150 : memref<1x512x16xf32, #tpu.memory_space<hbm>> -> memref<512x16xf32, #tpu.memory_space<hbm>>
        tpu.wait_dma2 semaphore(%run_scoped3A_1135 : memref<!tpu.dma_semaphore, #tpu.memory_space<semaphore_mem>>) src(%arg11 : memref<512x16xf32, #tpu.memory_space<vmem>>) dst(%dma_wait3A_1151 : memref<512x16xf32, #tpu.memory_space<hbm>>)
        tpu.yield
      }) : () -> ()
      %run_scoped3A_691 = arith.constant 1 : i32
      %run_scoped3A_692 = arith.constant 0 : i32
      "tpu.region"() ({
        %run_scoped3A_1135 = tpu.sem_alloc : memref<!tpu.dma_semaphore, #tpu.memory_space<semaphore_mem>>
        %dma_start3A_1136 = arith.constant 0 : i32
        %dma_start3A_1137 = arith.constant 0 : i32
        %dma_start3A_1138 = tpu.memref_slice %arg11[%dma_start3A_1136, %dma_start3A_1137] : memref<512x16xf32, #tpu.memory_space<vmem>> -> memref<128x16xf32, #tpu.memory_space<vmem>>
        %dma_start3A_1139 = arith.constant 0 : i32
        %dma_start3A_1140 = tpu.memref_slice %arg16[%run_scoped3A_691, %run_scoped3A_692, %dma_start3A_1139] : memref<2x4x128xi32, #tpu.memory_space<vmem>> -> memref<1x1x128xi32, #tpu.memory_space<vmem>>
        %dma_start3A_1141 = tpu.memref_squeeze %dma_start3A_1140 : memref<1x1x128xi32, #tpu.memory_space<vmem>> -> memref<128xi32, #tpu.memory_space<vmem>>
        %dma_start3A_1142 = arith.constant 0 : i32
        %dma_start3A_1143 = arith.constant 0 : i32
        %dma_start3A_1144 = tpu.memref_slice %arg22[%dma_start3A_1142, %dma_start3A_1143] : memref<10240x16xf32, #tpu.memory_space<vmem_shared>> -> memref<10240x16xf32, #tpu.memory_space<vmem_shared>>
        tpu.enqueue_indirect_dma source(%dma_start3A_1138 : memref<128x16xf32, #tpu.memory_space<vmem>>) target(%dma_start3A_1144 : memref<10240x16xf32, #tpu.memory_space<vmem_shared>>) offsets(%dma_start3A_1141 : memref<128xi32, #tpu.memory_space<vmem>>) semaphore(%run_scoped3A_1135 : memref<!tpu.dma_semaphore, #tpu.memory_space<semaphore_mem>>) {add = true}
        %dma_wait3A_1145 = arith.constant 0 : i32
        %dma_wait3A_1146 = arith.constant 0 : i32
        %dma_wait3A_1147 = tpu.memref_slice %arg11[%dma_wait3A_1145, %dma_wait3A_1146] : memref<512x16xf32, #tpu.memory_space<vmem>> -> memref<128x16xf32, #tpu.memory_space<vmem>>
        %dma_wait3A_1148 = arith.constant 0 : i32
        %dma_wait3A_1149 = tpu.memref_slice %arg16[%run_scoped3A_691, %run_scoped3A_692, %dma_wait3A_1148] : memref<2x4x128xi32, #tpu.memory_space<vmem>> -> memref<1x1x128xi32, #tpu.memory_space<vmem>>
        %dma_wait3A_1150 = tpu.memref_squeeze %dma_wait3A_1149 : memref<1x1x128xi32, #tpu.memory_space<vmem>> -> memref<128xi32, #tpu.memory_space<vmem>>
        %dma_wait3A_1151 = arith.constant 0 : i32
        %dma_wait3A_1152 = arith.constant 0 : i32
        %dma_wait3A_1153 = tpu.memref_slice %arg22[%dma_wait3A_1151, %dma_wait3A_1152] : memref<10240x16xf32, #tpu.memory_space<vmem_shared>> -> memref<10240x16xf32, #tpu.memory_space<vmem_shared>>
        tpu.wait_indirect_dma semaphore(%run_scoped3A_1135 : memref<!tpu.dma_semaphore, #tpu.memory_space<semaphore_mem>>) src(%dma_wait3A_1147 : memref<128x16xf32, #tpu.memory_space<vmem>>) dst(%dma_wait3A_1153 : memref<10240x16xf32, #tpu.memory_space<vmem_shared>>)
        tpu.yield
      }) : () -> ()
      %run_scoped3A_693 = arith.constant 1 : i32
      %run_scoped3A_694 = arith.constant 1 : i32
      "tpu.region"() ({
        %run_scoped3A_1135 = tpu.sem_alloc : memref<!tpu.dma_semaphore, #tpu.memory_space<semaphore_mem>>
        %dma_start3A_1136 = arith.constant 128 : i32
        %dma_start3A_1137 = arith.constant 0 : i32
        %dma_start3A_1138 = tpu.memref_slice %arg11[%dma_start3A_1136, %dma_start3A_1137] : memref<512x16xf32, #tpu.memory_space<vmem>> -> memref<128x16xf32, #tpu.memory_space<vmem>>
        %dma_start3A_1139 = arith.constant 0 : i32
        %dma_start3A_1140 = tpu.memref_slice %arg16[%run_scoped3A_693, %run_scoped3A_694, %dma_start3A_1139] : memref<2x4x128xi32, #tpu.memory_space<vmem>> -> memref<1x1x128xi32, #tpu.memory_space<vmem>>
        %dma_start3A_1141 = tpu.memref_squeeze %dma_start3A_1140 : memref<1x1x128xi32, #tpu.memory_space<vmem>> -> memref<128xi32, #tpu.memory_space<vmem>>
        %dma_start3A_1142 = arith.constant 0 : i32
        %dma_start3A_1143 = arith.constant 0 : i32
        %dma_start3A_1144 = tpu.memref_slice %arg22[%dma_start3A_1142, %dma_start3A_1143] : memref<10240x16xf32, #tpu.memory_space<vmem_shared>> -> memref<10240x16xf32, #tpu.memory_space<vmem_shared>>
        tpu.enqueue_indirect_dma source(%dma_start3A_1138 : memref<128x16xf32, #tpu.memory_space<vmem>>) target(%dma_start3A_1144 : memref<10240x16xf32, #tpu.memory_space<vmem_shared>>) offsets(%dma_start3A_1141 : memref<128xi32, #tpu.memory_space<vmem>>) semaphore(%run_scoped3A_1135 : memref<!tpu.dma_semaphore, #tpu.memory_space<semaphore_mem>>) {add = true}
        %dma_wait3A_1145 = arith.constant 128 : i32
        %dma_wait3A_1146 = arith.constant 0 : i32
        %dma_wait3A_1147 = tpu.memref_slice %arg11[%dma_wait3A_1145, %dma_wait3A_1146] : memref<512x16xf32, #tpu.memory_space<vmem>> -> memref<128x16xf32, #tpu.memory_space<vmem>>
        %dma_wait3A_1148 = arith.constant 0 : i32
        %dma_wait3A_1149 = tpu.memref_slice %arg16[%run_scoped3A_693, %run_scoped3A_694, %dma_wait3A_1148] : memref<2x4x128xi32, #tpu.memory_space<vmem>> -> memref<1x1x128xi32, #tpu.memory_space<vmem>>
        %dma_wait3A_1150 = tpu.memref_squeeze %dma_wait3A_1149 : memref<1x1x128xi32, #tpu.memory_space<vmem>> -> memref<128xi32, #tpu.memory_space<vmem>>
        %dma_wait3A_1151 = arith.constant 0 : i32
        %dma_wait3A_1152 = arith.constant 0 : i32
        %dma_wait3A_1153 = tpu.memref_slice %arg22[%dma_wait3A_1151, %dma_wait3A_1152] : memref<10240x16xf32, #tpu.memory_space<vmem_shared>> -> memref<10240x16xf32, #tpu.memory_space<vmem_shared>>
        tpu.wait_indirect_dma semaphore(%run_scoped3A_1135 : memref<!tpu.dma_semaphore, #tpu.memory_space<semaphore_mem>>) src(%dma_wait3A_1147 : memref<128x16xf32, #tpu.memory_space<vmem>>) dst(%dma_wait3A_1153 : memref<10240x16xf32, #tpu.memory_space<vmem_shared>>)
        tpu.yield
      }) : () -> ()
      %run_scoped3A_695 = arith.constant 1 : i32
      %run_scoped3A_696 = arith.constant 2 : i32
      "tpu.region"() ({
        %run_scoped3A_1135 = tpu.sem_alloc : memref<!tpu.dma_semaphore, #tpu.memory_space<semaphore_mem>>
        %dma_start3A_1136 = arith.constant 256 : i32
        %dma_start3A_1137 = arith.constant 0 : i32
        %dma_start3A_1138 = tpu.memref_slice %arg11[%dma_start3A_1136, %dma_start3A_1137] : memref<512x16xf32, #tpu.memory_space<vmem>> -> memref<128x16xf32, #tpu.memory_space<vmem>>
        %dma_start3A_1139 = arith.constant 0 : i32
        %dma_start3A_1140 = tpu.memref_slice %arg16[%run_scoped3A_695, %run_scoped3A_696, %dma_start3A_1139] : memref<2x4x128xi32, #tpu.memory_space<vmem>> -> memref<1x1x128xi32, #tpu.memory_space<vmem>>
        %dma_start3A_1141 = tpu.memref_squeeze %dma_start3A_1140 : memref<1x1x128xi32, #tpu.memory_space<vmem>> -> memref<128xi32, #tpu.memory_space<vmem>>
        %dma_start3A_1142 = arith.constant 0 : i32
        %dma_start3A_1143 = arith.constant 0 : i32
        %dma_start3A_1144 = tpu.memref_slice %arg22[%dma_start3A_1142, %dma_start3A_1143] : memref<10240x16xf32, #tpu.memory_space<vmem_shared>> -> memref<10240x16xf32, #tpu.memory_space<vmem_shared>>
        tpu.enqueue_indirect_dma source(%dma_start3A_1138 : memref<128x16xf32, #tpu.memory_space<vmem>>) target(%dma_start3A_1144 : memref<10240x16xf32, #tpu.memory_space<vmem_shared>>) offsets(%dma_start3A_1141 : memref<128xi32, #tpu.memory_space<vmem>>) semaphore(%run_scoped3A_1135 : memref<!tpu.dma_semaphore, #tpu.memory_space<semaphore_mem>>) {add = true}
        %dma_wait3A_1145 = arith.constant 256 : i32
        %dma_wait3A_1146 = arith.constant 0 : i32
        %dma_wait3A_1147 = tpu.memref_slice %arg11[%dma_wait3A_1145, %dma_wait3A_1146] : memref<512x16xf32, #tpu.memory_space<vmem>> -> memref<128x16xf32, #tpu.memory_space<vmem>>
        %dma_wait3A_1148 = arith.constant 0 : i32
        %dma_wait3A_1149 = tpu.memref_slice %arg16[%run_scoped3A_695, %run_scoped3A_696, %dma_wait3A_1148] : memref<2x4x128xi32, #tpu.memory_space<vmem>> -> memref<1x1x128xi32, #tpu.memory_space<vmem>>
        %dma_wait3A_1150 = tpu.memref_squeeze %dma_wait3A_1149 : memref<1x1x128xi32, #tpu.memory_space<vmem>> -> memref<128xi32, #tpu.memory_space<vmem>>
        %dma_wait3A_1151 = arith.constant 0 : i32
        %dma_wait3A_1152 = arith.constant 0 : i32
        %dma_wait3A_1153 = tpu.memref_slice %arg22[%dma_wait3A_1151, %dma_wait3A_1152] : memref<10240x16xf32, #tpu.memory_space<vmem_shared>> -> memref<10240x16xf32, #tpu.memory_space<vmem_shared>>
        tpu.wait_indirect_dma semaphore(%run_scoped3A_1135 : memref<!tpu.dma_semaphore, #tpu.memory_space<semaphore_mem>>) src(%dma_wait3A_1147 : memref<128x16xf32, #tpu.memory_space<vmem>>) dst(%dma_wait3A_1153 : memref<10240x16xf32, #tpu.memory_space<vmem_shared>>)
        tpu.yield
      }) : () -> ()
      %run_scoped3A_697 = arith.constant 1 : i32
      %run_scoped3A_698 = arith.constant 3 : i32
      "tpu.region"() ({
        %run_scoped3A_1135 = tpu.sem_alloc : memref<!tpu.dma_semaphore, #tpu.memory_space<semaphore_mem>>
        %dma_start3A_1136 = arith.constant 384 : i32
        %dma_start3A_1137 = arith.constant 0 : i32
        %dma_start3A_1138 = tpu.memref_slice %arg11[%dma_start3A_1136, %dma_start3A_1137] : memref<512x16xf32, #tpu.memory_space<vmem>> -> memref<128x16xf32, #tpu.memory_space<vmem>>
        %dma_start3A_1139 = arith.constant 0 : i32
        %dma_start3A_1140 = tpu.memref_slice %arg16[%run_scoped3A_697, %run_scoped3A_698, %dma_start3A_1139] : memref<2x4x128xi32, #tpu.memory_space<vmem>> -> memref<1x1x128xi32, #tpu.memory_space<vmem>>
        %dma_start3A_1141 = tpu.memref_squeeze %dma_start3A_1140 : memref<1x1x128xi32, #tpu.memory_space<vmem>> -> memref<128xi32, #tpu.memory_space<vmem>>
        %dma_start3A_1142 = arith.constant 0 : i32
        %dma_start3A_1143 = arith.constant 0 : i32
        %dma_start3A_1144 = tpu.memref_slice %arg22[%dma_start3A_1142, %dma_start3A_1143] : memref<10240x16xf32, #tpu.memory_space<vmem_shared>> -> memref<10240x16xf32, #tpu.memory_space<vmem_shared>>
        tpu.enqueue_indirect_dma source(%dma_start3A_1138 : memref<128x16xf32, #tpu.memory_space<vmem>>) target(%dma_start3A_1144 : memref<10240x16xf32, #tpu.memory_space<vmem_shared>>) offsets(%dma_start3A_1141 : memref<128xi32, #tpu.memory_space<vmem>>) semaphore(%run_scoped3A_1135 : memref<!tpu.dma_semaphore, #tpu.memory_space<semaphore_mem>>) {add = true}
        %dma_wait3A_1145 = arith.constant 384 : i32
        %dma_wait3A_1146 = arith.constant 0 : i32
        %dma_wait3A_1147 = tpu.memref_slice %arg11[%dma_wait3A_1145, %dma_wait3A_1146] : memref<512x16xf32, #tpu.memory_space<vmem>> -> memref<128x16xf32, #tpu.memory_space<vmem>>
        %dma_wait3A_1148 = arith.constant 0 : i32
        %dma_wait3A_1149 = tpu.memref_slice %arg16[%run_scoped3A_697, %run_scoped3A_698, %dma_wait3A_1148] : memref<2x4x128xi32, #tpu.memory_space<vmem>> -> memref<1x1x128xi32, #tpu.memory_space<vmem>>
        %dma_wait3A_1150 = tpu.memref_squeeze %dma_wait3A_1149 : memref<1x1x128xi32, #tpu.memory_space<vmem>> -> memref<128xi32, #tpu.memory_space<vmem>>
        %dma_wait3A_1151 = arith.constant 0 : i32
        %dma_wait3A_1152 = arith.constant 0 : i32
        %dma_wait3A_1153 = tpu.memref_slice %arg22[%dma_wait3A_1151, %dma_wait3A_1152] : memref<10240x16xf32, #tpu.memory_space<vmem_shared>> -> memref<10240x16xf32, #tpu.memory_space<vmem_shared>>
        tpu.wait_indirect_dma semaphore(%run_scoped3A_1135 : memref<!tpu.dma_semaphore, #tpu.memory_space<semaphore_mem>>) src(%dma_wait3A_1147 : memref<128x16xf32, #tpu.memory_space<vmem>>) dst(%dma_wait3A_1153 : memref<10240x16xf32, #tpu.memory_space<vmem_shared>>)
        tpu.yield
      }) : () -> ()
      %dma_wait3A_699 = arith.constant 0 : i32
      %dma_wait3A_700 = arith.constant 0 : i32
      %dma_wait3A_701 = arith.constant 0 : i32
      %dma_wait3A_702 = arith.constant 0 : i32
      %dma_wait3A_703 = tpu.memref_slice %arg8[%dma_wait3A_701, %dma_wait3A_702] : memref<512x16xf32, #tpu.memory_space<vmem>> -> memref<128x16xf32, #tpu.memory_space<vmem>>
      %dma_wait3A_704 = arith.constant 0 : i32
      %dma_wait3A_705 = tpu.memref_slice %arg18[%dma_wait3A_699, %dma_wait3A_700, %dma_wait3A_704] : memref<2x4x128xi32, #tpu.memory_space<vmem>> -> memref<1x1x128xi32, #tpu.memory_space<vmem>>
      %dma_wait3A_706 = tpu.memref_squeeze %dma_wait3A_705 : memref<1x1x128xi32, #tpu.memory_space<vmem>> -> memref<128xi32, #tpu.memory_space<vmem>>
      %dma_wait3A_707 = arith.constant 0 : i32
      %dma_wait3A_708 = arith.constant 0 : i32
      %dma_wait3A_709 = tpu.memref_slice %arg3[%dma_wait3A_707, %dma_wait3A_708] : memref<10240x16xf32, #tpu.memory_space<hbm>> -> memref<10240x16xf32, #tpu.memory_space<hbm>>
      tpu.wait_indirect_dma semaphore(%arg10 : memref<!tpu.dma_semaphore, #tpu.memory_space<semaphore_mem>>) src(%dma_wait3A_709 : memref<10240x16xf32, #tpu.memory_space<hbm>>) dst(%dma_wait3A_703 : memref<128x16xf32, #tpu.memory_space<vmem>>)
      %dma_wait3A_710 = arith.constant 1 : i32
      %dma_wait3A_711 = arith.constant 0 : i32
      %dma_wait3A_712 = arith.constant 0 : i32
      %dma_wait3A_713 = arith.constant 0 : i32
      %dma_wait3A_714 = tpu.memref_slice %arg9[%dma_wait3A_712, %dma_wait3A_713] : memref<512x16xf32, #tpu.memory_space<vmem>> -> memref<128x16xf32, #tpu.memory_space<vmem>>
      %dma_wait3A_715 = arith.constant 0 : i32
      %dma_wait3A_716 = tpu.memref_slice %arg18[%dma_wait3A_710, %dma_wait3A_711, %dma_wait3A_715] : memref<2x4x128xi32, #tpu.memory_space<vmem>> -> memref<1x1x128xi32, #tpu.memory_space<vmem>>
      %dma_wait3A_717 = tpu.memref_squeeze %dma_wait3A_716 : memref<1x1x128xi32, #tpu.memory_space<vmem>> -> memref<128xi32, #tpu.memory_space<vmem>>
      %dma_wait3A_718 = arith.constant 0 : i32
      %dma_wait3A_719 = arith.constant 0 : i32
      %dma_wait3A_720 = tpu.memref_slice %arg4[%dma_wait3A_718, %dma_wait3A_719] : memref<10240x16xf32, #tpu.memory_space<hbm>> -> memref<10240x16xf32, #tpu.memory_space<hbm>>
      tpu.wait_indirect_dma semaphore(%arg10 : memref<!tpu.dma_semaphore, #tpu.memory_space<semaphore_mem>>) src(%dma_wait3A_720 : memref<10240x16xf32, #tpu.memory_space<hbm>>) dst(%dma_wait3A_714 : memref<128x16xf32, #tpu.memory_space<vmem>>)
      %dma_wait3A_721 = arith.constant 0 : i32
      %dma_wait3A_722 = arith.constant 1 : i32
      %dma_wait3A_723 = arith.constant 128 : i32
      %dma_wait3A_724 = arith.constant 0 : i32
      %dma_wait3A_725 = tpu.memref_slice %arg8[%dma_wait3A_723, %dma_wait3A_724] : memref<512x16xf32, #tpu.memory_space<vmem>> -> memref<128x16xf32, #tpu.memory_space<vmem>>
      %dma_wait3A_726 = arith.constant 0 : i32
      %dma_wait3A_727 = tpu.memref_slice %arg18[%dma_wait3A_721, %dma_wait3A_722, %dma_wait3A_726] : memref<2x4x128xi32, #tpu.memory_space<vmem>> -> memref<1x1x128xi32, #tpu.memory_space<vmem>>
      %dma_wait3A_728 = tpu.memref_squeeze %dma_wait3A_727 : memref<1x1x128xi32, #tpu.memory_space<vmem>> -> memref<128xi32, #tpu.memory_space<vmem>>
      %dma_wait3A_729 = arith.constant 0 : i32
      %dma_wait3A_730 = arith.constant 0 : i32
      %dma_wait3A_731 = tpu.memref_slice %arg3[%dma_wait3A_729, %dma_wait3A_730] : memref<10240x16xf32, #tpu.memory_space<hbm>> -> memref<10240x16xf32, #tpu.memory_space<hbm>>
      tpu.wait_indirect_dma semaphore(%arg10 : memref<!tpu.dma_semaphore, #tpu.memory_space<semaphore_mem>>) src(%dma_wait3A_731 : memref<10240x16xf32, #tpu.memory_space<hbm>>) dst(%dma_wait3A_725 : memref<128x16xf32, #tpu.memory_space<vmem>>)
      %dma_wait3A_732 = arith.constant 1 : i32
      %dma_wait3A_733 = arith.constant 1 : i32
      %dma_wait3A_734 = arith.constant 128 : i32
      %dma_wait3A_735 = arith.constant 0 : i32
      %dma_wait3A_736 = tpu.memref_slice %arg9[%dma_wait3A_734, %dma_wait3A_735] : memref<512x16xf32, #tpu.memory_space<vmem>> -> memref<128x16xf32, #tpu.memory_space<vmem>>
      %dma_wait3A_737 = arith.constant 0 : i32
      %dma_wait3A_738 = tpu.memref_slice %arg18[%dma_wait3A_732, %dma_wait3A_733, %dma_wait3A_737] : memref<2x4x128xi32, #tpu.memory_space<vmem>> -> memref<1x1x128xi32, #tpu.memory_space<vmem>>
      %dma_wait3A_739 = tpu.memref_squeeze %dma_wait3A_738 : memref<1x1x128xi32, #tpu.memory_space<vmem>> -> memref<128xi32, #tpu.memory_space<vmem>>
      %dma_wait3A_740 = arith.constant 0 : i32
      %dma_wait3A_741 = arith.constant 0 : i32
      %dma_wait3A_742 = tpu.memref_slice %arg4[%dma_wait3A_740, %dma_wait3A_741] : memref<10240x16xf32, #tpu.memory_space<hbm>> -> memref<10240x16xf32, #tpu.memory_space<hbm>>
      tpu.wait_indirect_dma semaphore(%arg10 : memref<!tpu.dma_semaphore, #tpu.memory_space<semaphore_mem>>) src(%dma_wait3A_742 : memref<10240x16xf32, #tpu.memory_space<hbm>>) dst(%dma_wait3A_736 : memref<128x16xf32, #tpu.memory_space<vmem>>)
      %dma_wait3A_743 = arith.constant 0 : i32
      %dma_wait3A_744 = arith.constant 2 : i32
      %dma_wait3A_745 = arith.constant 256 : i32
      %dma_wait3A_746 = arith.constant 0 : i32
      %dma_wait3A_747 = tpu.memref_slice %arg8[%dma_wait3A_745, %dma_wait3A_746] : memref<512x16xf32, #tpu.memory_space<vmem>> -> memref<128x16xf32, #tpu.memory_space<vmem>>
      %dma_wait3A_748 = arith.constant 0 : i32
      %dma_wait3A_749 = tpu.memref_slice %arg18[%dma_wait3A_743, %dma_wait3A_744, %dma_wait3A_748] : memref<2x4x128xi32, #tpu.memory_space<vmem>> -> memref<1x1x128xi32, #tpu.memory_space<vmem>>
      %dma_wait3A_750 = tpu.memref_squeeze %dma_wait3A_749 : memref<1x1x128xi32, #tpu.memory_space<vmem>> -> memref<128xi32, #tpu.memory_space<vmem>>
      %dma_wait3A_751 = arith.constant 0 : i32
      %dma_wait3A_752 = arith.constant 0 : i32
      %dma_wait3A_753 = tpu.memref_slice %arg3[%dma_wait3A_751, %dma_wait3A_752] : memref<10240x16xf32, #tpu.memory_space<hbm>> -> memref<10240x16xf32, #tpu.memory_space<hbm>>
      tpu.wait_indirect_dma semaphore(%arg10 : memref<!tpu.dma_semaphore, #tpu.memory_space<semaphore_mem>>) src(%dma_wait3A_753 : memref<10240x16xf32, #tpu.memory_space<hbm>>) dst(%dma_wait3A_747 : memref<128x16xf32, #tpu.memory_space<vmem>>)
      %dma_wait3A_754 = arith.constant 1 : i32
      %dma_wait3A_755 = arith.constant 2 : i32
      %dma_wait3A_756 = arith.constant 256 : i32
      %dma_wait3A_757 = arith.constant 0 : i32
      %dma_wait3A_758 = tpu.memref_slice %arg9[%dma_wait3A_756, %dma_wait3A_757] : memref<512x16xf32, #tpu.memory_space<vmem>> -> memref<128x16xf32, #tpu.memory_space<vmem>>
      %dma_wait3A_759 = arith.constant 0 : i32
      %dma_wait3A_760 = tpu.memref_slice %arg18[%dma_wait3A_754, %dma_wait3A_755, %dma_wait3A_759] : memref<2x4x128xi32, #tpu.memory_space<vmem>> -> memref<1x1x128xi32, #tpu.memory_space<vmem>>
      %dma_wait3A_761 = tpu.memref_squeeze %dma_wait3A_760 : memref<1x1x128xi32, #tpu.memory_space<vmem>> -> memref<128xi32, #tpu.memory_space<vmem>>
      %dma_wait3A_762 = arith.constant 0 : i32
      %dma_wait3A_763 = arith.constant 0 : i32
      %dma_wait3A_764 = tpu.memref_slice %arg4[%dma_wait3A_762, %dma_wait3A_763] : memref<10240x16xf32, #tpu.memory_space<hbm>> -> memref<10240x16xf32, #tpu.memory_space<hbm>>
      tpu.wait_indirect_dma semaphore(%arg10 : memref<!tpu.dma_semaphore, #tpu.memory_space<semaphore_mem>>) src(%dma_wait3A_764 : memref<10240x16xf32, #tpu.memory_space<hbm>>) dst(%dma_wait3A_758 : memref<128x16xf32, #tpu.memory_space<vmem>>)
      %dma_wait3A_765 = arith.constant 0 : i32
      %dma_wait3A_766 = arith.constant 3 : i32
      %dma_wait3A_767 = arith.constant 384 : i32
      %dma_wait3A_768 = arith.constant 0 : i32
      %dma_wait3A_769 = tpu.memref_slice %arg8[%dma_wait3A_767, %dma_wait3A_768] : memref<512x16xf32, #tpu.memory_space<vmem>> -> memref<128x16xf32, #tpu.memory_space<vmem>>
      %dma_wait3A_770 = arith.constant 0 : i32
      %dma_wait3A_771 = tpu.memref_slice %arg18[%dma_wait3A_765, %dma_wait3A_766, %dma_wait3A_770] : memref<2x4x128xi32, #tpu.memory_space<vmem>> -> memref<1x1x128xi32, #tpu.memory_space<vmem>>
      %dma_wait3A_772 = tpu.memref_squeeze %dma_wait3A_771 : memref<1x1x128xi32, #tpu.memory_space<vmem>> -> memref<128xi32, #tpu.memory_space<vmem>>
      %dma_wait3A_773 = arith.constant 0 : i32
      %dma_wait3A_774 = arith.constant 0 : i32
      %dma_wait3A_775 = tpu.memref_slice %arg3[%dma_wait3A_773, %dma_wait3A_774] : memref<10240x16xf32, #tpu.memory_space<hbm>> -> memref<10240x16xf32, #tpu.memory_space<hbm>>
      tpu.wait_indirect_dma semaphore(%arg10 : memref<!tpu.dma_semaphore, #tpu.memory_space<semaphore_mem>>) src(%dma_wait3A_775 : memref<10240x16xf32, #tpu.memory_space<hbm>>) dst(%dma_wait3A_769 : memref<128x16xf32, #tpu.memory_space<vmem>>)
      %dma_wait3A_776 = arith.constant 1 : i32
      %dma_wait3A_777 = arith.constant 3 : i32
      %dma_wait3A_778 = arith.constant 384 : i32
      %dma_wait3A_779 = arith.constant 0 : i32
      %dma_wait3A_780 = tpu.memref_slice %arg9[%dma_wait3A_778, %dma_wait3A_779] : memref<512x16xf32, #tpu.memory_space<vmem>> -> memref<128x16xf32, #tpu.memory_space<vmem>>
      %dma_wait3A_781 = arith.constant 0 : i32
      %dma_wait3A_782 = tpu.memref_slice %arg18[%dma_wait3A_776, %dma_wait3A_777, %dma_wait3A_781] : memref<2x4x128xi32, #tpu.memory_space<vmem>> -> memref<1x1x128xi32, #tpu.memory_space<vmem>>
      %dma_wait3A_783 = tpu.memref_squeeze %dma_wait3A_782 : memref<1x1x128xi32, #tpu.memory_space<vmem>> -> memref<128xi32, #tpu.memory_space<vmem>>
      %dma_wait3A_784 = arith.constant 0 : i32
      %dma_wait3A_785 = arith.constant 0 : i32
      %dma_wait3A_786 = tpu.memref_slice %arg4[%dma_wait3A_784, %dma_wait3A_785] : memref<10240x16xf32, #tpu.memory_space<hbm>> -> memref<10240x16xf32, #tpu.memory_space<hbm>>
      tpu.wait_indirect_dma semaphore(%arg10 : memref<!tpu.dma_semaphore, #tpu.memory_space<semaphore_mem>>) src(%dma_wait3A_786 : memref<10240x16xf32, #tpu.memory_space<hbm>>) dst(%dma_wait3A_780 : memref<128x16xf32, #tpu.memory_space<vmem>>)
      %dma_wait3A_787 = arith.constant 0 : i32
      %dma_wait3A_788 = arith.constant 0 : i32
      %dma_wait3A_789 = arith.constant 0 : i32
      %dma_wait3A_790 = arith.constant 0 : i32
      %dma_wait3A_791 = tpu.memref_slice %arg2[%dma_wait3A_787, %dma_wait3A_788, %dma_wait3A_789, %dma_wait3A_790] : memref<640x2x4x128xi32, #tpu.memory_space<hbm>> -> memref<1x2x4x128xi32, #tpu.memory_space<hbm>>
      %dma_wait3A_792 = tpu.memref_squeeze %dma_wait3A_791 : memref<1x2x4x128xi32, #tpu.memory_space<hbm>> -> memref<2x4x128xi32, #tpu.memory_space<hbm>>
      %dma_wait3A_793 = arith.constant 0 : i32
      %dma_wait3A_794 = arith.constant 0 : i32
      %dma_wait3A_795 = arith.constant 0 : i32
      %dma_wait3A_796 = tpu.memref_slice %arg2[%dma_wait3A_787, %dma_wait3A_793, %dma_wait3A_794, %dma_wait3A_795] : memref<640x2x4x128xi32, #tpu.memory_space<hbm>> -> memref<1x2x4x128xi32, #tpu.memory_space<hbm>>
      %dma_wait3A_797 = tpu.memref_squeeze %dma_wait3A_796 : memref<1x2x4x128xi32, #tpu.memory_space<hbm>> -> memref<2x4x128xi32, #tpu.memory_space<hbm>>
      tpu.wait_dma2 semaphore(%arg21 : memref<!tpu.dma_semaphore, #tpu.memory_space<semaphore_mem>>) src(%dma_wait3A_797 : memref<2x4x128xi32, #tpu.memory_space<hbm>>) dst(%arg20 : memref<2x4x128xi32, #tpu.memory_space<vmem>>)
      %dma_start3A_798 = arith.constant 0 : i32
      %dma_start3A_799 = arith.constant 0 : i32
      %dma_start3A_800 = arith.constant 0 : i32
      %dma_start3A_801 = arith.constant 0 : i32
      %dma_start3A_802 = tpu.memref_slice %arg11[%dma_start3A_800, %dma_start3A_801] : memref<512x16xf32, #tpu.memory_space<vmem>> -> memref<128x16xf32, #tpu.memory_space<vmem>>
      %dma_start3A_803 = arith.constant 0 : i32
      %dma_start3A_804 = tpu.memref_slice %arg20[%dma_start3A_798, %dma_start3A_799, %dma_start3A_803] : memref<2x4x128xi32, #tpu.memory_space<vmem>> -> memref<1x1x128xi32, #tpu.memory_space<vmem>>
      %dma_start3A_805 = tpu.memref_squeeze %dma_start3A_804 : memref<1x1x128xi32, #tpu.memory_space<vmem>> -> memref<128xi32, #tpu.memory_space<vmem>>
      %dma_start3A_806 = arith.constant 0 : i32
      %dma_start3A_807 = arith.constant 0 : i32
      %dma_start3A_808 = tpu.memref_slice %arg3[%dma_start3A_806, %dma_start3A_807] : memref<10240x16xf32, #tpu.memory_space<hbm>> -> memref<10240x16xf32, #tpu.memory_space<hbm>>
      tpu.enqueue_indirect_dma source(%dma_start3A_808 : memref<10240x16xf32, #tpu.memory_space<hbm>>) target(%dma_start3A_802 : memref<128x16xf32, #tpu.memory_space<vmem>>) offsets(%dma_start3A_805 : memref<128xi32, #tpu.memory_space<vmem>>) semaphore(%arg13 : memref<!tpu.dma_semaphore, #tpu.memory_space<semaphore_mem>>)
      %dma_start3A_809 = arith.constant 1 : i32
      %dma_start3A_810 = arith.constant 0 : i32
      %dma_start3A_811 = arith.constant 0 : i32
      %dma_start3A_812 = arith.constant 0 : i32
      %dma_start3A_813 = tpu.memref_slice %arg12[%dma_start3A_811, %dma_start3A_812] : memref<512x16xf32, #tpu.memory_space<vmem>> -> memref<128x16xf32, #tpu.memory_space<vmem>>
      %dma_start3A_814 = arith.constant 0 : i32
      %dma_start3A_815 = tpu.memref_slice %arg20[%dma_start3A_809, %dma_start3A_810, %dma_start3A_814] : memref<2x4x128xi32, #tpu.memory_space<vmem>> -> memref<1x1x128xi32, #tpu.memory_space<vmem>>
      %dma_start3A_816 = tpu.memref_squeeze %dma_start3A_815 : memref<1x1x128xi32, #tpu.memory_space<vmem>> -> memref<128xi32, #tpu.memory_space<vmem>>
      %dma_start3A_817 = arith.constant 0 : i32
      %dma_start3A_818 = arith.constant 0 : i32
      %dma_start3A_819 = tpu.memref_slice %arg4[%dma_start3A_817, %dma_start3A_818] : memref<10240x16xf32, #tpu.memory_space<hbm>> -> memref<10240x16xf32, #tpu.memory_space<hbm>>
      tpu.enqueue_indirect_dma source(%dma_start3A_819 : memref<10240x16xf32, #tpu.memory_space<hbm>>) target(%dma_start3A_813 : memref<128x16xf32, #tpu.memory_space<vmem>>) offsets(%dma_start3A_816 : memref<128xi32, #tpu.memory_space<vmem>>) semaphore(%arg13 : memref<!tpu.dma_semaphore, #tpu.memory_space<semaphore_mem>>)
      %dma_start3A_820 = arith.constant 0 : i32
      %dma_start3A_821 = arith.constant 1 : i32
      %dma_start3A_822 = arith.constant 128 : i32
      %dma_start3A_823 = arith.constant 0 : i32
      %dma_start3A_824 = tpu.memref_slice %arg11[%dma_start3A_822, %dma_start3A_823] : memref<512x16xf32, #tpu.memory_space<vmem>> -> memref<128x16xf32, #tpu.memory_space<vmem>>
      %dma_start3A_825 = arith.constant 0 : i32
      %dma_start3A_826 = tpu.memref_slice %arg20[%dma_start3A_820, %dma_start3A_821, %dma_start3A_825] : memref<2x4x128xi32, #tpu.memory_space<vmem>> -> memref<1x1x128xi32, #tpu.memory_space<vmem>>
      %dma_start3A_827 = tpu.memref_squeeze %dma_start3A_826 : memref<1x1x128xi32, #tpu.memory_space<vmem>> -> memref<128xi32, #tpu.memory_space<vmem>>
      %dma_start3A_828 = arith.constant 0 : i32
      %dma_start3A_829 = arith.constant 0 : i32
      %dma_start3A_830 = tpu.memref_slice %arg3[%dma_start3A_828, %dma_start3A_829] : memref<10240x16xf32, #tpu.memory_space<hbm>> -> memref<10240x16xf32, #tpu.memory_space<hbm>>
      tpu.enqueue_indirect_dma source(%dma_start3A_830 : memref<10240x16xf32, #tpu.memory_space<hbm>>) target(%dma_start3A_824 : memref<128x16xf32, #tpu.memory_space<vmem>>) offsets(%dma_start3A_827 : memref<128xi32, #tpu.memory_space<vmem>>) semaphore(%arg13 : memref<!tpu.dma_semaphore, #tpu.memory_space<semaphore_mem>>)
      %dma_start3A_831 = arith.constant 1 : i32
      %dma_start3A_832 = arith.constant 1 : i32
      %dma_start3A_833 = arith.constant 128 : i32
      %dma_start3A_834 = arith.constant 0 : i32
      %dma_start3A_835 = tpu.memref_slice %arg12[%dma_start3A_833, %dma_start3A_834] : memref<512x16xf32, #tpu.memory_space<vmem>> -> memref<128x16xf32, #tpu.memory_space<vmem>>
      %dma_start3A_836 = arith.constant 0 : i32
      %dma_start3A_837 = tpu.memref_slice %arg20[%dma_start3A_831, %dma_start3A_832, %dma_start3A_836] : memref<2x4x128xi32, #tpu.memory_space<vmem>> -> memref<1x1x128xi32, #tpu.memory_space<vmem>>
      %dma_start3A_838 = tpu.memref_squeeze %dma_start3A_837 : memref<1x1x128xi32, #tpu.memory_space<vmem>> -> memref<128xi32, #tpu.memory_space<vmem>>
      %dma_start3A_839 = arith.constant 0 : i32
      %dma_start3A_840 = arith.constant 0 : i32
      %dma_start3A_841 = tpu.memref_slice %arg4[%dma_start3A_839, %dma_start3A_840] : memref<10240x16xf32, #tpu.memory_space<hbm>> -> memref<10240x16xf32, #tpu.memory_space<hbm>>
      tpu.enqueue_indirect_dma source(%dma_start3A_841 : memref<10240x16xf32, #tpu.memory_space<hbm>>) target(%dma_start3A_835 : memref<128x16xf32, #tpu.memory_space<vmem>>) offsets(%dma_start3A_838 : memref<128xi32, #tpu.memory_space<vmem>>) semaphore(%arg13 : memref<!tpu.dma_semaphore, #tpu.memory_space<semaphore_mem>>)
      %dma_start3A_842 = arith.constant 0 : i32
      %dma_start3A_843 = arith.constant 2 : i32
      %dma_start3A_844 = arith.constant 256 : i32
      %dma_start3A_845 = arith.constant 0 : i32
      %dma_start3A_846 = tpu.memref_slice %arg11[%dma_start3A_844, %dma_start3A_845] : memref<512x16xf32, #tpu.memory_space<vmem>> -> memref<128x16xf32, #tpu.memory_space<vmem>>
      %dma_start3A_847 = arith.constant 0 : i32
      %dma_start3A_848 = tpu.memref_slice %arg20[%dma_start3A_842, %dma_start3A_843, %dma_start3A_847] : memref<2x4x128xi32, #tpu.memory_space<vmem>> -> memref<1x1x128xi32, #tpu.memory_space<vmem>>
      %dma_start3A_849 = tpu.memref_squeeze %dma_start3A_848 : memref<1x1x128xi32, #tpu.memory_space<vmem>> -> memref<128xi32, #tpu.memory_space<vmem>>
      %dma_start3A_850 = arith.constant 0 : i32
      %dma_start3A_851 = arith.constant 0 : i32
      %dma_start3A_852 = tpu.memref_slice %arg3[%dma_start3A_850, %dma_start3A_851] : memref<10240x16xf32, #tpu.memory_space<hbm>> -> memref<10240x16xf32, #tpu.memory_space<hbm>>
      tpu.enqueue_indirect_dma source(%dma_start3A_852 : memref<10240x16xf32, #tpu.memory_space<hbm>>) target(%dma_start3A_846 : memref<128x16xf32, #tpu.memory_space<vmem>>) offsets(%dma_start3A_849 : memref<128xi32, #tpu.memory_space<vmem>>) semaphore(%arg13 : memref<!tpu.dma_semaphore, #tpu.memory_space<semaphore_mem>>)
      %dma_start3A_853 = arith.constant 1 : i32
      %dma_start3A_854 = arith.constant 2 : i32
      %dma_start3A_855 = arith.constant 256 : i32
      %dma_start3A_856 = arith.constant 0 : i32
      %dma_start3A_857 = tpu.memref_slice %arg12[%dma_start3A_855, %dma_start3A_856] : memref<512x16xf32, #tpu.memory_space<vmem>> -> memref<128x16xf32, #tpu.memory_space<vmem>>
      %dma_start3A_858 = arith.constant 0 : i32
      %dma_start3A_859 = tpu.memref_slice %arg20[%dma_start3A_853, %dma_start3A_854, %dma_start3A_858] : memref<2x4x128xi32, #tpu.memory_space<vmem>> -> memref<1x1x128xi32, #tpu.memory_space<vmem>>
      %dma_start3A_860 = tpu.memref_squeeze %dma_start3A_859 : memref<1x1x128xi32, #tpu.memory_space<vmem>> -> memref<128xi32, #tpu.memory_space<vmem>>
      %dma_start3A_861 = arith.constant 0 : i32
      %dma_start3A_862 = arith.constant 0 : i32
      %dma_start3A_863 = tpu.memref_slice %arg4[%dma_start3A_861, %dma_start3A_862] : memref<10240x16xf32, #tpu.memory_space<hbm>> -> memref<10240x16xf32, #tpu.memory_space<hbm>>
      tpu.enqueue_indirect_dma source(%dma_start3A_863 : memref<10240x16xf32, #tpu.memory_space<hbm>>) target(%dma_start3A_857 : memref<128x16xf32, #tpu.memory_space<vmem>>) offsets(%dma_start3A_860 : memref<128xi32, #tpu.memory_space<vmem>>) semaphore(%arg13 : memref<!tpu.dma_semaphore, #tpu.memory_space<semaphore_mem>>)
      %dma_start3A_864 = arith.constant 0 : i32
      %dma_start3A_865 = arith.constant 3 : i32
      %dma_start3A_866 = arith.constant 384 : i32
      %dma_start3A_867 = arith.constant 0 : i32
      %dma_start3A_868 = tpu.memref_slice %arg11[%dma_start3A_866, %dma_start3A_867] : memref<512x16xf32, #tpu.memory_space<vmem>> -> memref<128x16xf32, #tpu.memory_space<vmem>>
      %dma_start3A_869 = arith.constant 0 : i32
      %dma_start3A_870 = tpu.memref_slice %arg20[%dma_start3A_864, %dma_start3A_865, %dma_start3A_869] : memref<2x4x128xi32, #tpu.memory_space<vmem>> -> memref<1x1x128xi32, #tpu.memory_space<vmem>>
      %dma_start3A_871 = tpu.memref_squeeze %dma_start3A_870 : memref<1x1x128xi32, #tpu.memory_space<vmem>> -> memref<128xi32, #tpu.memory_space<vmem>>
      %dma_start3A_872 = arith.constant 0 : i32
      %dma_start3A_873 = arith.constant 0 : i32
      %dma_start3A_874 = tpu.memref_slice %arg3[%dma_start3A_872, %dma_start3A_873] : memref<10240x16xf32, #tpu.memory_space<hbm>> -> memref<10240x16xf32, #tpu.memory_space<hbm>>
      tpu.enqueue_indirect_dma source(%dma_start3A_874 : memref<10240x16xf32, #tpu.memory_space<hbm>>) target(%dma_start3A_868 : memref<128x16xf32, #tpu.memory_space<vmem>>) offsets(%dma_start3A_871 : memref<128xi32, #tpu.memory_space<vmem>>) semaphore(%arg13 : memref<!tpu.dma_semaphore, #tpu.memory_space<semaphore_mem>>)
      %dma_start3A_875 = arith.constant 1 : i32
      %dma_start3A_876 = arith.constant 3 : i32
      %dma_start3A_877 = arith.constant 384 : i32
      %dma_start3A_878 = arith.constant 0 : i32
      %dma_start3A_879 = tpu.memref_slice %arg12[%dma_start3A_877, %dma_start3A_878] : memref<512x16xf32, #tpu.memory_space<vmem>> -> memref<128x16xf32, #tpu.memory_space<vmem>>
      %dma_start3A_880 = arith.constant 0 : i32
      %dma_start3A_881 = tpu.memref_slice %arg20[%dma_start3A_875, %dma_start3A_876, %dma_start3A_880] : memref<2x4x128xi32, #tpu.memory_space<vmem>> -> memref<1x1x128xi32, #tpu.memory_space<vmem>>
      %dma_start3A_882 = tpu.memref_squeeze %dma_start3A_881 : memref<1x1x128xi32, #tpu.memory_space<vmem>> -> memref<128xi32, #tpu.memory_space<vmem>>
      %dma_start3A_883 = arith.constant 0 : i32
      %dma_start3A_884 = arith.constant 0 : i32
      %dma_start3A_885 = tpu.memref_slice %arg4[%dma_start3A_883, %dma_start3A_884] : memref<10240x16xf32, #tpu.memory_space<hbm>> -> memref<10240x16xf32, #tpu.memory_space<hbm>>
      tpu.enqueue_indirect_dma source(%dma_start3A_885 : memref<10240x16xf32, #tpu.memory_space<hbm>>) target(%dma_start3A_879 : memref<128x16xf32, #tpu.memory_space<vmem>>) offsets(%dma_start3A_882 : memref<128xi32, #tpu.memory_space<vmem>>) semaphore(%arg13 : memref<!tpu.dma_semaphore, #tpu.memory_space<semaphore_mem>>)
      %add3A_886 = arith.constant 2 : i32
      %add3A_887 = arith.addi %add3A_264, %add3A_886 : i32
      %add3A_888 = arith.constant 3 : i32
      %add3A_889 = arith.addi %add3A_887, %add3A_888 : i32
      %min3A_890 = arith.minsi %add3A_889, %sub3A_9 : i32
      %dma_start3A_891 = arith.constant 0 : i32
      %dma_start3A_892 = arith.constant 0 : i32
      %dma_start3A_893 = arith.constant 0 : i32
      %dma_start3A_894 = tpu.memref_slice %arg2[%min3A_890, %dma_start3A_891, %dma_start3A_892, %dma_start3A_893] : memref<640x2x4x128xi32, #tpu.memory_space<hbm>> -> memref<1x2x4x128xi32, #tpu.memory_space<hbm>>
      %dma_start3A_895 = tpu.memref_squeeze %dma_start3A_894 : memref<1x2x4x128xi32, #tpu.memory_space<hbm>> -> memref<2x4x128xi32, #tpu.memory_space<hbm>>
      %dma_start3A_896 = arith.constant 0 : i32
      %dma_start3A_897 = arith.constant 0 : i32
      %dma_start3A_898 = arith.constant 0 : i32
      %dma_start3A_899 = tpu.memref_slice %arg2[%min3A_890, %dma_start3A_896, %dma_start3A_897, %dma_start3A_898] : memref<640x2x4x128xi32, #tpu.memory_space<hbm>> -> memref<1x2x4x128xi32, #tpu.memory_space<hbm>>
      %dma_start3A_900 = tpu.memref_squeeze %dma_start3A_899 : memref<1x2x4x128xi32, #tpu.memory_space<hbm>> -> memref<2x4x128xi32, #tpu.memory_space<hbm>>
      tpu.enqueue_dma source(%dma_start3A_900 : memref<2x4x128xi32, #tpu.memory_space<hbm>>) target(%arg16 : memref<2x4x128xi32, #tpu.memory_space<vmem>>) target_semaphore(%arg17 : memref<!tpu.dma_semaphore, #tpu.memory_space<semaphore_mem>>)
      %add3A_901 = arith.constant 2 : i32
      %add3A_902 = arith.addi %add3A_264, %add3A_901 : i32
      %scan3A_903 = arith.constant 0 : i32
      %scan3A_904 = arith.constant 0 : i32
      %scan3A_905 = arith.constant 512 : i32
      %scan3A_906 = arith.addi %scan3A_904, %scan3A_905 : i32
      %scan3A_907 = arith.constant 1 : i32
      scf.for %scan3A_1135 = %scan3A_904 to %scan3A_906 step %scan3A_907  : i32 {
        %get3A = arith.index_cast %scan3A_1135 : i32 to index
        %get3A_1136 = arith.constant 0 : index
        %get3A_1137 = tpu.vector_load %arg8[%get3A, %get3A_1136] {strides = array<i32>} : memref<512x16xf32, #tpu.memory_space<vmem>>, vector<1x16xf32>,
        %get3A_1138 = vector.shape_cast %get3A_1137 : vector<1x16xf32> to vector<16xf32>
        %get3A_1139 = arith.index_cast %scan3A_1135 : i32 to index
        %get3A_1140 = arith.constant 0 : index
        %get3A_1141 = tpu.vector_load %arg9[%get3A_1139, %get3A_1140] {strides = array<i32>} : memref<512x16xf32, #tpu.memory_space<vmem>>, vector<1x16xf32>,
        %get3A_1142 = vector.shape_cast %get3A_1141 : vector<1x16xf32> to vector<16xf32>
        %add3A_1143 = arith.addf %get3A_1138, %get3A_1142 : vector<16xf32>
        %mul3A_1144 = arith.constant 2.000000e-01 : f32
        %mul3A_1145 = vector.broadcast %mul3A_1144 : f32 to vector<16xf32>
        %mul3A_1146 = arith.mulf %mul3A_1145, %add3A_1143 : vector<16xf32>
        %max3A = arith.maximumf %add3A_1143, %mul3A_1146 : vector<16xf32>
        %exp3A = math.exp %max3A : vector<16xf32>
        %swap3A = arith.index_cast %scan3A_1135 : i32 to index
        %swap3A_1147 = arith.constant 0 : index
        %swap3A_1148 = tpu.vector_load %arg8[%swap3A, %swap3A_1147] {strides = array<i32>} : memref<512x16xf32, #tpu.memory_space<vmem>>, vector<1x16xf32>,
        %swap3A_1149 = vector.shape_cast %swap3A_1148 : vector<1x16xf32> to vector<16xf32>
        %swap3A_1150 = vector.shape_cast %exp3A : vector<16xf32> to vector<1x16xf32>
        tpu.vector_store %arg8[%swap3A, %swap3A_1147], %swap3A_1150 {strides = array<i32>} : memref<512x16xf32, #tpu.memory_space<vmem>>, vector<1x16xf32>,
      }
      %scan3A_908 = arith.constant 512 : i32
      "tpu.region"() ({
        %run_scoped3A_1135 = tpu.sem_alloc : memref<!tpu.dma_semaphore, #tpu.memory_space<semaphore_mem>>
        %dma_start3A_1136 = arith.constant 0 : i32
        %dma_start3A_1137 = arith.constant 0 : i32
        %dma_start3A_1138 = tpu.memref_slice %arg6[%add3A_902, %dma_start3A_1136, %dma_start3A_1137] : memref<640x512x16xf32, #tpu.memory_space<hbm>> -> memref<1x512x16xf32, #tpu.memory_space<hbm>>
        %dma_start3A_1139 = tpu.memref_squeeze %dma_start3A_1138 : memref<1x512x16xf32, #tpu.memory_space<hbm>> -> memref<512x16xf32, #tpu.memory_space<hbm>>
        %dma_start3A_1140 = arith.constant 0 : i32
        %dma_start3A_1141 = arith.constant 0 : i32
        %dma_start3A_1142 = tpu.memref_slice %arg6[%add3A_902, %dma_start3A_1140, %dma_start3A_1141] : memref<640x512x16xf32, #tpu.memory_space<hbm>> -> memref<1x512x16xf32, #tpu.memory_space<hbm>>
        %dma_start3A_1143 = tpu.memref_squeeze %dma_start3A_1142 : memref<1x512x16xf32, #tpu.memory_space<hbm>> -> memref<512x16xf32, #tpu.memory_space<hbm>>
        tpu.enqueue_dma source(%arg8 : memref<512x16xf32, #tpu.memory_space<vmem>>) target(%dma_start3A_1143 : memref<512x16xf32, #tpu.memory_space<hbm>>) target_semaphore(%run_scoped3A_1135 : memref<!tpu.dma_semaphore, #tpu.memory_space<semaphore_mem>>)
        %dma_wait3A_1144 = arith.constant 0 : i32
        %dma_wait3A_1145 = arith.constant 0 : i32
        %dma_wait3A_1146 = tpu.memref_slice %arg6[%add3A_902, %dma_wait3A_1144, %dma_wait3A_1145] : memref<640x512x16xf32, #tpu.memory_space<hbm>> -> memref<1x512x16xf32, #tpu.memory_space<hbm>>
        %dma_wait3A_1147 = tpu.memref_squeeze %dma_wait3A_1146 : memref<1x512x16xf32, #tpu.memory_space<hbm>> -> memref<512x16xf32, #tpu.memory_space<hbm>>
        %dma_wait3A_1148 = arith.constant 0 : i32
        %dma_wait3A_1149 = arith.constant 0 : i32
        %dma_wait3A_1150 = tpu.memref_slice %arg6[%add3A_902, %dma_wait3A_1148, %dma_wait3A_1149] : memref<640x512x16xf32, #tpu.memory_space<hbm>> -> memref<1x512x16xf32, #tpu.memory_space<hbm>>
        %dma_wait3A_1151 = tpu.memref_squeeze %dma_wait3A_1150 : memref<1x512x16xf32, #tpu.memory_space<hbm>> -> memref<512x16xf32, #tpu.memory_space<hbm>>
        tpu.wait_dma2 semaphore(%run_scoped3A_1135 : memref<!tpu.dma_semaphore, #tpu.memory_space<semaphore_mem>>) src(%arg8 : memref<512x16xf32, #tpu.memory_space<vmem>>) dst(%dma_wait3A_1151 : memref<512x16xf32, #tpu.memory_space<hbm>>)
        tpu.yield
      }) : () -> ()
      %run_scoped3A_909 = arith.constant 1 : i32
      %run_scoped3A_910 = arith.constant 0 : i32
      "tpu.region"() ({
        %run_scoped3A_1135 = tpu.sem_alloc : memref<!tpu.dma_semaphore, #tpu.memory_space<semaphore_mem>>
        %dma_start3A_1136 = arith.constant 0 : i32
        %dma_start3A_1137 = arith.constant 0 : i32
        %dma_start3A_1138 = tpu.memref_slice %arg8[%dma_start3A_1136, %dma_start3A_1137] : memref<512x16xf32, #tpu.memory_space<vmem>> -> memref<128x16xf32, #tpu.memory_space<vmem>>
        %dma_start3A_1139 = arith.constant 0 : i32
        %dma_start3A_1140 = tpu.memref_slice %arg18[%run_scoped3A_909, %run_scoped3A_910, %dma_start3A_1139] : memref<2x4x128xi32, #tpu.memory_space<vmem>> -> memref<1x1x128xi32, #tpu.memory_space<vmem>>
        %dma_start3A_1141 = tpu.memref_squeeze %dma_start3A_1140 : memref<1x1x128xi32, #tpu.memory_space<vmem>> -> memref<128xi32, #tpu.memory_space<vmem>>
        %dma_start3A_1142 = arith.constant 0 : i32
        %dma_start3A_1143 = arith.constant 0 : i32
        %dma_start3A_1144 = tpu.memref_slice %arg22[%dma_start3A_1142, %dma_start3A_1143] : memref<10240x16xf32, #tpu.memory_space<vmem_shared>> -> memref<10240x16xf32, #tpu.memory_space<vmem_shared>>
        tpu.enqueue_indirect_dma source(%dma_start3A_1138 : memref<128x16xf32, #tpu.memory_space<vmem>>) target(%dma_start3A_1144 : memref<10240x16xf32, #tpu.memory_space<vmem_shared>>) offsets(%dma_start3A_1141 : memref<128xi32, #tpu.memory_space<vmem>>) semaphore(%run_scoped3A_1135 : memref<!tpu.dma_semaphore, #tpu.memory_space<semaphore_mem>>) {add = true}
        %dma_wait3A_1145 = arith.constant 0 : i32
        %dma_wait3A_1146 = arith.constant 0 : i32
        %dma_wait3A_1147 = tpu.memref_slice %arg8[%dma_wait3A_1145, %dma_wait3A_1146] : memref<512x16xf32, #tpu.memory_space<vmem>> -> memref<128x16xf32, #tpu.memory_space<vmem>>
        %dma_wait3A_1148 = arith.constant 0 : i32
        %dma_wait3A_1149 = tpu.memref_slice %arg18[%run_scoped3A_909, %run_scoped3A_910, %dma_wait3A_1148] : memref<2x4x128xi32, #tpu.memory_space<vmem>> -> memref<1x1x128xi32, #tpu.memory_space<vmem>>
        %dma_wait3A_1150 = tpu.memref_squeeze %dma_wait3A_1149 : memref<1x1x128xi32, #tpu.memory_space<vmem>> -> memref<128xi32, #tpu.memory_space<vmem>>
        %dma_wait3A_1151 = arith.constant 0 : i32
        %dma_wait3A_1152 = arith.constant 0 : i32
        %dma_wait3A_1153 = tpu.memref_slice %arg22[%dma_wait3A_1151, %dma_wait3A_1152] : memref<10240x16xf32, #tpu.memory_space<vmem_shared>> -> memref<10240x16xf32, #tpu.memory_space<vmem_shared>>
        tpu.wait_indirect_dma semaphore(%run_scoped3A_1135 : memref<!tpu.dma_semaphore, #tpu.memory_space<semaphore_mem>>) src(%dma_wait3A_1147 : memref<128x16xf32, #tpu.memory_space<vmem>>) dst(%dma_wait3A_1153 : memref<10240x16xf32, #tpu.memory_space<vmem_shared>>)
        tpu.yield
      }) : () -> ()
      %run_scoped3A_911 = arith.constant 1 : i32
      %run_scoped3A_912 = arith.constant 1 : i32
      "tpu.region"() ({
        %run_scoped3A_1135 = tpu.sem_alloc : memref<!tpu.dma_semaphore, #tpu.memory_space<semaphore_mem>>
        %dma_start3A_1136 = arith.constant 128 : i32
        %dma_start3A_1137 = arith.constant 0 : i32
        %dma_start3A_1138 = tpu.memref_slice %arg8[%dma_start3A_1136, %dma_start3A_1137] : memref<512x16xf32, #tpu.memory_space<vmem>> -> memref<128x16xf32, #tpu.memory_space<vmem>>
        %dma_start3A_1139 = arith.constant 0 : i32
        %dma_start3A_1140 = tpu.memref_slice %arg18[%run_scoped3A_911, %run_scoped3A_912, %dma_start3A_1139] : memref<2x4x128xi32, #tpu.memory_space<vmem>> -> memref<1x1x128xi32, #tpu.memory_space<vmem>>
        %dma_start3A_1141 = tpu.memref_squeeze %dma_start3A_1140 : memref<1x1x128xi32, #tpu.memory_space<vmem>> -> memref<128xi32, #tpu.memory_space<vmem>>
        %dma_start3A_1142 = arith.constant 0 : i32
        %dma_start3A_1143 = arith.constant 0 : i32
        %dma_start3A_1144 = tpu.memref_slice %arg22[%dma_start3A_1142, %dma_start3A_1143] : memref<10240x16xf32, #tpu.memory_space<vmem_shared>> -> memref<10240x16xf32, #tpu.memory_space<vmem_shared>>
        tpu.enqueue_indirect_dma source(%dma_start3A_1138 : memref<128x16xf32, #tpu.memory_space<vmem>>) target(%dma_start3A_1144 : memref<10240x16xf32, #tpu.memory_space<vmem_shared>>) offsets(%dma_start3A_1141 : memref<128xi32, #tpu.memory_space<vmem>>) semaphore(%run_scoped3A_1135 : memref<!tpu.dma_semaphore, #tpu.memory_space<semaphore_mem>>) {add = true}
        %dma_wait3A_1145 = arith.constant 128 : i32
        %dma_wait3A_1146 = arith.constant 0 : i32
        %dma_wait3A_1147 = tpu.memref_slice %arg8[%dma_wait3A_1145, %dma_wait3A_1146] : memref<512x16xf32, #tpu.memory_space<vmem>> -> memref<128x16xf32, #tpu.memory_space<vmem>>
        %dma_wait3A_1148 = arith.constant 0 : i32
        %dma_wait3A_1149 = tpu.memref_slice %arg18[%run_scoped3A_911, %run_scoped3A_912, %dma_wait3A_1148] : memref<2x4x128xi32, #tpu.memory_space<vmem>> -> memref<1x1x128xi32, #tpu.memory_space<vmem>>
        %dma_wait3A_1150 = tpu.memref_squeeze %dma_wait3A_1149 : memref<1x1x128xi32, #tpu.memory_space<vmem>> -> memref<128xi32, #tpu.memory_space<vmem>>
        %dma_wait3A_1151 = arith.constant 0 : i32
        %dma_wait3A_1152 = arith.constant 0 : i32
        %dma_wait3A_1153 = tpu.memref_slice %arg22[%dma_wait3A_1151, %dma_wait3A_1152] : memref<10240x16xf32, #tpu.memory_space<vmem_shared>> -> memref<10240x16xf32, #tpu.memory_space<vmem_shared>>
        tpu.wait_indirect_dma semaphore(%run_scoped3A_1135 : memref<!tpu.dma_semaphore, #tpu.memory_space<semaphore_mem>>) src(%dma_wait3A_1147 : memref<128x16xf32, #tpu.memory_space<vmem>>) dst(%dma_wait3A_1153 : memref<10240x16xf32, #tpu.memory_space<vmem_shared>>)
        tpu.yield
      }) : () -> ()
      %run_scoped3A_913 = arith.constant 1 : i32
      %run_scoped3A_914 = arith.constant 2 : i32
      "tpu.region"() ({
        %run_scoped3A_1135 = tpu.sem_alloc : memref<!tpu.dma_semaphore, #tpu.memory_space<semaphore_mem>>
        %dma_start3A_1136 = arith.constant 256 : i32
        %dma_start3A_1137 = arith.constant 0 : i32
        %dma_start3A_1138 = tpu.memref_slice %arg8[%dma_start3A_1136, %dma_start3A_1137] : memref<512x16xf32, #tpu.memory_space<vmem>> -> memref<128x16xf32, #tpu.memory_space<vmem>>
        %dma_start3A_1139 = arith.constant 0 : i32
        %dma_start3A_1140 = tpu.memref_slice %arg18[%run_scoped3A_913, %run_scoped3A_914, %dma_start3A_1139] : memref<2x4x128xi32, #tpu.memory_space<vmem>> -> memref<1x1x128xi32, #tpu.memory_space<vmem>>
        %dma_start3A_1141 = tpu.memref_squeeze %dma_start3A_1140 : memref<1x1x128xi32, #tpu.memory_space<vmem>> -> memref<128xi32, #tpu.memory_space<vmem>>
        %dma_start3A_1142 = arith.constant 0 : i32
        %dma_start3A_1143 = arith.constant 0 : i32
        %dma_start3A_1144 = tpu.memref_slice %arg22[%dma_start3A_1142, %dma_start3A_1143] : memref<10240x16xf32, #tpu.memory_space<vmem_shared>> -> memref<10240x16xf32, #tpu.memory_space<vmem_shared>>
        tpu.enqueue_indirect_dma source(%dma_start3A_1138 : memref<128x16xf32, #tpu.memory_space<vmem>>) target(%dma_start3A_1144 : memref<10240x16xf32, #tpu.memory_space<vmem_shared>>) offsets(%dma_start3A_1141 : memref<128xi32, #tpu.memory_space<vmem>>) semaphore(%run_scoped3A_1135 : memref<!tpu.dma_semaphore, #tpu.memory_space<semaphore_mem>>) {add = true}
        %dma_wait3A_1145 = arith.constant 256 : i32
        %dma_wait3A_1146 = arith.constant 0 : i32
        %dma_wait3A_1147 = tpu.memref_slice %arg8[%dma_wait3A_1145, %dma_wait3A_1146] : memref<512x16xf32, #tpu.memory_space<vmem>> -> memref<128x16xf32, #tpu.memory_space<vmem>>
        %dma_wait3A_1148 = arith.constant 0 : i32
        %dma_wait3A_1149 = tpu.memref_slice %arg18[%run_scoped3A_913, %run_scoped3A_914, %dma_wait3A_1148] : memref<2x4x128xi32, #tpu.memory_space<vmem>> -> memref<1x1x128xi32, #tpu.memory_space<vmem>>
        %dma_wait3A_1150 = tpu.memref_squeeze %dma_wait3A_1149 : memref<1x1x128xi32, #tpu.memory_space<vmem>> -> memref<128xi32, #tpu.memory_space<vmem>>
        %dma_wait3A_1151 = arith.constant 0 : i32
        %dma_wait3A_1152 = arith.constant 0 : i32
        %dma_wait3A_1153 = tpu.memref_slice %arg22[%dma_wait3A_1151, %dma_wait3A_1152] : memref<10240x16xf32, #tpu.memory_space<vmem_shared>> -> memref<10240x16xf32, #tpu.memory_space<vmem_shared>>
        tpu.wait_indirect_dma semaphore(%run_scoped3A_1135 : memref<!tpu.dma_semaphore, #tpu.memory_space<semaphore_mem>>) src(%dma_wait3A_1147 : memref<128x16xf32, #tpu.memory_space<vmem>>) dst(%dma_wait3A_1153 : memref<10240x16xf32, #tpu.memory_space<vmem_shared>>)
        tpu.yield
      }) : () -> ()
      %run_scoped3A_915 = arith.constant 1 : i32
      %run_scoped3A_916 = arith.constant 3 : i32
      "tpu.region"() ({
        %run_scoped3A_1135 = tpu.sem_alloc : memref<!tpu.dma_semaphore, #tpu.memory_space<semaphore_mem>>
        %dma_start3A_1136 = arith.constant 384 : i32
        %dma_start3A_1137 = arith.constant 0 : i32
        %dma_start3A_1138 = tpu.memref_slice %arg8[%dma_start3A_1136, %dma_start3A_1137] : memref<512x16xf32, #tpu.memory_space<vmem>> -> memref<128x16xf32, #tpu.memory_space<vmem>>
        %dma_start3A_1139 = arith.constant 0 : i32
        %dma_start3A_1140 = tpu.memref_slice %arg18[%run_scoped3A_915, %run_scoped3A_916, %dma_start3A_1139] : memref<2x4x128xi32, #tpu.memory_space<vmem>> -> memref<1x1x128xi32, #tpu.memory_space<vmem>>
        %dma_start3A_1141 = tpu.memref_squeeze %dma_start3A_1140 : memref<1x1x128xi32, #tpu.memory_space<vmem>> -> memref<128xi32, #tpu.memory_space<vmem>>
        %dma_start3A_1142 = arith.constant 0 : i32
        %dma_start3A_1143 = arith.constant 0 : i32
        %dma_start3A_1144 = tpu.memref_slice %arg22[%dma_start3A_1142, %dma_start3A_1143] : memref<10240x16xf32, #tpu.memory_space<vmem_shared>> -> memref<10240x16xf32, #tpu.memory_space<vmem_shared>>
        tpu.enqueue_indirect_dma source(%dma_start3A_1138 : memref<128x16xf32, #tpu.memory_space<vmem>>) target(%dma_start3A_1144 : memref<10240x16xf32, #tpu.memory_space<vmem_shared>>) offsets(%dma_start3A_1141 : memref<128xi32, #tpu.memory_space<vmem>>) semaphore(%run_scoped3A_1135 : memref<!tpu.dma_semaphore, #tpu.memory_space<semaphore_mem>>) {add = true}
        %dma_wait3A_1145 = arith.constant 384 : i32
        %dma_wait3A_1146 = arith.constant 0 : i32
        %dma_wait3A_1147 = tpu.memref_slice %arg8[%dma_wait3A_1145, %dma_wait3A_1146] : memref<512x16xf32, #tpu.memory_space<vmem>> -> memref<128x16xf32, #tpu.memory_space<vmem>>
        %dma_wait3A_1148 = arith.constant 0 : i32
        %dma_wait3A_1149 = tpu.memref_slice %arg18[%run_scoped3A_915, %run_scoped3A_916, %dma_wait3A_1148] : memref<2x4x128xi32, #tpu.memory_space<vmem>> -> memref<1x1x128xi32, #tpu.memory_space<vmem>>
        %dma_wait3A_1150 = tpu.memref_squeeze %dma_wait3A_1149 : memref<1x1x128xi32, #tpu.memory_space<vmem>> -> memref<128xi32, #tpu.memory_space<vmem>>
        %dma_wait3A_1151 = arith.constant 0 : i32
        %dma_wait3A_1152 = arith.constant 0 : i32
        %dma_wait3A_1153 = tpu.memref_slice %arg22[%dma_wait3A_1151, %dma_wait3A_1152] : memref<10240x16xf32, #tpu.memory_space<vmem_shared>> -> memref<10240x16xf32, #tpu.memory_space<vmem_shared>>
        tpu.wait_indirect_dma semaphore(%run_scoped3A_1135 : memref<!tpu.dma_semaphore, #tpu.memory_space<semaphore_mem>>) src(%dma_wait3A_1147 : memref<128x16xf32, #tpu.memory_space<vmem>>) dst(%dma_wait3A_1153 : memref<10240x16xf32, #tpu.memory_space<vmem_shared>>)
        tpu.yield
      }) : () -> ()
      %dma_wait3A_917 = arith.constant 0 : i32
      %dma_wait3A_918 = arith.constant 0 : i32
      %dma_wait3A_919 = arith.constant 0 : i32
      %dma_wait3A_920 = arith.constant 0 : i32
      %dma_wait3A_921 = tpu.memref_slice %arg11[%dma_wait3A_919, %dma_wait3A_920] : memref<512x16xf32, #tpu.memory_space<vmem>> -> memref<128x16xf32, #tpu.memory_space<vmem>>
      %dma_wait3A_922 = arith.constant 0 : i32
      %dma_wait3A_923 = tpu.memref_slice %arg20[%dma_wait3A_917, %dma_wait3A_918, %dma_wait3A_922] : memref<2x4x128xi32, #tpu.memory_space<vmem>> -> memref<1x1x128xi32, #tpu.memory_space<vmem>>
      %dma_wait3A_924 = tpu.memref_squeeze %dma_wait3A_923 : memref<1x1x128xi32, #tpu.memory_space<vmem>> -> memref<128xi32, #tpu.memory_space<vmem>>
      %dma_wait3A_925 = arith.constant 0 : i32
      %dma_wait3A_926 = arith.constant 0 : i32
      %dma_wait3A_927 = tpu.memref_slice %arg3[%dma_wait3A_925, %dma_wait3A_926] : memref<10240x16xf32, #tpu.memory_space<hbm>> -> memref<10240x16xf32, #tpu.memory_space<hbm>>
      tpu.wait_indirect_dma semaphore(%arg13 : memref<!tpu.dma_semaphore, #tpu.memory_space<semaphore_mem>>) src(%dma_wait3A_927 : memref<10240x16xf32, #tpu.memory_space<hbm>>) dst(%dma_wait3A_921 : memref<128x16xf32, #tpu.memory_space<vmem>>)
      %dma_wait3A_928 = arith.constant 1 : i32
      %dma_wait3A_929 = arith.constant 0 : i32
      %dma_wait3A_930 = arith.constant 0 : i32
      %dma_wait3A_931 = arith.constant 0 : i32
      %dma_wait3A_932 = tpu.memref_slice %arg12[%dma_wait3A_930, %dma_wait3A_931] : memref<512x16xf32, #tpu.memory_space<vmem>> -> memref<128x16xf32, #tpu.memory_space<vmem>>
      %dma_wait3A_933 = arith.constant 0 : i32
      %dma_wait3A_934 = tpu.memref_slice %arg20[%dma_wait3A_928, %dma_wait3A_929, %dma_wait3A_933] : memref<2x4x128xi32, #tpu.memory_space<vmem>> -> memref<1x1x128xi32, #tpu.memory_space<vmem>>
      %dma_wait3A_935 = tpu.memref_squeeze %dma_wait3A_934 : memref<1x1x128xi32, #tpu.memory_space<vmem>> -> memref<128xi32, #tpu.memory_space<vmem>>
      %dma_wait3A_936 = arith.constant 0 : i32
      %dma_wait3A_937 = arith.constant 0 : i32
      %dma_wait3A_938 = tpu.memref_slice %arg4[%dma_wait3A_936, %dma_wait3A_937] : memref<10240x16xf32, #tpu.memory_space<hbm>> -> memref<10240x16xf32, #tpu.memory_space<hbm>>
      tpu.wait_indirect_dma semaphore(%arg13 : memref<!tpu.dma_semaphore, #tpu.memory_space<semaphore_mem>>) src(%dma_wait3A_938 : memref<10240x16xf32, #tpu.memory_space<hbm>>) dst(%dma_wait3A_932 : memref<128x16xf32, #tpu.memory_space<vmem>>)
      %dma_wait3A_939 = arith.constant 0 : i32
      %dma_wait3A_940 = arith.constant 1 : i32
      %dma_wait3A_941 = arith.constant 128 : i32
      %dma_wait3A_942 = arith.constant 0 : i32
      %dma_wait3A_943 = tpu.memref_slice %arg11[%dma_wait3A_941, %dma_wait3A_942] : memref<512x16xf32, #tpu.memory_space<vmem>> -> memref<128x16xf32, #tpu.memory_space<vmem>>
      %dma_wait3A_944 = arith.constant 0 : i32
      %dma_wait3A_945 = tpu.memref_slice %arg20[%dma_wait3A_939, %dma_wait3A_940, %dma_wait3A_944] : memref<2x4x128xi32, #tpu.memory_space<vmem>> -> memref<1x1x128xi32, #tpu.memory_space<vmem>>
      %dma_wait3A_946 = tpu.memref_squeeze %dma_wait3A_945 : memref<1x1x128xi32, #tpu.memory_space<vmem>> -> memref<128xi32, #tpu.memory_space<vmem>>
      %dma_wait3A_947 = arith.constant 0 : i32
      %dma_wait3A_948 = arith.constant 0 : i32
      %dma_wait3A_949 = tpu.memref_slice %arg3[%dma_wait3A_947, %dma_wait3A_948] : memref<10240x16xf32, #tpu.memory_space<hbm>> -> memref<10240x16xf32, #tpu.memory_space<hbm>>
      tpu.wait_indirect_dma semaphore(%arg13 : memref<!tpu.dma_semaphore, #tpu.memory_space<semaphore_mem>>) src(%dma_wait3A_949 : memref<10240x16xf32, #tpu.memory_space<hbm>>) dst(%dma_wait3A_943 : memref<128x16xf32, #tpu.memory_space<vmem>>)
      %dma_wait3A_950 = arith.constant 1 : i32
      %dma_wait3A_951 = arith.constant 1 : i32
      %dma_wait3A_952 = arith.constant 128 : i32
      %dma_wait3A_953 = arith.constant 0 : i32
      %dma_wait3A_954 = tpu.memref_slice %arg12[%dma_wait3A_952, %dma_wait3A_953] : memref<512x16xf32, #tpu.memory_space<vmem>> -> memref<128x16xf32, #tpu.memory_space<vmem>>
      %dma_wait3A_955 = arith.constant 0 : i32
      %dma_wait3A_956 = tpu.memref_slice %arg20[%dma_wait3A_950, %dma_wait3A_951, %dma_wait3A_955] : memref<2x4x128xi32, #tpu.memory_space<vmem>> -> memref<1x1x128xi32, #tpu.memory_space<vmem>>
      %dma_wait3A_957 = tpu.memref_squeeze %dma_wait3A_956 : memref<1x1x128xi32, #tpu.memory_space<vmem>> -> memref<128xi32, #tpu.memory_space<vmem>>
      %dma_wait3A_958 = arith.constant 0 : i32
      %dma_wait3A_959 = arith.constant 0 : i32
      %dma_wait3A_960 = tpu.memref_slice %arg4[%dma_wait3A_958, %dma_wait3A_959] : memref<10240x16xf32, #tpu.memory_space<hbm>> -> memref<10240x16xf32, #tpu.memory_space<hbm>>
      tpu.wait_indirect_dma semaphore(%arg13 : memref<!tpu.dma_semaphore, #tpu.memory_space<semaphore_mem>>) src(%dma_wait3A_960 : memref<10240x16xf32, #tpu.memory_space<hbm>>) dst(%dma_wait3A_954 : memref<128x16xf32, #tpu.memory_space<vmem>>)
      %dma_wait3A_961 = arith.constant 0 : i32
      %dma_wait3A_962 = arith.constant 2 : i32
      %dma_wait3A_963 = arith.constant 256 : i32
      %dma_wait3A_964 = arith.constant 0 : i32
      %dma_wait3A_965 = tpu.memref_slice %arg11[%dma_wait3A_963, %dma_wait3A_964] : memref<512x16xf32, #tpu.memory_space<vmem>> -> memref<128x16xf32, #tpu.memory_space<vmem>>
      %dma_wait3A_966 = arith.constant 0 : i32
      %dma_wait3A_967 = tpu.memref_slice %arg20[%dma_wait3A_961, %dma_wait3A_962, %dma_wait3A_966] : memref<2x4x128xi32, #tpu.memory_space<vmem>> -> memref<1x1x128xi32, #tpu.memory_space<vmem>>
      %dma_wait3A_968 = tpu.memref_squeeze %dma_wait3A_967 : memref<1x1x128xi32, #tpu.memory_space<vmem>> -> memref<128xi32, #tpu.memory_space<vmem>>
      %dma_wait3A_969 = arith.constant 0 : i32
      %dma_wait3A_970 = arith.constant 0 : i32
      %dma_wait3A_971 = tpu.memref_slice %arg3[%dma_wait3A_969, %dma_wait3A_970] : memref<10240x16xf32, #tpu.memory_space<hbm>> -> memref<10240x16xf32, #tpu.memory_space<hbm>>
      tpu.wait_indirect_dma semaphore(%arg13 : memref<!tpu.dma_semaphore, #tpu.memory_space<semaphore_mem>>) src(%dma_wait3A_971 : memref<10240x16xf32, #tpu.memory_space<hbm>>) dst(%dma_wait3A_965 : memref<128x16xf32, #tpu.memory_space<vmem>>)
      %dma_wait3A_972 = arith.constant 1 : i32
      %dma_wait3A_973 = arith.constant 2 : i32
      %dma_wait3A_974 = arith.constant 256 : i32
      %dma_wait3A_975 = arith.constant 0 : i32
      %dma_wait3A_976 = tpu.memref_slice %arg12[%dma_wait3A_974, %dma_wait3A_975] : memref<512x16xf32, #tpu.memory_space<vmem>> -> memref<128x16xf32, #tpu.memory_space<vmem>>
      %dma_wait3A_977 = arith.constant 0 : i32
      %dma_wait3A_978 = tpu.memref_slice %arg20[%dma_wait3A_972, %dma_wait3A_973, %dma_wait3A_977] : memref<2x4x128xi32, #tpu.memory_space<vmem>> -> memref<1x1x128xi32, #tpu.memory_space<vmem>>
      %dma_wait3A_979 = tpu.memref_squeeze %dma_wait3A_978 : memref<1x1x128xi32, #tpu.memory_space<vmem>> -> memref<128xi32, #tpu.memory_space<vmem>>
      %dma_wait3A_980 = arith.constant 0 : i32
      %dma_wait3A_981 = arith.constant 0 : i32
      %dma_wait3A_982 = tpu.memref_slice %arg4[%dma_wait3A_980, %dma_wait3A_981] : memref<10240x16xf32, #tpu.memory_space<hbm>> -> memref<10240x16xf32, #tpu.memory_space<hbm>>
      tpu.wait_indirect_dma semaphore(%arg13 : memref<!tpu.dma_semaphore, #tpu.memory_space<semaphore_mem>>) src(%dma_wait3A_982 : memref<10240x16xf32, #tpu.memory_space<hbm>>) dst(%dma_wait3A_976 : memref<128x16xf32, #tpu.memory_space<vmem>>)
      %dma_wait3A_983 = arith.constant 0 : i32
      %dma_wait3A_984 = arith.constant 3 : i32
      %dma_wait3A_985 = arith.constant 384 : i32
      %dma_wait3A_986 = arith.constant 0 : i32
      %dma_wait3A_987 = tpu.memref_slice %arg11[%dma_wait3A_985, %dma_wait3A_986] : memref<512x16xf32, #tpu.memory_space<vmem>> -> memref<128x16xf32, #tpu.memory_space<vmem>>
      %dma_wait3A_988 = arith.constant 0 : i32
      %dma_wait3A_989 = tpu.memref_slice %arg20[%dma_wait3A_983, %dma_wait3A_984, %dma_wait3A_988] : memref<2x4x128xi32, #tpu.memory_space<vmem>> -> memref<1x1x128xi32, #tpu.memory_space<vmem>>
      %dma_wait3A_990 = tpu.memref_squeeze %dma_wait3A_989 : memref<1x1x128xi32, #tpu.memory_space<vmem>> -> memref<128xi32, #tpu.memory_space<vmem>>
      %dma_wait3A_991 = arith.constant 0 : i32
      %dma_wait3A_992 = arith.constant 0 : i32
      %dma_wait3A_993 = tpu.memref_slice %arg3[%dma_wait3A_991, %dma_wait3A_992] : memref<10240x16xf32, #tpu.memory_space<hbm>> -> memref<10240x16xf32, #tpu.memory_space<hbm>>
      tpu.wait_indirect_dma semaphore(%arg13 : memref<!tpu.dma_semaphore, #tpu.memory_space<semaphore_mem>>) src(%dma_wait3A_993 : memref<10240x16xf32, #tpu.memory_space<hbm>>) dst(%dma_wait3A_987 : memref<128x16xf32, #tpu.memory_space<vmem>>)
      %dma_wait3A_994 = arith.constant 1 : i32
      %dma_wait3A_995 = arith.constant 3 : i32
      %dma_wait3A_996 = arith.constant 384 : i32
      %dma_wait3A_997 = arith.constant 0 : i32
      %dma_wait3A_998 = tpu.memref_slice %arg12[%dma_wait3A_996, %dma_wait3A_997] : memref<512x16xf32, #tpu.memory_space<vmem>> -> memref<128x16xf32, #tpu.memory_space<vmem>>
      %dma_wait3A_999 = arith.constant 0 : i32
      %dma_wait3A_1000 = tpu.memref_slice %arg20[%dma_wait3A_994, %dma_wait3A_995, %dma_wait3A_999] : memref<2x4x128xi32, #tpu.memory_space<vmem>> -> memref<1x1x128xi32, #tpu.memory_space<vmem>>
      %dma_wait3A_1001 = tpu.memref_squeeze %dma_wait3A_1000 : memref<1x1x128xi32, #tpu.memory_space<vmem>> -> memref<128xi32, #tpu.memory_space<vmem>>
      %dma_wait3A_1002 = arith.constant 0 : i32
      %dma_wait3A_1003 = arith.constant 0 : i32
      %dma_wait3A_1004 = tpu.memref_slice %arg4[%dma_wait3A_1002, %dma_wait3A_1003] : memref<10240x16xf32, #tpu.memory_space<hbm>> -> memref<10240x16xf32, #tpu.memory_space<hbm>>
      tpu.wait_indirect_dma semaphore(%arg13 : memref<!tpu.dma_semaphore, #tpu.memory_space<semaphore_mem>>) src(%dma_wait3A_1004 : memref<10240x16xf32, #tpu.memory_space<hbm>>) dst(%dma_wait3A_998 : memref<128x16xf32, #tpu.memory_space<vmem>>)
      %dma_wait3A_1005 = arith.constant 0 : i32
      %dma_wait3A_1006 = arith.constant 0 : i32
      %dma_wait3A_1007 = arith.constant 0 : i32
      %dma_wait3A_1008 = arith.constant 0 : i32
      %dma_wait3A_1009 = tpu.memref_slice %arg2[%dma_wait3A_1005, %dma_wait3A_1006, %dma_wait3A_1007, %dma_wait3A_1008] : memref<640x2x4x128xi32, #tpu.memory_space<hbm>> -> memref<1x2x4x128xi32, #tpu.memory_space<hbm>>
      %dma_wait3A_1010 = tpu.memref_squeeze %dma_wait3A_1009 : memref<1x2x4x128xi32, #tpu.memory_space<hbm>> -> memref<2x4x128xi32, #tpu.memory_space<hbm>>
      %dma_wait3A_1011 = arith.constant 0 : i32
      %dma_wait3A_1012 = arith.constant 0 : i32
      %dma_wait3A_1013 = arith.constant 0 : i32
      %dma_wait3A_1014 = tpu.memref_slice %arg2[%dma_wait3A_1005, %dma_wait3A_1011, %dma_wait3A_1012, %dma_wait3A_1013] : memref<640x2x4x128xi32, #tpu.memory_space<hbm>> -> memref<1x2x4x128xi32, #tpu.memory_space<hbm>>
      %dma_wait3A_1015 = tpu.memref_squeeze %dma_wait3A_1014 : memref<1x2x4x128xi32, #tpu.memory_space<hbm>> -> memref<2x4x128xi32, #tpu.memory_space<hbm>>
      tpu.wait_dma2 semaphore(%arg15 : memref<!tpu.dma_semaphore, #tpu.memory_space<semaphore_mem>>) src(%dma_wait3A_1015 : memref<2x4x128xi32, #tpu.memory_space<hbm>>) dst(%arg14 : memref<2x4x128xi32, #tpu.memory_space<vmem>>)
      %dma_start3A_1016 = arith.constant 0 : i32
      %dma_start3A_1017 = arith.constant 0 : i32
      %dma_start3A_1018 = arith.constant 0 : i32
      %dma_start3A_1019 = arith.constant 0 : i32
      %dma_start3A_1020 = tpu.memref_slice %arg8[%dma_start3A_1018, %dma_start3A_1019] : memref<512x16xf32, #tpu.memory_space<vmem>> -> memref<128x16xf32, #tpu.memory_space<vmem>>
      %dma_start3A_1021 = arith.constant 0 : i32
      %dma_start3A_1022 = tpu.memref_slice %arg14[%dma_start3A_1016, %dma_start3A_1017, %dma_start3A_1021] : memref<2x4x128xi32, #tpu.memory_space<vmem>> -> memref<1x1x128xi32, #tpu.memory_space<vmem>>
      %dma_start3A_1023 = tpu.memref_squeeze %dma_start3A_1022 : memref<1x1x128xi32, #tpu.memory_space<vmem>> -> memref<128xi32, #tpu.memory_space<vmem>>
      %dma_start3A_1024 = arith.constant 0 : i32
      %dma_start3A_1025 = arith.constant 0 : i32
      %dma_start3A_1026 = tpu.memref_slice %arg3[%dma_start3A_1024, %dma_start3A_1025] : memref<10240x16xf32, #tpu.memory_space<hbm>> -> memref<10240x16xf32, #tpu.memory_space<hbm>>
      tpu.enqueue_indirect_dma source(%dma_start3A_1026 : memref<10240x16xf32, #tpu.memory_space<hbm>>) target(%dma_start3A_1020 : memref<128x16xf32, #tpu.memory_space<vmem>>) offsets(%dma_start3A_1023 : memref<128xi32, #tpu.memory_space<vmem>>) semaphore(%arg10 : memref<!tpu.dma_semaphore, #tpu.memory_space<semaphore_mem>>)
      %dma_start3A_1027 = arith.constant 1 : i32
      %dma_start3A_1028 = arith.constant 0 : i32
      %dma_start3A_1029 = arith.constant 0 : i32
      %dma_start3A_1030 = arith.constant 0 : i32
      %dma_start3A_1031 = tpu.memref_slice %arg9[%dma_start3A_1029, %dma_start3A_1030] : memref<512x16xf32, #tpu.memory_space<vmem>> -> memref<128x16xf32, #tpu.memory_space<vmem>>
      %dma_start3A_1032 = arith.constant 0 : i32
      %dma_start3A_1033 = tpu.memref_slice %arg14[%dma_start3A_1027, %dma_start3A_1028, %dma_start3A_1032] : memref<2x4x128xi32, #tpu.memory_space<vmem>> -> memref<1x1x128xi32, #tpu.memory_space<vmem>>
      %dma_start3A_1034 = tpu.memref_squeeze %dma_start3A_1033 : memref<1x1x128xi32, #tpu.memory_space<vmem>> -> memref<128xi32, #tpu.memory_space<vmem>>
      %dma_start3A_1035 = arith.constant 0 : i32
      %dma_start3A_1036 = arith.constant 0 : i32
      %dma_start3A_1037 = tpu.memref_slice %arg4[%dma_start3A_1035, %dma_start3A_1036] : memref<10240x16xf32, #tpu.memory_space<hbm>> -> memref<10240x16xf32, #tpu.memory_space<hbm>>
      tpu.enqueue_indirect_dma source(%dma_start3A_1037 : memref<10240x16xf32, #tpu.memory_space<hbm>>) target(%dma_start3A_1031 : memref<128x16xf32, #tpu.memory_space<vmem>>) offsets(%dma_start3A_1034 : memref<128xi32, #tpu.memory_space<vmem>>) semaphore(%arg10 : memref<!tpu.dma_semaphore, #tpu.memory_space<semaphore_mem>>)
      %dma_start3A_1038 = arith.constant 0 : i32
      %dma_start3A_1039 = arith.constant 1 : i32
      %dma_start3A_1040 = arith.constant 128 : i32
      %dma_start3A_1041 = arith.constant 0 : i32
      %dma_start3A_1042 = tpu.memref_slice %arg8[%dma_start3A_1040, %dma_start3A_1041] : memref<512x16xf32, #tpu.memory_space<vmem>> -> memref<128x16xf32, #tpu.memory_space<vmem>>
      %dma_start3A_1043 = arith.constant 0 : i32
      %dma_start3A_1044 = tpu.memref_slice %arg14[%dma_start3A_1038, %dma_start3A_1039, %dma_start3A_1043] : memref<2x4x128xi32, #tpu.memory_space<vmem>> -> memref<1x1x128xi32, #tpu.memory_space<vmem>>
      %dma_start3A_1045 = tpu.memref_squeeze %dma_start3A_1044 : memref<1x1x128xi32, #tpu.memory_space<vmem>> -> memref<128xi32, #tpu.memory_space<vmem>>
      %dma_start3A_1046 = arith.constant 0 : i32
      %dma_start3A_1047 = arith.constant 0 : i32
      %dma_start3A_1048 = tpu.memref_slice %arg3[%dma_start3A_1046, %dma_start3A_1047] : memref<10240x16xf32, #tpu.memory_space<hbm>> -> memref<10240x16xf32, #tpu.memory_space<hbm>>
      tpu.enqueue_indirect_dma source(%dma_start3A_1048 : memref<10240x16xf32, #tpu.memory_space<hbm>>) target(%dma_start3A_1042 : memref<128x16xf32, #tpu.memory_space<vmem>>) offsets(%dma_start3A_1045 : memref<128xi32, #tpu.memory_space<vmem>>) semaphore(%arg10 : memref<!tpu.dma_semaphore, #tpu.memory_space<semaphore_mem>>)
      %dma_start3A_1049 = arith.constant 1 : i32
      %dma_start3A_1050 = arith.constant 1 : i32
      %dma_start3A_1051 = arith.constant 128 : i32
      %dma_start3A_1052 = arith.constant 0 : i32
      %dma_start3A_1053 = tpu.memref_slice %arg9[%dma_start3A_1051, %dma_start3A_1052] : memref<512x16xf32, #tpu.memory_space<vmem>> -> memref<128x16xf32, #tpu.memory_space<vmem>>
      %dma_start3A_1054 = arith.constant 0 : i32
      %dma_start3A_1055 = tpu.memref_slice %arg14[%dma_start3A_1049, %dma_start3A_1050, %dma_start3A_1054] : memref<2x4x128xi32, #tpu.memory_space<vmem>> -> memref<1x1x128xi32, #tpu.memory_space<vmem>>
      %dma_start3A_1056 = tpu.memref_squeeze %dma_start3A_1055 : memref<1x1x128xi32, #tpu.memory_space<vmem>> -> memref<128xi32, #tpu.memory_space<vmem>>
      %dma_start3A_1057 = arith.constant 0 : i32
      %dma_start3A_1058 = arith.constant 0 : i32
      %dma_start3A_1059 = tpu.memref_slice %arg4[%dma_start3A_1057, %dma_start3A_1058] : memref<10240x16xf32, #tpu.memory_space<hbm>> -> memref<10240x16xf32, #tpu.memory_space<hbm>>
      tpu.enqueue_indirect_dma source(%dma_start3A_1059 : memref<10240x16xf32, #tpu.memory_space<hbm>>) target(%dma_start3A_1053 : memref<128x16xf32, #tpu.memory_space<vmem>>) offsets(%dma_start3A_1056 : memref<128xi32, #tpu.memory_space<vmem>>) semaphore(%arg10 : memref<!tpu.dma_semaphore, #tpu.memory_space<semaphore_mem>>)
      %dma_start3A_1060 = arith.constant 0 : i32
      %dma_start3A_1061 = arith.constant 2 : i32
      %dma_start3A_1062 = arith.constant 256 : i32
      %dma_start3A_1063 = arith.constant 0 : i32
      %dma_start3A_1064 = tpu.memref_slice %arg8[%dma_start3A_1062, %dma_start3A_1063] : memref<512x16xf32, #tpu.memory_space<vmem>> -> memref<128x16xf32, #tpu.memory_space<vmem>>
      %dma_start3A_1065 = arith.constant 0 : i32
      %dma_start3A_1066 = tpu.memref_slice %arg14[%dma_start3A_1060, %dma_start3A_1061, %dma_start3A_1065] : memref<2x4x128xi32, #tpu.memory_space<vmem>> -> memref<1x1x128xi32, #tpu.memory_space<vmem>>
      %dma_start3A_1067 = tpu.memref_squeeze %dma_start3A_1066 : memref<1x1x128xi32, #tpu.memory_space<vmem>> -> memref<128xi32, #tpu.memory_space<vmem>>
      %dma_start3A_1068 = arith.constant 0 : i32
      %dma_start3A_1069 = arith.constant 0 : i32
      %dma_start3A_1070 = tpu.memref_slice %arg3[%dma_start3A_1068, %dma_start3A_1069] : memref<10240x16xf32, #tpu.memory_space<hbm>> -> memref<10240x16xf32, #tpu.memory_space<hbm>>
      tpu.enqueue_indirect_dma source(%dma_start3A_1070 : memref<10240x16xf32, #tpu.memory_space<hbm>>) target(%dma_start3A_1064 : memref<128x16xf32, #tpu.memory_space<vmem>>) offsets(%dma_start3A_1067 : memref<128xi32, #tpu.memory_space<vmem>>) semaphore(%arg10 : memref<!tpu.dma_semaphore, #tpu.memory_space<semaphore_mem>>)
      %dma_start3A_1071 = arith.constant 1 : i32
      %dma_start3A_1072 = arith.constant 2 : i32
      %dma_start3A_1073 = arith.constant 256 : i32
      %dma_start3A_1074 = arith.constant 0 : i32
      %dma_start3A_1075 = tpu.memref_slice %arg9[%dma_start3A_1073, %dma_start3A_1074] : memref<512x16xf32, #tpu.memory_space<vmem>> -> memref<128x16xf32, #tpu.memory_space<vmem>>
      %dma_start3A_1076 = arith.constant 0 : i32
      %dma_start3A_1077 = tpu.memref_slice %arg14[%dma_start3A_1071, %dma_start3A_1072, %dma_start3A_1076] : memref<2x4x128xi32, #tpu.memory_space<vmem>> -> memref<1x1x128xi32, #tpu.memory_space<vmem>>
      %dma_start3A_1078 = tpu.memref_squeeze %dma_start3A_1077 : memref<1x1x128xi32, #tpu.memory_space<vmem>> -> memref<128xi32, #tpu.memory_space<vmem>>
      %dma_start3A_1079 = arith.constant 0 : i32
      %dma_start3A_1080 = arith.constant 0 : i32
      %dma_start3A_1081 = tpu.memref_slice %arg4[%dma_start3A_1079, %dma_start3A_1080] : memref<10240x16xf32, #tpu.memory_space<hbm>> -> memref<10240x16xf32, #tpu.memory_space<hbm>>
      tpu.enqueue_indirect_dma source(%dma_start3A_1081 : memref<10240x16xf32, #tpu.memory_space<hbm>>) target(%dma_start3A_1075 : memref<128x16xf32, #tpu.memory_space<vmem>>) offsets(%dma_start3A_1078 : memref<128xi32, #tpu.memory_space<vmem>>) semaphore(%arg10 : memref<!tpu.dma_semaphore, #tpu.memory_space<semaphore_mem>>)
      %dma_start3A_1082 = arith.constant 0 : i32
      %dma_start3A_1083 = arith.constant 3 : i32
      %dma_start3A_1084 = arith.constant 384 : i32
      %dma_start3A_1085 = arith.constant 0 : i32
      %dma_start3A_1086 = tpu.memref_slice %arg8[%dma_start3A_1084, %dma_start3A_1085] : memref<512x16xf32, #tpu.memory_space<vmem>> -> memref<128x16xf32, #tpu.memory_space<vmem>>
      %dma_start3A_1087 = arith.constant 0 : i32
      %dma_start3A_1088 = tpu.memref_slice %arg14[%dma_start3A_1082, %dma_start3A_1083, %dma_start3A_1087] : memref<2x4x128xi32, #tpu.memory_space<vmem>> -> memref<1x1x128xi32, #tpu.memory_space<vmem>>
      %dma_start3A_1089 = tpu.memref_squeeze %dma_start3A_1088 : memref<1x1x128xi32, #tpu.memory_space<vmem>> -> memref<128xi32, #tpu.memory_space<vmem>>
      %dma_start3A_1090 = arith.constant 0 : i32
      %dma_start3A_1091 = arith.constant 0 : i32
      %dma_start3A_1092 = tpu.memref_slice %arg3[%dma_start3A_1090, %dma_start3A_1091] : memref<10240x16xf32, #tpu.memory_space<hbm>> -> memref<10240x16xf32, #tpu.memory_space<hbm>>
      tpu.enqueue_indirect_dma source(%dma_start3A_1092 : memref<10240x16xf32, #tpu.memory_space<hbm>>) target(%dma_start3A_1086 : memref<128x16xf32, #tpu.memory_space<vmem>>) offsets(%dma_start3A_1089 : memref<128xi32, #tpu.memory_space<vmem>>) semaphore(%arg10 : memref<!tpu.dma_semaphore, #tpu.memory_space<semaphore_mem>>)
      %dma_start3A_1093 = arith.constant 1 : i32
      %dma_start3A_1094 = arith.constant 3 : i32
      %dma_start3A_1095 = arith.constant 384 : i32
      %dma_start3A_1096 = arith.constant 0 : i32
      %dma_start3A_1097 = tpu.memref_slice %arg9[%dma_start3A_1095, %dma_start3A_1096] : memref<512x16xf32, #tpu.memory_space<vmem>> -> memref<128x16xf32, #tpu.memory_space<vmem>>
      %dma_start3A_1098 = arith.constant 0 : i32
      %dma_start3A_1099 = tpu.memref_slice %arg14[%dma_start3A_1093, %dma_start3A_1094, %dma_start3A_1098] : memref<2x4x128xi32, #tpu.memory_space<vmem>> -> memref<1x1x128xi32, #tpu.memory_space<vmem>>
      %dma_start3A_1100 = tpu.memref_squeeze %dma_start3A_1099 : memref<1x1x128xi32, #tpu.memory_space<vmem>> -> memref<128xi32, #tpu.memory_space<vmem>>
      %dma_start3A_1101 = arith.constant 0 : i32
      %dma_start3A_1102 = arith.constant 0 : i32
      %dma_start3A_1103 = tpu.memref_slice %arg4[%dma_start3A_1101, %dma_start3A_1102] : memref<10240x16xf32, #tpu.memory_space<hbm>> -> memref<10240x16xf32, #tpu.memory_space<hbm>>
      tpu.enqueue_indirect_dma source(%dma_start3A_1103 : memref<10240x16xf32, #tpu.memory_space<hbm>>) target(%dma_start3A_1097 : memref<128x16xf32, #tpu.memory_space<vmem>>) offsets(%dma_start3A_1100 : memref<128xi32, #tpu.memory_space<vmem>>) semaphore(%arg10 : memref<!tpu.dma_semaphore, #tpu.memory_space<semaphore_mem>>)
      %add3A_1104 = arith.constant 3 : i32
      %add3A_1105 = arith.addi %add3A_264, %add3A_1104 : i32
      %add3A_1106 = arith.constant 3 : i32
      %add3A_1107 = arith.addi %add3A_1105, %add3A_1106 : i32
      %min3A_1108 = arith.minsi %add3A_1107, %sub3A_9 : i32
      %dma_start3A_1109 = arith.constant 0 : i32
      %dma_start3A_1110 = arith.constant 0 : i32
      %dma_start3A_1111 = arith.constant 0 : i32
      %dma_start3A_1112 = tpu.memref_slice %arg2[%min3A_1108, %dma_start3A_1109, %dma_start3A_1110, %dma_start3A_1111] : memref<640x2x4x128xi32, #tpu.memory_space<hbm>> -> memref<1x2x4x128xi32, #tpu.memory_space<hbm>>
      %dma_start3A_1113 = tpu.memref_squeeze %dma_start3A_1112 : memref<1x2x4x128xi32, #tpu.memory_space<hbm>> -> memref<2x4x128xi32, #tpu.memory_space<hbm>>
      %dma_start3A_1114 = arith.constant 0 : i32
      %dma_start3A_1115 = arith.constant 0 : i32
      %dma_start3A_1116 = arith.constant 0 : i32
      %dma_start3A_1117 = tpu.memref_slice %arg2[%min3A_1108, %dma_start3A_1114, %dma_start3A_1115, %dma_start3A_1116] : memref<640x2x4x128xi32, #tpu.memory_space<hbm>> -> memref<1x2x4x128xi32, #tpu.memory_space<hbm>>
      %dma_start3A_1118 = tpu.memref_squeeze %dma_start3A_1117 : memref<1x2x4x128xi32, #tpu.memory_space<hbm>> -> memref<2x4x128xi32, #tpu.memory_space<hbm>>
      tpu.enqueue_dma source(%dma_start3A_1118 : memref<2x4x128xi32, #tpu.memory_space<hbm>>) target(%arg18 : memref<2x4x128xi32, #tpu.memory_space<vmem>>) target_semaphore(%arg19 : memref<!tpu.dma_semaphore, #tpu.memory_space<semaphore_mem>>)
      %add3A_1119 = arith.constant 3 : i32
      %add3A_1120 = arith.addi %add3A_264, %add3A_1119 : i32
      %scan3A_1121 = arith.constant 0 : i32
      %scan3A_1122 = arith.constant 0 : i32
      %scan3A_1123 = arith.constant 512 : i32
      %scan3A_1124 = arith.addi %scan3A_1122, %scan3A_1123 : i32
      %scan3A_1125 = arith.constant 1 : i32
      scf.for %scan3A_1135 = %scan3A_1122 to %scan3A_1124 step %scan3A_1125  : i32 {
        %get3A = arith.index_cast %scan3A_1135 : i32 to index
        %get3A_1136 = arith.constant 0 : index
        %get3A_1137 = tpu.vector_load %arg11[%get3A, %get3A_1136] {strides = array<i32>} : memref<512x16xf32, #tpu.memory_space<vmem>>, vector<1x16xf32>,
        %get3A_1138 = vector.shape_cast %get3A_1137 : vector<1x16xf32> to vector<16xf32>
        %get3A_1139 = arith.index_cast %scan3A_1135 : i32 to index
        %get3A_1140 = arith.constant 0 : index
        %get3A_1141 = tpu.vector_load %arg12[%get3A_1139, %get3A_1140] {strides = array<i32>} : memref<512x16xf32, #tpu.memory_space<vmem>>, vector<1x16xf32>,
        %get3A_1142 = vector.shape_cast %get3A_1141 : vector<1x16xf32> to vector<16xf32>
        %add3A_1143 = arith.addf %get3A_1138, %get3A_1142 : vector<16xf32>
        %mul3A_1144 = arith.constant 2.000000e-01 : f32
        %mul3A_1145 = vector.broadcast %mul3A_1144 : f32 to vector<16xf32>
        %mul3A_1146 = arith.mulf %mul3A_1145, %add3A_1143 : vector<16xf32>
        %max3A = arith.maximumf %add3A_1143, %mul3A_1146 : vector<16xf32>
        %exp3A = math.exp %max3A : vector<16xf32>
        %swap3A = arith.index_cast %scan3A_1135 : i32 to index
        %swap3A_1147 = arith.constant 0 : index
        %swap3A_1148 = tpu.vector_load %arg11[%swap3A, %swap3A_1147] {strides = array<i32>} : memref<512x16xf32, #tpu.memory_space<vmem>>, vector<1x16xf32>,
        %swap3A_1149 = vector.shape_cast %swap3A_1148 : vector<1x16xf32> to vector<16xf32>
        %swap3A_1150 = vector.shape_cast %exp3A : vector<16xf32> to vector<1x16xf32>
        tpu.vector_store %arg11[%swap3A, %swap3A_1147], %swap3A_1150 {strides = array<i32>} : memref<512x16xf32, #tpu.memory_space<vmem>>, vector<1x16xf32>,
      }
      %scan3A_1126 = arith.constant 512 : i32
      "tpu.region"() ({
        %run_scoped3A_1135 = tpu.sem_alloc : memref<!tpu.dma_semaphore, #tpu.memory_space<semaphore_mem>>
        %dma_start3A_1136 = arith.constant 0 : i32
        %dma_start3A_1137 = arith.constant 0 : i32
        %dma_start3A_1138 = tpu.memref_slice %arg6[%add3A_1120, %dma_start3A_1136, %dma_start3A_1137] : memref<640x512x16xf32, #tpu.memory_space<hbm>> -> memref<1x512x16xf32, #tpu.memory_space<hbm>>
        %dma_start3A_1139 = tpu.memref_squeeze %dma_start3A_1138 : memref<1x512x16xf32, #tpu.memory_space<hbm>> -> memref<512x16xf32, #tpu.memory_space<hbm>>
        %dma_start3A_1140 = arith.constant 0 : i32
        %dma_start3A_1141 = arith.constant 0 : i32
        %dma_start3A_1142 = tpu.memref_slice %arg6[%add3A_1120, %dma_start3A_1140, %dma_start3A_1141] : memref<640x512x16xf32, #tpu.memory_space<hbm>> -> memref<1x512x16xf32, #tpu.memory_space<hbm>>
        %dma_start3A_1143 = tpu.memref_squeeze %dma_start3A_1142 : memref<1x512x16xf32, #tpu.memory_space<hbm>> -> memref<512x16xf32, #tpu.memory_space<hbm>>
        tpu.enqueue_dma source(%arg11 : memref<512x16xf32, #tpu.memory_space<vmem>>) target(%dma_start3A_1143 : memref<512x16xf32, #tpu.memory_space<hbm>>) target_semaphore(%run_scoped3A_1135 : memref<!tpu.dma_semaphore, #tpu.memory_space<semaphore_mem>>)
        %dma_wait3A_1144 = arith.constant 0 : i32
        %dma_wait3A_1145 = arith.constant 0 : i32
        %dma_wait3A_1146 = tpu.memref_slice %arg6[%add3A_1120, %dma_wait3A_1144, %dma_wait3A_1145] : memref<640x512x16xf32, #tpu.memory_space<hbm>> -> memref<1x512x16xf32, #tpu.memory_space<hbm>>
        %dma_wait3A_1147 = tpu.memref_squeeze %dma_wait3A_1146 : memref<1x512x16xf32, #tpu.memory_space<hbm>> -> memref<512x16xf32, #tpu.memory_space<hbm>>
        %dma_wait3A_1148 = arith.constant 0 : i32
        %dma_wait3A_1149 = arith.constant 0 : i32
        %dma_wait3A_1150 = tpu.memref_slice %arg6[%add3A_1120, %dma_wait3A_1148, %dma_wait3A_1149] : memref<640x512x16xf32, #tpu.memory_space<hbm>> -> memref<1x512x16xf32, #tpu.memory_space<hbm>>
        %dma_wait3A_1151 = tpu.memref_squeeze %dma_wait3A_1150 : memref<1x512x16xf32, #tpu.memory_space<hbm>> -> memref<512x16xf32, #tpu.memory_space<hbm>>
        tpu.wait_dma2 semaphore(%run_scoped3A_1135 : memref<!tpu.dma_semaphore, #tpu.memory_space<semaphore_mem>>) src(%arg11 : memref<512x16xf32, #tpu.memory_space<vmem>>) dst(%dma_wait3A_1151 : memref<512x16xf32, #tpu.memory_space<hbm>>)
        tpu.yield
      }) : () -> ()
      %run_scoped3A_1127 = arith.constant 1 : i32
      %run_scoped3A_1128 = arith.constant 0 : i32
      "tpu.region"() ({
        %run_scoped3A_1135 = tpu.sem_alloc : memref<!tpu.dma_semaphore, #tpu.memory_space<semaphore_mem>>
        %dma_start3A_1136 = arith.constant 0 : i32
        %dma_start3A_1137 = arith.constant 0 : i32
        %dma_start3A_1138 = tpu.memref_slice %arg11[%dma_start3A_1136, %dma_start3A_1137] : memref<512x16xf32, #tpu.memory_space<vmem>> -> memref<128x16xf32, #tpu.memory_space<vmem>>
        %dma_start3A_1139 = arith.constant 0 : i32
        %dma_start3A_1140 = tpu.memref_slice %arg20[%run_scoped3A_1127, %run_scoped3A_1128, %dma_start3A_1139] : memref<2x4x128xi32, #tpu.memory_space<vmem>> -> memref<1x1x128xi32, #tpu.memory_space<vmem>>
        %dma_start3A_1141 = tpu.memref_squeeze %dma_start3A_1140 : memref<1x1x128xi32, #tpu.memory_space<vmem>> -> memref<128xi32, #tpu.memory_space<vmem>>
        %dma_start3A_1142 = arith.constant 0 : i32
        %dma_start3A_1143 = arith.constant 0 : i32
        %dma_start3A_1144 = tpu.memref_slice %arg22[%dma_start3A_1142, %dma_start3A_1143] : memref<10240x16xf32, #tpu.memory_space<vmem_shared>> -> memref<10240x16xf32, #tpu.memory_space<vmem_shared>>
        tpu.enqueue_indirect_dma source(%dma_start3A_1138 : memref<128x16xf32, #tpu.memory_space<vmem>>) target(%dma_start3A_1144 : memref<10240x16xf32, #tpu.memory_space<vmem_shared>>) offsets(%dma_start3A_1141 : memref<128xi32, #tpu.memory_space<vmem>>) semaphore(%run_scoped3A_1135 : memref<!tpu.dma_semaphore, #tpu.memory_space<semaphore_mem>>) {add = true}
        %dma_wait3A_1145 = arith.constant 0 : i32
        %dma_wait3A_1146 = arith.constant 0 : i32
        %dma_wait3A_1147 = tpu.memref_slice %arg11[%dma_wait3A_1145, %dma_wait3A_1146] : memref<512x16xf32, #tpu.memory_space<vmem>> -> memref<128x16xf32, #tpu.memory_space<vmem>>
        %dma_wait3A_1148 = arith.constant 0 : i32
        %dma_wait3A_1149 = tpu.memref_slice %arg20[%run_scoped3A_1127, %run_scoped3A_1128, %dma_wait3A_1148] : memref<2x4x128xi32, #tpu.memory_space<vmem>> -> memref<1x1x128xi32, #tpu.memory_space<vmem>>
        %dma_wait3A_1150 = tpu.memref_squeeze %dma_wait3A_1149 : memref<1x1x128xi32, #tpu.memory_space<vmem>> -> memref<128xi32, #tpu.memory_space<vmem>>
        %dma_wait3A_1151 = arith.constant 0 : i32
        %dma_wait3A_1152 = arith.constant 0 : i32
        %dma_wait3A_1153 = tpu.memref_slice %arg22[%dma_wait3A_1151, %dma_wait3A_1152] : memref<10240x16xf32, #tpu.memory_space<vmem_shared>> -> memref<10240x16xf32, #tpu.memory_space<vmem_shared>>
        tpu.wait_indirect_dma semaphore(%run_scoped3A_1135 : memref<!tpu.dma_semaphore, #tpu.memory_space<semaphore_mem>>) src(%dma_wait3A_1147 : memref<128x16xf32, #tpu.memory_space<vmem>>) dst(%dma_wait3A_1153 : memref<10240x16xf32, #tpu.memory_space<vmem_shared>>)
        tpu.yield
      }) : () -> ()
      %run_scoped3A_1129 = arith.constant 1 : i32
      %run_scoped3A_1130 = arith.constant 1 : i32
      "tpu.region"() ({
        %run_scoped3A_1135 = tpu.sem_alloc : memref<!tpu.dma_semaphore, #tpu.memory_space<semaphore_mem>>
        %dma_start3A_1136 = arith.constant 128 : i32
        %dma_start3A_1137 = arith.constant 0 : i32
        %dma_start3A_1138 = tpu.memref_slice %arg11[%dma_start3A_1136, %dma_start3A_1137] : memref<512x16xf32, #tpu.memory_space<vmem>> -> memref<128x16xf32, #tpu.memory_space<vmem>>
        %dma_start3A_1139 = arith.constant 0 : i32
        %dma_start3A_1140 = tpu.memref_slice %arg20[%run_scoped3A_1129, %run_scoped3A_1130, %dma_start3A_1139] : memref<2x4x128xi32, #tpu.memory_space<vmem>> -> memref<1x1x128xi32, #tpu.memory_space<vmem>>
        %dma_start3A_1141 = tpu.memref_squeeze %dma_start3A_1140 : memref<1x1x128xi32, #tpu.memory_space<vmem>> -> memref<128xi32, #tpu.memory_space<vmem>>
        %dma_start3A_1142 = arith.constant 0 : i32
        %dma_start3A_1143 = arith.constant 0 : i32
        %dma_start3A_1144 = tpu.memref_slice %arg22[%dma_start3A_1142, %dma_start3A_1143] : memref<10240x16xf32, #tpu.memory_space<vmem_shared>> -> memref<10240x16xf32, #tpu.memory_space<vmem_shared>>
        tpu.enqueue_indirect_dma source(%dma_start3A_1138 : memref<128x16xf32, #tpu.memory_space<vmem>>) target(%dma_start3A_1144 : memref<10240x16xf32, #tpu.memory_space<vmem_shared>>) offsets(%dma_start3A_1141 : memref<128xi32, #tpu.memory_space<vmem>>) semaphore(%run_scoped3A_1135 : memref<!tpu.dma_semaphore, #tpu.memory_space<semaphore_mem>>) {add = true}
        %dma_wait3A_1145 = arith.constant 128 : i32
        %dma_wait3A_1146 = arith.constant 0 : i32
        %dma_wait3A_1147 = tpu.memref_slice %arg11[%dma_wait3A_1145, %dma_wait3A_1146] : memref<512x16xf32, #tpu.memory_space<vmem>> -> memref<128x16xf32, #tpu.memory_space<vmem>>
        %dma_wait3A_1148 = arith.constant 0 : i32
        %dma_wait3A_1149 = tpu.memref_slice %arg20[%run_scoped3A_1129, %run_scoped3A_1130, %dma_wait3A_1148] : memref<2x4x128xi32, #tpu.memory_space<vmem>> -> memref<1x1x128xi32, #tpu.memory_space<vmem>>
        %dma_wait3A_1150 = tpu.memref_squeeze %dma_wait3A_1149 : memref<1x1x128xi32, #tpu.memory_space<vmem>> -> memref<128xi32, #tpu.memory_space<vmem>>
        %dma_wait3A_1151 = arith.constant 0 : i32
        %dma_wait3A_1152 = arith.constant 0 : i32
        %dma_wait3A_1153 = tpu.memref_slice %arg22[%dma_wait3A_1151, %dma_wait3A_1152] : memref<10240x16xf32, #tpu.memory_space<vmem_shared>> -> memref<10240x16xf32, #tpu.memory_space<vmem_shared>>
        tpu.wait_indirect_dma semaphore(%run_scoped3A_1135 : memref<!tpu.dma_semaphore, #tpu.memory_space<semaphore_mem>>) src(%dma_wait3A_1147 : memref<128x16xf32, #tpu.memory_space<vmem>>) dst(%dma_wait3A_1153 : memref<10240x16xf32, #tpu.memory_space<vmem_shared>>)
        tpu.yield
      }) : () -> ()
      %run_scoped3A_1131 = arith.constant 1 : i32
      %run_scoped3A_1132 = arith.constant 2 : i32
      "tpu.region"() ({
        %run_scoped3A_1135 = tpu.sem_alloc : memref<!tpu.dma_semaphore, #tpu.memory_space<semaphore_mem>>
        %dma_start3A_1136 = arith.constant 256 : i32
        %dma_start3A_1137 = arith.constant 0 : i32
        %dma_start3A_1138 = tpu.memref_slice %arg11[%dma_start3A_1136, %dma_start3A_1137] : memref<512x16xf32, #tpu.memory_space<vmem>> -> memref<128x16xf32, #tpu.memory_space<vmem>>
        %dma_start3A_1139 = arith.constant 0 : i32
        %dma_start3A_1140 = tpu.memref_slice %arg20[%run_scoped3A_1131, %run_scoped3A_1132, %dma_start3A_1139] : memref<2x4x128xi32, #tpu.memory_space<vmem>> -> memref<1x1x128xi32, #tpu.memory_space<vmem>>
        %dma_start3A_1141 = tpu.memref_squeeze %dma_start3A_1140 : memref<1x1x128xi32, #tpu.memory_space<vmem>> -> memref<128xi32, #tpu.memory_space<vmem>>
        %dma_start3A_1142 = arith.constant 0 : i32
        %dma_start3A_1143 = arith.constant 0 : i32
        %dma_start3A_1144 = tpu.memref_slice %arg22[%dma_start3A_1142, %dma_start3A_1143] : memref<10240x16xf32, #tpu.memory_space<vmem_shared>> -> memref<10240x16xf32, #tpu.memory_space<vmem_shared>>
        tpu.enqueue_indirect_dma source(%dma_start3A_1138 : memref<128x16xf32, #tpu.memory_space<vmem>>) target(%dma_start3A_1144 : memref<10240x16xf32, #tpu.memory_space<vmem_shared>>) offsets(%dma_start3A_1141 : memref<128xi32, #tpu.memory_space<vmem>>) semaphore(%run_scoped3A_1135 : memref<!tpu.dma_semaphore, #tpu.memory_space<semaphore_mem>>) {add = true}
        %dma_wait3A_1145 = arith.constant 256 : i32
        %dma_wait3A_1146 = arith.constant 0 : i32
        %dma_wait3A_1147 = tpu.memref_slice %arg11[%dma_wait3A_1145, %dma_wait3A_1146] : memref<512x16xf32, #tpu.memory_space<vmem>> -> memref<128x16xf32, #tpu.memory_space<vmem>>
        %dma_wait3A_1148 = arith.constant 0 : i32
        %dma_wait3A_1149 = tpu.memref_slice %arg20[%run_scoped3A_1131, %run_scoped3A_1132, %dma_wait3A_1148] : memref<2x4x128xi32, #tpu.memory_space<vmem>> -> memref<1x1x128xi32, #tpu.memory_space<vmem>>
        %dma_wait3A_1150 = tpu.memref_squeeze %dma_wait3A_1149 : memref<1x1x128xi32, #tpu.memory_space<vmem>> -> memref<128xi32, #tpu.memory_space<vmem>>
        %dma_wait3A_1151 = arith.constant 0 : i32
        %dma_wait3A_1152 = arith.constant 0 : i32
        %dma_wait3A_1153 = tpu.memref_slice %arg22[%dma_wait3A_1151, %dma_wait3A_1152] : memref<10240x16xf32, #tpu.memory_space<vmem_shared>> -> memref<10240x16xf32, #tpu.memory_space<vmem_shared>>
        tpu.wait_indirect_dma semaphore(%run_scoped3A_1135 : memref<!tpu.dma_semaphore, #tpu.memory_space<semaphore_mem>>) src(%dma_wait3A_1147 : memref<128x16xf32, #tpu.memory_space<vmem>>) dst(%dma_wait3A_1153 : memref<10240x16xf32, #tpu.memory_space<vmem_shared>>)
        tpu.yield
      }) : () -> ()
      %run_scoped3A_1133 = arith.constant 1 : i32
      %run_scoped3A_1134 = arith.constant 3 : i32
      "tpu.region"() ({
        %run_scoped3A_1135 = tpu.sem_alloc : memref<!tpu.dma_semaphore, #tpu.memory_space<semaphore_mem>>
        %dma_start3A_1136 = arith.constant 384 : i32
        %dma_start3A_1137 = arith.constant 0 : i32
        %dma_start3A_1138 = tpu.memref_slice %arg11[%dma_start3A_1136, %dma_start3A_1137] : memref<512x16xf32, #tpu.memory_space<vmem>> -> memref<128x16xf32, #tpu.memory_space<vmem>>
        %dma_start3A_1139 = arith.constant 0 : i32
        %dma_start3A_1140 = tpu.memref_slice %arg20[%run_scoped3A_1133, %run_scoped3A_1134, %dma_start3A_1139] : memref<2x4x128xi32, #tpu.memory_space<vmem>> -> memref<1x1x128xi32, #tpu.memory_space<vmem>>
        %dma_start3A_1141 = tpu.memref_squeeze %dma_start3A_1140 : memref<1x1x128xi32, #tpu.memory_space<vmem>> -> memref<128xi32, #tpu.memory_space<vmem>>
        %dma_start3A_1142 = arith.constant 0 : i32
        %dma_start3A_1143 = arith.constant 0 : i32
        %dma_start3A_1144 = tpu.memref_slice %arg22[%dma_start3A_1142, %dma_start3A_1143] : memref<10240x16xf32, #tpu.memory_space<vmem_shared>> -> memref<10240x16xf32, #tpu.memory_space<vmem_shared>>
        tpu.enqueue_indirect_dma source(%dma_start3A_1138 : memref<128x16xf32, #tpu.memory_space<vmem>>) target(%dma_start3A_1144 : memref<10240x16xf32, #tpu.memory_space<vmem_shared>>) offsets(%dma_start3A_1141 : memref<128xi32, #tpu.memory_space<vmem>>) semaphore(%run_scoped3A_1135 : memref<!tpu.dma_semaphore, #tpu.memory_space<semaphore_mem>>) {add = true}
        %dma_wait3A_1145 = arith.constant 384 : i32
        %dma_wait3A_1146 = arith.constant 0 : i32
        %dma_wait3A_1147 = tpu.memref_slice %arg11[%dma_wait3A_1145, %dma_wait3A_1146] : memref<512x16xf32, #tpu.memory_space<vmem>> -> memref<128x16xf32, #tpu.memory_space<vmem>>
        %dma_wait3A_1148 = arith.constant 0 : i32
        %dma_wait3A_1149 = tpu.memref_slice %arg20[%run_scoped3A_1133, %run_scoped3A_1134, %dma_wait3A_1148] : memref<2x4x128xi32, #tpu.memory_space<vmem>> -> memref<1x1x128xi32, #tpu.memory_space<vmem>>
        %dma_wait3A_1150 = tpu.memref_squeeze %dma_wait3A_1149 : memref<1x1x128xi32, #tpu.memory_space<vmem>> -> memref<128xi32, #tpu.memory_space<vmem>>
        %dma_wait3A_1151 = arith.constant 0 : i32
        %dma_wait3A_1152 = arith.constant 0 : i32
        %dma_wait3A_1153 = tpu.memref_slice %arg22[%dma_wait3A_1151, %dma_wait3A_1152] : memref<10240x16xf32, #tpu.memory_space<vmem_shared>> -> memref<10240x16xf32, #tpu.memory_space<vmem_shared>>
        tpu.wait_indirect_dma semaphore(%run_scoped3A_1135 : memref<!tpu.dma_semaphore, #tpu.memory_space<semaphore_mem>>) src(%dma_wait3A_1147 : memref<128x16xf32, #tpu.memory_space<vmem>>) dst(%dma_wait3A_1153 : memref<10240x16xf32, #tpu.memory_space<vmem_shared>>)
        tpu.yield
      }) : () -> ()
    }
    %scan3A_145 = arith.constant 5 : i32
    %dma_wait3A_146 = arith.constant 0 : i32
    %dma_wait3A_147 = arith.constant 0 : i32
    %dma_wait3A_148 = arith.constant 0 : i32
    %dma_wait3A_149 = arith.constant 0 : i32
    %dma_wait3A_150 = tpu.memref_slice %arg8[%dma_wait3A_148, %dma_wait3A_149] : memref<512x16xf32, #tpu.memory_space<vmem>> -> memref<128x16xf32, #tpu.memory_space<vmem>>
    %dma_wait3A_151 = arith.constant 0 : i32
    %dma_wait3A_152 = tpu.memref_slice %arg14[%dma_wait3A_146, %dma_wait3A_147, %dma_wait3A_151] : memref<2x4x128xi32, #tpu.memory_space<vmem>> -> memref<1x1x128xi32, #tpu.memory_space<vmem>>
    %dma_wait3A_153 = tpu.memref_squeeze %dma_wait3A_152 : memref<1x1x128xi32, #tpu.memory_space<vmem>> -> memref<128xi32, #tpu.memory_space<vmem>>
    %dma_wait3A_154 = arith.constant 0 : i32
    %dma_wait3A_155 = arith.constant 0 : i32
    %dma_wait3A_156 = tpu.memref_slice %arg3[%dma_wait3A_154, %dma_wait3A_155] : memref<10240x16xf32, #tpu.memory_space<hbm>> -> memref<10240x16xf32, #tpu.memory_space<hbm>>
    tpu.wait_indirect_dma semaphore(%arg10 : memref<!tpu.dma_semaphore, #tpu.memory_space<semaphore_mem>>) src(%dma_wait3A_156 : memref<10240x16xf32, #tpu.memory_space<hbm>>) dst(%dma_wait3A_150 : memref<128x16xf32, #tpu.memory_space<vmem>>)
    %dma_wait3A_157 = arith.constant 1 : i32
    %dma_wait3A_158 = arith.constant 0 : i32
    %dma_wait3A_159 = arith.constant 0 : i32
    %dma_wait3A_160 = arith.constant 0 : i32
    %dma_wait3A_161 = tpu.memref_slice %arg9[%dma_wait3A_159, %dma_wait3A_160] : memref<512x16xf32, #tpu.memory_space<vmem>> -> memref<128x16xf32, #tpu.memory_space<vmem>>
    %dma_wait3A_162 = arith.constant 0 : i32
    %dma_wait3A_163 = tpu.memref_slice %arg14[%dma_wait3A_157, %dma_wait3A_158, %dma_wait3A_162] : memref<2x4x128xi32, #tpu.memory_space<vmem>> -> memref<1x1x128xi32, #tpu.memory_space<vmem>>
    %dma_wait3A_164 = tpu.memref_squeeze %dma_wait3A_163 : memref<1x1x128xi32, #tpu.memory_space<vmem>> -> memref<128xi32, #tpu.memory_space<vmem>>
    %dma_wait3A_165 = arith.constant 0 : i32
    %dma_wait3A_166 = arith.constant 0 : i32
    %dma_wait3A_167 = tpu.memref_slice %arg4[%dma_wait3A_165, %dma_wait3A_166] : memref<10240x16xf32, #tpu.memory_space<hbm>> -> memref<10240x16xf32, #tpu.memory_space<hbm>>
    tpu.wait_indirect_dma semaphore(%arg10 : memref<!tpu.dma_semaphore, #tpu.memory_space<semaphore_mem>>) src(%dma_wait3A_167 : memref<10240x16xf32, #tpu.memory_space<hbm>>) dst(%dma_wait3A_161 : memref<128x16xf32, #tpu.memory_space<vmem>>)
    %dma_wait3A_168 = arith.constant 0 : i32
    %dma_wait3A_169 = arith.constant 1 : i32
    %dma_wait3A_170 = arith.constant 128 : i32
    %dma_wait3A_171 = arith.constant 0 : i32
    %dma_wait3A_172 = tpu.memref_slice %arg8[%dma_wait3A_170, %dma_wait3A_171] : memref<512x16xf32, #tpu.memory_space<vmem>> -> memref<128x16xf32, #tpu.memory_space<vmem>>
    %dma_wait3A_173 = arith.constant 0 : i32
    %dma_wait3A_174 = tpu.memref_slice %arg14[%dma_wait3A_168, %dma_wait3A_169, %dma_wait3A_173] : memref<2x4x128xi32, #tpu.memory_space<vmem>> -> memref<1x1x128xi32, #tpu.memory_space<vmem>>
    %dma_wait3A_175 = tpu.memref_squeeze %dma_wait3A_174 : memref<1x1x128xi32, #tpu.memory_space<vmem>> -> memref<128xi32, #tpu.memory_space<vmem>>
    %dma_wait3A_176 = arith.constant 0 : i32
    %dma_wait3A_177 = arith.constant 0 : i32
    %dma_wait3A_178 = tpu.memref_slice %arg3[%dma_wait3A_176, %dma_wait3A_177] : memref<10240x16xf32, #tpu.memory_space<hbm>> -> memref<10240x16xf32, #tpu.memory_space<hbm>>
    tpu.wait_indirect_dma semaphore(%arg10 : memref<!tpu.dma_semaphore, #tpu.memory_space<semaphore_mem>>) src(%dma_wait3A_178 : memref<10240x16xf32, #tpu.memory_space<hbm>>) dst(%dma_wait3A_172 : memref<128x16xf32, #tpu.memory_space<vmem>>)
    %dma_wait3A_179 = arith.constant 1 : i32
    %dma_wait3A_180 = arith.constant 1 : i32
    %dma_wait3A_181 = arith.constant 128 : i32
    %dma_wait3A_182 = arith.constant 0 : i32
    %dma_wait3A_183 = tpu.memref_slice %arg9[%dma_wait3A_181, %dma_wait3A_182] : memref<512x16xf32, #tpu.memory_space<vmem>> -> memref<128x16xf32, #tpu.memory_space<vmem>>
    %dma_wait3A_184 = arith.constant 0 : i32
    %dma_wait3A_185 = tpu.memref_slice %arg14[%dma_wait3A_179, %dma_wait3A_180, %dma_wait3A_184] : memref<2x4x128xi32, #tpu.memory_space<vmem>> -> memref<1x1x128xi32, #tpu.memory_space<vmem>>
    %dma_wait3A_186 = tpu.memref_squeeze %dma_wait3A_185 : memref<1x1x128xi32, #tpu.memory_space<vmem>> -> memref<128xi32, #tpu.memory_space<vmem>>
    %dma_wait3A_187 = arith.constant 0 : i32
    %dma_wait3A_188 = arith.constant 0 : i32
    %dma_wait3A_189 = tpu.memref_slice %arg4[%dma_wait3A_187, %dma_wait3A_188] : memref<10240x16xf32, #tpu.memory_space<hbm>> -> memref<10240x16xf32, #tpu.memory_space<hbm>>
    tpu.wait_indirect_dma semaphore(%arg10 : memref<!tpu.dma_semaphore, #tpu.memory_space<semaphore_mem>>) src(%dma_wait3A_189 : memref<10240x16xf32, #tpu.memory_space<hbm>>) dst(%dma_wait3A_183 : memref<128x16xf32, #tpu.memory_space<vmem>>)
    %dma_wait3A_190 = arith.constant 0 : i32
    %dma_wait3A_191 = arith.constant 2 : i32
    %dma_wait3A_192 = arith.constant 256 : i32
    %dma_wait3A_193 = arith.constant 0 : i32
    %dma_wait3A_194 = tpu.memref_slice %arg8[%dma_wait3A_192, %dma_wait3A_193] : memref<512x16xf32, #tpu.memory_space<vmem>> -> memref<128x16xf32, #tpu.memory_space<vmem>>
    %dma_wait3A_195 = arith.constant 0 : i32
    %dma_wait3A_196 = tpu.memref_slice %arg14[%dma_wait3A_190, %dma_wait3A_191, %dma_wait3A_195] : memref<2x4x128xi32, #tpu.memory_space<vmem>> -> memref<1x1x128xi32, #tpu.memory_space<vmem>>
    %dma_wait3A_197 = tpu.memref_squeeze %dma_wait3A_196 : memref<1x1x128xi32, #tpu.memory_space<vmem>> -> memref<128xi32, #tpu.memory_space<vmem>>
    %dma_wait3A_198 = arith.constant 0 : i32
    %dma_wait3A_199 = arith.constant 0 : i32
    %dma_wait3A_200 = tpu.memref_slice %arg3[%dma_wait3A_198, %dma_wait3A_199] : memref<10240x16xf32, #tpu.memory_space<hbm>> -> memref<10240x16xf32, #tpu.memory_space<hbm>>
    tpu.wait_indirect_dma semaphore(%arg10 : memref<!tpu.dma_semaphore, #tpu.memory_space<semaphore_mem>>) src(%dma_wait3A_200 : memref<10240x16xf32, #tpu.memory_space<hbm>>) dst(%dma_wait3A_194 : memref<128x16xf32, #tpu.memory_space<vmem>>)
    %dma_wait3A_201 = arith.constant 1 : i32
    %dma_wait3A_202 = arith.constant 2 : i32
    %dma_wait3A_203 = arith.constant 256 : i32
    %dma_wait3A_204 = arith.constant 0 : i32
    %dma_wait3A_205 = tpu.memref_slice %arg9[%dma_wait3A_203, %dma_wait3A_204] : memref<512x16xf32, #tpu.memory_space<vmem>> -> memref<128x16xf32, #tpu.memory_space<vmem>>
    %dma_wait3A_206 = arith.constant 0 : i32
    %dma_wait3A_207 = tpu.memref_slice %arg14[%dma_wait3A_201, %dma_wait3A_202, %dma_wait3A_206] : memref<2x4x128xi32, #tpu.memory_space<vmem>> -> memref<1x1x128xi32, #tpu.memory_space<vmem>>
    %dma_wait3A_208 = tpu.memref_squeeze %dma_wait3A_207 : memref<1x1x128xi32, #tpu.memory_space<vmem>> -> memref<128xi32, #tpu.memory_space<vmem>>
    %dma_wait3A_209 = arith.constant 0 : i32
    %dma_wait3A_210 = arith.constant 0 : i32
    %dma_wait3A_211 = tpu.memref_slice %arg4[%dma_wait3A_209, %dma_wait3A_210] : memref<10240x16xf32, #tpu.memory_space<hbm>> -> memref<10240x16xf32, #tpu.memory_space<hbm>>
    tpu.wait_indirect_dma semaphore(%arg10 : memref<!tpu.dma_semaphore, #tpu.memory_space<semaphore_mem>>) src(%dma_wait3A_211 : memref<10240x16xf32, #tpu.memory_space<hbm>>) dst(%dma_wait3A_205 : memref<128x16xf32, #tpu.memory_space<vmem>>)
    %dma_wait3A_212 = arith.constant 0 : i32
    %dma_wait3A_213 = arith.constant 3 : i32
    %dma_wait3A_214 = arith.constant 384 : i32
    %dma_wait3A_215 = arith.constant 0 : i32
    %dma_wait3A_216 = tpu.memref_slice %arg8[%dma_wait3A_214, %dma_wait3A_215] : memref<512x16xf32, #tpu.memory_space<vmem>> -> memref<128x16xf32, #tpu.memory_space<vmem>>
    %dma_wait3A_217 = arith.constant 0 : i32
    %dma_wait3A_218 = tpu.memref_slice %arg14[%dma_wait3A_212, %dma_wait3A_213, %dma_wait3A_217] : memref<2x4x128xi32, #tpu.memory_space<vmem>> -> memref<1x1x128xi32, #tpu.memory_space<vmem>>
    %dma_wait3A_219 = tpu.memref_squeeze %dma_wait3A_218 : memref<1x1x128xi32, #tpu.memory_space<vmem>> -> memref<128xi32, #tpu.memory_space<vmem>>
    %dma_wait3A_220 = arith.constant 0 : i32
    %dma_wait3A_221 = arith.constant 0 : i32
    %dma_wait3A_222 = tpu.memref_slice %arg3[%dma_wait3A_220, %dma_wait3A_221] : memref<10240x16xf32, #tpu.memory_space<hbm>> -> memref<10240x16xf32, #tpu.memory_space<hbm>>
    tpu.wait_indirect_dma semaphore(%arg10 : memref<!tpu.dma_semaphore, #tpu.memory_space<semaphore_mem>>) src(%dma_wait3A_222 : memref<10240x16xf32, #tpu.memory_space<hbm>>) dst(%dma_wait3A_216 : memref<128x16xf32, #tpu.memory_space<vmem>>)
    %dma_wait3A_223 = arith.constant 1 : i32
    %dma_wait3A_224 = arith.constant 3 : i32
    %dma_wait3A_225 = arith.constant 384 : i32
    %dma_wait3A_226 = arith.constant 0 : i32
    %dma_wait3A_227 = tpu.memref_slice %arg9[%dma_wait3A_225, %dma_wait3A_226] : memref<512x16xf32, #tpu.memory_space<vmem>> -> memref<128x16xf32, #tpu.memory_space<vmem>>
    %dma_wait3A_228 = arith.constant 0 : i32
    %dma_wait3A_229 = tpu.memref_slice %arg14[%dma_wait3A_223, %dma_wait3A_224, %dma_wait3A_228] : memref<2x4x128xi32, #tpu.memory_space<vmem>> -> memref<1x1x128xi32, #tpu.memory_space<vmem>>
    %dma_wait3A_230 = tpu.memref_squeeze %dma_wait3A_229 : memref<1x1x128xi32, #tpu.memory_space<vmem>> -> memref<128xi32, #tpu.memory_space<vmem>>
    %dma_wait3A_231 = arith.constant 0 : i32
    %dma_wait3A_232 = arith.constant 0 : i32
    %dma_wait3A_233 = tpu.memref_slice %arg4[%dma_wait3A_231, %dma_wait3A_232] : memref<10240x16xf32, #tpu.memory_space<hbm>> -> memref<10240x16xf32, #tpu.memory_space<hbm>>
    tpu.wait_indirect_dma semaphore(%arg10 : memref<!tpu.dma_semaphore, #tpu.memory_space<semaphore_mem>>) src(%dma_wait3A_233 : memref<10240x16xf32, #tpu.memory_space<hbm>>) dst(%dma_wait3A_227 : memref<128x16xf32, #tpu.memory_space<vmem>>)
    %dma_wait3A_234 = arith.constant 0 : i32
    %dma_wait3A_235 = arith.constant 0 : i32
    %dma_wait3A_236 = arith.constant 0 : i32
    %dma_wait3A_237 = arith.constant 0 : i32
    %dma_wait3A_238 = tpu.memref_slice %arg2[%dma_wait3A_234, %dma_wait3A_235, %dma_wait3A_236, %dma_wait3A_237] : memref<640x2x4x128xi32, #tpu.memory_space<hbm>> -> memref<1x2x4x128xi32, #tpu.memory_space<hbm>>
    %dma_wait3A_239 = tpu.memref_squeeze %dma_wait3A_238 : memref<1x2x4x128xi32, #tpu.memory_space<hbm>> -> memref<2x4x128xi32, #tpu.memory_space<hbm>>
    %dma_wait3A_240 = arith.constant 0 : i32
    %dma_wait3A_241 = arith.constant 0 : i32
    %dma_wait3A_242 = arith.constant 0 : i32
    %dma_wait3A_243 = tpu.memref_slice %arg2[%dma_wait3A_234, %dma_wait3A_240, %dma_wait3A_241, %dma_wait3A_242] : memref<640x2x4x128xi32, #tpu.memory_space<hbm>> -> memref<1x2x4x128xi32, #tpu.memory_space<hbm>>
    %dma_wait3A_244 = tpu.memref_squeeze %dma_wait3A_243 : memref<1x2x4x128xi32, #tpu.memory_space<hbm>> -> memref<2x4x128xi32, #tpu.memory_space<hbm>>
    tpu.wait_dma2 semaphore(%arg17 : memref<!tpu.dma_semaphore, #tpu.memory_space<semaphore_mem>>) src(%dma_wait3A_244 : memref<2x4x128xi32, #tpu.memory_space<hbm>>) dst(%arg16 : memref<2x4x128xi32, #tpu.memory_space<vmem>>)
    %dma_wait3A_245 = arith.constant 0 : i32
    %dma_wait3A_246 = arith.constant 0 : i32
    %dma_wait3A_247 = arith.constant 0 : i32
    %dma_wait3A_248 = arith.constant 0 : i32
    %dma_wait3A_249 = tpu.memref_slice %arg2[%dma_wait3A_245, %dma_wait3A_246, %dma_wait3A_247, %dma_wait3A_248] : memref<640x2x4x128xi32, #tpu.memory_space<hbm>> -> memref<1x2x4x128xi32, #tpu.memory_space<hbm>>
    %dma_wait3A_250 = tpu.memref_squeeze %dma_wait3A_249 : memref<1x2x4x128xi32, #tpu.memory_space<hbm>> -> memref<2x4x128xi32, #tpu.memory_space<hbm>>
    %dma_wait3A_251 = arith.constant 0 : i32
    %dma_wait3A_252 = arith.constant 0 : i32
    %dma_wait3A_253 = arith.constant 0 : i32
    %dma_wait3A_254 = tpu.memref_slice %arg2[%dma_wait3A_245, %dma_wait3A_251, %dma_wait3A_252, %dma_wait3A_253] : memref<640x2x4x128xi32, #tpu.memory_space<hbm>> -> memref<1x2x4x128xi32, #tpu.memory_space<hbm>>
    %dma_wait3A_255 = tpu.memref_squeeze %dma_wait3A_254 : memref<1x2x4x128xi32, #tpu.memory_space<hbm>> -> memref<2x4x128xi32, #tpu.memory_space<hbm>>
    tpu.wait_dma2 semaphore(%arg19 : memref<!tpu.dma_semaphore, #tpu.memory_space<semaphore_mem>>) src(%dma_wait3A_255 : memref<2x4x128xi32, #tpu.memory_space<hbm>>) dst(%arg18 : memref<2x4x128xi32, #tpu.memory_space<vmem>>)
    %barrier3A_256 = arith.constant 0 : index
    tpu.barrier barrier_id(%barrier3A_256)
    %mul3A_257 = arith.constant 640 : i32
    %mul3A_258 = arith.muli %arg1, %mul3A_257 : i32
    %mul3A_259 = arith.constant 640 : i32
    %mul3A_260 = arith.muli %arg1, %mul3A_259 : i32
    "tpu.region"() ({
      %run_scoped3A = tpu.sem_alloc : memref<!tpu.dma_semaphore, #tpu.memory_space<semaphore_mem>>
      %dma_start3A_261 = arith.constant 0 : i32
      %dma_start3A_262 = tpu.memref_slice %arg7[%arg0, %mul3A_260, %dma_start3A_261] : memref<2x10240x16xf32, #tpu.memory_space<hbm>> -> memref<1x640x16xf32, #tpu.memory_space<hbm>>
      %dma_start3A_263 = tpu.memref_squeeze %dma_start3A_262 : memref<1x640x16xf32, #tpu.memory_space<hbm>> -> memref<640x16xf32, #tpu.memory_space<hbm>>
      %dma_start3A_264 = arith.constant 0 : i32
      %dma_start3A_265 = tpu.memref_slice %arg22[%mul3A_258, %dma_start3A_264] : memref<10240x16xf32, #tpu.memory_space<vmem_shared>> -> memref<640x16xf32, #tpu.memory_space<vmem_shared>>
      tpu.enqueue_dma source(%dma_start3A_265 : memref<640x16xf32, #tpu.memory_space<vmem_shared>>) target(%dma_start3A_263 : memref<640x16xf32, #tpu.memory_space<hbm>>) target_semaphore(%run_scoped3A : memref<!tpu.dma_semaphore, #tpu.memory_space<semaphore_mem>>)
      %dma_wait3A_266 = arith.constant 0 : i32
      %dma_wait3A_267 = tpu.memref_slice %arg7[%arg0, %mul3A_260, %dma_wait3A_266] : memref<2x10240x16xf32, #tpu.memory_space<hbm>> -> memref<1x640x16xf32, #tpu.memory_space<hbm>>
      %dma_wait3A_268 = tpu.memref_squeeze %dma_wait3A_267 : memref<1x640x16xf32, #tpu.memory_space<hbm>> -> memref<640x16xf32, #tpu.memory_space<hbm>>
      %dma_wait3A_269 = arith.constant 0 : i32
      %dma_wait3A_270 = tpu.memref_slice %arg22[%mul3A_258, %dma_wait3A_269] : memref<10240x16xf32, #tpu.memory_space<vmem_shared>> -> memref<640x16xf32, #tpu.memory_space<vmem_shared>>
      tpu.wait_dma2 semaphore(%run_scoped3A : memref<!tpu.dma_semaphore, #tpu.memory_space<semaphore_mem>>) src(%dma_wait3A_270 : memref<640x16xf32, #tpu.memory_space<vmem_shared>>) dst(%dma_wait3A_268 : memref<640x16xf32, #tpu.memory_space<hbm>>)
      tpu.yield
    }) : () -> ()
    return
  }
}

#map = affine_map<(d0, d1) -> (0, 0, 0)>
#map1 = affine_map<(d0, d1) -> (0, 0)>
module attributes {stable_mosaic.version = 14 : i64} {
  func.func @kern(%arg0: i32, %arg1: i32, %arg2: memref<2560x2x128xi32, #tpu.memory_space<hbm>>, %arg3: memref<2560x128x16xf32, #tpu.memory_space<hbm>>, %arg4: memref<10240x128xf32, #tpu.memory_space<hbm>>, %arg5: memref<10240x128xf32, #tpu.memory_space<hbm>>, %arg6: memref<2x10240x128xf32, #tpu.memory_space<hbm>>, %arg7: memref<128x16xf32, #tpu.memory_space<vmem>>, %arg8: memref<128x128xf32, #tpu.memory_space<vmem>>, %arg9: memref<!tpu.dma_semaphore, #tpu.memory_space<semaphore_mem>>, %arg10: memref<128x16xf32, #tpu.memory_space<vmem>>, %arg11: memref<128x128xf32, #tpu.memory_space<vmem>>, %arg12: memref<!tpu.dma_semaphore, #tpu.memory_space<semaphore_mem>>, %arg13: memref<2x128xi32, #tpu.memory_space<vmem>>, %arg14: memref<!tpu.dma_semaphore, #tpu.memory_space<semaphore_mem>>, %arg15: memref<2x128xi32, #tpu.memory_space<vmem>>, %arg16: memref<!tpu.dma_semaphore, #tpu.memory_space<semaphore_mem>>, %arg17: memref<2x128xi32, #tpu.memory_space<vmem>>, %arg18: memref<!tpu.dma_semaphore, #tpu.memory_space<semaphore_mem>>, %arg19: memref<2x128xi32, #tpu.memory_space<vmem>>, %arg20: memref<!tpu.dma_semaphore, #tpu.memory_space<semaphore_mem>>, %arg21: memref<10240x128xf32, #tpu.memory_space<vmem_shared>>) attributes {dimension_semantics = [#tpu.dimension_semantics<core_parallel>, #tpu.dimension_semantics<subcore_parallel>], iteration_bounds = array<i64: 2, 16>, scalar_prefetch = 0 : i64, scratch_operands = 15 : i64, tpu.core_type = #tpu.core_type<sc_vector_subcore>, window_params = [{transform_indices = #map}, {transform_indices = #map}, {transform_indices = #map1}, {transform_indices = #map1}, {transform_indices = #map}]} {
    %mul3A = arith.constant 16 : i32
    %mul3A_0 = arith.muli %arg0, %mul3A : i32
    %add3A = arith.addi %mul3A_0, %arg1 : i32
    %mul3A_1 = arith.constant 640 : i32
    %mul3A_2 = arith.muli %arg1, %mul3A_1 : i32
    %mul3A_3 = arith.constant 640 : i32
    %mul3A_4 = arith.muli %arg1, %mul3A_3 : i32
    "tpu.region"() ({
      %run_scoped3A = tpu.sem_alloc : memref<!tpu.dma_semaphore, #tpu.memory_space<semaphore_mem>>
      %dma_start3A_104 = arith.constant 0 : i32
      %dma_start3A_105 = tpu.memref_slice %arg21[%mul3A_4, %dma_start3A_104] : memref<10240x128xf32, #tpu.memory_space<vmem_shared>> -> memref<640x128xf32, #tpu.memory_space<vmem_shared>>
      %dma_start3A_106 = arith.constant 0 : i32
      %dma_start3A_107 = tpu.memref_slice %arg5[%mul3A_2, %dma_start3A_106] : memref<10240x128xf32, #tpu.memory_space<hbm>> -> memref<640x128xf32, #tpu.memory_space<hbm>>
      tpu.enqueue_dma source(%dma_start3A_107 : memref<640x128xf32, #tpu.memory_space<hbm>>) target(%dma_start3A_105 : memref<640x128xf32, #tpu.memory_space<vmem_shared>>) target_semaphore(%run_scoped3A : memref<!tpu.dma_semaphore, #tpu.memory_space<semaphore_mem>>)
      %dma_wait3A_108 = arith.constant 0 : i32
      %dma_wait3A_109 = tpu.memref_slice %arg21[%mul3A_4, %dma_wait3A_108] : memref<10240x128xf32, #tpu.memory_space<vmem_shared>> -> memref<640x128xf32, #tpu.memory_space<vmem_shared>>
      %dma_wait3A_110 = arith.constant 0 : i32
      %dma_wait3A_111 = tpu.memref_slice %arg5[%mul3A_2, %dma_wait3A_110] : memref<10240x128xf32, #tpu.memory_space<hbm>> -> memref<640x128xf32, #tpu.memory_space<hbm>>
      tpu.wait_dma2 semaphore(%run_scoped3A : memref<!tpu.dma_semaphore, #tpu.memory_space<semaphore_mem>>) src(%dma_wait3A_111 : memref<640x128xf32, #tpu.memory_space<hbm>>) dst(%dma_wait3A_109 : memref<640x128xf32, #tpu.memory_space<vmem_shared>>)
      tpu.yield
    }) : () -> ()
    %barrier3A = arith.constant 0 : index
    tpu.barrier barrier_id(%barrier3A)
    %mul3A_5 = arith.constant 80 : i32
    %mul3A_6 = arith.muli %add3A, %mul3A_5 : i32
    %add3A_7 = arith.constant 80 : i32
    %add3A_8 = arith.addi %mul3A_6, %add3A_7 : i32
    %sub3A = arith.constant 1 : i32
    %sub3A_9 = arith.subi %add3A_8, %sub3A : i32
    %dma_start3A = arith.constant 0 : i32
    %dma_start3A_10 = arith.constant 0 : i32
    %dma_start3A_11 = tpu.memref_slice %arg2[%mul3A_6, %dma_start3A, %dma_start3A_10] : memref<2560x2x128xi32, #tpu.memory_space<hbm>> -> memref<1x2x128xi32, #tpu.memory_space<hbm>>
    %dma_start3A_12 = tpu.memref_squeeze %dma_start3A_11 : memref<1x2x128xi32, #tpu.memory_space<hbm>> -> memref<2x128xi32, #tpu.memory_space<hbm>>
    %dma_start3A_13 = arith.constant 0 : i32
    %dma_start3A_14 = arith.constant 0 : i32
    %dma_start3A_15 = tpu.memref_slice %arg2[%mul3A_6, %dma_start3A_13, %dma_start3A_14] : memref<2560x2x128xi32, #tpu.memory_space<hbm>> -> memref<1x2x128xi32, #tpu.memory_space<hbm>>
    %dma_start3A_16 = tpu.memref_squeeze %dma_start3A_15 : memref<1x2x128xi32, #tpu.memory_space<hbm>> -> memref<2x128xi32, #tpu.memory_space<hbm>>
    tpu.enqueue_dma source(%dma_start3A_16 : memref<2x128xi32, #tpu.memory_space<hbm>>) target(%arg13 : memref<2x128xi32, #tpu.memory_space<vmem>>) target_semaphore(%arg14 : memref<!tpu.dma_semaphore, #tpu.memory_space<semaphore_mem>>)
    %add3A_17 = arith.constant 1 : i32
    %add3A_18 = arith.addi %mul3A_6, %add3A_17 : i32
    %dma_start3A_19 = arith.constant 0 : i32
    %dma_start3A_20 = arith.constant 0 : i32
    %dma_start3A_21 = tpu.memref_slice %arg2[%add3A_18, %dma_start3A_19, %dma_start3A_20] : memref<2560x2x128xi32, #tpu.memory_space<hbm>> -> memref<1x2x128xi32, #tpu.memory_space<hbm>>
    %dma_start3A_22 = tpu.memref_squeeze %dma_start3A_21 : memref<1x2x128xi32, #tpu.memory_space<hbm>> -> memref<2x128xi32, #tpu.memory_space<hbm>>
    %dma_start3A_23 = arith.constant 0 : i32
    %dma_start3A_24 = arith.constant 0 : i32
    %dma_start3A_25 = tpu.memref_slice %arg2[%add3A_18, %dma_start3A_23, %dma_start3A_24] : memref<2560x2x128xi32, #tpu.memory_space<hbm>> -> memref<1x2x128xi32, #tpu.memory_space<hbm>>
    %dma_start3A_26 = tpu.memref_squeeze %dma_start3A_25 : memref<1x2x128xi32, #tpu.memory_space<hbm>> -> memref<2x128xi32, #tpu.memory_space<hbm>>
    tpu.enqueue_dma source(%dma_start3A_26 : memref<2x128xi32, #tpu.memory_space<hbm>>) target(%arg15 : memref<2x128xi32, #tpu.memory_space<vmem>>) target_semaphore(%arg16 : memref<!tpu.dma_semaphore, #tpu.memory_space<semaphore_mem>>)
    %dma_wait3A = arith.constant 0 : i32
    %dma_wait3A_27 = arith.constant 0 : i32
    %dma_wait3A_28 = arith.constant 0 : i32
    %dma_wait3A_29 = tpu.memref_slice %arg2[%dma_wait3A, %dma_wait3A_27, %dma_wait3A_28] : memref<2560x2x128xi32, #tpu.memory_space<hbm>> -> memref<1x2x128xi32, #tpu.memory_space<hbm>>
    %dma_wait3A_30 = tpu.memref_squeeze %dma_wait3A_29 : memref<1x2x128xi32, #tpu.memory_space<hbm>> -> memref<2x128xi32, #tpu.memory_space<hbm>>
    %dma_wait3A_31 = arith.constant 0 : i32
    %dma_wait3A_32 = arith.constant 0 : i32
    %dma_wait3A_33 = tpu.memref_slice %arg2[%dma_wait3A, %dma_wait3A_31, %dma_wait3A_32] : memref<2560x2x128xi32, #tpu.memory_space<hbm>> -> memref<1x2x128xi32, #tpu.memory_space<hbm>>
    %dma_wait3A_34 = tpu.memref_squeeze %dma_wait3A_33 : memref<1x2x128xi32, #tpu.memory_space<hbm>> -> memref<2x128xi32, #tpu.memory_space<hbm>>
    tpu.wait_dma2 semaphore(%arg14 : memref<!tpu.dma_semaphore, #tpu.memory_space<semaphore_mem>>) src(%dma_wait3A_34 : memref<2x128xi32, #tpu.memory_space<hbm>>) dst(%arg13 : memref<2x128xi32, #tpu.memory_space<vmem>>)
    %dma_start3A_35 = arith.constant 0 : i32
    %dma_start3A_36 = arith.constant 0 : i32
    %dma_start3A_37 = tpu.memref_slice %arg3[%mul3A_6, %dma_start3A_35, %dma_start3A_36] : memref<2560x128x16xf32, #tpu.memory_space<hbm>> -> memref<1x128x16xf32, #tpu.memory_space<hbm>>
    %dma_start3A_38 = tpu.memref_squeeze %dma_start3A_37 : memref<1x128x16xf32, #tpu.memory_space<hbm>> -> memref<128x16xf32, #tpu.memory_space<hbm>>
    %dma_start3A_39 = arith.constant 0 : i32
    %dma_start3A_40 = arith.constant 0 : i32
    %dma_start3A_41 = tpu.memref_slice %arg3[%mul3A_6, %dma_start3A_39, %dma_start3A_40] : memref<2560x128x16xf32, #tpu.memory_space<hbm>> -> memref<1x128x16xf32, #tpu.memory_space<hbm>>
    %dma_start3A_42 = tpu.memref_squeeze %dma_start3A_41 : memref<1x128x16xf32, #tpu.memory_space<hbm>> -> memref<128x16xf32, #tpu.memory_space<hbm>>
    tpu.enqueue_dma source(%dma_start3A_42 : memref<128x16xf32, #tpu.memory_space<hbm>>) target(%arg7 : memref<128x16xf32, #tpu.memory_space<vmem>>) target_semaphore(%arg9 : memref<!tpu.dma_semaphore, #tpu.memory_space<semaphore_mem>>)
    %dma_start3A_43 = arith.constant 0 : i32
    %dma_start3A_44 = arith.constant 0 : i32
    %dma_start3A_45 = tpu.memref_slice %arg13[%dma_start3A_43, %dma_start3A_44] : memref<2x128xi32, #tpu.memory_space<vmem>> -> memref<1x128xi32, #tpu.memory_space<vmem>>
    %dma_start3A_46 = tpu.memref_squeeze %dma_start3A_45 : memref<1x128xi32, #tpu.memory_space<vmem>> -> memref<128xi32, #tpu.memory_space<vmem>>
    %dma_start3A_47 = arith.constant 0 : i32
    %dma_start3A_48 = arith.constant 0 : i32
    %dma_start3A_49 = tpu.memref_slice %arg4[%dma_start3A_47, %dma_start3A_48] : memref<10240x128xf32, #tpu.memory_space<hbm>> -> memref<10240x128xf32, #tpu.memory_space<hbm>>
    tpu.enqueue_indirect_dma source(%dma_start3A_49 : memref<10240x128xf32, #tpu.memory_space<hbm>>) target(%arg8 : memref<128x128xf32, #tpu.memory_space<vmem>>) offsets(%dma_start3A_46 : memref<128xi32, #tpu.memory_space<vmem>>) semaphore(%arg9 : memref<!tpu.dma_semaphore, #tpu.memory_space<semaphore_mem>>)
    %add3A_50 = arith.constant 2 : i32
    %add3A_51 = arith.addi %mul3A_6, %add3A_50 : i32
    %dma_start3A_52 = arith.constant 0 : i32
    %dma_start3A_53 = arith.constant 0 : i32
    %dma_start3A_54 = tpu.memref_slice %arg2[%add3A_51, %dma_start3A_52, %dma_start3A_53] : memref<2560x2x128xi32, #tpu.memory_space<hbm>> -> memref<1x2x128xi32, #tpu.memory_space<hbm>>
    %dma_start3A_55 = tpu.memref_squeeze %dma_start3A_54 : memref<1x2x128xi32, #tpu.memory_space<hbm>> -> memref<2x128xi32, #tpu.memory_space<hbm>>
    %dma_start3A_56 = arith.constant 0 : i32
    %dma_start3A_57 = arith.constant 0 : i32
    %dma_start3A_58 = tpu.memref_slice %arg2[%add3A_51, %dma_start3A_56, %dma_start3A_57] : memref<2560x2x128xi32, #tpu.memory_space<hbm>> -> memref<1x2x128xi32, #tpu.memory_space<hbm>>
    %dma_start3A_59 = tpu.memref_squeeze %dma_start3A_58 : memref<1x2x128xi32, #tpu.memory_space<hbm>> -> memref<2x128xi32, #tpu.memory_space<hbm>>
    tpu.enqueue_dma source(%dma_start3A_59 : memref<2x128xi32, #tpu.memory_space<hbm>>) target(%arg17 : memref<2x128xi32, #tpu.memory_space<vmem>>) target_semaphore(%arg18 : memref<!tpu.dma_semaphore, #tpu.memory_space<semaphore_mem>>)
    %scan3A = arith.constant 0 : i32
    %scan3A_60 = arith.constant 0 : i32
    %scan3A_61 = arith.constant 20 : i32
    %scan3A_62 = arith.addi %scan3A_60, %scan3A_61 : i32
    %scan3A_63 = arith.constant 1 : i32
    scf.for %scan3A_104 = %scan3A_60 to %scan3A_62 step %scan3A_63  : i32 {
      %mul3A_105 = arith.constant 4 : i32
      %mul3A_106 = arith.muli %mul3A_105, %scan3A_104 : i32
      %add3A_107 = arith.addi %mul3A_6, %mul3A_106 : i32
      %dma_wait3A_108 = arith.constant 0 : i32
      %dma_wait3A_109 = arith.constant 0 : i32
      %dma_wait3A_110 = arith.constant 0 : i32
      %dma_wait3A_111 = tpu.memref_slice %arg3[%dma_wait3A_108, %dma_wait3A_109, %dma_wait3A_110] : memref<2560x128x16xf32, #tpu.memory_space<hbm>> -> memref<1x128x16xf32, #tpu.memory_space<hbm>>
      %dma_wait3A_112 = tpu.memref_squeeze %dma_wait3A_111 : memref<1x128x16xf32, #tpu.memory_space<hbm>> -> memref<128x16xf32, #tpu.memory_space<hbm>>
      %dma_wait3A_113 = arith.constant 0 : i32
      %dma_wait3A_114 = arith.constant 0 : i32
      %dma_wait3A_115 = tpu.memref_slice %arg3[%dma_wait3A_108, %dma_wait3A_113, %dma_wait3A_114] : memref<2560x128x16xf32, #tpu.memory_space<hbm>> -> memref<1x128x16xf32, #tpu.memory_space<hbm>>
      %dma_wait3A_116 = tpu.memref_squeeze %dma_wait3A_115 : memref<1x128x16xf32, #tpu.memory_space<hbm>> -> memref<128x16xf32, #tpu.memory_space<hbm>>
      tpu.wait_dma2 semaphore(%arg9 : memref<!tpu.dma_semaphore, #tpu.memory_space<semaphore_mem>>) src(%dma_wait3A_116 : memref<128x16xf32, #tpu.memory_space<hbm>>) dst(%arg7 : memref<128x16xf32, #tpu.memory_space<vmem>>)
      %dma_wait3A_117 = arith.constant 0 : i32
      %dma_wait3A_118 = arith.constant 0 : i32
      %dma_wait3A_119 = tpu.memref_slice %arg13[%dma_wait3A_117, %dma_wait3A_118] : memref<2x128xi32, #tpu.memory_space<vmem>> -> memref<1x128xi32, #tpu.memory_space<vmem>>
      %dma_wait3A_120 = tpu.memref_squeeze %dma_wait3A_119 : memref<1x128xi32, #tpu.memory_space<vmem>> -> memref<128xi32, #tpu.memory_space<vmem>>
      %dma_wait3A_121 = arith.constant 0 : i32
      %dma_wait3A_122 = arith.constant 0 : i32
      %dma_wait3A_123 = tpu.memref_slice %arg4[%dma_wait3A_121, %dma_wait3A_122] : memref<10240x128xf32, #tpu.memory_space<hbm>> -> memref<10240x128xf32, #tpu.memory_space<hbm>>
      tpu.wait_indirect_dma semaphore(%arg9 : memref<!tpu.dma_semaphore, #tpu.memory_space<semaphore_mem>>) src(%dma_wait3A_123 : memref<10240x128xf32, #tpu.memory_space<hbm>>) dst(%arg8 : memref<128x128xf32, #tpu.memory_space<vmem>>)
      %dma_wait3A_124 = arith.constant 0 : i32
      %dma_wait3A_125 = arith.constant 0 : i32
      %dma_wait3A_126 = arith.constant 0 : i32
      %dma_wait3A_127 = tpu.memref_slice %arg2[%dma_wait3A_124, %dma_wait3A_125, %dma_wait3A_126] : memref<2560x2x128xi32, #tpu.memory_space<hbm>> -> memref<1x2x128xi32, #tpu.memory_space<hbm>>
      %dma_wait3A_128 = tpu.memref_squeeze %dma_wait3A_127 : memref<1x2x128xi32, #tpu.memory_space<hbm>> -> memref<2x128xi32, #tpu.memory_space<hbm>>
      %dma_wait3A_129 = arith.constant 0 : i32
      %dma_wait3A_130 = arith.constant 0 : i32
      %dma_wait3A_131 = tpu.memref_slice %arg2[%dma_wait3A_124, %dma_wait3A_129, %dma_wait3A_130] : memref<2560x2x128xi32, #tpu.memory_space<hbm>> -> memref<1x2x128xi32, #tpu.memory_space<hbm>>
      %dma_wait3A_132 = tpu.memref_squeeze %dma_wait3A_131 : memref<1x2x128xi32, #tpu.memory_space<hbm>> -> memref<2x128xi32, #tpu.memory_space<hbm>>
      tpu.wait_dma2 semaphore(%arg16 : memref<!tpu.dma_semaphore, #tpu.memory_space<semaphore_mem>>) src(%dma_wait3A_132 : memref<2x128xi32, #tpu.memory_space<hbm>>) dst(%arg15 : memref<2x128xi32, #tpu.memory_space<vmem>>)
      %add3A_133 = arith.constant 0 : i32
      %add3A_134 = arith.addi %add3A_107, %add3A_133 : i32
      %add3A_135 = arith.constant 1 : i32
      %add3A_136 = arith.addi %add3A_134, %add3A_135 : i32
      %min3A = arith.minsi %add3A_136, %sub3A_9 : i32
      %dma_start3A_137 = arith.constant 0 : i32
      %dma_start3A_138 = arith.constant 0 : i32
      %dma_start3A_139 = tpu.memref_slice %arg3[%min3A, %dma_start3A_137, %dma_start3A_138] : memref<2560x128x16xf32, #tpu.memory_space<hbm>> -> memref<1x128x16xf32, #tpu.memory_space<hbm>>
      %dma_start3A_140 = tpu.memref_squeeze %dma_start3A_139 : memref<1x128x16xf32, #tpu.memory_space<hbm>> -> memref<128x16xf32, #tpu.memory_space<hbm>>
      %dma_start3A_141 = arith.constant 0 : i32
      %dma_start3A_142 = arith.constant 0 : i32
      %dma_start3A_143 = tpu.memref_slice %arg3[%min3A, %dma_start3A_141, %dma_start3A_142] : memref<2560x128x16xf32, #tpu.memory_space<hbm>> -> memref<1x128x16xf32, #tpu.memory_space<hbm>>
      %dma_start3A_144 = tpu.memref_squeeze %dma_start3A_143 : memref<1x128x16xf32, #tpu.memory_space<hbm>> -> memref<128x16xf32, #tpu.memory_space<hbm>>
      tpu.enqueue_dma source(%dma_start3A_144 : memref<128x16xf32, #tpu.memory_space<hbm>>) target(%arg10 : memref<128x16xf32, #tpu.memory_space<vmem>>) target_semaphore(%arg12 : memref<!tpu.dma_semaphore, #tpu.memory_space<semaphore_mem>>)
      %dma_start3A_145 = arith.constant 0 : i32
      %dma_start3A_146 = arith.constant 0 : i32
      %dma_start3A_147 = tpu.memref_slice %arg15[%dma_start3A_145, %dma_start3A_146] : memref<2x128xi32, #tpu.memory_space<vmem>> -> memref<1x128xi32, #tpu.memory_space<vmem>>
      %dma_start3A_148 = tpu.memref_squeeze %dma_start3A_147 : memref<1x128xi32, #tpu.memory_space<vmem>> -> memref<128xi32, #tpu.memory_space<vmem>>
      %dma_start3A_149 = arith.constant 0 : i32
      %dma_start3A_150 = arith.constant 0 : i32
      %dma_start3A_151 = tpu.memref_slice %arg4[%dma_start3A_149, %dma_start3A_150] : memref<10240x128xf32, #tpu.memory_space<hbm>> -> memref<10240x128xf32, #tpu.memory_space<hbm>>
      tpu.enqueue_indirect_dma source(%dma_start3A_151 : memref<10240x128xf32, #tpu.memory_space<hbm>>) target(%arg11 : memref<128x128xf32, #tpu.memory_space<vmem>>) offsets(%dma_start3A_148 : memref<128xi32, #tpu.memory_space<vmem>>) semaphore(%arg12 : memref<!tpu.dma_semaphore, #tpu.memory_space<semaphore_mem>>)
      %add3A_152 = arith.constant 0 : i32
      %add3A_153 = arith.addi %add3A_107, %add3A_152 : i32
      %add3A_154 = arith.constant 3 : i32
      %add3A_155 = arith.addi %add3A_153, %add3A_154 : i32
      %min3A_156 = arith.minsi %add3A_155, %sub3A_9 : i32
      %dma_start3A_157 = arith.constant 0 : i32
      %dma_start3A_158 = arith.constant 0 : i32
      %dma_start3A_159 = tpu.memref_slice %arg2[%min3A_156, %dma_start3A_157, %dma_start3A_158] : memref<2560x2x128xi32, #tpu.memory_space<hbm>> -> memref<1x2x128xi32, #tpu.memory_space<hbm>>
      %dma_start3A_160 = tpu.memref_squeeze %dma_start3A_159 : memref<1x2x128xi32, #tpu.memory_space<hbm>> -> memref<2x128xi32, #tpu.memory_space<hbm>>
      %dma_start3A_161 = arith.constant 0 : i32
      %dma_start3A_162 = arith.constant 0 : i32
      %dma_start3A_163 = tpu.memref_slice %arg2[%min3A_156, %dma_start3A_161, %dma_start3A_162] : memref<2560x2x128xi32, #tpu.memory_space<hbm>> -> memref<1x2x128xi32, #tpu.memory_space<hbm>>
      %dma_start3A_164 = tpu.memref_squeeze %dma_start3A_163 : memref<1x2x128xi32, #tpu.memory_space<hbm>> -> memref<2x128xi32, #tpu.memory_space<hbm>>
      tpu.enqueue_dma source(%dma_start3A_164 : memref<2x128xi32, #tpu.memory_space<hbm>>) target(%arg19 : memref<2x128xi32, #tpu.memory_space<vmem>>) target_semaphore(%arg20 : memref<!tpu.dma_semaphore, #tpu.memory_space<semaphore_mem>>)
      %scan3A_165 = arith.constant 0 : i32
      %scan3A_166 = arith.constant 0 : i32
      %scan3A_167 = arith.constant 128 : i32
      %scan3A_168 = arith.addi %scan3A_166, %scan3A_167 : i32
      %scan3A_169 = arith.constant 1 : i32
      scf.for %scan3A_366 = %scan3A_166 to %scan3A_168 step %scan3A_169  : i32 {
        %get3A = arith.index_cast %scan3A_366 : i32 to index
        %get3A_367 = arith.constant 0 : index
        %get3A_368 = tpu.vector_load %arg7[%get3A, %get3A_367] {strides = array<i32>} : memref<128x16xf32, #tpu.memory_space<vmem>>, vector<1x16xf32>,
        %get3A_369 = vector.shape_cast %get3A_368 : vector<1x16xf32> to vector<16xf32>
        %slice3A = vector.extract_strided_slice %get3A_369 {offsets = [0], sizes = [1], strides = [1]} : vector<16xf32> to vector<1xf32>
        %squeeze3A = vector.extract %slice3A[0] : f32 from vector<1xf32>
        %get3A_370 = arith.index_cast %scan3A_366 : i32 to index
        %get3A_371 = arith.constant 0 : index
        %get3A_372 = tpu.vector_load %arg8[%get3A_370, %get3A_371] {strides = array<i32>} : memref<128x128xf32, #tpu.memory_space<vmem>>, vector<1x16xf32>,
        %get3A_373 = vector.shape_cast %get3A_372 : vector<1x16xf32> to vector<16xf32>
        %mul3A_374 = vector.broadcast %squeeze3A : f32 to vector<16xf32>
        %mul3A_375 = arith.mulf %get3A_373, %mul3A_374 : vector<16xf32>
        %swap3A = arith.index_cast %scan3A_366 : i32 to index
        %swap3A_376 = arith.constant 0 : index
        %swap3A_377 = tpu.vector_load %arg8[%swap3A, %swap3A_376] {strides = array<i32>} : memref<128x128xf32, #tpu.memory_space<vmem>>, vector<1x16xf32>,
        %swap3A_378 = vector.shape_cast %swap3A_377 : vector<1x16xf32> to vector<16xf32>
        %swap3A_379 = vector.shape_cast %mul3A_375 : vector<16xf32> to vector<1x16xf32>
        tpu.vector_store %arg8[%swap3A, %swap3A_376], %swap3A_379 {strides = array<i32>} : memref<128x128xf32, #tpu.memory_space<vmem>>, vector<1x16xf32>,
        %slice3A_380 = vector.extract_strided_slice %get3A_369 {offsets = [1], sizes = [1], strides = [1]} : vector<16xf32> to vector<1xf32>
        %squeeze3A_381 = vector.extract %slice3A_380[0] : f32 from vector<1xf32>
        %get3A_382 = arith.index_cast %scan3A_366 : i32 to index
        %get3A_383 = arith.constant 16 : index
        %get3A_384 = tpu.vector_load %arg8[%get3A_382, %get3A_383] {strides = array<i32>} : memref<128x128xf32, #tpu.memory_space<vmem>>, vector<1x16xf32>,
        %get3A_385 = vector.shape_cast %get3A_384 : vector<1x16xf32> to vector<16xf32>
        %mul3A_386 = vector.broadcast %squeeze3A_381 : f32 to vector<16xf32>
        %mul3A_387 = arith.mulf %get3A_385, %mul3A_386 : vector<16xf32>
        %swap3A_388 = arith.index_cast %scan3A_366 : i32 to index
        %swap3A_389 = arith.constant 16 : index
        %swap3A_390 = tpu.vector_load %arg8[%swap3A_388, %swap3A_389] {strides = array<i32>} : memref<128x128xf32, #tpu.memory_space<vmem>>, vector<1x16xf32>,
        %swap3A_391 = vector.shape_cast %swap3A_390 : vector<1x16xf32> to vector<16xf32>
        %swap3A_392 = vector.shape_cast %mul3A_387 : vector<16xf32> to vector<1x16xf32>
        tpu.vector_store %arg8[%swap3A_388, %swap3A_389], %swap3A_392 {strides = array<i32>} : memref<128x128xf32, #tpu.memory_space<vmem>>, vector<1x16xf32>,
        %slice3A_393 = vector.extract_strided_slice %get3A_369 {offsets = [2], sizes = [1], strides = [1]} : vector<16xf32> to vector<1xf32>
        %squeeze3A_394 = vector.extract %slice3A_393[0] : f32 from vector<1xf32>
        %get3A_395 = arith.index_cast %scan3A_366 : i32 to index
        %get3A_396 = arith.constant 32 : index
        %get3A_397 = tpu.vector_load %arg8[%get3A_395, %get3A_396] {strides = array<i32>} : memref<128x128xf32, #tpu.memory_space<vmem>>, vector<1x16xf32>,
        %get3A_398 = vector.shape_cast %get3A_397 : vector<1x16xf32> to vector<16xf32>
        %mul3A_399 = vector.broadcast %squeeze3A_394 : f32 to vector<16xf32>
        %mul3A_400 = arith.mulf %get3A_398, %mul3A_399 : vector<16xf32>
        %swap3A_401 = arith.index_cast %scan3A_366 : i32 to index
        %swap3A_402 = arith.constant 32 : index
        %swap3A_403 = tpu.vector_load %arg8[%swap3A_401, %swap3A_402] {strides = array<i32>} : memref<128x128xf32, #tpu.memory_space<vmem>>, vector<1x16xf32>,
        %swap3A_404 = vector.shape_cast %swap3A_403 : vector<1x16xf32> to vector<16xf32>
        %swap3A_405 = vector.shape_cast %mul3A_400 : vector<16xf32> to vector<1x16xf32>
        tpu.vector_store %arg8[%swap3A_401, %swap3A_402], %swap3A_405 {strides = array<i32>} : memref<128x128xf32, #tpu.memory_space<vmem>>, vector<1x16xf32>,
        %slice3A_406 = vector.extract_strided_slice %get3A_369 {offsets = [3], sizes = [1], strides = [1]} : vector<16xf32> to vector<1xf32>
        %squeeze3A_407 = vector.extract %slice3A_406[0] : f32 from vector<1xf32>
        %get3A_408 = arith.index_cast %scan3A_366 : i32 to index
        %get3A_409 = arith.constant 48 : index
        %get3A_410 = tpu.vector_load %arg8[%get3A_408, %get3A_409] {strides = array<i32>} : memref<128x128xf32, #tpu.memory_space<vmem>>, vector<1x16xf32>,
        %get3A_411 = vector.shape_cast %get3A_410 : vector<1x16xf32> to vector<16xf32>
        %mul3A_412 = vector.broadcast %squeeze3A_407 : f32 to vector<16xf32>
        %mul3A_413 = arith.mulf %get3A_411, %mul3A_412 : vector<16xf32>
        %swap3A_414 = arith.index_cast %scan3A_366 : i32 to index
        %swap3A_415 = arith.constant 48 : index
        %swap3A_416 = tpu.vector_load %arg8[%swap3A_414, %swap3A_415] {strides = array<i32>} : memref<128x128xf32, #tpu.memory_space<vmem>>, vector<1x16xf32>,
        %swap3A_417 = vector.shape_cast %swap3A_416 : vector<1x16xf32> to vector<16xf32>
        %swap3A_418 = vector.shape_cast %mul3A_413 : vector<16xf32> to vector<1x16xf32>
        tpu.vector_store %arg8[%swap3A_414, %swap3A_415], %swap3A_418 {strides = array<i32>} : memref<128x128xf32, #tpu.memory_space<vmem>>, vector<1x16xf32>,
        %slice3A_419 = vector.extract_strided_slice %get3A_369 {offsets = [4], sizes = [1], strides = [1]} : vector<16xf32> to vector<1xf32>
        %squeeze3A_420 = vector.extract %slice3A_419[0] : f32 from vector<1xf32>
        %get3A_421 = arith.index_cast %scan3A_366 : i32 to index
        %get3A_422 = arith.constant 64 : index
        %get3A_423 = tpu.vector_load %arg8[%get3A_421, %get3A_422] {strides = array<i32>} : memref<128x128xf32, #tpu.memory_space<vmem>>, vector<1x16xf32>,
        %get3A_424 = vector.shape_cast %get3A_423 : vector<1x16xf32> to vector<16xf32>
        %mul3A_425 = vector.broadcast %squeeze3A_420 : f32 to vector<16xf32>
        %mul3A_426 = arith.mulf %get3A_424, %mul3A_425 : vector<16xf32>
        %swap3A_427 = arith.index_cast %scan3A_366 : i32 to index
        %swap3A_428 = arith.constant 64 : index
        %swap3A_429 = tpu.vector_load %arg8[%swap3A_427, %swap3A_428] {strides = array<i32>} : memref<128x128xf32, #tpu.memory_space<vmem>>, vector<1x16xf32>,
        %swap3A_430 = vector.shape_cast %swap3A_429 : vector<1x16xf32> to vector<16xf32>
        %swap3A_431 = vector.shape_cast %mul3A_426 : vector<16xf32> to vector<1x16xf32>
        tpu.vector_store %arg8[%swap3A_427, %swap3A_428], %swap3A_431 {strides = array<i32>} : memref<128x128xf32, #tpu.memory_space<vmem>>, vector<1x16xf32>,
        %slice3A_432 = vector.extract_strided_slice %get3A_369 {offsets = [5], sizes = [1], strides = [1]} : vector<16xf32> to vector<1xf32>
        %squeeze3A_433 = vector.extract %slice3A_432[0] : f32 from vector<1xf32>
        %get3A_434 = arith.index_cast %scan3A_366 : i32 to index
        %get3A_435 = arith.constant 80 : index
        %get3A_436 = tpu.vector_load %arg8[%get3A_434, %get3A_435] {strides = array<i32>} : memref<128x128xf32, #tpu.memory_space<vmem>>, vector<1x16xf32>,
        %get3A_437 = vector.shape_cast %get3A_436 : vector<1x16xf32> to vector<16xf32>
        %mul3A_438 = vector.broadcast %squeeze3A_433 : f32 to vector<16xf32>
        %mul3A_439 = arith.mulf %get3A_437, %mul3A_438 : vector<16xf32>
        %swap3A_440 = arith.index_cast %scan3A_366 : i32 to index
        %swap3A_441 = arith.constant 80 : index
        %swap3A_442 = tpu.vector_load %arg8[%swap3A_440, %swap3A_441] {strides = array<i32>} : memref<128x128xf32, #tpu.memory_space<vmem>>, vector<1x16xf32>,
        %swap3A_443 = vector.shape_cast %swap3A_442 : vector<1x16xf32> to vector<16xf32>
        %swap3A_444 = vector.shape_cast %mul3A_439 : vector<16xf32> to vector<1x16xf32>
        tpu.vector_store %arg8[%swap3A_440, %swap3A_441], %swap3A_444 {strides = array<i32>} : memref<128x128xf32, #tpu.memory_space<vmem>>, vector<1x16xf32>,
        %slice3A_445 = vector.extract_strided_slice %get3A_369 {offsets = [6], sizes = [1], strides = [1]} : vector<16xf32> to vector<1xf32>
        %squeeze3A_446 = vector.extract %slice3A_445[0] : f32 from vector<1xf32>
        %get3A_447 = arith.index_cast %scan3A_366 : i32 to index
        %get3A_448 = arith.constant 96 : index
        %get3A_449 = tpu.vector_load %arg8[%get3A_447, %get3A_448] {strides = array<i32>} : memref<128x128xf32, #tpu.memory_space<vmem>>, vector<1x16xf32>,
        %get3A_450 = vector.shape_cast %get3A_449 : vector<1x16xf32> to vector<16xf32>
        %mul3A_451 = vector.broadcast %squeeze3A_446 : f32 to vector<16xf32>
        %mul3A_452 = arith.mulf %get3A_450, %mul3A_451 : vector<16xf32>
        %swap3A_453 = arith.index_cast %scan3A_366 : i32 to index
        %swap3A_454 = arith.constant 96 : index
        %swap3A_455 = tpu.vector_load %arg8[%swap3A_453, %swap3A_454] {strides = array<i32>} : memref<128x128xf32, #tpu.memory_space<vmem>>, vector<1x16xf32>,
        %swap3A_456 = vector.shape_cast %swap3A_455 : vector<1x16xf32> to vector<16xf32>
        %swap3A_457 = vector.shape_cast %mul3A_452 : vector<16xf32> to vector<1x16xf32>
        tpu.vector_store %arg8[%swap3A_453, %swap3A_454], %swap3A_457 {strides = array<i32>} : memref<128x128xf32, #tpu.memory_space<vmem>>, vector<1x16xf32>,
        %slice3A_458 = vector.extract_strided_slice %get3A_369 {offsets = [7], sizes = [1], strides = [1]} : vector<16xf32> to vector<1xf32>
        %squeeze3A_459 = vector.extract %slice3A_458[0] : f32 from vector<1xf32>
        %get3A_460 = arith.index_cast %scan3A_366 : i32 to index
        %get3A_461 = arith.constant 112 : index
        %get3A_462 = tpu.vector_load %arg8[%get3A_460, %get3A_461] {strides = array<i32>} : memref<128x128xf32, #tpu.memory_space<vmem>>, vector<1x16xf32>,
        %get3A_463 = vector.shape_cast %get3A_462 : vector<1x16xf32> to vector<16xf32>
        %mul3A_464 = vector.broadcast %squeeze3A_459 : f32 to vector<16xf32>
        %mul3A_465 = arith.mulf %get3A_463, %mul3A_464 : vector<16xf32>
        %swap3A_466 = arith.index_cast %scan3A_366 : i32 to index
        %swap3A_467 = arith.constant 112 : index
        %swap3A_468 = tpu.vector_load %arg8[%swap3A_466, %swap3A_467] {strides = array<i32>} : memref<128x128xf32, #tpu.memory_space<vmem>>, vector<1x16xf32>,
        %swap3A_469 = vector.shape_cast %swap3A_468 : vector<1x16xf32> to vector<16xf32>
        %swap3A_470 = vector.shape_cast %mul3A_465 : vector<16xf32> to vector<1x16xf32>
        tpu.vector_store %arg8[%swap3A_466, %swap3A_467], %swap3A_470 {strides = array<i32>} : memref<128x128xf32, #tpu.memory_space<vmem>>, vector<1x16xf32>,
      }
      %scan3A_170 = arith.constant 128 : i32
      %run_scoped3A = arith.constant 1 : i32
      "tpu.region"() ({
        %run_scoped3A_366 = tpu.sem_alloc : memref<!tpu.dma_semaphore, #tpu.memory_space<semaphore_mem>>
        %dma_start3A_367 = arith.constant 0 : i32
        %dma_start3A_368 = tpu.memref_slice %arg13[%run_scoped3A, %dma_start3A_367] : memref<2x128xi32, #tpu.memory_space<vmem>> -> memref<1x128xi32, #tpu.memory_space<vmem>>
        %dma_start3A_369 = tpu.memref_squeeze %dma_start3A_368 : memref<1x128xi32, #tpu.memory_space<vmem>> -> memref<128xi32, #tpu.memory_space<vmem>>
        %dma_start3A_370 = arith.constant 0 : i32
        %dma_start3A_371 = arith.constant 0 : i32
        %dma_start3A_372 = tpu.memref_slice %arg21[%dma_start3A_370, %dma_start3A_371] : memref<10240x128xf32, #tpu.memory_space<vmem_shared>> -> memref<10240x128xf32, #tpu.memory_space<vmem_shared>>
        tpu.enqueue_indirect_dma source(%arg8 : memref<128x128xf32, #tpu.memory_space<vmem>>) target(%dma_start3A_372 : memref<10240x128xf32, #tpu.memory_space<vmem_shared>>) offsets(%dma_start3A_369 : memref<128xi32, #tpu.memory_space<vmem>>) semaphore(%run_scoped3A_366 : memref<!tpu.dma_semaphore, #tpu.memory_space<semaphore_mem>>) {add = true}
        %dma_wait3A_373 = arith.constant 0 : i32
        %dma_wait3A_374 = tpu.memref_slice %arg13[%run_scoped3A, %dma_wait3A_373] : memref<2x128xi32, #tpu.memory_space<vmem>> -> memref<1x128xi32, #tpu.memory_space<vmem>>
        %dma_wait3A_375 = tpu.memref_squeeze %dma_wait3A_374 : memref<1x128xi32, #tpu.memory_space<vmem>> -> memref<128xi32, #tpu.memory_space<vmem>>
        %dma_wait3A_376 = arith.constant 0 : i32
        %dma_wait3A_377 = arith.constant 0 : i32
        %dma_wait3A_378 = tpu.memref_slice %arg21[%dma_wait3A_376, %dma_wait3A_377] : memref<10240x128xf32, #tpu.memory_space<vmem_shared>> -> memref<10240x128xf32, #tpu.memory_space<vmem_shared>>
        tpu.wait_indirect_dma semaphore(%run_scoped3A_366 : memref<!tpu.dma_semaphore, #tpu.memory_space<semaphore_mem>>) src(%arg8 : memref<128x128xf32, #tpu.memory_space<vmem>>) dst(%dma_wait3A_378 : memref<10240x128xf32, #tpu.memory_space<vmem_shared>>)
        tpu.yield
      }) : () -> ()
      %dma_wait3A_171 = arith.constant 0 : i32
      %dma_wait3A_172 = arith.constant 0 : i32
      %dma_wait3A_173 = arith.constant 0 : i32
      %dma_wait3A_174 = tpu.memref_slice %arg3[%dma_wait3A_171, %dma_wait3A_172, %dma_wait3A_173] : memref<2560x128x16xf32, #tpu.memory_space<hbm>> -> memref<1x128x16xf32, #tpu.memory_space<hbm>>
      %dma_wait3A_175 = tpu.memref_squeeze %dma_wait3A_174 : memref<1x128x16xf32, #tpu.memory_space<hbm>> -> memref<128x16xf32, #tpu.memory_space<hbm>>
      %dma_wait3A_176 = arith.constant 0 : i32
      %dma_wait3A_177 = arith.constant 0 : i32
      %dma_wait3A_178 = tpu.memref_slice %arg3[%dma_wait3A_171, %dma_wait3A_176, %dma_wait3A_177] : memref<2560x128x16xf32, #tpu.memory_space<hbm>> -> memref<1x128x16xf32, #tpu.memory_space<hbm>>
      %dma_wait3A_179 = tpu.memref_squeeze %dma_wait3A_178 : memref<1x128x16xf32, #tpu.memory_space<hbm>> -> memref<128x16xf32, #tpu.memory_space<hbm>>
      tpu.wait_dma2 semaphore(%arg12 : memref<!tpu.dma_semaphore, #tpu.memory_space<semaphore_mem>>) src(%dma_wait3A_179 : memref<128x16xf32, #tpu.memory_space<hbm>>) dst(%arg10 : memref<128x16xf32, #tpu.memory_space<vmem>>)
      %dma_wait3A_180 = arith.constant 0 : i32
      %dma_wait3A_181 = arith.constant 0 : i32
      %dma_wait3A_182 = tpu.memref_slice %arg15[%dma_wait3A_180, %dma_wait3A_181] : memref<2x128xi32, #tpu.memory_space<vmem>> -> memref<1x128xi32, #tpu.memory_space<vmem>>
      %dma_wait3A_183 = tpu.memref_squeeze %dma_wait3A_182 : memref<1x128xi32, #tpu.memory_space<vmem>> -> memref<128xi32, #tpu.memory_space<vmem>>
      %dma_wait3A_184 = arith.constant 0 : i32
      %dma_wait3A_185 = arith.constant 0 : i32
      %dma_wait3A_186 = tpu.memref_slice %arg4[%dma_wait3A_184, %dma_wait3A_185] : memref<10240x128xf32, #tpu.memory_space<hbm>> -> memref<10240x128xf32, #tpu.memory_space<hbm>>
      tpu.wait_indirect_dma semaphore(%arg12 : memref<!tpu.dma_semaphore, #tpu.memory_space<semaphore_mem>>) src(%dma_wait3A_186 : memref<10240x128xf32, #tpu.memory_space<hbm>>) dst(%arg11 : memref<128x128xf32, #tpu.memory_space<vmem>>)
      %dma_wait3A_187 = arith.constant 0 : i32
      %dma_wait3A_188 = arith.constant 0 : i32
      %dma_wait3A_189 = arith.constant 0 : i32
      %dma_wait3A_190 = tpu.memref_slice %arg2[%dma_wait3A_187, %dma_wait3A_188, %dma_wait3A_189] : memref<2560x2x128xi32, #tpu.memory_space<hbm>> -> memref<1x2x128xi32, #tpu.memory_space<hbm>>
      %dma_wait3A_191 = tpu.memref_squeeze %dma_wait3A_190 : memref<1x2x128xi32, #tpu.memory_space<hbm>> -> memref<2x128xi32, #tpu.memory_space<hbm>>
      %dma_wait3A_192 = arith.constant 0 : i32
      %dma_wait3A_193 = arith.constant 0 : i32
      %dma_wait3A_194 = tpu.memref_slice %arg2[%dma_wait3A_187, %dma_wait3A_192, %dma_wait3A_193] : memref<2560x2x128xi32, #tpu.memory_space<hbm>> -> memref<1x2x128xi32, #tpu.memory_space<hbm>>
      %dma_wait3A_195 = tpu.memref_squeeze %dma_wait3A_194 : memref<1x2x128xi32, #tpu.memory_space<hbm>> -> memref<2x128xi32, #tpu.memory_space<hbm>>
      tpu.wait_dma2 semaphore(%arg18 : memref<!tpu.dma_semaphore, #tpu.memory_space<semaphore_mem>>) src(%dma_wait3A_195 : memref<2x128xi32, #tpu.memory_space<hbm>>) dst(%arg17 : memref<2x128xi32, #tpu.memory_space<vmem>>)
      %add3A_196 = arith.constant 1 : i32
      %add3A_197 = arith.addi %add3A_107, %add3A_196 : i32
      %add3A_198 = arith.constant 1 : i32
      %add3A_199 = arith.addi %add3A_197, %add3A_198 : i32
      %min3A_200 = arith.minsi %add3A_199, %sub3A_9 : i32
      %dma_start3A_201 = arith.constant 0 : i32
      %dma_start3A_202 = arith.constant 0 : i32
      %dma_start3A_203 = tpu.memref_slice %arg3[%min3A_200, %dma_start3A_201, %dma_start3A_202] : memref<2560x128x16xf32, #tpu.memory_space<hbm>> -> memref<1x128x16xf32, #tpu.memory_space<hbm>>
      %dma_start3A_204 = tpu.memref_squeeze %dma_start3A_203 : memref<1x128x16xf32, #tpu.memory_space<hbm>> -> memref<128x16xf32, #tpu.memory_space<hbm>>
      %dma_start3A_205 = arith.constant 0 : i32
      %dma_start3A_206 = arith.constant 0 : i32
      %dma_start3A_207 = tpu.memref_slice %arg3[%min3A_200, %dma_start3A_205, %dma_start3A_206] : memref<2560x128x16xf32, #tpu.memory_space<hbm>> -> memref<1x128x16xf32, #tpu.memory_space<hbm>>
      %dma_start3A_208 = tpu.memref_squeeze %dma_start3A_207 : memref<1x128x16xf32, #tpu.memory_space<hbm>> -> memref<128x16xf32, #tpu.memory_space<hbm>>
      tpu.enqueue_dma source(%dma_start3A_208 : memref<128x16xf32, #tpu.memory_space<hbm>>) target(%arg7 : memref<128x16xf32, #tpu.memory_space<vmem>>) target_semaphore(%arg9 : memref<!tpu.dma_semaphore, #tpu.memory_space<semaphore_mem>>)
      %dma_start3A_209 = arith.constant 0 : i32
      %dma_start3A_210 = arith.constant 0 : i32
      %dma_start3A_211 = tpu.memref_slice %arg17[%dma_start3A_209, %dma_start3A_210] : memref<2x128xi32, #tpu.memory_space<vmem>> -> memref<1x128xi32, #tpu.memory_space<vmem>>
      %dma_start3A_212 = tpu.memref_squeeze %dma_start3A_211 : memref<1x128xi32, #tpu.memory_space<vmem>> -> memref<128xi32, #tpu.memory_space<vmem>>
      %dma_start3A_213 = arith.constant 0 : i32
      %dma_start3A_214 = arith.constant 0 : i32
      %dma_start3A_215 = tpu.memref_slice %arg4[%dma_start3A_213, %dma_start3A_214] : memref<10240x128xf32, #tpu.memory_space<hbm>> -> memref<10240x128xf32, #tpu.memory_space<hbm>>
      tpu.enqueue_indirect_dma source(%dma_start3A_215 : memref<10240x128xf32, #tpu.memory_space<hbm>>) target(%arg8 : memref<128x128xf32, #tpu.memory_space<vmem>>) offsets(%dma_start3A_212 : memref<128xi32, #tpu.memory_space<vmem>>) semaphore(%arg9 : memref<!tpu.dma_semaphore, #tpu.memory_space<semaphore_mem>>)
      %add3A_216 = arith.constant 1 : i32
      %add3A_217 = arith.addi %add3A_107, %add3A_216 : i32
      %add3A_218 = arith.constant 3 : i32
      %add3A_219 = arith.addi %add3A_217, %add3A_218 : i32
      %min3A_220 = arith.minsi %add3A_219, %sub3A_9 : i32
      %dma_start3A_221 = arith.constant 0 : i32
      %dma_start3A_222 = arith.constant 0 : i32
      %dma_start3A_223 = tpu.memref_slice %arg2[%min3A_220, %dma_start3A_221, %dma_start3A_222] : memref<2560x2x128xi32, #tpu.memory_space<hbm>> -> memref<1x2x128xi32, #tpu.memory_space<hbm>>
      %dma_start3A_224 = tpu.memref_squeeze %dma_start3A_223 : memref<1x2x128xi32, #tpu.memory_space<hbm>> -> memref<2x128xi32, #tpu.memory_space<hbm>>
      %dma_start3A_225 = arith.constant 0 : i32
      %dma_start3A_226 = arith.constant 0 : i32
      %dma_start3A_227 = tpu.memref_slice %arg2[%min3A_220, %dma_start3A_225, %dma_start3A_226] : memref<2560x2x128xi32, #tpu.memory_space<hbm>> -> memref<1x2x128xi32, #tpu.memory_space<hbm>>
      %dma_start3A_228 = tpu.memref_squeeze %dma_start3A_227 : memref<1x2x128xi32, #tpu.memory_space<hbm>> -> memref<2x128xi32, #tpu.memory_space<hbm>>
      tpu.enqueue_dma source(%dma_start3A_228 : memref<2x128xi32, #tpu.memory_space<hbm>>) target(%arg13 : memref<2x128xi32, #tpu.memory_space<vmem>>) target_semaphore(%arg14 : memref<!tpu.dma_semaphore, #tpu.memory_space<semaphore_mem>>)
      %scan3A_229 = arith.constant 0 : i32
      %scan3A_230 = arith.constant 0 : i32
      %scan3A_231 = arith.constant 128 : i32
      %scan3A_232 = arith.addi %scan3A_230, %scan3A_231 : i32
      %scan3A_233 = arith.constant 1 : i32
      scf.for %scan3A_366 = %scan3A_230 to %scan3A_232 step %scan3A_233  : i32 {
        %get3A = arith.index_cast %scan3A_366 : i32 to index
        %get3A_367 = arith.constant 0 : index
        %get3A_368 = tpu.vector_load %arg10[%get3A, %get3A_367] {strides = array<i32>} : memref<128x16xf32, #tpu.memory_space<vmem>>, vector<1x16xf32>,
        %get3A_369 = vector.shape_cast %get3A_368 : vector<1x16xf32> to vector<16xf32>
        %slice3A = vector.extract_strided_slice %get3A_369 {offsets = [0], sizes = [1], strides = [1]} : vector<16xf32> to vector<1xf32>
        %squeeze3A = vector.extract %slice3A[0] : f32 from vector<1xf32>
        %get3A_370 = arith.index_cast %scan3A_366 : i32 to index
        %get3A_371 = arith.constant 0 : index
        %get3A_372 = tpu.vector_load %arg11[%get3A_370, %get3A_371] {strides = array<i32>} : memref<128x128xf32, #tpu.memory_space<vmem>>, vector<1x16xf32>,
        %get3A_373 = vector.shape_cast %get3A_372 : vector<1x16xf32> to vector<16xf32>
        %mul3A_374 = vector.broadcast %squeeze3A : f32 to vector<16xf32>
        %mul3A_375 = arith.mulf %get3A_373, %mul3A_374 : vector<16xf32>
        %swap3A = arith.index_cast %scan3A_366 : i32 to index
        %swap3A_376 = arith.constant 0 : index
        %swap3A_377 = tpu.vector_load %arg11[%swap3A, %swap3A_376] {strides = array<i32>} : memref<128x128xf32, #tpu.memory_space<vmem>>, vector<1x16xf32>,
        %swap3A_378 = vector.shape_cast %swap3A_377 : vector<1x16xf32> to vector<16xf32>
        %swap3A_379 = vector.shape_cast %mul3A_375 : vector<16xf32> to vector<1x16xf32>
        tpu.vector_store %arg11[%swap3A, %swap3A_376], %swap3A_379 {strides = array<i32>} : memref<128x128xf32, #tpu.memory_space<vmem>>, vector<1x16xf32>,
        %slice3A_380 = vector.extract_strided_slice %get3A_369 {offsets = [1], sizes = [1], strides = [1]} : vector<16xf32> to vector<1xf32>
        %squeeze3A_381 = vector.extract %slice3A_380[0] : f32 from vector<1xf32>
        %get3A_382 = arith.index_cast %scan3A_366 : i32 to index
        %get3A_383 = arith.constant 16 : index
        %get3A_384 = tpu.vector_load %arg11[%get3A_382, %get3A_383] {strides = array<i32>} : memref<128x128xf32, #tpu.memory_space<vmem>>, vector<1x16xf32>,
        %get3A_385 = vector.shape_cast %get3A_384 : vector<1x16xf32> to vector<16xf32>
        %mul3A_386 = vector.broadcast %squeeze3A_381 : f32 to vector<16xf32>
        %mul3A_387 = arith.mulf %get3A_385, %mul3A_386 : vector<16xf32>
        %swap3A_388 = arith.index_cast %scan3A_366 : i32 to index
        %swap3A_389 = arith.constant 16 : index
        %swap3A_390 = tpu.vector_load %arg11[%swap3A_388, %swap3A_389] {strides = array<i32>} : memref<128x128xf32, #tpu.memory_space<vmem>>, vector<1x16xf32>,
        %swap3A_391 = vector.shape_cast %swap3A_390 : vector<1x16xf32> to vector<16xf32>
        %swap3A_392 = vector.shape_cast %mul3A_387 : vector<16xf32> to vector<1x16xf32>
        tpu.vector_store %arg11[%swap3A_388, %swap3A_389], %swap3A_392 {strides = array<i32>} : memref<128x128xf32, #tpu.memory_space<vmem>>, vector<1x16xf32>,
        %slice3A_393 = vector.extract_strided_slice %get3A_369 {offsets = [2], sizes = [1], strides = [1]} : vector<16xf32> to vector<1xf32>
        %squeeze3A_394 = vector.extract %slice3A_393[0] : f32 from vector<1xf32>
        %get3A_395 = arith.index_cast %scan3A_366 : i32 to index
        %get3A_396 = arith.constant 32 : index
        %get3A_397 = tpu.vector_load %arg11[%get3A_395, %get3A_396] {strides = array<i32>} : memref<128x128xf32, #tpu.memory_space<vmem>>, vector<1x16xf32>,
        %get3A_398 = vector.shape_cast %get3A_397 : vector<1x16xf32> to vector<16xf32>
        %mul3A_399 = vector.broadcast %squeeze3A_394 : f32 to vector<16xf32>
        %mul3A_400 = arith.mulf %get3A_398, %mul3A_399 : vector<16xf32>
        %swap3A_401 = arith.index_cast %scan3A_366 : i32 to index
        %swap3A_402 = arith.constant 32 : index
        %swap3A_403 = tpu.vector_load %arg11[%swap3A_401, %swap3A_402] {strides = array<i32>} : memref<128x128xf32, #tpu.memory_space<vmem>>, vector<1x16xf32>,
        %swap3A_404 = vector.shape_cast %swap3A_403 : vector<1x16xf32> to vector<16xf32>
        %swap3A_405 = vector.shape_cast %mul3A_400 : vector<16xf32> to vector<1x16xf32>
        tpu.vector_store %arg11[%swap3A_401, %swap3A_402], %swap3A_405 {strides = array<i32>} : memref<128x128xf32, #tpu.memory_space<vmem>>, vector<1x16xf32>,
        %slice3A_406 = vector.extract_strided_slice %get3A_369 {offsets = [3], sizes = [1], strides = [1]} : vector<16xf32> to vector<1xf32>
        %squeeze3A_407 = vector.extract %slice3A_406[0] : f32 from vector<1xf32>
        %get3A_408 = arith.index_cast %scan3A_366 : i32 to index
        %get3A_409 = arith.constant 48 : index
        %get3A_410 = tpu.vector_load %arg11[%get3A_408, %get3A_409] {strides = array<i32>} : memref<128x128xf32, #tpu.memory_space<vmem>>, vector<1x16xf32>,
        %get3A_411 = vector.shape_cast %get3A_410 : vector<1x16xf32> to vector<16xf32>
        %mul3A_412 = vector.broadcast %squeeze3A_407 : f32 to vector<16xf32>
        %mul3A_413 = arith.mulf %get3A_411, %mul3A_412 : vector<16xf32>
        %swap3A_414 = arith.index_cast %scan3A_366 : i32 to index
        %swap3A_415 = arith.constant 48 : index
        %swap3A_416 = tpu.vector_load %arg11[%swap3A_414, %swap3A_415] {strides = array<i32>} : memref<128x128xf32, #tpu.memory_space<vmem>>, vector<1x16xf32>,
        %swap3A_417 = vector.shape_cast %swap3A_416 : vector<1x16xf32> to vector<16xf32>
        %swap3A_418 = vector.shape_cast %mul3A_413 : vector<16xf32> to vector<1x16xf32>
        tpu.vector_store %arg11[%swap3A_414, %swap3A_415], %swap3A_418 {strides = array<i32>} : memref<128x128xf32, #tpu.memory_space<vmem>>, vector<1x16xf32>,
        %slice3A_419 = vector.extract_strided_slice %get3A_369 {offsets = [4], sizes = [1], strides = [1]} : vector<16xf32> to vector<1xf32>
        %squeeze3A_420 = vector.extract %slice3A_419[0] : f32 from vector<1xf32>
        %get3A_421 = arith.index_cast %scan3A_366 : i32 to index
        %get3A_422 = arith.constant 64 : index
        %get3A_423 = tpu.vector_load %arg11[%get3A_421, %get3A_422] {strides = array<i32>} : memref<128x128xf32, #tpu.memory_space<vmem>>, vector<1x16xf32>,
        %get3A_424 = vector.shape_cast %get3A_423 : vector<1x16xf32> to vector<16xf32>
        %mul3A_425 = vector.broadcast %squeeze3A_420 : f32 to vector<16xf32>
        %mul3A_426 = arith.mulf %get3A_424, %mul3A_425 : vector<16xf32>
        %swap3A_427 = arith.index_cast %scan3A_366 : i32 to index
        %swap3A_428 = arith.constant 64 : index
        %swap3A_429 = tpu.vector_load %arg11[%swap3A_427, %swap3A_428] {strides = array<i32>} : memref<128x128xf32, #tpu.memory_space<vmem>>, vector<1x16xf32>,
        %swap3A_430 = vector.shape_cast %swap3A_429 : vector<1x16xf32> to vector<16xf32>
        %swap3A_431 = vector.shape_cast %mul3A_426 : vector<16xf32> to vector<1x16xf32>
        tpu.vector_store %arg11[%swap3A_427, %swap3A_428], %swap3A_431 {strides = array<i32>} : memref<128x128xf32, #tpu.memory_space<vmem>>, vector<1x16xf32>,
        %slice3A_432 = vector.extract_strided_slice %get3A_369 {offsets = [5], sizes = [1], strides = [1]} : vector<16xf32> to vector<1xf32>
        %squeeze3A_433 = vector.extract %slice3A_432[0] : f32 from vector<1xf32>
        %get3A_434 = arith.index_cast %scan3A_366 : i32 to index
        %get3A_435 = arith.constant 80 : index
        %get3A_436 = tpu.vector_load %arg11[%get3A_434, %get3A_435] {strides = array<i32>} : memref<128x128xf32, #tpu.memory_space<vmem>>, vector<1x16xf32>,
        %get3A_437 = vector.shape_cast %get3A_436 : vector<1x16xf32> to vector<16xf32>
        %mul3A_438 = vector.broadcast %squeeze3A_433 : f32 to vector<16xf32>
        %mul3A_439 = arith.mulf %get3A_437, %mul3A_438 : vector<16xf32>
        %swap3A_440 = arith.index_cast %scan3A_366 : i32 to index
        %swap3A_441 = arith.constant 80 : index
        %swap3A_442 = tpu.vector_load %arg11[%swap3A_440, %swap3A_441] {strides = array<i32>} : memref<128x128xf32, #tpu.memory_space<vmem>>, vector<1x16xf32>,
        %swap3A_443 = vector.shape_cast %swap3A_442 : vector<1x16xf32> to vector<16xf32>
        %swap3A_444 = vector.shape_cast %mul3A_439 : vector<16xf32> to vector<1x16xf32>
        tpu.vector_store %arg11[%swap3A_440, %swap3A_441], %swap3A_444 {strides = array<i32>} : memref<128x128xf32, #tpu.memory_space<vmem>>, vector<1x16xf32>,
        %slice3A_445 = vector.extract_strided_slice %get3A_369 {offsets = [6], sizes = [1], strides = [1]} : vector<16xf32> to vector<1xf32>
        %squeeze3A_446 = vector.extract %slice3A_445[0] : f32 from vector<1xf32>
        %get3A_447 = arith.index_cast %scan3A_366 : i32 to index
        %get3A_448 = arith.constant 96 : index
        %get3A_449 = tpu.vector_load %arg11[%get3A_447, %get3A_448] {strides = array<i32>} : memref<128x128xf32, #tpu.memory_space<vmem>>, vector<1x16xf32>,
        %get3A_450 = vector.shape_cast %get3A_449 : vector<1x16xf32> to vector<16xf32>
        %mul3A_451 = vector.broadcast %squeeze3A_446 : f32 to vector<16xf32>
        %mul3A_452 = arith.mulf %get3A_450, %mul3A_451 : vector<16xf32>
        %swap3A_453 = arith.index_cast %scan3A_366 : i32 to index
        %swap3A_454 = arith.constant 96 : index
        %swap3A_455 = tpu.vector_load %arg11[%swap3A_453, %swap3A_454] {strides = array<i32>} : memref<128x128xf32, #tpu.memory_space<vmem>>, vector<1x16xf32>,
        %swap3A_456 = vector.shape_cast %swap3A_455 : vector<1x16xf32> to vector<16xf32>
        %swap3A_457 = vector.shape_cast %mul3A_452 : vector<16xf32> to vector<1x16xf32>
        tpu.vector_store %arg11[%swap3A_453, %swap3A_454], %swap3A_457 {strides = array<i32>} : memref<128x128xf32, #tpu.memory_space<vmem>>, vector<1x16xf32>,
        %slice3A_458 = vector.extract_strided_slice %get3A_369 {offsets = [7], sizes = [1], strides = [1]} : vector<16xf32> to vector<1xf32>
        %squeeze3A_459 = vector.extract %slice3A_458[0] : f32 from vector<1xf32>
        %get3A_460 = arith.index_cast %scan3A_366 : i32 to index
        %get3A_461 = arith.constant 112 : index
        %get3A_462 = tpu.vector_load %arg11[%get3A_460, %get3A_461] {strides = array<i32>} : memref<128x128xf32, #tpu.memory_space<vmem>>, vector<1x16xf32>,
        %get3A_463 = vector.shape_cast %get3A_462 : vector<1x16xf32> to vector<16xf32>
        %mul3A_464 = vector.broadcast %squeeze3A_459 : f32 to vector<16xf32>
        %mul3A_465 = arith.mulf %get3A_463, %mul3A_464 : vector<16xf32>
        %swap3A_466 = arith.index_cast %scan3A_366 : i32 to index
        %swap3A_467 = arith.constant 112 : index
        %swap3A_468 = tpu.vector_load %arg11[%swap3A_466, %swap3A_467] {strides = array<i32>} : memref<128x128xf32, #tpu.memory_space<vmem>>, vector<1x16xf32>,
        %swap3A_469 = vector.shape_cast %swap3A_468 : vector<1x16xf32> to vector<16xf32>
        %swap3A_470 = vector.shape_cast %mul3A_465 : vector<16xf32> to vector<1x16xf32>
        tpu.vector_store %arg11[%swap3A_466, %swap3A_467], %swap3A_470 {strides = array<i32>} : memref<128x128xf32, #tpu.memory_space<vmem>>, vector<1x16xf32>,
      }
      %scan3A_234 = arith.constant 128 : i32
      %run_scoped3A_235 = arith.constant 1 : i32
      "tpu.region"() ({
        %run_scoped3A_366 = tpu.sem_alloc : memref<!tpu.dma_semaphore, #tpu.memory_space<semaphore_mem>>
        %dma_start3A_367 = arith.constant 0 : i32
        %dma_start3A_368 = tpu.memref_slice %arg15[%run_scoped3A_235, %dma_start3A_367] : memref<2x128xi32, #tpu.memory_space<vmem>> -> memref<1x128xi32, #tpu.memory_space<vmem>>
        %dma_start3A_369 = tpu.memref_squeeze %dma_start3A_368 : memref<1x128xi32, #tpu.memory_space<vmem>> -> memref<128xi32, #tpu.memory_space<vmem>>
        %dma_start3A_370 = arith.constant 0 : i32
        %dma_start3A_371 = arith.constant 0 : i32
        %dma_start3A_372 = tpu.memref_slice %arg21[%dma_start3A_370, %dma_start3A_371] : memref<10240x128xf32, #tpu.memory_space<vmem_shared>> -> memref<10240x128xf32, #tpu.memory_space<vmem_shared>>
        tpu.enqueue_indirect_dma source(%arg11 : memref<128x128xf32, #tpu.memory_space<vmem>>) target(%dma_start3A_372 : memref<10240x128xf32, #tpu.memory_space<vmem_shared>>) offsets(%dma_start3A_369 : memref<128xi32, #tpu.memory_space<vmem>>) semaphore(%run_scoped3A_366 : memref<!tpu.dma_semaphore, #tpu.memory_space<semaphore_mem>>) {add = true}
        %dma_wait3A_373 = arith.constant 0 : i32
        %dma_wait3A_374 = tpu.memref_slice %arg15[%run_scoped3A_235, %dma_wait3A_373] : memref<2x128xi32, #tpu.memory_space<vmem>> -> memref<1x128xi32, #tpu.memory_space<vmem>>
        %dma_wait3A_375 = tpu.memref_squeeze %dma_wait3A_374 : memref<1x128xi32, #tpu.memory_space<vmem>> -> memref<128xi32, #tpu.memory_space<vmem>>
        %dma_wait3A_376 = arith.constant 0 : i32
        %dma_wait3A_377 = arith.constant 0 : i32
        %dma_wait3A_378 = tpu.memref_slice %arg21[%dma_wait3A_376, %dma_wait3A_377] : memref<10240x128xf32, #tpu.memory_space<vmem_shared>> -> memref<10240x128xf32, #tpu.memory_space<vmem_shared>>
        tpu.wait_indirect_dma semaphore(%run_scoped3A_366 : memref<!tpu.dma_semaphore, #tpu.memory_space<semaphore_mem>>) src(%arg11 : memref<128x128xf32, #tpu.memory_space<vmem>>) dst(%dma_wait3A_378 : memref<10240x128xf32, #tpu.memory_space<vmem_shared>>)
        tpu.yield
      }) : () -> ()
      %dma_wait3A_236 = arith.constant 0 : i32
      %dma_wait3A_237 = arith.constant 0 : i32
      %dma_wait3A_238 = arith.constant 0 : i32
      %dma_wait3A_239 = tpu.memref_slice %arg3[%dma_wait3A_236, %dma_wait3A_237, %dma_wait3A_238] : memref<2560x128x16xf32, #tpu.memory_space<hbm>> -> memref<1x128x16xf32, #tpu.memory_space<hbm>>
      %dma_wait3A_240 = tpu.memref_squeeze %dma_wait3A_239 : memref<1x128x16xf32, #tpu.memory_space<hbm>> -> memref<128x16xf32, #tpu.memory_space<hbm>>
      %dma_wait3A_241 = arith.constant 0 : i32
      %dma_wait3A_242 = arith.constant 0 : i32
      %dma_wait3A_243 = tpu.memref_slice %arg3[%dma_wait3A_236, %dma_wait3A_241, %dma_wait3A_242] : memref<2560x128x16xf32, #tpu.memory_space<hbm>> -> memref<1x128x16xf32, #tpu.memory_space<hbm>>
      %dma_wait3A_244 = tpu.memref_squeeze %dma_wait3A_243 : memref<1x128x16xf32, #tpu.memory_space<hbm>> -> memref<128x16xf32, #tpu.memory_space<hbm>>
      tpu.wait_dma2 semaphore(%arg9 : memref<!tpu.dma_semaphore, #tpu.memory_space<semaphore_mem>>) src(%dma_wait3A_244 : memref<128x16xf32, #tpu.memory_space<hbm>>) dst(%arg7 : memref<128x16xf32, #tpu.memory_space<vmem>>)
      %dma_wait3A_245 = arith.constant 0 : i32
      %dma_wait3A_246 = arith.constant 0 : i32
      %dma_wait3A_247 = tpu.memref_slice %arg17[%dma_wait3A_245, %dma_wait3A_246] : memref<2x128xi32, #tpu.memory_space<vmem>> -> memref<1x128xi32, #tpu.memory_space<vmem>>
      %dma_wait3A_248 = tpu.memref_squeeze %dma_wait3A_247 : memref<1x128xi32, #tpu.memory_space<vmem>> -> memref<128xi32, #tpu.memory_space<vmem>>
      %dma_wait3A_249 = arith.constant 0 : i32
      %dma_wait3A_250 = arith.constant 0 : i32
      %dma_wait3A_251 = tpu.memref_slice %arg4[%dma_wait3A_249, %dma_wait3A_250] : memref<10240x128xf32, #tpu.memory_space<hbm>> -> memref<10240x128xf32, #tpu.memory_space<hbm>>
      tpu.wait_indirect_dma semaphore(%arg9 : memref<!tpu.dma_semaphore, #tpu.memory_space<semaphore_mem>>) src(%dma_wait3A_251 : memref<10240x128xf32, #tpu.memory_space<hbm>>) dst(%arg8 : memref<128x128xf32, #tpu.memory_space<vmem>>)
      %dma_wait3A_252 = arith.constant 0 : i32
      %dma_wait3A_253 = arith.constant 0 : i32
      %dma_wait3A_254 = arith.constant 0 : i32
      %dma_wait3A_255 = tpu.memref_slice %arg2[%dma_wait3A_252, %dma_wait3A_253, %dma_wait3A_254] : memref<2560x2x128xi32, #tpu.memory_space<hbm>> -> memref<1x2x128xi32, #tpu.memory_space<hbm>>
      %dma_wait3A_256 = tpu.memref_squeeze %dma_wait3A_255 : memref<1x2x128xi32, #tpu.memory_space<hbm>> -> memref<2x128xi32, #tpu.memory_space<hbm>>
      %dma_wait3A_257 = arith.constant 0 : i32
      %dma_wait3A_258 = arith.constant 0 : i32
      %dma_wait3A_259 = tpu.memref_slice %arg2[%dma_wait3A_252, %dma_wait3A_257, %dma_wait3A_258] : memref<2560x2x128xi32, #tpu.memory_space<hbm>> -> memref<1x2x128xi32, #tpu.memory_space<hbm>>
      %dma_wait3A_260 = tpu.memref_squeeze %dma_wait3A_259 : memref<1x2x128xi32, #tpu.memory_space<hbm>> -> memref<2x128xi32, #tpu.memory_space<hbm>>
      tpu.wait_dma2 semaphore(%arg20 : memref<!tpu.dma_semaphore, #tpu.memory_space<semaphore_mem>>) src(%dma_wait3A_260 : memref<2x128xi32, #tpu.memory_space<hbm>>) dst(%arg19 : memref<2x128xi32, #tpu.memory_space<vmem>>)
      %add3A_261 = arith.constant 2 : i32
      %add3A_262 = arith.addi %add3A_107, %add3A_261 : i32
      %add3A_263 = arith.constant 1 : i32
      %add3A_264 = arith.addi %add3A_262, %add3A_263 : i32
      %min3A_265 = arith.minsi %add3A_264, %sub3A_9 : i32
      %dma_start3A_266 = arith.constant 0 : i32
      %dma_start3A_267 = arith.constant 0 : i32
      %dma_start3A_268 = tpu.memref_slice %arg3[%min3A_265, %dma_start3A_266, %dma_start3A_267] : memref<2560x128x16xf32, #tpu.memory_space<hbm>> -> memref<1x128x16xf32, #tpu.memory_space<hbm>>
      %dma_start3A_269 = tpu.memref_squeeze %dma_start3A_268 : memref<1x128x16xf32, #tpu.memory_space<hbm>> -> memref<128x16xf32, #tpu.memory_space<hbm>>
      %dma_start3A_270 = arith.constant 0 : i32
      %dma_start3A_271 = arith.constant 0 : i32
      %dma_start3A_272 = tpu.memref_slice %arg3[%min3A_265, %dma_start3A_270, %dma_start3A_271] : memref<2560x128x16xf32, #tpu.memory_space<hbm>> -> memref<1x128x16xf32, #tpu.memory_space<hbm>>
      %dma_start3A_273 = tpu.memref_squeeze %dma_start3A_272 : memref<1x128x16xf32, #tpu.memory_space<hbm>> -> memref<128x16xf32, #tpu.memory_space<hbm>>
      tpu.enqueue_dma source(%dma_start3A_273 : memref<128x16xf32, #tpu.memory_space<hbm>>) target(%arg10 : memref<128x16xf32, #tpu.memory_space<vmem>>) target_semaphore(%arg12 : memref<!tpu.dma_semaphore, #tpu.memory_space<semaphore_mem>>)
      %dma_start3A_274 = arith.constant 0 : i32
      %dma_start3A_275 = arith.constant 0 : i32
      %dma_start3A_276 = tpu.memref_slice %arg19[%dma_start3A_274, %dma_start3A_275] : memref<2x128xi32, #tpu.memory_space<vmem>> -> memref<1x128xi32, #tpu.memory_space<vmem>>
      %dma_start3A_277 = tpu.memref_squeeze %dma_start3A_276 : memref<1x128xi32, #tpu.memory_space<vmem>> -> memref<128xi32, #tpu.memory_space<vmem>>
      %dma_start3A_278 = arith.constant 0 : i32
      %dma_start3A_279 = arith.constant 0 : i32
      %dma_start3A_280 = tpu.memref_slice %arg4[%dma_start3A_278, %dma_start3A_279] : memref<10240x128xf32, #tpu.memory_space<hbm>> -> memref<10240x128xf32, #tpu.memory_space<hbm>>
      tpu.enqueue_indirect_dma source(%dma_start3A_280 : memref<10240x128xf32, #tpu.memory_space<hbm>>) target(%arg11 : memref<128x128xf32, #tpu.memory_space<vmem>>) offsets(%dma_start3A_277 : memref<128xi32, #tpu.memory_space<vmem>>) semaphore(%arg12 : memref<!tpu.dma_semaphore, #tpu.memory_space<semaphore_mem>>)
      %add3A_281 = arith.constant 2 : i32
      %add3A_282 = arith.addi %add3A_107, %add3A_281 : i32
      %add3A_283 = arith.constant 3 : i32
      %add3A_284 = arith.addi %add3A_282, %add3A_283 : i32
      %min3A_285 = arith.minsi %add3A_284, %sub3A_9 : i32
      %dma_start3A_286 = arith.constant 0 : i32
      %dma_start3A_287 = arith.constant 0 : i32
      %dma_start3A_288 = tpu.memref_slice %arg2[%min3A_285, %dma_start3A_286, %dma_start3A_287] : memref<2560x2x128xi32, #tpu.memory_space<hbm>> -> memref<1x2x128xi32, #tpu.memory_space<hbm>>
      %dma_start3A_289 = tpu.memref_squeeze %dma_start3A_288 : memref<1x2x128xi32, #tpu.memory_space<hbm>> -> memref<2x128xi32, #tpu.memory_space<hbm>>
      %dma_start3A_290 = arith.constant 0 : i32
      %dma_start3A_291 = arith.constant 0 : i32
      %dma_start3A_292 = tpu.memref_slice %arg2[%min3A_285, %dma_start3A_290, %dma_start3A_291] : memref<2560x2x128xi32, #tpu.memory_space<hbm>> -> memref<1x2x128xi32, #tpu.memory_space<hbm>>
      %dma_start3A_293 = tpu.memref_squeeze %dma_start3A_292 : memref<1x2x128xi32, #tpu.memory_space<hbm>> -> memref<2x128xi32, #tpu.memory_space<hbm>>
      tpu.enqueue_dma source(%dma_start3A_293 : memref<2x128xi32, #tpu.memory_space<hbm>>) target(%arg15 : memref<2x128xi32, #tpu.memory_space<vmem>>) target_semaphore(%arg16 : memref<!tpu.dma_semaphore, #tpu.memory_space<semaphore_mem>>)
      %scan3A_294 = arith.constant 0 : i32
      %scan3A_295 = arith.constant 0 : i32
      %scan3A_296 = arith.constant 128 : i32
      %scan3A_297 = arith.addi %scan3A_295, %scan3A_296 : i32
      %scan3A_298 = arith.constant 1 : i32
      scf.for %scan3A_366 = %scan3A_295 to %scan3A_297 step %scan3A_298  : i32 {
        %get3A = arith.index_cast %scan3A_366 : i32 to index
        %get3A_367 = arith.constant 0 : index
        %get3A_368 = tpu.vector_load %arg7[%get3A, %get3A_367] {strides = array<i32>} : memref<128x16xf32, #tpu.memory_space<vmem>>, vector<1x16xf32>,
        %get3A_369 = vector.shape_cast %get3A_368 : vector<1x16xf32> to vector<16xf32>
        %slice3A = vector.extract_strided_slice %get3A_369 {offsets = [0], sizes = [1], strides = [1]} : vector<16xf32> to vector<1xf32>
        %squeeze3A = vector.extract %slice3A[0] : f32 from vector<1xf32>
        %get3A_370 = arith.index_cast %scan3A_366 : i32 to index
        %get3A_371 = arith.constant 0 : index
        %get3A_372 = tpu.vector_load %arg8[%get3A_370, %get3A_371] {strides = array<i32>} : memref<128x128xf32, #tpu.memory_space<vmem>>, vector<1x16xf32>,
        %get3A_373 = vector.shape_cast %get3A_372 : vector<1x16xf32> to vector<16xf32>
        %mul3A_374 = vector.broadcast %squeeze3A : f32 to vector<16xf32>
        %mul3A_375 = arith.mulf %get3A_373, %mul3A_374 : vector<16xf32>
        %swap3A = arith.index_cast %scan3A_366 : i32 to index
        %swap3A_376 = arith.constant 0 : index
        %swap3A_377 = tpu.vector_load %arg8[%swap3A, %swap3A_376] {strides = array<i32>} : memref<128x128xf32, #tpu.memory_space<vmem>>, vector<1x16xf32>,
        %swap3A_378 = vector.shape_cast %swap3A_377 : vector<1x16xf32> to vector<16xf32>
        %swap3A_379 = vector.shape_cast %mul3A_375 : vector<16xf32> to vector<1x16xf32>
        tpu.vector_store %arg8[%swap3A, %swap3A_376], %swap3A_379 {strides = array<i32>} : memref<128x128xf32, #tpu.memory_space<vmem>>, vector<1x16xf32>,
        %slice3A_380 = vector.extract_strided_slice %get3A_369 {offsets = [1], sizes = [1], strides = [1]} : vector<16xf32> to vector<1xf32>
        %squeeze3A_381 = vector.extract %slice3A_380[0] : f32 from vector<1xf32>
        %get3A_382 = arith.index_cast %scan3A_366 : i32 to index
        %get3A_383 = arith.constant 16 : index
        %get3A_384 = tpu.vector_load %arg8[%get3A_382, %get3A_383] {strides = array<i32>} : memref<128x128xf32, #tpu.memory_space<vmem>>, vector<1x16xf32>,
        %get3A_385 = vector.shape_cast %get3A_384 : vector<1x16xf32> to vector<16xf32>
        %mul3A_386 = vector.broadcast %squeeze3A_381 : f32 to vector<16xf32>
        %mul3A_387 = arith.mulf %get3A_385, %mul3A_386 : vector<16xf32>
        %swap3A_388 = arith.index_cast %scan3A_366 : i32 to index
        %swap3A_389 = arith.constant 16 : index
        %swap3A_390 = tpu.vector_load %arg8[%swap3A_388, %swap3A_389] {strides = array<i32>} : memref<128x128xf32, #tpu.memory_space<vmem>>, vector<1x16xf32>,
        %swap3A_391 = vector.shape_cast %swap3A_390 : vector<1x16xf32> to vector<16xf32>
        %swap3A_392 = vector.shape_cast %mul3A_387 : vector<16xf32> to vector<1x16xf32>
        tpu.vector_store %arg8[%swap3A_388, %swap3A_389], %swap3A_392 {strides = array<i32>} : memref<128x128xf32, #tpu.memory_space<vmem>>, vector<1x16xf32>,
        %slice3A_393 = vector.extract_strided_slice %get3A_369 {offsets = [2], sizes = [1], strides = [1]} : vector<16xf32> to vector<1xf32>
        %squeeze3A_394 = vector.extract %slice3A_393[0] : f32 from vector<1xf32>
        %get3A_395 = arith.index_cast %scan3A_366 : i32 to index
        %get3A_396 = arith.constant 32 : index
        %get3A_397 = tpu.vector_load %arg8[%get3A_395, %get3A_396] {strides = array<i32>} : memref<128x128xf32, #tpu.memory_space<vmem>>, vector<1x16xf32>,
        %get3A_398 = vector.shape_cast %get3A_397 : vector<1x16xf32> to vector<16xf32>
        %mul3A_399 = vector.broadcast %squeeze3A_394 : f32 to vector<16xf32>
        %mul3A_400 = arith.mulf %get3A_398, %mul3A_399 : vector<16xf32>
        %swap3A_401 = arith.index_cast %scan3A_366 : i32 to index
        %swap3A_402 = arith.constant 32 : index
        %swap3A_403 = tpu.vector_load %arg8[%swap3A_401, %swap3A_402] {strides = array<i32>} : memref<128x128xf32, #tpu.memory_space<vmem>>, vector<1x16xf32>,
        %swap3A_404 = vector.shape_cast %swap3A_403 : vector<1x16xf32> to vector<16xf32>
        %swap3A_405 = vector.shape_cast %mul3A_400 : vector<16xf32> to vector<1x16xf32>
        tpu.vector_store %arg8[%swap3A_401, %swap3A_402], %swap3A_405 {strides = array<i32>} : memref<128x128xf32, #tpu.memory_space<vmem>>, vector<1x16xf32>,
        %slice3A_406 = vector.extract_strided_slice %get3A_369 {offsets = [3], sizes = [1], strides = [1]} : vector<16xf32> to vector<1xf32>
        %squeeze3A_407 = vector.extract %slice3A_406[0] : f32 from vector<1xf32>
        %get3A_408 = arith.index_cast %scan3A_366 : i32 to index
        %get3A_409 = arith.constant 48 : index
        %get3A_410 = tpu.vector_load %arg8[%get3A_408, %get3A_409] {strides = array<i32>} : memref<128x128xf32, #tpu.memory_space<vmem>>, vector<1x16xf32>,
        %get3A_411 = vector.shape_cast %get3A_410 : vector<1x16xf32> to vector<16xf32>
        %mul3A_412 = vector.broadcast %squeeze3A_407 : f32 to vector<16xf32>
        %mul3A_413 = arith.mulf %get3A_411, %mul3A_412 : vector<16xf32>
        %swap3A_414 = arith.index_cast %scan3A_366 : i32 to index
        %swap3A_415 = arith.constant 48 : index
        %swap3A_416 = tpu.vector_load %arg8[%swap3A_414, %swap3A_415] {strides = array<i32>} : memref<128x128xf32, #tpu.memory_space<vmem>>, vector<1x16xf32>,
        %swap3A_417 = vector.shape_cast %swap3A_416 : vector<1x16xf32> to vector<16xf32>
        %swap3A_418 = vector.shape_cast %mul3A_413 : vector<16xf32> to vector<1x16xf32>
        tpu.vector_store %arg8[%swap3A_414, %swap3A_415], %swap3A_418 {strides = array<i32>} : memref<128x128xf32, #tpu.memory_space<vmem>>, vector<1x16xf32>,
        %slice3A_419 = vector.extract_strided_slice %get3A_369 {offsets = [4], sizes = [1], strides = [1]} : vector<16xf32> to vector<1xf32>
        %squeeze3A_420 = vector.extract %slice3A_419[0] : f32 from vector<1xf32>
        %get3A_421 = arith.index_cast %scan3A_366 : i32 to index
        %get3A_422 = arith.constant 64 : index
        %get3A_423 = tpu.vector_load %arg8[%get3A_421, %get3A_422] {strides = array<i32>} : memref<128x128xf32, #tpu.memory_space<vmem>>, vector<1x16xf32>,
        %get3A_424 = vector.shape_cast %get3A_423 : vector<1x16xf32> to vector<16xf32>
        %mul3A_425 = vector.broadcast %squeeze3A_420 : f32 to vector<16xf32>
        %mul3A_426 = arith.mulf %get3A_424, %mul3A_425 : vector<16xf32>
        %swap3A_427 = arith.index_cast %scan3A_366 : i32 to index
        %swap3A_428 = arith.constant 64 : index
        %swap3A_429 = tpu.vector_load %arg8[%swap3A_427, %swap3A_428] {strides = array<i32>} : memref<128x128xf32, #tpu.memory_space<vmem>>, vector<1x16xf32>,
        %swap3A_430 = vector.shape_cast %swap3A_429 : vector<1x16xf32> to vector<16xf32>
        %swap3A_431 = vector.shape_cast %mul3A_426 : vector<16xf32> to vector<1x16xf32>
        tpu.vector_store %arg8[%swap3A_427, %swap3A_428], %swap3A_431 {strides = array<i32>} : memref<128x128xf32, #tpu.memory_space<vmem>>, vector<1x16xf32>,
        %slice3A_432 = vector.extract_strided_slice %get3A_369 {offsets = [5], sizes = [1], strides = [1]} : vector<16xf32> to vector<1xf32>
        %squeeze3A_433 = vector.extract %slice3A_432[0] : f32 from vector<1xf32>
        %get3A_434 = arith.index_cast %scan3A_366 : i32 to index
        %get3A_435 = arith.constant 80 : index
        %get3A_436 = tpu.vector_load %arg8[%get3A_434, %get3A_435] {strides = array<i32>} : memref<128x128xf32, #tpu.memory_space<vmem>>, vector<1x16xf32>,
        %get3A_437 = vector.shape_cast %get3A_436 : vector<1x16xf32> to vector<16xf32>
        %mul3A_438 = vector.broadcast %squeeze3A_433 : f32 to vector<16xf32>
        %mul3A_439 = arith.mulf %get3A_437, %mul3A_438 : vector<16xf32>
        %swap3A_440 = arith.index_cast %scan3A_366 : i32 to index
        %swap3A_441 = arith.constant 80 : index
        %swap3A_442 = tpu.vector_load %arg8[%swap3A_440, %swap3A_441] {strides = array<i32>} : memref<128x128xf32, #tpu.memory_space<vmem>>, vector<1x16xf32>,
        %swap3A_443 = vector.shape_cast %swap3A_442 : vector<1x16xf32> to vector<16xf32>
        %swap3A_444 = vector.shape_cast %mul3A_439 : vector<16xf32> to vector<1x16xf32>
        tpu.vector_store %arg8[%swap3A_440, %swap3A_441], %swap3A_444 {strides = array<i32>} : memref<128x128xf32, #tpu.memory_space<vmem>>, vector<1x16xf32>,
        %slice3A_445 = vector.extract_strided_slice %get3A_369 {offsets = [6], sizes = [1], strides = [1]} : vector<16xf32> to vector<1xf32>
        %squeeze3A_446 = vector.extract %slice3A_445[0] : f32 from vector<1xf32>
        %get3A_447 = arith.index_cast %scan3A_366 : i32 to index
        %get3A_448 = arith.constant 96 : index
        %get3A_449 = tpu.vector_load %arg8[%get3A_447, %get3A_448] {strides = array<i32>} : memref<128x128xf32, #tpu.memory_space<vmem>>, vector<1x16xf32>,
        %get3A_450 = vector.shape_cast %get3A_449 : vector<1x16xf32> to vector<16xf32>
        %mul3A_451 = vector.broadcast %squeeze3A_446 : f32 to vector<16xf32>
        %mul3A_452 = arith.mulf %get3A_450, %mul3A_451 : vector<16xf32>
        %swap3A_453 = arith.index_cast %scan3A_366 : i32 to index
        %swap3A_454 = arith.constant 96 : index
        %swap3A_455 = tpu.vector_load %arg8[%swap3A_453, %swap3A_454] {strides = array<i32>} : memref<128x128xf32, #tpu.memory_space<vmem>>, vector<1x16xf32>,
        %swap3A_456 = vector.shape_cast %swap3A_455 : vector<1x16xf32> to vector<16xf32>
        %swap3A_457 = vector.shape_cast %mul3A_452 : vector<16xf32> to vector<1x16xf32>
        tpu.vector_store %arg8[%swap3A_453, %swap3A_454], %swap3A_457 {strides = array<i32>} : memref<128x128xf32, #tpu.memory_space<vmem>>, vector<1x16xf32>,
        %slice3A_458 = vector.extract_strided_slice %get3A_369 {offsets = [7], sizes = [1], strides = [1]} : vector<16xf32> to vector<1xf32>
        %squeeze3A_459 = vector.extract %slice3A_458[0] : f32 from vector<1xf32>
        %get3A_460 = arith.index_cast %scan3A_366 : i32 to index
        %get3A_461 = arith.constant 112 : index
        %get3A_462 = tpu.vector_load %arg8[%get3A_460, %get3A_461] {strides = array<i32>} : memref<128x128xf32, #tpu.memory_space<vmem>>, vector<1x16xf32>,
        %get3A_463 = vector.shape_cast %get3A_462 : vector<1x16xf32> to vector<16xf32>
        %mul3A_464 = vector.broadcast %squeeze3A_459 : f32 to vector<16xf32>
        %mul3A_465 = arith.mulf %get3A_463, %mul3A_464 : vector<16xf32>
        %swap3A_466 = arith.index_cast %scan3A_366 : i32 to index
        %swap3A_467 = arith.constant 112 : index
        %swap3A_468 = tpu.vector_load %arg8[%swap3A_466, %swap3A_467] {strides = array<i32>} : memref<128x128xf32, #tpu.memory_space<vmem>>, vector<1x16xf32>,
        %swap3A_469 = vector.shape_cast %swap3A_468 : vector<1x16xf32> to vector<16xf32>
        %swap3A_470 = vector.shape_cast %mul3A_465 : vector<16xf32> to vector<1x16xf32>
        tpu.vector_store %arg8[%swap3A_466, %swap3A_467], %swap3A_470 {strides = array<i32>} : memref<128x128xf32, #tpu.memory_space<vmem>>, vector<1x16xf32>,
      }
      %scan3A_299 = arith.constant 128 : i32
      %run_scoped3A_300 = arith.constant 1 : i32
      "tpu.region"() ({
        %run_scoped3A_366 = tpu.sem_alloc : memref<!tpu.dma_semaphore, #tpu.memory_space<semaphore_mem>>
        %dma_start3A_367 = arith.constant 0 : i32
        %dma_start3A_368 = tpu.memref_slice %arg17[%run_scoped3A_300, %dma_start3A_367] : memref<2x128xi32, #tpu.memory_space<vmem>> -> memref<1x128xi32, #tpu.memory_space<vmem>>
        %dma_start3A_369 = tpu.memref_squeeze %dma_start3A_368 : memref<1x128xi32, #tpu.memory_space<vmem>> -> memref<128xi32, #tpu.memory_space<vmem>>
        %dma_start3A_370 = arith.constant 0 : i32
        %dma_start3A_371 = arith.constant 0 : i32
        %dma_start3A_372 = tpu.memref_slice %arg21[%dma_start3A_370, %dma_start3A_371] : memref<10240x128xf32, #tpu.memory_space<vmem_shared>> -> memref<10240x128xf32, #tpu.memory_space<vmem_shared>>
        tpu.enqueue_indirect_dma source(%arg8 : memref<128x128xf32, #tpu.memory_space<vmem>>) target(%dma_start3A_372 : memref<10240x128xf32, #tpu.memory_space<vmem_shared>>) offsets(%dma_start3A_369 : memref<128xi32, #tpu.memory_space<vmem>>) semaphore(%run_scoped3A_366 : memref<!tpu.dma_semaphore, #tpu.memory_space<semaphore_mem>>) {add = true}
        %dma_wait3A_373 = arith.constant 0 : i32
        %dma_wait3A_374 = tpu.memref_slice %arg17[%run_scoped3A_300, %dma_wait3A_373] : memref<2x128xi32, #tpu.memory_space<vmem>> -> memref<1x128xi32, #tpu.memory_space<vmem>>
        %dma_wait3A_375 = tpu.memref_squeeze %dma_wait3A_374 : memref<1x128xi32, #tpu.memory_space<vmem>> -> memref<128xi32, #tpu.memory_space<vmem>>
        %dma_wait3A_376 = arith.constant 0 : i32
        %dma_wait3A_377 = arith.constant 0 : i32
        %dma_wait3A_378 = tpu.memref_slice %arg21[%dma_wait3A_376, %dma_wait3A_377] : memref<10240x128xf32, #tpu.memory_space<vmem_shared>> -> memref<10240x128xf32, #tpu.memory_space<vmem_shared>>
        tpu.wait_indirect_dma semaphore(%run_scoped3A_366 : memref<!tpu.dma_semaphore, #tpu.memory_space<semaphore_mem>>) src(%arg8 : memref<128x128xf32, #tpu.memory_space<vmem>>) dst(%dma_wait3A_378 : memref<10240x128xf32, #tpu.memory_space<vmem_shared>>)
        tpu.yield
      }) : () -> ()
      %dma_wait3A_301 = arith.constant 0 : i32
      %dma_wait3A_302 = arith.constant 0 : i32
      %dma_wait3A_303 = arith.constant 0 : i32
      %dma_wait3A_304 = tpu.memref_slice %arg3[%dma_wait3A_301, %dma_wait3A_302, %dma_wait3A_303] : memref<2560x128x16xf32, #tpu.memory_space<hbm>> -> memref<1x128x16xf32, #tpu.memory_space<hbm>>
      %dma_wait3A_305 = tpu.memref_squeeze %dma_wait3A_304 : memref<1x128x16xf32, #tpu.memory_space<hbm>> -> memref<128x16xf32, #tpu.memory_space<hbm>>
      %dma_wait3A_306 = arith.constant 0 : i32
      %dma_wait3A_307 = arith.constant 0 : i32
      %dma_wait3A_308 = tpu.memref_slice %arg3[%dma_wait3A_301, %dma_wait3A_306, %dma_wait3A_307] : memref<2560x128x16xf32, #tpu.memory_space<hbm>> -> memref<1x128x16xf32, #tpu.memory_space<hbm>>
      %dma_wait3A_309 = tpu.memref_squeeze %dma_wait3A_308 : memref<1x128x16xf32, #tpu.memory_space<hbm>> -> memref<128x16xf32, #tpu.memory_space<hbm>>
      tpu.wait_dma2 semaphore(%arg12 : memref<!tpu.dma_semaphore, #tpu.memory_space<semaphore_mem>>) src(%dma_wait3A_309 : memref<128x16xf32, #tpu.memory_space<hbm>>) dst(%arg10 : memref<128x16xf32, #tpu.memory_space<vmem>>)
      %dma_wait3A_310 = arith.constant 0 : i32
      %dma_wait3A_311 = arith.constant 0 : i32
      %dma_wait3A_312 = tpu.memref_slice %arg19[%dma_wait3A_310, %dma_wait3A_311] : memref<2x128xi32, #tpu.memory_space<vmem>> -> memref<1x128xi32, #tpu.memory_space<vmem>>
      %dma_wait3A_313 = tpu.memref_squeeze %dma_wait3A_312 : memref<1x128xi32, #tpu.memory_space<vmem>> -> memref<128xi32, #tpu.memory_space<vmem>>
      %dma_wait3A_314 = arith.constant 0 : i32
      %dma_wait3A_315 = arith.constant 0 : i32
      %dma_wait3A_316 = tpu.memref_slice %arg4[%dma_wait3A_314, %dma_wait3A_315] : memref<10240x128xf32, #tpu.memory_space<hbm>> -> memref<10240x128xf32, #tpu.memory_space<hbm>>
      tpu.wait_indirect_dma semaphore(%arg12 : memref<!tpu.dma_semaphore, #tpu.memory_space<semaphore_mem>>) src(%dma_wait3A_316 : memref<10240x128xf32, #tpu.memory_space<hbm>>) dst(%arg11 : memref<128x128xf32, #tpu.memory_space<vmem>>)
      %dma_wait3A_317 = arith.constant 0 : i32
      %dma_wait3A_318 = arith.constant 0 : i32
      %dma_wait3A_319 = arith.constant 0 : i32
      %dma_wait3A_320 = tpu.memref_slice %arg2[%dma_wait3A_317, %dma_wait3A_318, %dma_wait3A_319] : memref<2560x2x128xi32, #tpu.memory_space<hbm>> -> memref<1x2x128xi32, #tpu.memory_space<hbm>>
      %dma_wait3A_321 = tpu.memref_squeeze %dma_wait3A_320 : memref<1x2x128xi32, #tpu.memory_space<hbm>> -> memref<2x128xi32, #tpu.memory_space<hbm>>
      %dma_wait3A_322 = arith.constant 0 : i32
      %dma_wait3A_323 = arith.constant 0 : i32
      %dma_wait3A_324 = tpu.memref_slice %arg2[%dma_wait3A_317, %dma_wait3A_322, %dma_wait3A_323] : memref<2560x2x128xi32, #tpu.memory_space<hbm>> -> memref<1x2x128xi32, #tpu.memory_space<hbm>>
      %dma_wait3A_325 = tpu.memref_squeeze %dma_wait3A_324 : memref<1x2x128xi32, #tpu.memory_space<hbm>> -> memref<2x128xi32, #tpu.memory_space<hbm>>
      tpu.wait_dma2 semaphore(%arg14 : memref<!tpu.dma_semaphore, #tpu.memory_space<semaphore_mem>>) src(%dma_wait3A_325 : memref<2x128xi32, #tpu.memory_space<hbm>>) dst(%arg13 : memref<2x128xi32, #tpu.memory_space<vmem>>)
      %add3A_326 = arith.constant 3 : i32
      %add3A_327 = arith.addi %add3A_107, %add3A_326 : i32
      %add3A_328 = arith.constant 1 : i32
      %add3A_329 = arith.addi %add3A_327, %add3A_328 : i32
      %min3A_330 = arith.minsi %add3A_329, %sub3A_9 : i32
      %dma_start3A_331 = arith.constant 0 : i32
      %dma_start3A_332 = arith.constant 0 : i32
      %dma_start3A_333 = tpu.memref_slice %arg3[%min3A_330, %dma_start3A_331, %dma_start3A_332] : memref<2560x128x16xf32, #tpu.memory_space<hbm>> -> memref<1x128x16xf32, #tpu.memory_space<hbm>>
      %dma_start3A_334 = tpu.memref_squeeze %dma_start3A_333 : memref<1x128x16xf32, #tpu.memory_space<hbm>> -> memref<128x16xf32, #tpu.memory_space<hbm>>
      %dma_start3A_335 = arith.constant 0 : i32
      %dma_start3A_336 = arith.constant 0 : i32
      %dma_start3A_337 = tpu.memref_slice %arg3[%min3A_330, %dma_start3A_335, %dma_start3A_336] : memref<2560x128x16xf32, #tpu.memory_space<hbm>> -> memref<1x128x16xf32, #tpu.memory_space<hbm>>
      %dma_start3A_338 = tpu.memref_squeeze %dma_start3A_337 : memref<1x128x16xf32, #tpu.memory_space<hbm>> -> memref<128x16xf32, #tpu.memory_space<hbm>>
      tpu.enqueue_dma source(%dma_start3A_338 : memref<128x16xf32, #tpu.memory_space<hbm>>) target(%arg7 : memref<128x16xf32, #tpu.memory_space<vmem>>) target_semaphore(%arg9 : memref<!tpu.dma_semaphore, #tpu.memory_space<semaphore_mem>>)
      %dma_start3A_339 = arith.constant 0 : i32
      %dma_start3A_340 = arith.constant 0 : i32
      %dma_start3A_341 = tpu.memref_slice %arg13[%dma_start3A_339, %dma_start3A_340] : memref<2x128xi32, #tpu.memory_space<vmem>> -> memref<1x128xi32, #tpu.memory_space<vmem>>
      %dma_start3A_342 = tpu.memref_squeeze %dma_start3A_341 : memref<1x128xi32, #tpu.memory_space<vmem>> -> memref<128xi32, #tpu.memory_space<vmem>>
      %dma_start3A_343 = arith.constant 0 : i32
      %dma_start3A_344 = arith.constant 0 : i32
      %dma_start3A_345 = tpu.memref_slice %arg4[%dma_start3A_343, %dma_start3A_344] : memref<10240x128xf32, #tpu.memory_space<hbm>> -> memref<10240x128xf32, #tpu.memory_space<hbm>>
      tpu.enqueue_indirect_dma source(%dma_start3A_345 : memref<10240x128xf32, #tpu.memory_space<hbm>>) target(%arg8 : memref<128x128xf32, #tpu.memory_space<vmem>>) offsets(%dma_start3A_342 : memref<128xi32, #tpu.memory_space<vmem>>) semaphore(%arg9 : memref<!tpu.dma_semaphore, #tpu.memory_space<semaphore_mem>>)
      %add3A_346 = arith.constant 3 : i32
      %add3A_347 = arith.addi %add3A_107, %add3A_346 : i32
      %add3A_348 = arith.constant 3 : i32
      %add3A_349 = arith.addi %add3A_347, %add3A_348 : i32
      %min3A_350 = arith.minsi %add3A_349, %sub3A_9 : i32
      %dma_start3A_351 = arith.constant 0 : i32
      %dma_start3A_352 = arith.constant 0 : i32
      %dma_start3A_353 = tpu.memref_slice %arg2[%min3A_350, %dma_start3A_351, %dma_start3A_352] : memref<2560x2x128xi32, #tpu.memory_space<hbm>> -> memref<1x2x128xi32, #tpu.memory_space<hbm>>
      %dma_start3A_354 = tpu.memref_squeeze %dma_start3A_353 : memref<1x2x128xi32, #tpu.memory_space<hbm>> -> memref<2x128xi32, #tpu.memory_space<hbm>>
      %dma_start3A_355 = arith.constant 0 : i32
      %dma_start3A_356 = arith.constant 0 : i32
      %dma_start3A_357 = tpu.memref_slice %arg2[%min3A_350, %dma_start3A_355, %dma_start3A_356] : memref<2560x2x128xi32, #tpu.memory_space<hbm>> -> memref<1x2x128xi32, #tpu.memory_space<hbm>>
      %dma_start3A_358 = tpu.memref_squeeze %dma_start3A_357 : memref<1x2x128xi32, #tpu.memory_space<hbm>> -> memref<2x128xi32, #tpu.memory_space<hbm>>
      tpu.enqueue_dma source(%dma_start3A_358 : memref<2x128xi32, #tpu.memory_space<hbm>>) target(%arg17 : memref<2x128xi32, #tpu.memory_space<vmem>>) target_semaphore(%arg18 : memref<!tpu.dma_semaphore, #tpu.memory_space<semaphore_mem>>)
      %scan3A_359 = arith.constant 0 : i32
      %scan3A_360 = arith.constant 0 : i32
      %scan3A_361 = arith.constant 128 : i32
      %scan3A_362 = arith.addi %scan3A_360, %scan3A_361 : i32
      %scan3A_363 = arith.constant 1 : i32
      scf.for %scan3A_366 = %scan3A_360 to %scan3A_362 step %scan3A_363  : i32 {
        %get3A = arith.index_cast %scan3A_366 : i32 to index
        %get3A_367 = arith.constant 0 : index
        %get3A_368 = tpu.vector_load %arg10[%get3A, %get3A_367] {strides = array<i32>} : memref<128x16xf32, #tpu.memory_space<vmem>>, vector<1x16xf32>,
        %get3A_369 = vector.shape_cast %get3A_368 : vector<1x16xf32> to vector<16xf32>
        %slice3A = vector.extract_strided_slice %get3A_369 {offsets = [0], sizes = [1], strides = [1]} : vector<16xf32> to vector<1xf32>
        %squeeze3A = vector.extract %slice3A[0] : f32 from vector<1xf32>
        %get3A_370 = arith.index_cast %scan3A_366 : i32 to index
        %get3A_371 = arith.constant 0 : index
        %get3A_372 = tpu.vector_load %arg11[%get3A_370, %get3A_371] {strides = array<i32>} : memref<128x128xf32, #tpu.memory_space<vmem>>, vector<1x16xf32>,
        %get3A_373 = vector.shape_cast %get3A_372 : vector<1x16xf32> to vector<16xf32>
        %mul3A_374 = vector.broadcast %squeeze3A : f32 to vector<16xf32>
        %mul3A_375 = arith.mulf %get3A_373, %mul3A_374 : vector<16xf32>
        %swap3A = arith.index_cast %scan3A_366 : i32 to index
        %swap3A_376 = arith.constant 0 : index
        %swap3A_377 = tpu.vector_load %arg11[%swap3A, %swap3A_376] {strides = array<i32>} : memref<128x128xf32, #tpu.memory_space<vmem>>, vector<1x16xf32>,
        %swap3A_378 = vector.shape_cast %swap3A_377 : vector<1x16xf32> to vector<16xf32>
        %swap3A_379 = vector.shape_cast %mul3A_375 : vector<16xf32> to vector<1x16xf32>
        tpu.vector_store %arg11[%swap3A, %swap3A_376], %swap3A_379 {strides = array<i32>} : memref<128x128xf32, #tpu.memory_space<vmem>>, vector<1x16xf32>,
        %slice3A_380 = vector.extract_strided_slice %get3A_369 {offsets = [1], sizes = [1], strides = [1]} : vector<16xf32> to vector<1xf32>
        %squeeze3A_381 = vector.extract %slice3A_380[0] : f32 from vector<1xf32>
        %get3A_382 = arith.index_cast %scan3A_366 : i32 to index
        %get3A_383 = arith.constant 16 : index
        %get3A_384 = tpu.vector_load %arg11[%get3A_382, %get3A_383] {strides = array<i32>} : memref<128x128xf32, #tpu.memory_space<vmem>>, vector<1x16xf32>,
        %get3A_385 = vector.shape_cast %get3A_384 : vector<1x16xf32> to vector<16xf32>
        %mul3A_386 = vector.broadcast %squeeze3A_381 : f32 to vector<16xf32>
        %mul3A_387 = arith.mulf %get3A_385, %mul3A_386 : vector<16xf32>
        %swap3A_388 = arith.index_cast %scan3A_366 : i32 to index
        %swap3A_389 = arith.constant 16 : index
        %swap3A_390 = tpu.vector_load %arg11[%swap3A_388, %swap3A_389] {strides = array<i32>} : memref<128x128xf32, #tpu.memory_space<vmem>>, vector<1x16xf32>,
        %swap3A_391 = vector.shape_cast %swap3A_390 : vector<1x16xf32> to vector<16xf32>
        %swap3A_392 = vector.shape_cast %mul3A_387 : vector<16xf32> to vector<1x16xf32>
        tpu.vector_store %arg11[%swap3A_388, %swap3A_389], %swap3A_392 {strides = array<i32>} : memref<128x128xf32, #tpu.memory_space<vmem>>, vector<1x16xf32>,
        %slice3A_393 = vector.extract_strided_slice %get3A_369 {offsets = [2], sizes = [1], strides = [1]} : vector<16xf32> to vector<1xf32>
        %squeeze3A_394 = vector.extract %slice3A_393[0] : f32 from vector<1xf32>
        %get3A_395 = arith.index_cast %scan3A_366 : i32 to index
        %get3A_396 = arith.constant 32 : index
        %get3A_397 = tpu.vector_load %arg11[%get3A_395, %get3A_396] {strides = array<i32>} : memref<128x128xf32, #tpu.memory_space<vmem>>, vector<1x16xf32>,
        %get3A_398 = vector.shape_cast %get3A_397 : vector<1x16xf32> to vector<16xf32>
        %mul3A_399 = vector.broadcast %squeeze3A_394 : f32 to vector<16xf32>
        %mul3A_400 = arith.mulf %get3A_398, %mul3A_399 : vector<16xf32>
        %swap3A_401 = arith.index_cast %scan3A_366 : i32 to index
        %swap3A_402 = arith.constant 32 : index
        %swap3A_403 = tpu.vector_load %arg11[%swap3A_401, %swap3A_402] {strides = array<i32>} : memref<128x128xf32, #tpu.memory_space<vmem>>, vector<1x16xf32>,
        %swap3A_404 = vector.shape_cast %swap3A_403 : vector<1x16xf32> to vector<16xf32>
        %swap3A_405 = vector.shape_cast %mul3A_400 : vector<16xf32> to vector<1x16xf32>
        tpu.vector_store %arg11[%swap3A_401, %swap3A_402], %swap3A_405 {strides = array<i32>} : memref<128x128xf32, #tpu.memory_space<vmem>>, vector<1x16xf32>,
        %slice3A_406 = vector.extract_strided_slice %get3A_369 {offsets = [3], sizes = [1], strides = [1]} : vector<16xf32> to vector<1xf32>
        %squeeze3A_407 = vector.extract %slice3A_406[0] : f32 from vector<1xf32>
        %get3A_408 = arith.index_cast %scan3A_366 : i32 to index
        %get3A_409 = arith.constant 48 : index
        %get3A_410 = tpu.vector_load %arg11[%get3A_408, %get3A_409] {strides = array<i32>} : memref<128x128xf32, #tpu.memory_space<vmem>>, vector<1x16xf32>,
        %get3A_411 = vector.shape_cast %get3A_410 : vector<1x16xf32> to vector<16xf32>
        %mul3A_412 = vector.broadcast %squeeze3A_407 : f32 to vector<16xf32>
        %mul3A_413 = arith.mulf %get3A_411, %mul3A_412 : vector<16xf32>
        %swap3A_414 = arith.index_cast %scan3A_366 : i32 to index
        %swap3A_415 = arith.constant 48 : index
        %swap3A_416 = tpu.vector_load %arg11[%swap3A_414, %swap3A_415] {strides = array<i32>} : memref<128x128xf32, #tpu.memory_space<vmem>>, vector<1x16xf32>,
        %swap3A_417 = vector.shape_cast %swap3A_416 : vector<1x16xf32> to vector<16xf32>
        %swap3A_418 = vector.shape_cast %mul3A_413 : vector<16xf32> to vector<1x16xf32>
        tpu.vector_store %arg11[%swap3A_414, %swap3A_415], %swap3A_418 {strides = array<i32>} : memref<128x128xf32, #tpu.memory_space<vmem>>, vector<1x16xf32>,
        %slice3A_419 = vector.extract_strided_slice %get3A_369 {offsets = [4], sizes = [1], strides = [1]} : vector<16xf32> to vector<1xf32>
        %squeeze3A_420 = vector.extract %slice3A_419[0] : f32 from vector<1xf32>
        %get3A_421 = arith.index_cast %scan3A_366 : i32 to index
        %get3A_422 = arith.constant 64 : index
        %get3A_423 = tpu.vector_load %arg11[%get3A_421, %get3A_422] {strides = array<i32>} : memref<128x128xf32, #tpu.memory_space<vmem>>, vector<1x16xf32>,
        %get3A_424 = vector.shape_cast %get3A_423 : vector<1x16xf32> to vector<16xf32>
        %mul3A_425 = vector.broadcast %squeeze3A_420 : f32 to vector<16xf32>
        %mul3A_426 = arith.mulf %get3A_424, %mul3A_425 : vector<16xf32>
        %swap3A_427 = arith.index_cast %scan3A_366 : i32 to index
        %swap3A_428 = arith.constant 64 : index
        %swap3A_429 = tpu.vector_load %arg11[%swap3A_427, %swap3A_428] {strides = array<i32>} : memref<128x128xf32, #tpu.memory_space<vmem>>, vector<1x16xf32>,
        %swap3A_430 = vector.shape_cast %swap3A_429 : vector<1x16xf32> to vector<16xf32>
        %swap3A_431 = vector.shape_cast %mul3A_426 : vector<16xf32> to vector<1x16xf32>
        tpu.vector_store %arg11[%swap3A_427, %swap3A_428], %swap3A_431 {strides = array<i32>} : memref<128x128xf32, #tpu.memory_space<vmem>>, vector<1x16xf32>,
        %slice3A_432 = vector.extract_strided_slice %get3A_369 {offsets = [5], sizes = [1], strides = [1]} : vector<16xf32> to vector<1xf32>
        %squeeze3A_433 = vector.extract %slice3A_432[0] : f32 from vector<1xf32>
        %get3A_434 = arith.index_cast %scan3A_366 : i32 to index
        %get3A_435 = arith.constant 80 : index
        %get3A_436 = tpu.vector_load %arg11[%get3A_434, %get3A_435] {strides = array<i32>} : memref<128x128xf32, #tpu.memory_space<vmem>>, vector<1x16xf32>,
        %get3A_437 = vector.shape_cast %get3A_436 : vector<1x16xf32> to vector<16xf32>
        %mul3A_438 = vector.broadcast %squeeze3A_433 : f32 to vector<16xf32>
        %mul3A_439 = arith.mulf %get3A_437, %mul3A_438 : vector<16xf32>
        %swap3A_440 = arith.index_cast %scan3A_366 : i32 to index
        %swap3A_441 = arith.constant 80 : index
        %swap3A_442 = tpu.vector_load %arg11[%swap3A_440, %swap3A_441] {strides = array<i32>} : memref<128x128xf32, #tpu.memory_space<vmem>>, vector<1x16xf32>,
        %swap3A_443 = vector.shape_cast %swap3A_442 : vector<1x16xf32> to vector<16xf32>
        %swap3A_444 = vector.shape_cast %mul3A_439 : vector<16xf32> to vector<1x16xf32>
        tpu.vector_store %arg11[%swap3A_440, %swap3A_441], %swap3A_444 {strides = array<i32>} : memref<128x128xf32, #tpu.memory_space<vmem>>, vector<1x16xf32>,
        %slice3A_445 = vector.extract_strided_slice %get3A_369 {offsets = [6], sizes = [1], strides = [1]} : vector<16xf32> to vector<1xf32>
        %squeeze3A_446 = vector.extract %slice3A_445[0] : f32 from vector<1xf32>
        %get3A_447 = arith.index_cast %scan3A_366 : i32 to index
        %get3A_448 = arith.constant 96 : index
        %get3A_449 = tpu.vector_load %arg11[%get3A_447, %get3A_448] {strides = array<i32>} : memref<128x128xf32, #tpu.memory_space<vmem>>, vector<1x16xf32>,
        %get3A_450 = vector.shape_cast %get3A_449 : vector<1x16xf32> to vector<16xf32>
        %mul3A_451 = vector.broadcast %squeeze3A_446 : f32 to vector<16xf32>
        %mul3A_452 = arith.mulf %get3A_450, %mul3A_451 : vector<16xf32>
        %swap3A_453 = arith.index_cast %scan3A_366 : i32 to index
        %swap3A_454 = arith.constant 96 : index
        %swap3A_455 = tpu.vector_load %arg11[%swap3A_453, %swap3A_454] {strides = array<i32>} : memref<128x128xf32, #tpu.memory_space<vmem>>, vector<1x16xf32>,
        %swap3A_456 = vector.shape_cast %swap3A_455 : vector<1x16xf32> to vector<16xf32>
        %swap3A_457 = vector.shape_cast %mul3A_452 : vector<16xf32> to vector<1x16xf32>
        tpu.vector_store %arg11[%swap3A_453, %swap3A_454], %swap3A_457 {strides = array<i32>} : memref<128x128xf32, #tpu.memory_space<vmem>>, vector<1x16xf32>,
        %slice3A_458 = vector.extract_strided_slice %get3A_369 {offsets = [7], sizes = [1], strides = [1]} : vector<16xf32> to vector<1xf32>
        %squeeze3A_459 = vector.extract %slice3A_458[0] : f32 from vector<1xf32>
        %get3A_460 = arith.index_cast %scan3A_366 : i32 to index
        %get3A_461 = arith.constant 112 : index
        %get3A_462 = tpu.vector_load %arg11[%get3A_460, %get3A_461] {strides = array<i32>} : memref<128x128xf32, #tpu.memory_space<vmem>>, vector<1x16xf32>,
        %get3A_463 = vector.shape_cast %get3A_462 : vector<1x16xf32> to vector<16xf32>
        %mul3A_464 = vector.broadcast %squeeze3A_459 : f32 to vector<16xf32>
        %mul3A_465 = arith.mulf %get3A_463, %mul3A_464 : vector<16xf32>
        %swap3A_466 = arith.index_cast %scan3A_366 : i32 to index
        %swap3A_467 = arith.constant 112 : index
        %swap3A_468 = tpu.vector_load %arg11[%swap3A_466, %swap3A_467] {strides = array<i32>} : memref<128x128xf32, #tpu.memory_space<vmem>>, vector<1x16xf32>,
        %swap3A_469 = vector.shape_cast %swap3A_468 : vector<1x16xf32> to vector<16xf32>
        %swap3A_470 = vector.shape_cast %mul3A_465 : vector<16xf32> to vector<1x16xf32>
        tpu.vector_store %arg11[%swap3A_466, %swap3A_467], %swap3A_470 {strides = array<i32>} : memref<128x128xf32, #tpu.memory_space<vmem>>, vector<1x16xf32>,
      }
      %scan3A_364 = arith.constant 128 : i32
      %run_scoped3A_365 = arith.constant 1 : i32
      "tpu.region"() ({
        %run_scoped3A_366 = tpu.sem_alloc : memref<!tpu.dma_semaphore, #tpu.memory_space<semaphore_mem>>
        %dma_start3A_367 = arith.constant 0 : i32
        %dma_start3A_368 = tpu.memref_slice %arg19[%run_scoped3A_365, %dma_start3A_367] : memref<2x128xi32, #tpu.memory_space<vmem>> -> memref<1x128xi32, #tpu.memory_space<vmem>>
        %dma_start3A_369 = tpu.memref_squeeze %dma_start3A_368 : memref<1x128xi32, #tpu.memory_space<vmem>> -> memref<128xi32, #tpu.memory_space<vmem>>
        %dma_start3A_370 = arith.constant 0 : i32
        %dma_start3A_371 = arith.constant 0 : i32
        %dma_start3A_372 = tpu.memref_slice %arg21[%dma_start3A_370, %dma_start3A_371] : memref<10240x128xf32, #tpu.memory_space<vmem_shared>> -> memref<10240x128xf32, #tpu.memory_space<vmem_shared>>
        tpu.enqueue_indirect_dma source(%arg11 : memref<128x128xf32, #tpu.memory_space<vmem>>) target(%dma_start3A_372 : memref<10240x128xf32, #tpu.memory_space<vmem_shared>>) offsets(%dma_start3A_369 : memref<128xi32, #tpu.memory_space<vmem>>) semaphore(%run_scoped3A_366 : memref<!tpu.dma_semaphore, #tpu.memory_space<semaphore_mem>>) {add = true}
        %dma_wait3A_373 = arith.constant 0 : i32
        %dma_wait3A_374 = tpu.memref_slice %arg19[%run_scoped3A_365, %dma_wait3A_373] : memref<2x128xi32, #tpu.memory_space<vmem>> -> memref<1x128xi32, #tpu.memory_space<vmem>>
        %dma_wait3A_375 = tpu.memref_squeeze %dma_wait3A_374 : memref<1x128xi32, #tpu.memory_space<vmem>> -> memref<128xi32, #tpu.memory_space<vmem>>
        %dma_wait3A_376 = arith.constant 0 : i32
        %dma_wait3A_377 = arith.constant 0 : i32
        %dma_wait3A_378 = tpu.memref_slice %arg21[%dma_wait3A_376, %dma_wait3A_377] : memref<10240x128xf32, #tpu.memory_space<vmem_shared>> -> memref<10240x128xf32, #tpu.memory_space<vmem_shared>>
        tpu.wait_indirect_dma semaphore(%run_scoped3A_366 : memref<!tpu.dma_semaphore, #tpu.memory_space<semaphore_mem>>) src(%arg11 : memref<128x128xf32, #tpu.memory_space<vmem>>) dst(%dma_wait3A_378 : memref<10240x128xf32, #tpu.memory_space<vmem_shared>>)
        tpu.yield
      }) : () -> ()
    }
    %scan3A_64 = arith.constant 20 : i32
    %dma_wait3A_65 = arith.constant 0 : i32
    %dma_wait3A_66 = arith.constant 0 : i32
    %dma_wait3A_67 = arith.constant 0 : i32
    %dma_wait3A_68 = tpu.memref_slice %arg3[%dma_wait3A_65, %dma_wait3A_66, %dma_wait3A_67] : memref<2560x128x16xf32, #tpu.memory_space<hbm>> -> memref<1x128x16xf32, #tpu.memory_space<hbm>>
    %dma_wait3A_69 = tpu.memref_squeeze %dma_wait3A_68 : memref<1x128x16xf32, #tpu.memory_space<hbm>> -> memref<128x16xf32, #tpu.memory_space<hbm>>
    %dma_wait3A_70 = arith.constant 0 : i32
    %dma_wait3A_71 = arith.constant 0 : i32
    %dma_wait3A_72 = tpu.memref_slice %arg3[%dma_wait3A_65, %dma_wait3A_70, %dma_wait3A_71] : memref<2560x128x16xf32, #tpu.memory_space<hbm>> -> memref<1x128x16xf32, #tpu.memory_space<hbm>>
    %dma_wait3A_73 = tpu.memref_squeeze %dma_wait3A_72 : memref<1x128x16xf32, #tpu.memory_space<hbm>> -> memref<128x16xf32, #tpu.memory_space<hbm>>
    tpu.wait_dma2 semaphore(%arg9 : memref<!tpu.dma_semaphore, #tpu.memory_space<semaphore_mem>>) src(%dma_wait3A_73 : memref<128x16xf32, #tpu.memory_space<hbm>>) dst(%arg7 : memref<128x16xf32, #tpu.memory_space<vmem>>)
    %dma_wait3A_74 = arith.constant 0 : i32
    %dma_wait3A_75 = arith.constant 0 : i32
    %dma_wait3A_76 = tpu.memref_slice %arg13[%dma_wait3A_74, %dma_wait3A_75] : memref<2x128xi32, #tpu.memory_space<vmem>> -> memref<1x128xi32, #tpu.memory_space<vmem>>
    %dma_wait3A_77 = tpu.memref_squeeze %dma_wait3A_76 : memref<1x128xi32, #tpu.memory_space<vmem>> -> memref<128xi32, #tpu.memory_space<vmem>>
    %dma_wait3A_78 = arith.constant 0 : i32
    %dma_wait3A_79 = arith.constant 0 : i32
    %dma_wait3A_80 = tpu.memref_slice %arg4[%dma_wait3A_78, %dma_wait3A_79] : memref<10240x128xf32, #tpu.memory_space<hbm>> -> memref<10240x128xf32, #tpu.memory_space<hbm>>
    tpu.wait_indirect_dma semaphore(%arg9 : memref<!tpu.dma_semaphore, #tpu.memory_space<semaphore_mem>>) src(%dma_wait3A_80 : memref<10240x128xf32, #tpu.memory_space<hbm>>) dst(%arg8 : memref<128x128xf32, #tpu.memory_space<vmem>>)
    %dma_wait3A_81 = arith.constant 0 : i32
    %dma_wait3A_82 = arith.constant 0 : i32
    %dma_wait3A_83 = arith.constant 0 : i32
    %dma_wait3A_84 = tpu.memref_slice %arg2[%dma_wait3A_81, %dma_wait3A_82, %dma_wait3A_83] : memref<2560x2x128xi32, #tpu.memory_space<hbm>> -> memref<1x2x128xi32, #tpu.memory_space<hbm>>
    %dma_wait3A_85 = tpu.memref_squeeze %dma_wait3A_84 : memref<1x2x128xi32, #tpu.memory_space<hbm>> -> memref<2x128xi32, #tpu.memory_space<hbm>>
    %dma_wait3A_86 = arith.constant 0 : i32
    %dma_wait3A_87 = arith.constant 0 : i32
    %dma_wait3A_88 = tpu.memref_slice %arg2[%dma_wait3A_81, %dma_wait3A_86, %dma_wait3A_87] : memref<2560x2x128xi32, #tpu.memory_space<hbm>> -> memref<1x2x128xi32, #tpu.memory_space<hbm>>
    %dma_wait3A_89 = tpu.memref_squeeze %dma_wait3A_88 : memref<1x2x128xi32, #tpu.memory_space<hbm>> -> memref<2x128xi32, #tpu.memory_space<hbm>>
    tpu.wait_dma2 semaphore(%arg16 : memref<!tpu.dma_semaphore, #tpu.memory_space<semaphore_mem>>) src(%dma_wait3A_89 : memref<2x128xi32, #tpu.memory_space<hbm>>) dst(%arg15 : memref<2x128xi32, #tpu.memory_space<vmem>>)
    %dma_wait3A_90 = arith.constant 0 : i32
    %dma_wait3A_91 = arith.constant 0 : i32
    %dma_wait3A_92 = arith.constant 0 : i32
    %dma_wait3A_93 = tpu.memref_slice %arg2[%dma_wait3A_90, %dma_wait3A_91, %dma_wait3A_92] : memref<2560x2x128xi32, #tpu.memory_space<hbm>> -> memref<1x2x128xi32, #tpu.memory_space<hbm>>
    %dma_wait3A_94 = tpu.memref_squeeze %dma_wait3A_93 : memref<1x2x128xi32, #tpu.memory_space<hbm>> -> memref<2x128xi32, #tpu.memory_space<hbm>>
    %dma_wait3A_95 = arith.constant 0 : i32
    %dma_wait3A_96 = arith.constant 0 : i32
    %dma_wait3A_97 = tpu.memref_slice %arg2[%dma_wait3A_90, %dma_wait3A_95, %dma_wait3A_96] : memref<2560x2x128xi32, #tpu.memory_space<hbm>> -> memref<1x2x128xi32, #tpu.memory_space<hbm>>
    %dma_wait3A_98 = tpu.memref_squeeze %dma_wait3A_97 : memref<1x2x128xi32, #tpu.memory_space<hbm>> -> memref<2x128xi32, #tpu.memory_space<hbm>>
    tpu.wait_dma2 semaphore(%arg18 : memref<!tpu.dma_semaphore, #tpu.memory_space<semaphore_mem>>) src(%dma_wait3A_98 : memref<2x128xi32, #tpu.memory_space<hbm>>) dst(%arg17 : memref<2x128xi32, #tpu.memory_space<vmem>>)
    %barrier3A_99 = arith.constant 0 : index
    tpu.barrier barrier_id(%barrier3A_99)
    %mul3A_100 = arith.constant 640 : i32
    %mul3A_101 = arith.muli %arg1, %mul3A_100 : i32
    %mul3A_102 = arith.constant 640 : i32
    %mul3A_103 = arith.muli %arg1, %mul3A_102 : i32
    "tpu.region"() ({
      %run_scoped3A = tpu.sem_alloc : memref<!tpu.dma_semaphore, #tpu.memory_space<semaphore_mem>>
      %dma_start3A_104 = arith.constant 0 : i32
      %dma_start3A_105 = tpu.memref_slice %arg6[%arg0, %mul3A_103, %dma_start3A_104] : memref<2x10240x128xf32, #tpu.memory_space<hbm>> -> memref<1x640x128xf32, #tpu.memory_space<hbm>>
      %dma_start3A_106 = tpu.memref_squeeze %dma_start3A_105 : memref<1x640x128xf32, #tpu.memory_space<hbm>> -> memref<640x128xf32, #tpu.memory_space<hbm>>
      %dma_start3A_107 = arith.constant 0 : i32
      %dma_start3A_108 = tpu.memref_slice %arg21[%mul3A_101, %dma_start3A_107] : memref<10240x128xf32, #tpu.memory_space<vmem_shared>> -> memref<640x128xf32, #tpu.memory_space<vmem_shared>>
      tpu.enqueue_dma source(%dma_start3A_108 : memref<640x128xf32, #tpu.memory_space<vmem_shared>>) target(%dma_start3A_106 : memref<640x128xf32, #tpu.memory_space<hbm>>) target_semaphore(%run_scoped3A : memref<!tpu.dma_semaphore, #tpu.memory_space<semaphore_mem>>)
      %dma_wait3A_109 = arith.constant 0 : i32
      %dma_wait3A_110 = tpu.memref_slice %arg6[%arg0, %mul3A_103, %dma_wait3A_109] : memref<2x10240x128xf32, #tpu.memory_space<hbm>> -> memref<1x640x128xf32, #tpu.memory_space<hbm>>
      %dma_wait3A_111 = tpu.memref_squeeze %dma_wait3A_110 : memref<1x640x128xf32, #tpu.memory_space<hbm>> -> memref<640x128xf32, #tpu.memory_space<hbm>>
      %dma_wait3A_112 = arith.constant 0 : i32
      %dma_wait3A_113 = tpu.memref_slice %arg21[%mul3A_101, %dma_wait3A_112] : memref<10240x128xf32, #tpu.memory_space<vmem_shared>> -> memref<640x128xf32, #tpu.memory_space<vmem_shared>>
      tpu.wait_dma2 semaphore(%run_scoped3A : memref<!tpu.dma_semaphore, #tpu.memory_space<semaphore_mem>>) src(%dma_wait3A_113 : memref<640x128xf32, #tpu.memory_space<vmem_shared>>) dst(%dma_wait3A_111 : memref<640x128xf32, #tpu.memory_space<hbm>>)
      tpu.yield
    }) : () -> ()
    return
  }
}

module attributes {stable_mosaic.version = 14 : i64} {
  func.func @body(%arg0: i32, %arg1: memref<1024x128xf32, #tpu.memory_space<vmem>>, %arg2: memref<128x128xf32, #tpu.memory_space<vmem>>, %arg3: memref<128x32xf32, #tpu.memory_space<vmem>>, %arg4: memref<1024x128xf32, #tpu.memory_space<vmem>>, %arg5: memref<1024x32xf32, #tpu.memory_space<vmem>>) attributes {dimension_semantics = [#tpu.dimension_semantics<arbitrary>], iteration_bounds = array<i64: 10>, scalar_prefetch = 0 : i64, scratch_operands = 0 : i64, tpu.core_type = #tpu.core_type<tc>, window_params = [{transform_indices = @transform_0, window_bounds = array<i64: 1024, 128>}, {pipeline_mode = #tpu.pipeline_mode<synchronous>, transform_indices = @transform_1, window_bounds = array<i64: 128, 128>}, {pipeline_mode = #tpu.pipeline_mode<synchronous>, transform_indices = @transform_2, window_bounds = array<i64: 128, 32>}, {transform_indices = @transform_3, window_bounds = array<i64: 1024, 128>}, {transform_indices = @transform_4, window_bounds = array<i64: 1024, 32>}]} {
    %get3A = arith.constant 0 : index
    %get3A_0 = arith.constant 0 : index
    %get3A_1 = vector.load %arg1[%get3A, %get3A_0] : memref<1024x128xf32, #tpu.memory_space<vmem>>, vector<1024x128xf32>
    %get3A_2 = arith.constant 0 : index
    %get3A_3 = arith.constant 0 : index
    %get3A_4 = vector.load %arg2[%get3A_2, %get3A_3] : memref<128x128xf32, #tpu.memory_space<vmem>>, vector<128x128xf32>
    %dot_general3A = arith.constant dense<0.000000e+00> : vector<1024x128xf32>
    %dot_general3A_5 = tpu.matmul %get3A_1, %get3A_4, %dot_general3A {dimension_numbers = #tpu.dot_dimension_numbers<[1], [0], [0], [1], [0, 0, 1, 1], [], []>, transpose_lhs_hint = false} : vector<1024x128xf32>, vector<128x128xf32>, vector<1024x128xf32> -> vector<1024x128xf32>
    %swap3A = arith.constant 0 : index
    %swap3A_6 = arith.constant 0 : index
    %swap3A_7 = vector.load %arg4[%swap3A, %swap3A_6] : memref<1024x128xf32, #tpu.memory_space<vmem>>, vector<1024x128xf32>
    tpu.vector_store %arg4[%swap3A, %swap3A_6], %dot_general3A_5 {strides = array<i32>} : memref<1024x128xf32, #tpu.memory_space<vmem>>, vector<1024x128xf32>,
    %get3A_8 = arith.constant 0 : index
    %get3A_9 = arith.constant 0 : index
    %get3A_10 = vector.load %arg3[%get3A_8, %get3A_9] : memref<128x32xf32, #tpu.memory_space<vmem>>, vector<128x32xf32>
    %dot_general3A_11 = arith.constant dense<0.000000e+00> : vector<1024x32xf32>
    %dot_general3A_12 = tpu.matmul %dot_general3A_5, %get3A_10, %dot_general3A_11 {dimension_numbers = #tpu.dot_dimension_numbers<[1], [0], [0], [1], [0, 0, 1, 1], [], []>, transpose_lhs_hint = false} : vector<1024x128xf32>, vector<128x32xf32>, vector<1024x32xf32> -> vector<1024x32xf32>
    %swap3A_13 = arith.constant 0 : index
    %swap3A_14 = arith.constant 0 : index
    %swap3A_15 = vector.load %arg5[%swap3A_13, %swap3A_14] : memref<1024x32xf32, #tpu.memory_space<vmem>>, vector<1024x32xf32>
    tpu.vector_store %arg5[%swap3A_13, %swap3A_14], %dot_general3A_12 {strides = array<i32>} : memref<1024x32xf32, #tpu.memory_space<vmem>>, vector<1024x32xf32>,
    return
  }
  func.func @transform_0(%arg0: i32) -> (i32, i32) {
    %c0_i32 = arith.constant 0 : i32
    %c0_i32_0 = arith.constant 0 : i32
    return %arg0, %c0_i32 : i32, i32
  }
  func.func @transform_1(%arg0: i32) -> (i32, i32) {
    %c0_i32 = arith.constant 0 : i32
    %c0_i32_0 = arith.constant 0 : i32
    %c0_i32_1 = arith.constant 0 : i32
    return %c0_i32, %c0_i32_0 : i32, i32
  }
  func.func @transform_2(%arg0: i32) -> (i32, i32) {
    %c0_i32 = arith.constant 0 : i32
    %c0_i32_0 = arith.constant 0 : i32
    %c0_i32_1 = arith.constant 0 : i32
    return %c0_i32, %c0_i32_0 : i32, i32
  }
  func.func @transform_3(%arg0: i32) -> (i32, i32) {
    %c0_i32 = arith.constant 0 : i32
    %c0_i32_0 = arith.constant 0 : i32
    return %arg0, %c0_i32 : i32, i32
  }
  func.func @transform_4(%arg0: i32) -> (i32, i32) {
    %c0_i32 = arith.constant 0 : i32
    %c0_i32_0 = arith.constant 0 : i32
    return %arg0, %c0_i32 : i32, i32
  }
}

module attributes {stable_mosaic.version = 14 : i64} {
  func.func @body(%arg0: i32, %arg1: memref<2x1024x128xf32, #tpu.memory_space<vmem>>, %arg2: memref<2x1024x16xf32, #tpu.memory_space<vmem>>, %arg3: memref<16x128xf32, #tpu.memory_space<vmem>>, %arg4: memref<1x128xf32, #tpu.memory_space<vmem>>, %arg5: memref<1024x128xf32, #tpu.memory_space<vmem>>) attributes {dimension_semantics = [#tpu.dimension_semantics<arbitrary>], iteration_bounds = array<i64: 10>, scalar_prefetch = 0 : i64, scratch_operands = 0 : i64, tpu.core_type = #tpu.core_type<tc>, window_params = [{transform_indices = @transform_0, window_bounds = array<i64: 2, 1024, 128>}, {transform_indices = @transform_1, window_bounds = array<i64: 2, 1024, 16>}, {pipeline_mode = #tpu.pipeline_mode<synchronous>, transform_indices = @transform_2, window_bounds = array<i64: 16, 128>}, {pipeline_mode = #tpu.pipeline_mode<synchronous>, transform_indices = @transform_3, window_bounds = array<i64: 1, 128>}, {transform_indices = @transform_4, window_bounds = array<i64: 1024, 128>}]} {
    %get3A = arith.constant 0 : index
    %get3A_0 = arith.constant 0 : index
    %get3A_1 = arith.constant 0 : index
    %get3A_2 = vector.load %arg1[%get3A, %get3A_0, %get3A_1] : memref<2x1024x128xf32, #tpu.memory_space<vmem>>, vector<1x1024x128xf32>
    %get3A_3 = vector.shape_cast %get3A_2 : vector<1x1024x128xf32> to vector<1024x128xf32>
    %get3A_4 = arith.constant 1 : index
    %get3A_5 = arith.constant 0 : index
    %get3A_6 = arith.constant 0 : index
    %get3A_7 = vector.load %arg1[%get3A_4, %get3A_5, %get3A_6] : memref<2x1024x128xf32, #tpu.memory_space<vmem>>, vector<1x1024x128xf32>
    %get3A_8 = vector.shape_cast %get3A_7 : vector<1x1024x128xf32> to vector<1024x128xf32>
    %add3A = arith.addf %get3A_3, %get3A_8 : vector<1024x128xf32>
    %get3A_9 = arith.constant 0 : index
    %get3A_10 = arith.constant 0 : index
    %get3A_11 = arith.constant 0 : index
    %get3A_12 = vector.load %arg2[%get3A_9, %get3A_10, %get3A_11] : memref<2x1024x16xf32, #tpu.memory_space<vmem>>, vector<1x1024x16xf32>
    %get3A_13 = vector.shape_cast %get3A_12 : vector<1x1024x16xf32> to vector<1024x16xf32>
    %get3A_14 = arith.constant 1 : index
    %get3A_15 = arith.constant 0 : index
    %get3A_16 = arith.constant 0 : index
    %get3A_17 = vector.load %arg2[%get3A_14, %get3A_15, %get3A_16] : memref<2x1024x16xf32, #tpu.memory_space<vmem>>, vector<1x1024x16xf32>
    %get3A_18 = vector.shape_cast %get3A_17 : vector<1x1024x16xf32> to vector<1024x16xf32>
    %add3A_19 = arith.addf %get3A_13, %get3A_18 : vector<1024x16xf32>
    %get3A_20 = arith.constant 0 : index
    %get3A_21 = arith.constant 0 : index
    %get3A_22 = vector.load %arg3[%get3A_20, %get3A_21] : memref<16x128xf32, #tpu.memory_space<vmem>>, vector<16x128xf32>
    %dot_general3A = arith.constant dense<0.000000e+00> : vector<1024x128xf32>
    %dot_general3A_23 = tpu.matmul %add3A_19, %get3A_22, %dot_general3A {dimension_numbers = #tpu.dot_dimension_numbers<[1], [0], [0], [1], [0, 0, 1, 1], [], []>, transpose_lhs_hint = false} : vector<1024x16xf32>, vector<16x128xf32>, vector<1024x128xf32> -> vector<1024x128xf32>
    %add3A_24 = arith.constant 1.000000e-16 : f32
    %add3A_25 = vector.broadcast %add3A_24 : f32 to vector<1024x128xf32>
    %add3A_26 = arith.addf %dot_general3A_23, %add3A_25 : vector<1024x128xf32>
    %div3A = arith.divf %add3A, %add3A_26 : vector<1024x128xf32>
    %get3A_27 = arith.constant 0 : index
    %get3A_28 = arith.constant 0 : index
    %get3A_29 = vector.load %arg4[%get3A_27, %get3A_28] : memref<1x128xf32, #tpu.memory_space<vmem>>, vector<1x128xf32>
    %add3A_30 = vector.broadcast %get3A_29 : vector<1x128xf32> to vector<1024x128xf32>
    %add3A_31 = arith.addf %div3A, %add3A_30 : vector<1024x128xf32>
    %max3A = arith.constant 0.000000e+00 : f32
    %max3A_32 = vector.broadcast %max3A : f32 to vector<1024x128xf32>
    %max3A_33 = arith.maximumf %add3A_31, %max3A_32 : vector<1024x128xf32>
    %swap3A = arith.constant 0 : index
    %swap3A_34 = arith.constant 0 : index
    %swap3A_35 = vector.load %arg5[%swap3A, %swap3A_34] : memref<1024x128xf32, #tpu.memory_space<vmem>>, vector<1024x128xf32>
    tpu.vector_store %arg5[%swap3A, %swap3A_34], %max3A_33 {strides = array<i32>} : memref<1024x128xf32, #tpu.memory_space<vmem>>, vector<1024x128xf32>,
    return
  }
  func.func @transform_0(%arg0: i32) -> (i32, i32, i32) {
    %c0_i32 = arith.constant 0 : i32
    %c0_i32_0 = arith.constant 0 : i32
    %c0_i32_1 = arith.constant 0 : i32
    return %c0_i32, %arg0, %c0_i32_0 : i32, i32, i32
  }
  func.func @transform_1(%arg0: i32) -> (i32, i32, i32) {
    %c0_i32 = arith.constant 0 : i32
    %c0_i32_0 = arith.constant 0 : i32
    %c0_i32_1 = arith.constant 0 : i32
    return %c0_i32, %arg0, %c0_i32_0 : i32, i32, i32
  }
  func.func @transform_2(%arg0: i32) -> (i32, i32) {
    %c0_i32 = arith.constant 0 : i32
    %c0_i32_0 = arith.constant 0 : i32
    %c0_i32_1 = arith.constant 0 : i32
    return %c0_i32, %c0_i32_0 : i32, i32
  }
  func.func @transform_3(%arg0: i32) -> (i32, i32) {
    %c0_i32 = arith.constant 0 : i32
    %c0_i32_0 = arith.constant 0 : i32
    %c0_i32_1 = arith.constant 0 : i32
    return %c0_i32, %c0_i32_0 : i32, i32
  }
  func.func @transform_4(%arg0: i32) -> (i32, i32) {
    %c0_i32 = arith.constant 0 : i32
    %c0_i32_0 = arith.constant 0 : i32
    return %arg0, %c0_i32 : i32, i32
  }
}

</mosaic_0001>

<sc_bundles>
// kernel: kernel.6.cloned.1.call-start
scs
__scs_entry_jumppad:
0x0: {  	(pc) =	sbr.rel $0x88, $3  }
0x1: {  	(tag) =	ssettag $0x0;
	lr =	simm.s32 $0x1  }
0x2: {  	[smem:$0x3F9B] =	sst lr;
	_ =	strace $0xD0000000  }
0x3: {  	_ = 	snop  }
0x4: {  	_ = 	snop  }
0x5: {  	_ = 	snop  }
0x6: {  	_ = 	snop  }
0x7: {  	_ = 	snop  }
__scs_overlays_trampoline_lowered:
0x8: {  	[smem:$0x3FAA] =	sst s0  }
0x9: {  	[smem:$0x3FAB] =	sst s1  }
0xa: {  	[smem:$0x3FAC] =	sst s2  }
0xb: {  	[smem:$0x3FAD] =	sst s3  }
0xc: {  	[smem:$0x3FAE] =	sst s4  }
0xd: {  	[smem:$0x3FAF] =	sst s5  }
0xe: {  	[smem:$0x3FB0] =	sst s6  }
0xf: {  	[smem:$0x3FB1] =	sst s7  }
0x10: {  	[smem:$0x3FB2] =	sst s8  }
0x11: {  	[smem:$0x3FB3] =	sst s9;
	s0 =	simm.s32 @!p0 $0x0  }
0x12: {  	s1 =	sld [smem:$0x3F99];
	s0 =	simm.s32 @p0 $0x1  }
0x13: {  	[smem:$0x3FB4] =	sst s0;
	s0 =	simm.s32 @!p1 $0x0  }
0x14: {  	s2 =	sld [smem:$0x3F98];
	s0 =	simm.s32 @p1 $0x1  }
0x15: {  	[smem:$0x3FB5] =	sst s0;
	s0 =	simm.s32 @!p2 $0x0  }
0x16: {  	s3 =	sld [smem:$0x3FDB];
	s0 =	simm.s32 @p2 $0x1  }
0x17: {  	s4 =	simm.s32 $0x1BF5;
	[smem:$0x3FB7] =	sst s0  }
0x18: {  	s0 =	sld [smem:$0x3F9A];
	_ =	swait.ge [sflag:s4], $0x0  }
0x19: {  	s7 =	sld [smem:$0x3F9B]  }
0x1a: {  	s8 =	sadd.s32 $0xFFFFE003, lr  }
0x1b: {  	s9 =	sadd.s32 $0xFFFFFEF7, lr;
	s5 =	simm.s32 $0xFFFFFFFF;
	p2 =	slt.u32 s8, $0xFFFFF086  }
0x1c: {  	p1 =	slt.u32 s9, $0xF7A;
	s5 =	simm.s32 @!p2 $0x0  }
0x1d: {  	s5 =	simm.s32 @p1 $0x1;
	p0 =	seq.s32 s7, s2  }
0x1e: {  	s7 =	smul.u32 @!p0 $0xF7A, s2;
	p2 =	seq.s32 @!p0 s5, $0x0  }
0x1f: {  	s9 =	smul.u32 $0xF7A, s1;
	s8 =	simm.s32 @!p0 $0x1BF5;
	p2 =	por !p2, p0  }
0x20: {  	[sflag:s8] =	ssyncset.s32 @!p0 $0xFFFFF086;
	s6 =	sadd.s32 @!p0 s3, s7;
	s7 =	simm.s32 @!p0 $0x108  }
0x21: {  	s3 =	sadd.s32 s3, s9;
	s6 =	sadd.s32 @!p0 $0x88, s6;
	s7 =	simm.s32 @p2 $0x1082  }
0x22: {  	[simem:s7], [sflag:s8] =	dma.local @!p0 [hbm:s6], $0xF7A  }
0x23: {  	s9 =	sor.u32 $0xD0000000, s2;
	s6 =	simm.s32 $0x108;
	_ =	swait.ge @!p0 [sflag:s8], $0x0  }
0x24: {  	s3 =	sadd.s32 $0x88, s3;
	s6 =	simm.s32 @!p1 $0x1082;
	[sflag:s4] =	ssyncset.s32 $0xFFFFF086  }
0x25: {  	[simem:s6], [sflag:s4] =	dma.local [hbm:s3], $0xF7A  }
0x26: {  	[smem:$0x3F9B] =	sst s1;
	(tag) =	ssettag s2;
	_ =	strace s9  }
0x27: {  	s1 =	sld [smem:$0x3FAB]  }
0x28: {  	s2 =	sld [smem:$0x3FAC]  }
0x29: {  	s4 =	sld [smem:$0x3FAE]  }
0x2a: {  	p0 =	seq.s32 s5, $0x0;
	s5 =	sld [smem:$0x3FAF]  }
0x2b: {  	s6 =	sld [smem:$0x3FB0]  }
0x2c: {  	s7 =	sld [smem:$0x3FB1]  }
0x2d: {  	s3 =	simm.s32 $0x108;
	s8 =	sld [smem:$0x3FB2]  }
0x2e: {  	s3 =	simm.s32 @!p0 $0x1082;
	s9 =	sld [smem:$0x3FB3]  }
0x2f: {  	lr =	sadd.s32 s0, s3;
	s0 =	sld [smem:$0x3FAA]  }
0x30: {  	s3 =	sld [smem:$0x3FAD]  }
0x31: {  	[smem:$0x3FB6] =	sst s10  }
0x32: {  	s10 =	sld [smem:$0x3FB4];
	_ =	sdelay $0x3  }
0x33: {  	p0 =	seq.s32 s10, $0x1;
	s10 =	sld [smem:$0x3FB6];
	_ =	sdelay $0x3  }
0x34: {  	[smem:$0x3FB6] =	sst s10  }
0x35: {  	s10 =	sld [smem:$0x3FB5];
	_ =	sdelay $0x3  }
0x36: {  	p1 =	seq.s32 s10, $0x1;
	s10 =	sld [smem:$0x3FB6];
	_ =	sdelay $0x3  }
0x37: {  	[smem:$0x3FB6] =	sst s10  }
0x38: {  	s10 =	sld [smem:$0x3FB7]  }
0x39: {  	_ = 	snop;
	(pc) =	sbr.ind lr, $3  }
0x3a: {  	_ = 	snop  }
0x3b: {  	_ = 	snop  }
0x3c: {  	p2 =	seq.s32 s10, $0x1;
	s10 =	sld [smem:$0x3FB6]  }
0x3d: {  	_ =	shalt  }
0x3e: {  	_ =	shalt  }
0x3f: {  	_ =	shalt  }
0x40: {  	_ =	shalt  }
0x41: {  	_ =	shalt  }
0x42: {  	_ =	shalt  }
0x43: {  	_ =	shalt  }
0x44: {  	_ =	shalt  }
0x45: {  	_ =	shalt  }
0x46: {  	_ =	shalt  }
0x47: {  	_ =	shalt  }
0x48: {  	_ =	shalt  }
0x49: {  	_ =	shalt  }
0x4a: {  	_ =	shalt  }
0x4b: {  	_ =	shalt  }
0x4c: {  	_ =	shalt  }
0x4d: {  	_ =	shalt  }
0x4e: {  	_ =	shalt  }
0x4f: {  	_ =	shalt  }
0x50: {  	_ =	shalt  }
0x51: {  	_ =	shalt  }
0x52: {  	_ =	shalt  }
0x53: {  	_ =	shalt  }
0x54: {  	_ =	shalt  }
0x55: {  	_ =	shalt  }
0x56: {  	_ =	shalt  }
0x57: {  	_ =	shalt  }
0x58: {  	_ =	shalt  }
0x59: {  	_ =	shalt  }
0x5a: {  	_ =	shalt  }
0x5b: {  	_ =	shalt  }
0x5c: {  	_ =	shalt  }
0x5d: {  	_ =	shalt  }
0x5e: {  	_ =	shalt  }
0x5f: {  	_ =	shalt  }
0x60: {  	_ =	shalt  }
0x61: {  	_ =	shalt  }
0x62: {  	_ =	shalt  }
0x63: {  	_ =	shalt  }
0x64: {  	_ =	shalt  }
0x65: {  	_ =	shalt  }
0x66: {  	_ =	shalt  }
0x67: {  	_ =	shalt  }
0x68: {  	_ =	shalt  }
0x69: {  	_ =	shalt  }
0x6a: {  	_ =	shalt  }
0x6b: {  	_ =	shalt  }
0x6c: {  	_ =	shalt  }
0x6d: {  	_ =	shalt  }
0x6e: {  	_ =	shalt  }
0x6f: {  	_ =	shalt  }
0x70: {  	_ =	shalt  }
0x71: {  	_ =	shalt  }
0x72: {  	_ =	shalt  }
0x73: {  	_ =	shalt  }
0x74: {  	_ =	shalt  }
0x75: {  	_ =	shalt  }
0x76: {  	_ =	shalt  }
0x77: {  	_ =	shalt  }
0x78: {  	_ =	shalt  }
0x79: {  	_ =	shalt  }
0x7a: {  	_ =	shalt  }
0x7b: {  	_ =	shalt  }
0x7c: {  	_ =	shalt  }
0x7d: {  	_ =	shalt  }
0x7e: {  	_ =	shalt  }
0x7f: {  	_ =	shalt  }
0x80: {  	_ =	shalt  }
0x81: {  	_ =	shalt  }
0x82: {  	_ =	shalt  }
0x83: {  	_ =	shalt  }
0x84: {  	_ =	shalt  }
0x85: {  	_ =	shalt  }
0x86: {  	_ =	shalt  }
0x87: {  	_ =	shalt  }
.Lfunc_end0:
.L_simem_size_0:
called_computation_lowered:
.L_overlay_start_0:
0x88: {  	s2 =	sld [smem:$0x3FD9]  }
0x89: {  	s3 =	sld [smem:$0x3FFE];
	_ =	sdelay $0x1  }
0x8a: {  	s1 =	srdreg.scid  }
0x8b: {  	s0 =	sand.u32 $0x1, s1  }
0x8c: {  	s16 =	sshll.u32 s0, $0xA;
	s2 =	sadd.s32 s3, s2  }
0x8d: {  	s2 =	sadd.s32 s2, s16  }
0x8e: {  	[smem:$0x3FC2] =	sst s2  }
0x8f: {  	_ = 	snop  }
0x90: {  	(tm) =	ssettm $0x1  }
0x91: {  	s17 =	sld [smem:$0x3FFB];
	_ =	sdelay $0x3  }
0x92: {  	_ =	strace s17  }
0x93: {  	s2 =	sld [smem:$0x3FFC];
	_ =	sdelay $0x3  }
0x94: {  	_ =	strace s2  }
0x95: {  	s2 =	sld [smem:$0x3FFD];
	_ =	sdelay $0x3  }
0x96: {  	_ =	strace s2  }
0x97: {  	_ =	strace $0x8FFFFFFF  }
0x98: {  	s18 =	sld [smem:$0x3FDB];
	_ =	sdelay $0x1  }
0x99: {  	s19 =	simm.s32 $_scs_section_size  }
0x9a: {  	s4 =	simm.s32 $_size__tile_overlayer_lowered;
	s5 =	simm.s32 $_tile_overlayer_lowered  }
0x9b: {  	s22 =	simm.s32 $0x1BFF;
	s21 =	sshll.u32 s5, $0x1;
	s2 =	sadd.s32 s19, s18  }
0x9c: {  	s6 =	simm.s32 $0x0;
	s20 =	sshll.u32 s4, $0x1;
	s4 =	sadd.s32 s21, s2  }
0x9d: {  	[timem:s6], [sflag:s22] =	dma.local [hbm:s4], s20  }
0x9e: {  	_ =	swait.ge [sflag:s22], s20  }
0x9f: {  	s3 =	ssub.s32 $0x0, s20;
	[sflag:s22] =	ssyncset.done $0x0  }
0xa0: {  	[sflag:s22] =	ssyncadd.s32 s3;
	_ =	sdelay $0x1  }
0xa1: {  	s23 =	simm.s32 $0x1B8B  }
0xa2: {  	_ =	swait.ge [sflag:s23], $0x1  }
0xa3: {  	[sflag:s23] =	ssyncset.done $0x0  }
0xa4: {  	s25 =	simm.s32 $0x1B8E;
	s24 =	sld [smem:$0x3FFE];
	[sflag:s23] =	ssyncadd.s32 $0xFFFFFFFF  }
0xa5: {  	s26 =	simm.s32 $execute0_lowered;
	[smem:$0x3FD2] =	sst s25  }
0xa6: {  	s4 =	sshll.u32 s26, $0x1;
	_ =	strace $0x80000046;
	[dreg:$0x1] =	wrdreg $0xFFFFFFFF  }
0xa7: {  	s28 =	simm.s32 $_size_execute0_lowered;
	s2 =	sadd.s32 s2, s4;
	[dreg:$0x0] =	wrdreg $0x0  }
0xa8: {  	s4 =	sshll.u32 s28, $0x1;
	[dreg:$0x2] =	wrdreg s2  }
0xa9: {  	[dreg:$0x3] =	wrdreg s4  }
0xaa: {  	[dreg:$0x4] =	wrdreg $0xC0  }
0xab: {  	_ =	task [dreg:s6], $0x5FFFF  }
0xac: {  	[dreg:$0x1] =	wrdreg $0xFFFFFFFF  }
0xad: {  	[dreg:$0x0] =	wrdreg $0x60  }
0xae: {  	[dreg:$0x2] =	wrdreg s24  }
0xaf: {  	[dreg:$0x3] =	wrdreg $0x90000  }
0xb0: {  	[dreg:$0x4] =	wrdreg $0x9  }
0xb1: {  	_ =	task.clear_ibuf [dreg:s6], $0x5FFFF;
	_ =	strace $0x90000046  }
0xb2: {  	s29 =	simm.s32 $0x9;
	_ =	strace $0x80000048  }
0xb3: {  	_ =	swait.ge [sflag:s29], $0x1  }
0xb4: {  	[sflag:s29] =	ssyncadd.s32 $0xFFFFFFFF  }
0xb5: {  	_ =	strace $0x90000048  }
0xb6: {  	_ =	sfence  }
0xb7: {  	s30 =	sld [smem:$0x0];
	_ =	sdelay $0x2  }
0xb8: {  	s31 =	sshll.u32 s1, $0xD;
	s1 =	sshrl.u32 s1, $0x2  }
0xb9: {  	s3 =	sand.u32 $0x4000, s31;
	s1 =	sadd.s32 s1, s30  }
0xba: {  	s0 =	sor.u32 s3, s0;
	s1 =	sshll.u32 s1, $0x11  }
0xbb: {  	s0 =	sor.u32 s1, s0  }
0xbc: {  	s0 =	sadd.s32 $0x8F2B, s0  }
0xbd: {  	[sflag:s0] =	ssyncadd.remote.s32 $0x1  }
0xbe: {  	_ =	sfence.sel $0xFFFF  }
0xbf: {  	[dreg:$0x0] =	wrdreg $0xFFFFFFFF;
	(pc) =	sbr.abs _section_cstart, $3  }
0xc0: {  	[dreg:$0x1] =	wrdreg $0xFFFFFFFF  }
0xc1: {  	_ =	task.clear_ibuf [dreg:s6], $0x2FFFF;
	_ =	strace $0x9FFFFFFF  }
0xc2: {  	(tm) =	ssettm $0x7FFFFFFF  }
0xc3: {  	_ =	shalt  }
tec
execute0_lowered:
.L_overlay_start_1:
0x0: {  	(tag) =	ssettag $0x1  }
0x1: {  	s0 =	rddreg [dreg:$0x0]  }
0x2: {  	s2 =	rddreg [dreg:$0x1]  }
0x3: {  	s1 =	simm.s32 $0x0;
	s12 =	stileid.u32;
	s3 =	srdreg.scid  }
0x4: {  	s20 =	simm.s32 $0x7;
	s16 =	simm.s32 $0x8000;
	s29 =	simm.s32 $0x800  }
0x5: {  	s17 =	simm.s32 $0x1800;
	s19 =	simm.s32 $0x1;
	s28 =	simm.s32 $0x4  }
0x6: {  	s30 =	simm.s32 $0x5800;
	s14 =	simm.s32 $0x2;
	s31 =	simm.s32 $0x8F80  }
0x7: {  	s15 =	simm.s32 $0x0;
	[smem:$0x7FF] =	sst s1;
	s21 =	smul.u32 $0x2800, s12  }
0x8: {  	s4 =	sadd.s32 $0x34000, s0;
	s5 =	sadd.s32 $0x2F000, s0;
	s3 =	sand.u32 $0x1, s3  }
0x9: {  	s6 =	sadd.s32 $0x2A000, s0;
	s22 =	sshll.u32 s12, $0x6;
	s24 =	sadd.s32 $0x57400, s0  }
0xa: {  	_ =	strace $0x80000047;
	s8 =	smul.u32 $0x28000, s3;
	s10 =	sshll.u32 s3, $0x4  }
0xb: {  	s3 =	ssub.s32 $0x2, s3;
	[dreg:$0x9] =	wrdreg s24;
	s24 =	simm.s32 $0x80  }
0xc: {  	s7 =	sshrl.u32 s21, $0x3;
	s10 =	sor.u32 s12, s10;
	s11 =	sshrl.u32 s3, $0x1  }
0xd: {  	s1 =	sadd.s32 s21, s2;
	s9 =	sadd.s32 s7, s0;
	s7 =	sadd.s32 $0x57000, s0  }
0xe: {  	s8 =	sadd.s32 s21, s8;
	s13 =	smul.u32 $0x14, s10;
	s12 =	sshrl.u32 s1, $0x3  }
0xf: {  	s3 =	ssub.s32 s3, s11;
	s9 =	sadd.s32 $0x48000, s9;
	[dreg:$0xd] =	wrdreg s12  }
0x10: {  	s10 =	smul.u32 $0xA00, s10;
	s1 =	simm.s32 $0x1000;
	[dreg:$0x4] =	wrdreg s9  }
0x11: {  	s8 =	sshrl.u32 s8, $0x3;
	s26 =	smax.u32 s3, $0x1;
	[dreg:$0x3] =	wrdreg s13  }
0x12: {  	s8 =	sadd.s32 s8, s0;
	s10 =	sadd.s32 s4, s10;
	[dreg:$0xc] =	wrdreg s26  }
0x13: {  	s9 =	sor.u32 $0x1C07, s22;
	s0 =	sadd.s32 $0x57800, s0;
	[dreg:$0x6] =	wrdreg s10  }
0x14: {  	s11 =	sadd.s32 $0x13, s13;
	s22 =	simm.s32 $0x5000;
	[dreg:$0xa] =	wrdreg s0  }
0x15: {  	s13 =	simm.s32 $0x5;
	s23 =	sadd.s32 $0x80, s10;
	[dreg:$0x5] =	wrdreg s9  }
0x16: {  	s10 =	sadd.s32 $0x100, s10;
	s25 =	sadd.s32 $0x4D000, s8;
	[dreg:$0x7] =	wrdreg s23  }
0x17: {  	s0 =	simm.s32 $0x4000;
	s8 =	simm.s32 $0x4800;
	[dreg:$0x8] =	wrdreg s10  }
0x18: {  	[dreg:$0xb] =	wrdreg s25;
	s23 =	simm.s32 $0x3;
	s10 =	simm.s32 $0x6  }
.LBB2_1:
0x19: {  	[dreg:$0xe] =	wrdreg s15  }
0x1a: {  	s3 =	rddreg [dreg:$0x4]  }
0x1b: {  	[spmem:s12], [sflag:s9] =	dma.local [hbm:s3], $0x500  }
0x1c: {  	_ =	swait.ge [sflag:s20], $0x500  }
0x1d: {  	[sflag:s20] =	ssyncset.done $0x0  }
0x1e: {  	[sflag:s20] =	ssyncadd.s32 $0xFFFFFB00  }
0x1f: {  	[bflag:$0x0] =	sbarrier.arrive $0xFFFF  }
0x20: {  	s3 =	simm.s32 $0x0;
	s15 =	rddreg [dreg:$0x6]  }
0x21: {  	[tilespmem:s16], [sflag:$0x3] =	stream.linear.gather [hbm4b:s15+s3], $0x400, $0x38;
	[tilespmem:$0xB800] =	vst v63  }
0x22: {  	s21 =	simm.s32 $0x8400;
	s18 =	rddreg [dreg:$0x7]  }
0x23: {  	[tilespmem:s21], [sflag:$0x4] =	stream.linear.gather [hbm4b:s18+s3], $0x400, $0x38;
	[tilespmem:$0xB800] =	vst v63  }
0x24: {  	_ =	swait.ge [sflag:s23], $0x400  }
0x25: {  	[sflag:s23] =	ssyncset.done $0x0  }
0x26: {  	[sflag:s23] =	ssyncadd.s32 $0xFFFFFC00  }
0x27: {  	[tilespmem:s3], [sflag:$0x1] =	stream.indirect.gather [hbm4b:s5+s24], $0x10, s16, s24, $0xb8;
	[tilespmem:$0xB800] =	vst v63  }
0x28: {  	s25 =	simm.s32 $0x8200;
	s26 =	simm.s32 $0x2000  }
0x29: {  	[tilespmem:s26], [sflag:$0x1] =	stream.indirect.gather [hbm4b:s6+s24], $0x10, s25, s24, $0xb8;
	[tilespmem:$0xB800] =	vst v63  }
0x2a: {  	s12 =	simm.s32 $0x8080  }
0x2b: {  	[tilespmem:s29], [sflag:$0x1] =	stream.indirect.gather [hbm4b:s5+s24], $0x10, s12, s24, $0xb8;
	[tilespmem:$0xB800] =	vst v63  }
0x2c: {  	s15 =	simm.s32 $0x8280;
	s18 =	simm.s32 $0x2800  }
0x2d: {  	[tilespmem:s18], [sflag:$0x1] =	stream.indirect.gather [hbm4b:s6+s24], $0x10, s15, s24, $0xb8;
	[tilespmem:$0xB800] =	vst v63  }
0x2e: {  	s21 =	simm.s32 $0x8100  }
0x2f: {  	[tilespmem:s1], [sflag:$0x1] =	stream.indirect.gather [hbm4b:s5+s24], $0x10, s21, s24, $0xb8;
	[tilespmem:$0xB800] =	vst v63  }
0x30: {  	s25 =	simm.s32 $0x8300;
	s26 =	simm.s32 $0x3000  }
0x31: {  	[tilespmem:s26], [sflag:$0x1] =	stream.indirect.gather [hbm4b:s6+s24], $0x10, s25, s24, $0xb8;
	[tilespmem:$0xB800] =	vst v63  }
0x32: {  	s15 =	simm.s32 $0x8180  }
0x33: {  	[tilespmem:s17], [sflag:$0x1] =	stream.indirect.gather [hbm4b:s5+s24], $0x10, s15, s24, $0xb8;
	[tilespmem:$0xB800] =	vst v63  }
0x34: {  	s18 =	simm.s32 $0x8380;
	s21 =	simm.s32 $0x3800  }
0x35: {  	[tilespmem:s21], [sflag:$0x1] =	stream.indirect.gather [hbm4b:s6+s24], $0x10, s18, s24, $0xb8;
	[tilespmem:$0xB800] =	vst v63  }
0x36: {  	s25 =	rddreg [dreg:$0x8];
	s26 =	simm.s32 $0x8800;
	s21 =	simm.s32 $0x0  }
0x37: {  	[tilespmem:s26], [sflag:$0x5] =	stream.linear.gather [hbm4b:s25+s3], $0x400, $0x38;
	[tilespmem:$0xB800] =	vst v63  }
.LBB2_2:
0x38: {  	_ =	swait.ge [sflag:s19], $0x800  }
0x39: {  	[sflag:s19] =	ssyncset.done $0x0  }
0x3a: {  	[sflag:s19] =	ssyncadd.s32 $0xFFFFF800  }
0x3b: {  	_ =	swait.ge [sflag:s19], $0x800  }
0x3c: {  	[sflag:s19] =	ssyncset.done $0x0  }
0x3d: {  	[sflag:s19] =	ssyncadd.s32 $0xFFFFF800  }
0x3e: {  	_ =	swait.ge [sflag:s19], $0x800  }
0x3f: {  	[sflag:s19] =	ssyncset.done $0x0  }
0x40: {  	[sflag:s19] =	ssyncadd.s32 $0xFFFFF800  }
0x41: {  	_ =	swait.ge [sflag:s19], $0x800  }
0x42: {  	[sflag:s19] =	ssyncset.done $0x0  }
0x43: {  	[sflag:s19] =	ssyncadd.s32 $0xFFFFF800  }
0x44: {  	_ =	swait.ge [sflag:s19], $0x800  }
0x45: {  	[sflag:s19] =	ssyncset.done $0x0  }
0x46: {  	[sflag:s19] =	ssyncadd.s32 $0xFFFFF800  }
0x47: {  	_ =	swait.ge [sflag:s19], $0x800  }
0x48: {  	[sflag:s19] =	ssyncset.done $0x0  }
0x49: {  	[sflag:s19] =	ssyncadd.s32 $0xFFFFF800  }
0x4a: {  	_ =	swait.ge [sflag:s19], $0x800  }
0x4b: {  	[sflag:s19] =	ssyncset.done $0x0  }
0x4c: {  	[sflag:s19] =	ssyncadd.s32 $0xFFFFF800  }
0x4d: {  	_ =	swait.ge [sflag:s19], $0x800  }
0x4e: {  	[sflag:s19] =	ssyncset.done $0x0  }
0x4f: {  	[sflag:s19] =	ssyncadd.s32 $0xFFFFF800  }
0x50: {  	_ =	swait.ge [sflag:s28], $0x400  }
0x51: {  	[sflag:s28] =	ssyncset.done $0x0  }
0x52: {  	s3 =	simm.s32 $0x8400;
	[sflag:s28] =	ssyncadd.s32 $0xFFFFFC00  }
0x53: {  	[tilespmem:s0], [sflag:$0x2] =	stream.indirect.gather [hbm4b:s5+s24], $0x10, s3, s24, $0xb8;
	[tilespmem:$0xB800] =	vst v63  }
0x54: {  	s26 =	simm.s32 $0x8600;
	s9 =	simm.s32 $0x6000  }
0x55: {  	[tilespmem:s9], [sflag:$0x2] =	stream.indirect.gather [hbm4b:s6+s24], $0x10, s26, s24, $0xb8;
	[tilespmem:$0xB800] =	vst v63  }
0x56: {  	s9 =	simm.s32 $0x8480  }
0x57: {  	[tilespmem:s8], [sflag:$0x2] =	stream.indirect.gather [hbm4b:s5+s24], $0x10, s9, s24, $0xb8;
	[tilespmem:$0xB800] =	vst v63  }
0x58: {  	s12 =	simm.s32 $0x8680;
	s15 =	simm.s32 $0x6800  }
0x59: {  	[tilespmem:s15], [sflag:$0x2] =	stream.indirect.gather [hbm4b:s6+s24], $0x10, s12, s24, $0xb8;
	[tilespmem:$0xB800] =	vst v63  }
0x5a: {  	s18 =	simm.s32 $0x8500  }
0x5b: {  	[tilespmem:s22], [sflag:$0x2] =	stream.indirect.gather [hbm4b:s5+s24], $0x10, s18, s24, $0xb8;
	[tilespmem:$0xB800] =	vst v63  }
0x5c: {  	s12 =	sshll.u32 s21, $0x2;
	s18 =	rddreg [dreg:$0x3]  }
0x5d: {  	s25 =	simm.s32 $0x8700;
	s26 =	simm.s32 $0x7000;
	s3 =	sadd.s32 s18, s12  }
0x5e: {  	[tilespmem:s26], [sflag:$0x2] =	stream.indirect.gather [hbm4b:s6+s24], $0x10, s25, s24, $0xb8;
	[tilespmem:$0xB800] =	vst v63  }
0x5f: {  	s15 =	simm.s32 $0x8580;
	s9 =	sor.u32 $0x3, s3  }
0x60: {  	[tilespmem:s30], [sflag:$0x2] =	stream.indirect.gather [hbm4b:s5+s24], $0x10, s15, s24, $0xb8;
	[tilespmem:$0xB800] =	vst v63  }
0x61: {  	s12 =	simm.s32 $0x7800;
	s25 =	simm.s32 $0x8780;
	s26 =	smin.u32 s9, s11  }
0x62: {  	[tilespmem:s12], [sflag:$0x2] =	stream.indirect.gather [hbm4b:s6+s24], $0x10, s25, s24, $0xb8;
	[tilespmem:$0xB800] =	vst v63  }
0x63: {  	s12 =	sshll.u32 s26, $0x7  }
0x64: {  	s18 =	simm.s32 $0x8C00;
	s15 =	simm.s32 $0x0;
	s12 =	sadd.s32 s4, s12  }
0x65: {  	[tilespmem:s18], [sflag:$0x6] =	stream.linear.gather [hbm4b:s12+s15], $0x400, $0x38;
	[tilespmem:$0xB800] =	vst v63  }
0x66: {  	s15 =	simm.s32 $0x0  }
0x67: {  	s18 =	simm.s32 $0x40;
	v0 =	vld [tilespmem:s15+$0x2000]  }
.LBB2_3:
0x68: {  	p0 =	sne.s32 s18, $0x7FC0;
	v1 =	vld [tilespmem:s15+$0x0];
	_ =	sdelay $0x4  }
0x69: {  	v0 =	vadd.f32 v0, v1;
	_ =	sdelay $0x1  }
0x6a: {  	v1 =	vmul.f32 $2.000000030e-01, v0;
	_ =	sdelay $0x1  }
0x6b: {  	v0 =	vmax.f32 v0, v1  }
0x6c: {  	v0 =	vmul.f32 $1.442695020e+00, v0;
	_ =	sdelay $0x1  }
0x6d: {  	(erf) = vpow2.f32 v0;
	_ =	sdelay $0x5  }
.Ltmp0:
0x6e: {  	(pc) =	sbr.rel @p0 .LBB2_3-.Ltmp0, $3  }
0x6f: {  	_ =	sdelay $0x1  }
0x70: {  	s12 =	sshra.s32 s18, $0x2;
	v1 =	vpop (erf)  }
0x71: {  	s18 =	sadd.s32 $0x40, s18;
	v0 =	vld [tilespmem:s12+$0x2000];
	[tilespmem:s15+$0x0] =	vst v1;
	s15 =	smov.u32 s12  }
0x72: {  	v1 =	vld [tilespmem:s15+$0x0];
	_ =	sdelay $0x4  }
0x73: {  	v0 =	vadd.f32 v0, v1;
	_ =	sdelay $0x1  }
0x74: {  	v1 =	vmul.f32 $2.000000030e-01, v0;
	_ =	sdelay $0x1  }
0x75: {  	v0 =	vmax.f32 v0, v1  }
0x76: {  	v0 =	vmul.f32 $1.442695020e+00, v0;
	_ =	sdelay $0x1  }
0x77: {  	(erf) = vpow2.f32 v0;
	_ =	sdelay $0x8  }
0x78: {  	s18 =	sshll.u32 s3, $0xA;
	v0 =	vpop (erf)  }
0x79: {  	s12 =	sadd.s32 s7, s18;
	[tilespmem:s15+$0x0] =	vst v0;
	s15 =	simm.s32 $0x0  }
0x7a: {  	[hbm4b:s12+s15] =	stream.linear.scatter [tilespmem:s15], [sflag:$0x7], $0x2000, $0x38;
	[tilespmem:$0xB800] =	vst v63  }
0x7b: {  	_ =	swait.ge [sflag:s20], $0x2000  }
0x7c: {  	[sflag:s20] =	ssyncset.done $0x0  }
0x7d: {  	s25 =	simm.s32 $0x8200;
	[sflag:s20] =	ssyncadd.s32 $0xFFFFE000  }
0x7e: {  	[spmem:s2] =	stream.indirect.scatter.add.f32 [tilespmem:s15], [sflag:$0x7], $0x10, s25, s24, $0xb8;
	[tilespmem:$0xB800] =	vst v63  }
0x7f: {  	_ =	swait.ge [sflag:s20], $0x800  }
0x80: {  	[sflag:s20] =	ssyncset.done $0x0  }
0x81: {  	s26 =	simm.s32 $0x8280;
	[sflag:s20] =	ssyncadd.s32 $0xFFFFF800  }
0x82: {  	[spmem:s2] =	stream.indirect.scatter.add.f32 [tilespmem:s29], [sflag:$0x7], $0x10, s26, s24, $0xb8;
	[tilespmem:$0xB800] =	vst v63  }
0x83: {  	_ =	swait.ge [sflag:s20], $0x800  }
0x84: {  	[sflag:s20] =	ssyncset.done $0x0  }
0x85: {  	s25 =	simm.s32 $0x8300;
	[sflag:s20] =	ssyncadd.s32 $0xFFFFF800  }
0x86: {  	[spmem:s2] =	stream.indirect.scatter.add.f32 [tilespmem:s1], [sflag:$0x7], $0x10, s25, s24, $0xb8;
	[tilespmem:$0xB800] =	vst v63  }
0x87: {  	_ =	swait.ge [sflag:s20], $0x800  }
0x88: {  	[sflag:s20] =	ssyncset.done $0x0  }
0x89: {  	s26 =	simm.s32 $0x8380;
	[sflag:s20] =	ssyncadd.s32 $0xFFFFF800  }
0x8a: {  	[spmem:s2] =	stream.indirect.scatter.add.f32 [tilespmem:s17], [sflag:$0x7], $0x10, s26, s24, $0xb8;
	[tilespmem:$0xB800] =	vst v63  }
0x8b: {  	_ =	swait.ge [sflag:s20], $0x800  }
0x8c: {  	[sflag:s20] =	ssyncset.done $0x0  }
0x8d: {  	[sflag:s20] =	ssyncadd.s32 $0xFFFFF800  }
0x8e: {  	_ =	swait.ge [sflag:s14], $0x800  }
0x8f: {  	[sflag:s14] =	ssyncset.done $0x0  }
0x90: {  	[sflag:s14] =	ssyncadd.s32 $0xFFFFF800  }
0x91: {  	_ =	swait.ge [sflag:s14], $0x800  }
0x92: {  	[sflag:s14] =	ssyncset.done $0x0  }
0x93: {  	[sflag:s14] =	ssyncadd.s32 $0xFFFFF800  }
0x94: {  	_ =	swait.ge [sflag:s14], $0x800  }
0x95: {  	[sflag:s14] =	ssyncset.done $0x0  }
0x96: {  	[sflag:s14] =	ssyncadd.s32 $0xFFFFF800  }
0x97: {  	_ =	swait.ge [sflag:s14], $0x800  }
0x98: {  	[sflag:s14] =	ssyncset.done $0x0  }
0x99: {  	[sflag:s14] =	ssyncadd.s32 $0xFFFFF800  }
0x9a: {  	_ =	swait.ge [sflag:s14], $0x800  }
0x9b: {  	[sflag:s14] =	ssyncset.done $0x0  }
0x9c: {  	[sflag:s14] =	ssyncadd.s32 $0xFFFFF800  }
0x9d: {  	_ =	swait.ge [sflag:s14], $0x800  }
0x9e: {  	[sflag:s14] =	ssyncset.done $0x0  }
0x9f: {  	[sflag:s14] =	ssyncadd.s32 $0xFFFFF800  }
0xa0: {  	_ =	swait.ge [sflag:s14], $0x800  }
0xa1: {  	[sflag:s14] =	ssyncset.done $0x0  }
0xa2: {  	[sflag:s14] =	ssyncadd.s32 $0xFFFFF800  }
0xa3: {  	_ =	swait.ge [sflag:s14], $0x800  }
0xa4: {  	[sflag:s14] =	ssyncset.done $0x0  }
0xa5: {  	[sflag:s14] =	ssyncadd.s32 $0xFFFFF800  }
0xa6: {  	_ =	swait.ge [sflag:s13], $0x400  }
0xa7: {  	[sflag:s13] =	ssyncset.done $0x0  }
0xa8: {  	s25 =	simm.s32 $0x8800;
	[sflag:s13] =	ssyncadd.s32 $0xFFFFFC00  }
0xa9: {  	[tilespmem:s15], [sflag:$0x1] =	stream.indirect.gather [hbm4b:s5+s24], $0x10, s25, s24, $0xb8;
	[tilespmem:$0xB800] =	vst v63  }
0xaa: {  	s26 =	simm.s32 $0x2000;
	s25 =	simm.s32 $0x8A00  }
0xab: {  	[tilespmem:s26], [sflag:$0x1] =	stream.indirect.gather [hbm4b:s6+s24], $0x10, s25, s24, $0xb8;
	[tilespmem:$0xB800] =	vst v63  }
0xac: {  	s25 =	simm.s32 $0x8880  }
0xad: {  	[tilespmem:s29], [sflag:$0x1] =	stream.indirect.gather [hbm4b:s5+s24], $0x10, s25, s24, $0xb8;
	[tilespmem:$0xB800] =	vst v63  }
0xae: {  	s26 =	simm.s32 $0x2800;
	s25 =	simm.s32 $0x8A80  }
0xaf: {  	[tilespmem:s26], [sflag:$0x1] =	stream.indirect.gather [hbm4b:s6+s24], $0x10, s25, s24, $0xb8;
	[tilespmem:$0xB800] =	vst v63  }
0xb0: {  	s26 =	simm.s32 $0x8900  }
0xb1: {  	[tilespmem:s1], [sflag:$0x1] =	stream.indirect.gather [hbm4b:s5+s24], $0x10, s26, s24, $0xb8;
	[tilespmem:$0xB800] =	vst v63  }
0xb2: {  	s12 =	simm.s32 $0x3000;
	s26 =	simm.s32 $0x8B00  }
0xb3: {  	[tilespmem:s12], [sflag:$0x1] =	stream.indirect.gather [hbm4b:s6+s24], $0x10, s26, s24, $0xb8;
	[tilespmem:$0xB800] =	vst v63  }
0xb4: {  	s26 =	simm.s32 $0x8980  }
0xb5: {  	[tilespmem:s17], [sflag:$0x1] =	stream.indirect.gather [hbm4b:s5+s24], $0x10, s26, s24, $0xb8;
	[tilespmem:$0xB800] =	vst v63  }
0xb6: {  	s12 =	simm.s32 $0x3800;
	s26 =	simm.s32 $0x8B80  }
0xb7: {  	[tilespmem:s12], [sflag:$0x1] =	stream.indirect.gather [hbm4b:s6+s24], $0x10, s26, s24, $0xb8;
	[tilespmem:$0xB800] =	vst v63  }
0xb8: {  	s12 =	sadd.s32 $0x4, s3  }
0xb9: {  	s12 =	smin.u32 s12, s11  }
0xba: {  	s12 =	sshll.u32 s12, $0x7  }
0xbb: {  	s12 =	sadd.s32 s4, s12  }
0xbc: {  	[tilespmem:s16], [sflag:$0x3] =	stream.linear.gather [hbm4b:s12+s15], $0x400, $0x38;
	[tilespmem:$0xB800] =	vst v63  }
0xbd: {  	s15 =	simm.s32 $0x0  }
0xbe: {  	s12 =	simm.s32 $0x40;
	v0 =	vld [tilespmem:s15+$0x6000]  }
.LBB2_5:
0xbf: {  	p0 =	sne.s32 s12, $0x7FC0;
	v1 =	vld [tilespmem:s15+$0x4000];
	_ =	sdelay $0x4  }
0xc0: {  	v0 =	vadd.f32 v0, v1;
	_ =	sdelay $0x1  }
0xc1: {  	v1 =	vmul.f32 $2.000000030e-01, v0;
	_ =	sdelay $0x1  }
0xc2: {  	v0 =	vmax.f32 v0, v1  }
0xc3: {  	v0 =	vmul.f32 $1.442695020e+00, v0;
	_ =	sdelay $0x1  }
0xc4: {  	(erf) = vpow2.f32 v0;
	_ =	sdelay $0x5  }
.Ltmp1:
0xc5: {  	(pc) =	sbr.rel @p0 .LBB2_5-.Ltmp1, $3  }
0xc6: {  	_ =	sdelay $0x1  }
0xc7: {  	s16 =	sshra.s32 s12, $0x2;
	v1 =	vpop (erf)  }
0xc8: {  	s12 =	sadd.s32 $0x40, s12;
	v0 =	vld [tilespmem:s16+$0x6000];
	[tilespmem:s15+$0x4000] =	vst v1;
	s15 =	smov.u32 s16  }
0xc9: {  	v1 =	vld [tilespmem:s15+$0x4000];
	_ =	sdelay $0x4  }
0xca: {  	v0 =	vadd.f32 v0, v1;
	_ =	sdelay $0x1  }
0xcb: {  	v1 =	vmul.f32 $2.000000030e-01, v0;
	_ =	sdelay $0x1  }
0xcc: {  	v0 =	vmax.f32 v0, v1  }
0xcd: {  	v0 =	vmul.f32 $1.442695020e+00, v0;
	_ =	sdelay $0x1  }
0xce: {  	(erf) = vpow2.f32 v0;
	_ =	sdelay $0x8  }
0xcf: {  	s12 =	rddreg [dreg:$0x9];
	v0 =	vpop (erf)  }
0xd0: {  	s12 =	sadd.s32 s18, s12;
	[tilespmem:s15+$0x4000] =	vst v0;
	s15 =	simm.s32 $0x0  }
0xd1: {  	[hbm4b:s12+s15] =	stream.linear.scatter [tilespmem:s0], [sflag:$0x7], $0x2000, $0x38;
	[tilespmem:$0xB800] =	vst v63  }
0xd2: {  	_ =	swait.ge [sflag:s20], $0x2000  }
0xd3: {  	[sflag:s20] =	ssyncset.done $0x0  }
0xd4: {  	s16 =	simm.s32 $0x8600;
	[sflag:s20] =	ssyncadd.s32 $0xFFFFE000  }
0xd5: {  	[spmem:s2] =	stream.indirect.scatter.add.f32 [tilespmem:s0], [sflag:$0x7], $0x10, s16, s24, $0xb8;
	[tilespmem:$0xB800] =	vst v63  }
0xd6: {  	_ =	swait.ge [sflag:s20], $0x800  }
0xd7: {  	[sflag:s20] =	ssyncset.done $0x0  }
0xd8: {  	s16 =	simm.s32 $0x8680;
	[sflag:s20] =	ssyncadd.s32 $0xFFFFF800  }
0xd9: {  	[spmem:s2] =	stream.indirect.scatter.add.f32 [tilespmem:s8], [sflag:$0x7], $0x10, s16, s24, $0xb8;
	[tilespmem:$0xB800] =	vst v63  }
0xda: {  	_ =	swait.ge [sflag:s20], $0x800  }
0xdb: {  	[sflag:s20] =	ssyncset.done $0x0  }
0xdc: {  	s16 =	simm.s32 $0x8700;
	[sflag:s20] =	ssyncadd.s32 $0xFFFFF800  }
0xdd: {  	[spmem:s2] =	stream.indirect.scatter.add.f32 [tilespmem:s22], [sflag:$0x7], $0x10, s16, s24, $0xb8;
	[tilespmem:$0xB800] =	vst v63  }
0xde: {  	_ =	swait.ge [sflag:s20], $0x800  }
0xdf: {  	[sflag:s20] =	ssyncset.done $0x0  }
0xe0: {  	s16 =	simm.s32 $0x8780;
	[sflag:s20] =	ssyncadd.s32 $0xFFFFF800  }
0xe1: {  	[spmem:s2] =	stream.indirect.scatter.add.f32 [tilespmem:s30], [sflag:$0x7], $0x10, s16, s24, $0xb8;
	[tilespmem:$0xB800] =	vst v63  }
0xe2: {  	_ =	swait.ge [sflag:s20], $0x800  }
0xe3: {  	[sflag:s20] =	ssyncset.done $0x0  }
0xe4: {  	[sflag:s20] =	ssyncadd.s32 $0xFFFFF800  }
0xe5: {  	_ =	swait.ge [sflag:s19], $0x800  }
0xe6: {  	[sflag:s19] =	ssyncset.done $0x0  }
0xe7: {  	[sflag:s19] =	ssyncadd.s32 $0xFFFFF800  }
0xe8: {  	_ =	swait.ge [sflag:s19], $0x800  }
0xe9: {  	[sflag:s19] =	ssyncset.done $0x0  }
0xea: {  	[sflag:s19] =	ssyncadd.s32 $0xFFFFF800  }
0xeb: {  	_ =	swait.ge [sflag:s19], $0x800  }
0xec: {  	[sflag:s19] =	ssyncset.done $0x0  }
0xed: {  	[sflag:s19] =	ssyncadd.s32 $0xFFFFF800  }
0xee: {  	_ =	swait.ge [sflag:s19], $0x800  }
0xef: {  	[sflag:s19] =	ssyncset.done $0x0  }
0xf0: {  	[sflag:s19] =	ssyncadd.s32 $0xFFFFF800  }
0xf1: {  	_ =	swait.ge [sflag:s19], $0x800  }
0xf2: {  	[sflag:s19] =	ssyncset.done $0x0  }
0xf3: {  	[sflag:s19] =	ssyncadd.s32 $0xFFFFF800  }
0xf4: {  	_ =	swait.ge [sflag:s19], $0x800  }
0xf5: {  	[sflag:s19] =	ssyncset.done $0x0  }
0xf6: {  	[sflag:s19] =	ssyncadd.s32 $0xFFFFF800  }
0xf7: {  	_ =	swait.ge [sflag:s19], $0x800  }
0xf8: {  	[sflag:s19] =	ssyncset.done $0x0  }
0xf9: {  	[sflag:s19] =	ssyncadd.s32 $0xFFFFF800  }
0xfa: {  	_ =	swait.ge [sflag:s19], $0x800  }
0xfb: {  	[sflag:s19] =	ssyncset.done $0x0  }
0xfc: {  	[sflag:s19] =	ssyncadd.s32 $0xFFFFF800  }
0xfd: {  	_ =	swait.ge [sflag:s10], $0x400  }
0xfe: {  	[sflag:s10] =	ssyncset.done $0x0  }
0xff: {  	s16 =	simm.s32 $0x8C00;
	[sflag:s10] =	ssyncadd.s32 $0xFFFFFC00  }
0x100: {  	[tilespmem:s0], [sflag:$0x2] =	stream.indirect.gather [hbm4b:s5+s24], $0x10, s16, s24, $0xb8;
	[tilespmem:$0xB800] =	vst v63  }
0x101: {  	s12 =	simm.s32 $0x6000;
	s16 =	simm.s32 $0x8E00  }
0x102: {  	[tilespmem:s12], [sflag:$0x2] =	stream.indirect.gather [hbm4b:s6+s24], $0x10, s16, s24, $0xb8;
	[tilespmem:$0xB800] =	vst v63  }
0x103: {  	s16 =	simm.s32 $0x8C80  }
0x104: {  	[tilespmem:s8], [sflag:$0x2] =	stream.indirect.gather [hbm4b:s5+s24], $0x10, s16, s24, $0xb8;
	[tilespmem:$0xB800] =	vst v63  }
0x105: {  	s12 =	simm.s32 $0x6800;
	s16 =	simm.s32 $0x8E80  }
0x106: {  	[tilespmem:s12], [sflag:$0x2] =	stream.indirect.gather [hbm4b:s6+s24], $0x10, s16, s24, $0xb8;
	[tilespmem:$0xB800] =	vst v63  }
0x107: {  	s16 =	simm.s32 $0x8D00  }
0x108: {  	[tilespmem:s22], [sflag:$0x2] =	stream.indirect.gather [hbm4b:s5+s24], $0x10, s16, s24, $0xb8;
	[tilespmem:$0xB800] =	vst v63  }
0x109: {  	s12 =	simm.s32 $0x7000;
	s16 =	simm.s32 $0x8F00  }
0x10a: {  	[tilespmem:s12], [sflag:$0x2] =	stream.indirect.gather [hbm4b:s6+s24], $0x10, s16, s24, $0xb8;
	[tilespmem:$0xB800] =	vst v63  }
0x10b: {  	s16 =	simm.s32 $0x8D80  }
0x10c: {  	[tilespmem:s30], [sflag:$0x2] =	stream.indirect.gather [hbm4b:s5+s24], $0x10, s16, s24, $0xb8;
	[tilespmem:$0xB800] =	vst v63  }
0x10d: {  	s16 =	simm.s32 $0x7800  }
0x10e: {  	[tilespmem:s16], [sflag:$0x2] =	stream.indirect.gather [hbm4b:s6+s24], $0x10, s31, s24, $0xb8;
	[tilespmem:$0xB800] =	vst v63  }
0x10f: {  	s16 =	sadd.s32 $0x5, s3  }
0x110: {  	s12 =	smin.u32 s16, s11  }
0x111: {  	s12 =	sshll.u32 s12, $0x7  }
0x112: {  	s16 =	simm.s32 $0x8400;
	s12 =	sadd.s32 s4, s12  }
0x113: {  	[tilespmem:s16], [sflag:$0x4] =	stream.linear.gather [hbm4b:s12+s15], $0x400, $0x38;
	[tilespmem:$0xB800] =	vst v63  }
0x114: {  	s15 =	simm.s32 $0x0  }
0x115: {  	s12 =	simm.s32 $0x40;
	v0 =	vld [tilespmem:s15+$0x2000]  }
.LBB2_7:
0x116: {  	p0 =	sne.s32 s12, $0x7FC0;
	v1 =	vld [tilespmem:s15+$0x0];
	_ =	sdelay $0x4  }
0x117: {  	v0 =	vadd.f32 v0, v1;
	_ =	sdelay $0x1  }
0x118: {  	v1 =	vmul.f32 $2.000000030e-01, v0;
	_ =	sdelay $0x1  }
0x119: {  	v0 =	vmax.f32 v0, v1  }
0x11a: {  	v0 =	vmul.f32 $1.442695020e+00, v0;
	_ =	sdelay $0x1  }
0x11b: {  	(erf) = vpow2.f32 v0;
	_ =	sdelay $0x5  }
.Ltmp2:
0x11c: {  	(pc) =	sbr.rel @p0 .LBB2_7-.Ltmp2, $3  }
0x11d: {  	_ =	sdelay $0x1  }
0x11e: {  	s16 =	sshra.s32 s12, $0x2;
	v1 =	vpop (erf)  }
0x11f: {  	s12 =	sadd.s32 $0x40, s12;
	v0 =	vld [tilespmem:s16+$0x2000];
	[tilespmem:s15+$0x0] =	vst v1;
	s15 =	smov.u32 s16  }
0x120: {  	v1 =	vld [tilespmem:s15+$0x0];
	_ =	sdelay $0x4  }
0x121: {  	v0 =	vadd.f32 v0, v1;
	_ =	sdelay $0x1  }
0x122: {  	v1 =	vmul.f32 $2.000000030e-01, v0;
	_ =	sdelay $0x1  }
0x123: {  	v0 =	vmax.f32 v0, v1  }
0x124: {  	v0 =	vmul.f32 $1.442695020e+00, v0;
	_ =	sdelay $0x1  }
0x125: {  	(erf) = vpow2.f32 v0;
	_ =	sdelay $0x8  }
0x126: {  	s12 =	rddreg [dreg:$0xa];
	v0 =	vpop (erf)  }
0x127: {  	s12 =	sadd.s32 s18, s12;
	[tilespmem:s15+$0x0] =	vst v0;
	s15 =	simm.s32 $0x0  }
0x128: {  	[hbm4b:s12+s15] =	stream.linear.scatter [tilespmem:s15], [sflag:$0x7], $0x2000, $0x38;
	[tilespmem:$0xB800] =	vst v63  }
0x129: {  	_ =	swait.ge [sflag:s20], $0x2000  }
0x12a: {  	[sflag:s20] =	ssyncset.done $0x0  }
0x12b: {  	s18 =	simm.s32 $0x8A00;
	[sflag:s20] =	ssyncadd.s32 $0xFFFFE000  }
0x12c: {  	[spmem:s2] =	stream.indirect.scatter.add.f32 [tilespmem:s15], [sflag:$0x7], $0x10, s18, s24, $0xb8;
	[tilespmem:$0xB800] =	vst v63  }
0x12d: {  	_ =	swait.ge [sflag:s20], $0x800  }
0x12e: {  	[sflag:s20] =	ssyncset.done $0x0  }
0x12f: {  	[sflag:s20] =	ssyncadd.s32 $0xFFFFF800  }
0x130: {  	[spmem:s2] =	stream.indirect.scatter.add.f32 [tilespmem:s29], [sflag:$0x7], $0x10, s25, s24, $0xb8;
	[tilespmem:$0xB800] =	vst v63  }
0x131: {  	_ =	swait.ge [sflag:s20], $0x800  }
0x132: {  	[sflag:s20] =	ssyncset.done $0x0  }
0x133: {  	s16 =	simm.s32 $0x8B00;
	[sflag:s20] =	ssyncadd.s32 $0xFFFFF800  }
0x134: {  	[spmem:s2] =	stream.indirect.scatter.add.f32 [tilespmem:s1], [sflag:$0x7], $0x10, s16, s24, $0xb8;
	[tilespmem:$0xB800] =	vst v63  }
0x135: {  	_ =	swait.ge [sflag:s20], $0x800  }
0x136: {  	[sflag:s20] =	ssyncset.done $0x0  }
0x137: {  	[sflag:s20] =	ssyncadd.s32 $0xFFFFF800  }
0x138: {  	[spmem:s2] =	stream.indirect.scatter.add.f32 [tilespmem:s17], [sflag:$0x7], $0x10, s26, s24, $0xb8;
	[tilespmem:$0xB800] =	vst v63  }
0x139: {  	_ =	swait.ge [sflag:s20], $0x800  }
0x13a: {  	[sflag:s20] =	ssyncset.done $0x0  }
0x13b: {  	[sflag:s20] =	ssyncadd.s32 $0xFFFFF800  }
0x13c: {  	_ =	swait.ge [sflag:s14], $0x800  }
0x13d: {  	[sflag:s14] =	ssyncset.done $0x0  }
0x13e: {  	[sflag:s14] =	ssyncadd.s32 $0xFFFFF800  }
0x13f: {  	_ =	swait.ge [sflag:s14], $0x800  }
0x140: {  	[sflag:s14] =	ssyncset.done $0x0  }
0x141: {  	[sflag:s14] =	ssyncadd.s32 $0xFFFFF800  }
0x142: {  	_ =	swait.ge [sflag:s14], $0x800  }
0x143: {  	[sflag:s14] =	ssyncset.done $0x0  }
0x144: {  	[sflag:s14] =	ssyncadd.s32 $0xFFFFF800  }
0x145: {  	_ =	swait.ge [sflag:s14], $0x800  }
0x146: {  	[sflag:s14] =	ssyncset.done $0x0  }
0x147: {  	[sflag:s14] =	ssyncadd.s32 $0xFFFFF800  }
0x148: {  	_ =	swait.ge [sflag:s14], $0x800  }
0x149: {  	[sflag:s14] =	ssyncset.done $0x0  }
0x14a: {  	[sflag:s14] =	ssyncadd.s32 $0xFFFFF800  }
0x14b: {  	_ =	swait.ge [sflag:s14], $0x800  }
0x14c: {  	[sflag:s14] =	ssyncset.done $0x0  }
0x14d: {  	[sflag:s14] =	ssyncadd.s32 $0xFFFFF800  }
0x14e: {  	_ =	swait.ge [sflag:s14], $0x800  }
0x14f: {  	[sflag:s14] =	ssyncset.done $0x0  }
0x150: {  	[sflag:s14] =	ssyncadd.s32 $0xFFFFF800  }
0x151: {  	_ =	swait.ge [sflag:s14], $0x800  }
0x152: {  	[sflag:s14] =	ssyncset.done $0x0  }
0x153: {  	[sflag:s14] =	ssyncadd.s32 $0xFFFFF800  }
0x154: {  	_ =	swait.ge [sflag:s23], $0x400  }
0x155: {  	[sflag:s23] =	ssyncset.done $0x0  }
0x156: {  	s16 =	simm.s32 $0x8000;
	[sflag:s23] =	ssyncadd.s32 $0xFFFFFC00  }
0x157: {  	[tilespmem:s15], [sflag:$0x1] =	stream.indirect.gather [hbm4b:s5+s24], $0x10, s16, s24, $0xb8;
	[tilespmem:$0xB800] =	vst v63  }
0x158: {  	s18 =	simm.s32 $0x8200;
	s25 =	simm.s32 $0x2000  }
0x159: {  	[tilespmem:s25], [sflag:$0x1] =	stream.indirect.gather [hbm4b:s6+s24], $0x10, s18, s24, $0xb8;
	[tilespmem:$0xB800] =	vst v63  }
0x15a: {  	s26 =	simm.s32 $0x8080  }
0x15b: {  	[tilespmem:s29], [sflag:$0x1] =	stream.indirect.gather [hbm4b:s5+s24], $0x10, s26, s24, $0xb8;
	[tilespmem:$0xB800] =	vst v63  }
0x15c: {  	s18 =	simm.s32 $0x8280;
	s25 =	simm.s32 $0x2800  }
0x15d: {  	[tilespmem:s25], [sflag:$0x1] =	stream.indirect.gather [hbm4b:s6+s24], $0x10, s18, s24, $0xb8;
	[tilespmem:$0xB800] =	vst v63  }
0x15e: {  	s26 =	simm.s32 $0x8100  }
0x15f: {  	[tilespmem:s1], [sflag:$0x1] =	stream.indirect.gather [hbm4b:s5+s24], $0x10, s26, s24, $0xb8;
	[tilespmem:$0xB800] =	vst v63  }
0x160: {  	s3 =	sadd.s32 $0x6, s3;
	s18 =	simm.s32 $0x8300;
	s25 =	simm.s32 $0x3000  }
0x161: {  	[tilespmem:s25], [sflag:$0x1] =	stream.indirect.gather [hbm4b:s6+s24], $0x10, s18, s24, $0xb8;
	[tilespmem:$0xB800] =	vst v63  }
0x162: {  	s3 =	smin.u32 s3, s11;
	s26 =	simm.s32 $0x8180  }
0x163: {  	[tilespmem:s17], [sflag:$0x1] =	stream.indirect.gather [hbm4b:s5+s24], $0x10, s26, s24, $0xb8;
	[tilespmem:$0xB800] =	vst v63  }
0x164: {  	s3 =	sshll.u32 s3, $0x7;
	s18 =	simm.s32 $0x8380;
	s25 =	simm.s32 $0x3800  }
0x165: {  	[tilespmem:s25], [sflag:$0x1] =	stream.indirect.gather [hbm4b:s6+s24], $0x10, s18, s24, $0xb8;
	[tilespmem:$0xB800] =	vst v63  }
0x166: {  	s3 =	sadd.s32 s4, s3;
	s26 =	simm.s32 $0x8800  }
0x167: {  	[tilespmem:s26], [sflag:$0x5] =	stream.linear.gather [hbm4b:s3+s15], $0x400, $0x38;
	[tilespmem:$0xB800] =	vst v63  }
0x168: {  	s3 =	simm.s32 $0x0  }
0x169: {  	s12 =	simm.s32 $0x40;
	v0 =	vld [tilespmem:s3+$0x6000]  }
.LBB2_9:
0x16a: {  	p0 =	sne.s32 s12, $0x7FC0;
	v1 =	vld [tilespmem:s3+$0x4000];
	_ =	sdelay $0x4  }
0x16b: {  	v0 =	vadd.f32 v0, v1;
	_ =	sdelay $0x1  }
0x16c: {  	v1 =	vmul.f32 $2.000000030e-01, v0;
	_ =	sdelay $0x1  }
0x16d: {  	v0 =	vmax.f32 v0, v1  }
0x16e: {  	v0 =	vmul.f32 $1.442695020e+00, v0;
	_ =	sdelay $0x1  }
0x16f: {  	(erf) = vpow2.f32 v0;
	_ =	sdelay $0x5  }
.Ltmp3:
0x170: {  	(pc) =	sbr.rel @p0 .LBB2_9-.Ltmp3, $3  }
0x171: {  	_ =	sdelay $0x1  }
0x172: {  	s15 =	sshra.s32 s12, $0x2;
	v1 =	vpop (erf)  }
0x173: {  	s12 =	sadd.s32 $0x40, s12;
	v0 =	vld [tilespmem:s15+$0x6000];
	[tilespmem:s3+$0x4000] =	vst v1;
	s3 =	smov.u32 s15  }
0x174: {  	v1 =	vld [tilespmem:s3+$0x4000];
	_ =	sdelay $0x4  }
0x175: {  	v0 =	vadd.f32 v0, v1;
	_ =	sdelay $0x1  }
0x176: {  	v1 =	vmul.f32 $2.000000030e-01, v0;
	_ =	sdelay $0x1  }
0x177: {  	v0 =	vmax.f32 v0, v1  }
0x178: {  	v0 =	vmul.f32 $1.442695020e+00, v0;
	_ =	sdelay $0x1  }
0x179: {  	(erf) = vpow2.f32 v0;
	_ =	sdelay $0x7  }
0x17a: {  	s9 =	sshll.u32 s9, $0xA  }
0x17b: {  	s9 =	sand.u32 $0x1FFFFC00, s9;
	v0 =	vpop (erf)  }
0x17c: {  	s15 =	simm.s32 $0x0;
	s12 =	sadd.s32 s7, s9;
	[tilespmem:s3+$0x4000] =	vst v0  }
0x17d: {  	[hbm4b:s12+s15] =	stream.linear.scatter [tilespmem:s0], [sflag:$0x7], $0x2000, $0x38;
	[tilespmem:$0xB800] =	vst v63  }
0x17e: {  	_ =	swait.ge [sflag:s20], $0x2000  }
0x17f: {  	[sflag:s20] =	ssyncset.done $0x0  }
0x180: {  	s18 =	simm.s32 $0x8E00;
	[sflag:s20] =	ssyncadd.s32 $0xFFFFE000  }
0x181: {  	[spmem:s2] =	stream.indirect.scatter.add.f32 [tilespmem:s0], [sflag:$0x7], $0x10, s18, s24, $0xb8;
	[tilespmem:$0xB800] =	vst v63  }
0x182: {  	_ =	swait.ge [sflag:s20], $0x800  }
0x183: {  	[sflag:s20] =	ssyncset.done $0x0  }
0x184: {  	s25 =	simm.s32 $0x8E80;
	[sflag:s20] =	ssyncadd.s32 $0xFFFFF800  }
0x185: {  	[spmem:s2] =	stream.indirect.scatter.add.f32 [tilespmem:s8], [sflag:$0x7], $0x10, s25, s24, $0xb8;
	[tilespmem:$0xB800] =	vst v63  }
0x186: {  	_ =	swait.ge [sflag:s20], $0x800  }
0x187: {  	[sflag:s20] =	ssyncset.done $0x0  }
0x188: {  	s26 =	simm.s32 $0x8F00;
	[sflag:s20] =	ssyncadd.s32 $0xFFFFF800  }
0x189: {  	[spmem:s2] =	stream.indirect.scatter.add.f32 [tilespmem:s22], [sflag:$0x7], $0x10, s26, s24, $0xb8;
	[tilespmem:$0xB800] =	vst v63  }
0x18a: {  	s21 =	sadd.s32 $0x1, s21;
	_ =	swait.ge [sflag:s20], $0x800  }
0x18b: {  	p0 =	sne.s32 s21, $0x5;
	[sflag:s20] =	ssyncset.done $0x0  }
.Ltmp4:
0x18c: {  	[sflag:s20] =	ssyncadd.s32 $0xFFFFF800;
	(pc) =	sbr.rel @p0 .LBB2_2-.Ltmp4, $4  }
0x18d: {  	[spmem:s2] =	stream.indirect.scatter.add.f32 [tilespmem:s30], [sflag:$0x7], $0x10, s31, s24, $0xb8;
	[tilespmem:$0xB800] =	vst v63  }
0x18e: {  	_ =	swait.ge [sflag:s20], $0x800  }
0x18f: {  	[sflag:s20] =	ssyncset.done $0x0  }
0x190: {  	[sflag:s20] =	ssyncadd.s32 $0xFFFFF800  }
0x191: {  	_ =	swait.ge [sflag:s19], $0x800  }
0x192: {  	[sflag:s19] =	ssyncset.done $0x0  }
0x193: {  	[sflag:s19] =	ssyncadd.s32 $0xFFFFF800  }
0x194: {  	_ =	swait.ge [sflag:s19], $0x800  }
0x195: {  	[sflag:s19] =	ssyncset.done $0x0  }
0x196: {  	[sflag:s19] =	ssyncadd.s32 $0xFFFFF800  }
0x197: {  	_ =	swait.ge [sflag:s19], $0x800  }
0x198: {  	[sflag:s19] =	ssyncset.done $0x0  }
0x199: {  	[sflag:s19] =	ssyncadd.s32 $0xFFFFF800  }
0x19a: {  	_ =	swait.ge [sflag:s19], $0x800  }
0x19b: {  	[sflag:s19] =	ssyncset.done $0x0  }
0x19c: {  	[sflag:s19] =	ssyncadd.s32 $0xFFFFF800  }
0x19d: {  	_ =	swait.ge [sflag:s19], $0x800  }
0x19e: {  	[sflag:s19] =	ssyncset.done $0x0  }
0x19f: {  	[sflag:s19] =	ssyncadd.s32 $0xFFFFF800  }
0x1a0: {  	_ =	swait.ge [sflag:s19], $0x800  }
0x1a1: {  	[sflag:s19] =	ssyncset.done $0x0  }
0x1a2: {  	[sflag:s19] =	ssyncadd.s32 $0xFFFFF800  }
0x1a3: {  	_ =	swait.ge [sflag:s19], $0x800  }
0x1a4: {  	[sflag:s19] =	ssyncset.done $0x0  }
0x1a5: {  	[sflag:s19] =	ssyncadd.s32 $0xFFFFF800  }
0x1a6: {  	_ =	swait.ge [sflag:s19], $0x800  }
0x1a7: {  	[sflag:s19] =	ssyncset.done $0x0  }
0x1a8: {  	[sflag:s19] =	ssyncadd.s32 $0xFFFFF800  }
0x1a9: {  	_ =	swait.ge [sflag:s28], $0x400  }
0x1aa: {  	[sflag:s28] =	ssyncset.done $0x0  }
0x1ab: {  	[sflag:s28] =	ssyncadd.s32 $0xFFFFFC00  }
0x1ac: {  	_ =	swait.ge [sflag:s13], $0x400  }
0x1ad: {  	[sflag:s13] =	ssyncset.done $0x0  }
0x1ae: {  	[sflag:s13] =	ssyncadd.s32 $0xFFFFFC00  }
0x1af: {  	[bflag:$0x0] =	sbarrier.arrive $0xFFFF  }
0x1b0: {  	s9 =	rddreg [dreg:$0x5]  }
0x1b1: {  	s3 =	rddreg [dreg:$0xb]  }
0x1b2: {  	s12 =	rddreg [dreg:$0xd]  }
0x1b3: {  	[hbm:s3], [sflag:s9] =	dma.local [spmem:s12], $0x500  }
0x1b4: {  	_ =	swait.ge [sflag:s20], $0x500  }
0x1b5: {  	s15 =	rddreg [dreg:$0xe]  }
0x1b6: {  	s26 =	rddreg [dreg:$0xc];
	s15 =	sadd.s32 $0x1, s15  }
0x1b7: {  	p0 =	sne.s32 s15, s26  }
.Ltmp5:
0x1b8: {  	_ = 	snop;
	(pc) =	sbr.rel @p0 .LBB2_1-.Ltmp5, $3  }
0x1b9: {  	_ =	sdelay $0x1  }
0x1ba: {  	[sflag:s20] =	ssyncset.done $0x0  }
0x1bb: {  	[sflag:s20] =	ssyncadd.s32 $0xFFFFFB00  }
0x1bc: {  	_ =	sfence.sel $0x180000  }
0x1bd: {  	[bflag:$0x0] =	sbarrier.arrive $0xFFFF  }
0x1be: {  	_ =	strace $0x90000047  }
0x1bf: {  	s0 =	stileid.u32;
	[bflag:$0x2] =	sbarrier.arrive $0xFFFF  }
0x1c0: {  	p0 =	sne.s32 s0, $0x0;
	s0 =	rddreg [dreg:$0x2]  }
0x1c1: {  	s0 =	sadd.s32 @!p0 $0x100000, s0  }
0x1c2: {  	[sflag:s0] =	ssyncadd.tile.s32 @!p0 $0x1;
	_ =	shalt  }
.Lfunc_end2:
_tile_overlayer_lowered:
.L_overlay_start_2:
0x1c3: {  	(tag) =	ssettag $0x2  }
0x1c4: {  	s0 =	rddreg [dreg:$0x0];
	s2 =	stileid.u32  }
0x1c5: {  	s1 =	rddreg [dreg:$0x1];
	p0 =	sne.s32 s2, $0x0  }
0x1c6: {  	s3 =	rddreg [dreg:$0x2];
	[bflag:$0x3] =	sbarrier.arrive $0xFFFF;
	s2 =	simm.s32 @!p0 $0x1C07  }
0x1c7: {  	[timem:s3], [sflag:s2] =	dma.local @!p0 [hbm:s0], s1  }
0x1c8: {  	s0 =	simm.s32 @!p0 $0x7  }
0x1c9: {  	_ =	swait.ge @!p0 [sflag:s0], s1  }
0x1ca: {  	s1 =	ssub.s32 @!p0 $0x0, s1;
	[sflag:s0] =	ssyncset.done @!p0 $0x0  }
0x1cb: {  	[sflag:s0] =	ssyncadd.s32 @!p0 s1  }
0x1cc: {  	[bflag:$0x3] =	sbarrier.arrive $0xFFFF  }
0x1cd: {  	_ =	shalt  }

// kernel: kernel.9.cloned.1.call-start
scs
__scs_entry_jumppad:
0x0: {  	(pc) =	sbr.rel $0x88, $3  }
0x1: {  	(tag) =	ssettag $0x0;
	lr =	simm.s32 $0x1  }
0x2: {  	[smem:$0x3F9B] =	sst lr;
	_ =	strace $0xD0000000  }
0x3: {  	_ = 	snop  }
0x4: {  	_ = 	snop  }
0x5: {  	_ = 	snop  }
0x6: {  	_ = 	snop  }
0x7: {  	_ = 	snop  }
__scs_overlays_trampoline_lowered:
0x8: {  	[smem:$0x3FAA] =	sst s0  }
0x9: {  	[smem:$0x3FAB] =	sst s1  }
0xa: {  	[smem:$0x3FAC] =	sst s2  }
0xb: {  	[smem:$0x3FAD] =	sst s3  }
0xc: {  	[smem:$0x3FAE] =	sst s4  }
0xd: {  	[smem:$0x3FAF] =	sst s5  }
0xe: {  	[smem:$0x3FB0] =	sst s6  }
0xf: {  	[smem:$0x3FB1] =	sst s7  }
0x10: {  	[smem:$0x3FB2] =	sst s8  }
0x11: {  	[smem:$0x3FB3] =	sst s9;
	s0 =	simm.s32 @!p0 $0x0  }
0x12: {  	s1 =	sld [smem:$0x3F99];
	s0 =	simm.s32 @p0 $0x1  }
0x13: {  	[smem:$0x3FB4] =	sst s0;
	s0 =	simm.s32 @!p1 $0x0  }
0x14: {  	s2 =	sld [smem:$0x3F98];
	s0 =	simm.s32 @p1 $0x1  }
0x15: {  	[smem:$0x3FB5] =	sst s0;
	s0 =	simm.s32 @!p2 $0x0  }
0x16: {  	s3 =	sld [smem:$0x3FDB];
	s0 =	simm.s32 @p2 $0x1  }
0x17: {  	s4 =	simm.s32 $0x1BF5;
	[smem:$0x3FB7] =	sst s0  }
0x18: {  	s0 =	sld [smem:$0x3F9A];
	_ =	swait.ge [sflag:s4], $0x0  }
0x19: {  	s7 =	sld [smem:$0x3F9B]  }
0x1a: {  	s8 =	sadd.s32 $0xFFFFE003, lr  }
0x1b: {  	s9 =	sadd.s32 $0xFFFFFEF7, lr;
	s5 =	simm.s32 $0xFFFFFFFF;
	p2 =	slt.u32 s8, $0xFFFFF086  }
0x1c: {  	p1 =	slt.u32 s9, $0xF7A;
	s5 =	simm.s32 @!p2 $0x0  }
0x1d: {  	s5 =	simm.s32 @p1 $0x1;
	p0 =	seq.s32 s7, s2  }
0x1e: {  	s7 =	smul.u32 @!p0 $0xF7A, s2;
	p2 =	seq.s32 @!p0 s5, $0x0  }
0x1f: {  	s9 =	smul.u32 $0xF7A, s1;
	s8 =	simm.s32 @!p0 $0x1BF5;
	p2 =	por !p2, p0  }
0x20: {  	[sflag:s8] =	ssyncset.s32 @!p0 $0xFFFFF086;
	s6 =	sadd.s32 @!p0 s3, s7;
	s7 =	simm.s32 @!p0 $0x108  }
0x21: {  	s3 =	sadd.s32 s3, s9;
	s6 =	sadd.s32 @!p0 $0x88, s6;
	s7 =	simm.s32 @p2 $0x1082  }
0x22: {  	[simem:s7], [sflag:s8] =	dma.local @!p0 [hbm:s6], $0xF7A  }
0x23: {  	s9 =	sor.u32 $0xD0000000, s2;
	s6 =	simm.s32 $0x108;
	_ =	swait.ge @!p0 [sflag:s8], $0x0  }
0x24: {  	s3 =	sadd.s32 $0x88, s3;
	s6 =	simm.s32 @!p1 $0x1082;
	[sflag:s4] =	ssyncset.s32 $0xFFFFF086  }
0x25: {  	[simem:s6], [sflag:s4] =	dma.local [hbm:s3], $0xF7A  }
0x26: {  	[smem:$0x3F9B] =	sst s1;
	(tag) =	ssettag s2;
	_ =	strace s9  }
0x27: {  	s1 =	sld [smem:$0x3FAB]  }
0x28: {  	s2 =	sld [smem:$0x3FAC]  }
0x29: {  	s4 =	sld [smem:$0x3FAE]  }
0x2a: {  	p0 =	seq.s32 s5, $0x0;
	s5 =	sld [smem:$0x3FAF]  }
0x2b: {  	s6 =	sld [smem:$0x3FB0]  }
0x2c: {  	s7 =	sld [smem:$0x3FB1]  }
0x2d: {  	s3 =	simm.s32 $0x108;
	s8 =	sld [smem:$0x3FB2]  }
0x2e: {  	s3 =	simm.s32 @!p0 $0x1082;
	s9 =	sld [smem:$0x3FB3]  }
0x2f: {  	lr =	sadd.s32 s0, s3;
	s0 =	sld [smem:$0x3FAA]  }
0x30: {  	s3 =	sld [smem:$0x3FAD]  }
0x31: {  	[smem:$0x3FB6] =	sst s10  }
0x32: {  	s10 =	sld [smem:$0x3FB4];
	_ =	sdelay $0x3  }
0x33: {  	p0 =	seq.s32 s10, $0x1;
	s10 =	sld [smem:$0x3FB6];
	_ =	sdelay $0x3  }
0x34: {  	[smem:$0x3FB6] =	sst s10  }
0x35: {  	s10 =	sld [smem:$0x3FB5];
	_ =	sdelay $0x3  }
0x36: {  	p1 =	seq.s32 s10, $0x1;
	s10 =	sld [smem:$0x3FB6];
	_ =	sdelay $0x3  }
0x37: {  	[smem:$0x3FB6] =	sst s10  }
0x38: {  	s10 =	sld [smem:$0x3FB7]  }
0x39: {  	_ = 	snop;
	(pc) =	sbr.ind lr, $3  }
0x3a: {  	_ = 	snop  }
0x3b: {  	_ = 	snop  }
0x3c: {  	p2 =	seq.s32 s10, $0x1;
	s10 =	sld [smem:$0x3FB6]  }
0x3d: {  	_ =	shalt  }
0x3e: {  	_ =	shalt  }
0x3f: {  	_ =	shalt  }
0x40: {  	_ =	shalt  }
0x41: {  	_ =	shalt  }
0x42: {  	_ =	shalt  }
0x43: {  	_ =	shalt  }
0x44: {  	_ =	shalt  }
0x45: {  	_ =	shalt  }
0x46: {  	_ =	shalt  }
0x47: {  	_ =	shalt  }
0x48: {  	_ =	shalt  }
0x49: {  	_ =	shalt  }
0x4a: {  	_ =	shalt  }
0x4b: {  	_ =	shalt  }
0x4c: {  	_ =	shalt  }
0x4d: {  	_ =	shalt  }
0x4e: {  	_ =	shalt  }
0x4f: {  	_ =	shalt  }
0x50: {  	_ =	shalt  }
0x51: {  	_ =	shalt  }
0x52: {  	_ =	shalt  }
0x53: {  	_ =	shalt  }
0x54: {  	_ =	shalt  }
0x55: {  	_ =	shalt  }
0x56: {  	_ =	shalt  }
0x57: {  	_ =	shalt  }
0x58: {  	_ =	shalt  }
0x59: {  	_ =	shalt  }
0x5a: {  	_ =	shalt  }
0x5b: {  	_ =	shalt  }
0x5c: {  	_ =	shalt  }
0x5d: {  	_ =	shalt  }
0x5e: {  	_ =	shalt  }
0x5f: {  	_ =	shalt  }
0x60: {  	_ =	shalt  }
0x61: {  	_ =	shalt  }
0x62: {  	_ =	shalt  }
0x63: {  	_ =	shalt  }
0x64: {  	_ =	shalt  }
0x65: {  	_ =	shalt  }
0x66: {  	_ =	shalt  }
0x67: {  	_ =	shalt  }
0x68: {  	_ =	shalt  }
0x69: {  	_ =	shalt  }
0x6a: {  	_ =	shalt  }
0x6b: {  	_ =	shalt  }
0x6c: {  	_ =	shalt  }
0x6d: {  	_ =	shalt  }
0x6e: {  	_ =	shalt  }
0x6f: {  	_ =	shalt  }
0x70: {  	_ =	shalt  }
0x71: {  	_ =	shalt  }
0x72: {  	_ =	shalt  }
0x73: {  	_ =	shalt  }
0x74: {  	_ =	shalt  }
0x75: {  	_ =	shalt  }
0x76: {  	_ =	shalt  }
0x77: {  	_ =	shalt  }
0x78: {  	_ =	shalt  }
0x79: {  	_ =	shalt  }
0x7a: {  	_ =	shalt  }
0x7b: {  	_ =	shalt  }
0x7c: {  	_ =	shalt  }
0x7d: {  	_ =	shalt  }
0x7e: {  	_ =	shalt  }
0x7f: {  	_ =	shalt  }
0x80: {  	_ =	shalt  }
0x81: {  	_ =	shalt  }
0x82: {  	_ =	shalt  }
0x83: {  	_ =	shalt  }
0x84: {  	_ =	shalt  }
0x85: {  	_ =	shalt  }
0x86: {  	_ =	shalt  }
0x87: {  	_ =	shalt  }
.Lfunc_end0:
.L_simem_size_0:
called_computation.1_lowered:
.L_overlay_start_0:
0x88: {  	s2 =	sld [smem:$0x3FD9]  }
0x89: {  	s3 =	sld [smem:$0x3FFE];
	_ =	sdelay $0x1  }
0x8a: {  	s1 =	srdreg.scid  }
0x8b: {  	s0 =	sand.u32 $0x1, s1  }
0x8c: {  	s17 =	sshll.u32 s0, $0xA;
	s2 =	sadd.s32 s3, s2  }
0x8d: {  	s2 =	sadd.s32 s2, s17  }
0x8e: {  	[smem:$0x3FC2] =	sst s2  }
0x8f: {  	_ = 	snop  }
0x90: {  	s2 =	sld [smem:$0x3FD0];
	(tm) =	ssettm $0x1  }
0x91: {  	s18 =	sld [smem:$0x3FFB];
	_ =	sdelay $0x3  }
0x92: {  	_ =	strace s18  }
0x93: {  	s3 =	sld [smem:$0x3FFC];
	_ =	sdelay $0x3  }
0x94: {  	_ =	strace s3  }
0x95: {  	s3 =	sld [smem:$0x3FFD];
	_ =	sdelay $0x3  }
0x96: {  	_ =	strace s3  }
0x97: {  	_ =	strace $0x8FFFFFFF  }
0x98: {  	s19 =	sld [smem:$0x3FDB];
	_ =	sdelay $0x1  }
0x99: {  	s4 =	simm.s32 $_scs_section_size  }
0x9a: {  	s5 =	simm.s32 $_size__tile_overlayer_lowered;
	s6 =	simm.s32 $_tile_overlayer_lowered  }
0x9b: {  	s22 =	simm.s32 $0x1BFF;
	s21 =	sshll.u32 s6, $0x1;
	s3 =	sadd.s32 s4, s19  }
0x9c: {  	s7 =	simm.s32 $0x0;
	s20 =	sshll.u32 s5, $0x1;
	s5 =	sadd.s32 s21, s3  }
0x9d: {  	[timem:s7], [sflag:s22] =	dma.local [hbm:s5], s20  }
0x9e: {  	_ =	swait.ge [sflag:s22], s20  }
0x9f: {  	s4 =	ssub.s32 $0x0, s20;
	[sflag:s22] =	ssyncset.done $0x0  }
0xa0: {  	[sflag:s22] =	ssyncadd.s32 s4;
	_ =	sdelay $0x1  }
0xa1: {  	s23 =	simm.s32 $0x1B8B  }
0xa2: {  	_ =	swait.ge [sflag:s23], $0x1  }
0xa3: {  	[sflag:s23] =	ssyncset.done $0x0  }
0xa4: {  	s25 =	simm.s32 $0x1B8E;
	s24 =	sld [smem:$0x3FFE];
	[sflag:s23] =	ssyncadd.s32 $0xFFFFFFFF  }
0xa5: {  	s26 =	simm.s32 $execute0_lowered;
	[smem:$0x3FD2] =	sst s25  }
0xa6: {  	s5 =	sshll.u32 s26, $0x1;
	_ =	strace $0x80000049;
	[dreg:$0x1] =	wrdreg $0xFFFFFFFF  }
0xa7: {  	s28 =	simm.s32 $_size_execute0_lowered;
	s3 =	sadd.s32 s3, s5;
	[dreg:$0x0] =	wrdreg $0x0  }
0xa8: {  	s5 =	sshll.u32 s28, $0x1;
	[dreg:$0x2] =	wrdreg s3  }
0xa9: {  	[dreg:$0x3] =	wrdreg s5  }
0xaa: {  	[dreg:$0x4] =	wrdreg $0xC0  }
0xab: {  	_ =	task [dreg:s7], $0x5FFFF  }
0xac: {  	[dreg:$0x1] =	wrdreg $0xFFFFFFFF  }
0xad: {  	[dreg:$0x0] =	wrdreg $0x60  }
0xae: {  	[dreg:$0x2] =	wrdreg s2  }
0xaf: {  	[dreg:$0x3] =	wrdreg s24  }
0xb0: {  	[dreg:$0x4] =	wrdreg $0x94000  }
0xb1: {  	[dreg:$0x5] =	wrdreg $0x9  }
0xb2: {  	_ =	task.clear_ibuf [dreg:s7], $0x6FFFF;
	_ =	strace $0x90000049  }
0xb3: {  	s29 =	simm.s32 $0x9;
	_ =	strace $0x8000004B  }
0xb4: {  	_ =	swait.ge [sflag:s29], $0x1  }
0xb5: {  	[sflag:s29] =	ssyncadd.s32 $0xFFFFFFFF  }
0xb6: {  	_ =	strace $0x9000004B  }
0xb7: {  	_ =	sfence  }
0xb8: {  	s30 =	sld [smem:$0x0];
	_ =	sdelay $0x2  }
0xb9: {  	s31 =	sshll.u32 s1, $0xD;
	s1 =	sshrl.u32 s1, $0x2  }
0xba: {  	s3 =	sand.u32 $0x4000, s31;
	s1 =	sadd.s32 s1, s30  }
0xbb: {  	s0 =	sor.u32 s3, s0;
	s1 =	sshll.u32 s1, $0x11  }
0xbc: {  	s0 =	sor.u32 s1, s0  }
0xbd: {  	s0 =	sadd.s32 $0x8F2B, s0  }
0xbe: {  	[sflag:s0] =	ssyncadd.remote.s32 $0x1  }
0xbf: {  	_ =	sfence.sel $0xFFFF  }
0xc0: {  	[dreg:$0x0] =	wrdreg $0xFFFFFFFF;
	(pc) =	sbr.abs _section_cstart, $3  }
0xc1: {  	[dreg:$0x1] =	wrdreg $0xFFFFFFFF  }
0xc2: {  	_ =	task.clear_ibuf [dreg:s7], $0x2FFFF;
	_ =	strace $0x9FFFFFFF  }
0xc3: {  	(tm) =	ssettm $0x7FFFFFFF  }
tec
execute0_lowered:
.L_overlay_start_1:
0x0: {  	(tag) =	ssettag $0x1  }
0x1: {  	s1 =	rddreg [dreg:$0x0]  }
0x2: {  	s0 =	rddreg [dreg:$0x1]  }
0x3: {  	s3 =	rddreg [dreg:$0x2];
	s2 =	simm.s32 $0x0;
	s12 =	stileid.u32  }
0x4: {  	s4 =	srdreg.scid;
	s18 =	simm.s32 $0x7;
	s19 =	simm.s32 $0x9000  }
0x5: {  	s20 =	simm.s32 $0x9100;
	s21 =	simm.s32 $0x3;
	s28 =	simm.s32 $0x4800  }
0x6: {  	s29 =	simm.s32 $0x5000;
	s30 =	simm.s32 $0x9300;
	s13 =	simm.s32 $0x9280  }
0x7: {  	s14 =	simm.s32 $0x9380;
	[smem:$0x7FF] =	sst s2;
	s22 =	smul.u32 $0x14000, s12  }
0x8: {  	s4 =	sand.u32 $0x1, s4;
	s5 =	sadd.s32 $0x57000, s0;
	s6 =	sadd.s32 $0x2000, s0  }
0x9: {  	s25 =	sshll.u32 s12, $0x6;
	_ =	strace $0x8000004A;
	s8 =	smul.u32 $0x140000, s4  }
0xa: {  	s23 =	sshll.u32 s4, $0x4;
	s4 =	ssub.s32 $0x2, s4;
	s7 =	sshrl.u32 s22, $0x3  }
0xb: {  	s10 =	sor.u32 s12, s23;
	s11 =	sshrl.u32 s4, $0x1;
	s2 =	sadd.s32 s22, s3  }
0xc: {  	s23 =	simm.s32 $0x800;
	s9 =	sadd.s32 s7, s0;
	s7 =	smul.u32 $0x50, s10  }
0xd: {  	s12 =	simm.s32 $0x6;
	s8 =	sadd.s32 s22, s8;
	s24 =	smul.u32 $0xA00, s10  }
0xe: {  	s4 =	ssub.s32 s4, s11;
	s10 =	smul.u32 $0x5000, s10;
	s9 =	sadd.s32 $0xF7000, s9  }
0xf: {  	s22 =	simm.s32 $0x80;
	s31 =	smax.u32 s4, $0x1;
	[dreg:$0x4] =	wrdreg s9  }
0x10: {  	s8 =	sshrl.u32 s8, $0x3;
	s10 =	sadd.s32 s5, s10;
	[dreg:$0xb] =	wrdreg s31  }
0x11: {  	s0 =	sadd.s32 s8, s0;
	s8 =	sadd.s32 s1, s24;
	[dreg:$0x8] =	wrdreg s10  }
0x12: {  	s9 =	sor.u32 $0x1C07, s25;
	s11 =	sadd.s32 $0x4F, s7;
	[dreg:$0x6] =	wrdreg s8  }
0x13: {  	s24 =	simm.s32 $0x9200;
	s26 =	sadd.s32 $0x20, s8;
	[dreg:$0x5] =	wrdreg s9  }
0x14: {  	s25 =	simm.s32 $0x1;
	s8 =	sadd.s32 $0x40, s8;
	[dreg:$0x7] =	wrdreg s26  }
0x15: {  	s0 =	sadd.s32 $0x11F000, s0;
	s10 =	simm.s32 $0x0;
	[dreg:$0x9] =	wrdreg s8  }
0x16: {  	[dreg:$0xa] =	wrdreg s0;
	s8 =	sshrl.u32 s2, $0x3;
	s26 =	simm.s32 $0x4  }
0x17: {  	s0 =	simm.s32 $0x2;
	s2 =	simm.s32 $0x5;
	[dreg:$0xc] =	wrdreg s8  }
.LBB2_1:
0x18: {  	[dreg:$0xd] =	wrdreg s10  }
0x19: {  	s4 =	rddreg [dreg:$0x4]  }
0x1a: {  	[spmem:s8], [sflag:s9] =	dma.local [hbm:s4], $0x2800  }
0x1b: {  	_ =	swait.ge [sflag:s18], $0x2800  }
0x1c: {  	[sflag:s18] =	ssyncset.done $0x0  }
0x1d: {  	[sflag:s18] =	ssyncadd.s32 $0xFFFFD800  }
0x1e: {  	[bflag:$0x0] =	sbarrier.arrive $0xFFFF  }
0x1f: {  	s10 =	simm.s32 $0x0;
	s15 =	rddreg [dreg:$0x6]  }
0x20: {  	[tilespmem:s19], [sflag:$0x3] =	stream.linear.gather [hbm4b:s15+s10], $0x100, $0x38;
	[tilespmem:$0x1D400] =	vst v63  }
0x21: {  	s16 =	rddreg [dreg:$0x7]  }
0x22: {  	[tilespmem:s20], [sflag:$0x4] =	stream.linear.gather [hbm4b:s16+s10], $0x100, $0x38;
	[tilespmem:$0x1D400] =	vst v63  }
0x23: {  	_ =	swait.ge [sflag:s21], $0x100  }
0x24: {  	[sflag:s21] =	ssyncset.done $0x0  }
0x25: {  	s17 =	rddreg [dreg:$0x8];
	[sflag:s21] =	ssyncadd.s32 $0xFFFFFF00  }
0x26: {  	[tilespmem:s10], [sflag:$0x1] =	stream.linear.gather [hbm4b:s17+s10], $0x800, $0x38;
	[tilespmem:$0x1D400] =	vst v63  }
0x27: {  	_ = 	snop  }
0x28: {  	[tilespmem:s23], [sflag:$0x1] =	stream.indirect.gather [hbm4b:s6+s22], $0x80, s19, s22, $0xb8;
	[tilespmem:$0x1D400] =	vst v63  }
0x29: {  	s16 =	simm.s32 $0x0;
	s31 =	rddreg [dreg:$0x9]  }
0x2a: {  	[tilespmem:s24], [sflag:$0x5] =	stream.linear.gather [hbm4b:s31+s10], $0x100, $0x38;
	[tilespmem:$0x1D400] =	vst v63  }
.LBB2_2:
0x2b: {  	_ =	swait.ge [sflag:s25], $0x800  }
0x2c: {  	[sflag:s25] =	ssyncset.done $0x0  }
0x2d: {  	[sflag:s25] =	ssyncadd.s32 $0xFFFFF800  }
0x2e: {  	s4 =	sshll.u32 s16, $0x2;
	_ =	swait.ge [sflag:s25], $0x4000  }
0x2f: {  	s10 =	sadd.s32 s7, s4;
	[sflag:s25] =	ssyncset.done $0x0  }
0x30: {  	s4 =	sor.u32 $0x1, s10;
	[sflag:s25] =	ssyncadd.s32 $0xFFFFC000  }
0x31: {  	s4 =	smin.u32 s4, s11;
	_ =	swait.ge [sflag:s26], $0x100  }
0x32: {  	s8 =	simm.s32 $0x0;
	s4 =	sshll.u32 s4, $0x8;
	[sflag:s26] =	ssyncset.done $0x0  }
0x33: {  	s17 =	sor.u32 $0x3, s10;
	s4 =	sadd.s32 s5, s4;
	[sflag:s26] =	ssyncadd.s32 $0xFFFFFF00  }
0x34: {  	[tilespmem:s28], [sflag:$0x2] =	stream.linear.gather [hbm4b:s4+s8], $0x800, $0x38;
	[tilespmem:$0x1D400] =	vst v63  }
0x35: {  	s4 =	smin.u32 s17, s11  }
0x36: {  	s9 =	sshll.u32 s4, $0x5  }
0x37: {  	[tilespmem:s29], [sflag:$0x2] =	stream.indirect.gather [hbm4b:s6+s22], $0x80, s20, s22, $0xb8;
	[tilespmem:$0x1D400] =	vst v63  }
0x38: {  	s9 =	sadd.s32 s1, s9  }
0x39: {  	[tilespmem:s30], [sflag:$0x6] =	stream.linear.gather [hbm4b:s9+s8], $0x100, $0x38;
	[tilespmem:$0x1D400] =	vst v63  }
0x3a: {  	s9 =	simm.s32 $0x840  }
0x3b: {  	s31 =	simm.s32 $0x0;
	s15 =	simm.s32 $0x40;
	s17 =	simm.s32 $0x840;
	v0 =	vld [tilespmem:s9+$0xFFFFFFF0]  }
.LBB2_3:
0x3c: {  	p0 =	sne.s32 s15, $0x1FC0;
	v1 =	vld [tilespmem:s31+$0x0]  }
0x3d: {  	v2 =	vld [tilespmem:s9+$0xFFFFFFD0]  }
0x3e: {  	v3 =	vld [tilespmem:s9+$0xFFFFFFC0]  }
0x3f: {  	v4 =	vld [tilespmem:s9+$0xFFFFFFE0]  }
0x40: {  	v5 =	vld [tilespmem:s9+$0x30]  }
0x41: {  	v6 =	vbroadcast v1, $0x0;
	v7 =	vbroadcast v1, $0x1;
	v8 =	vld [tilespmem:s9+$0x10]  }
0x42: {  	v9 =	vbroadcast v1, $0x2;
	v10 =	vbroadcast v1, $0x3;
	v11 =	vld [tilespmem:s9+$0x0]  }
0x43: {  	v3 =	vmul.f32 v6, v3;
	v2 =	vmul.f32 v2, v7;
	v6 =	vld [tilespmem:s9+$0x20]  }
0x44: {  	v0 =	vmul.f32 v0, v10;
	v4 =	vmul.f32 v4, v9  }
0x45: {  	v7 =	vbroadcast v1, $0x5;
	[tilespmem:s9+$0xFFFFFFC0] =	vst v3;
	v3 =	vbroadcast v1, $0x4  }
0x46: {  	[tilespmem:s9+$0xFFFFFFD0] =	vst v2;
	v2 =	vbroadcast v1, $0x6;
	v1 =	vbroadcast v1, $0x7  }
0x47: {  	[tilespmem:s9+$0xFFFFFFE0] =	vst v4;
	v3 =	vmul.f32 v11, v3;
	v4 =	vmul.f32 v8, v7  }
.Ltmp0:
0x48: {  	[tilespmem:s9+$0xFFFFFFF0] =	vst v0;
	v0 =	vmul.f32 v6, v2;
	v1 =	vmul.f32 v5, v1;
	(pc) =	sbr.rel @p0 .LBB2_3-.Ltmp0, $4  }
0x49: {  	[tilespmem:s9+$0x0] =	vst v3  }
0x4a: {  	[tilespmem:s9+$0x10] =	vst v4  }
0x4b: {  	s9 =	sadd.s32 $0x80, s9;
	[tilespmem:s17+$0x20] =	vst v0  }
0x4c: {  	s31 =	sshra.s32 s15, $0x2;
	s15 =	sadd.s32 $0x40, s15;
	v0 =	vld [tilespmem:s9+$0xFFFFFFF0];
	[tilespmem:s17+$0x30] =	vst v1;
	s17 =	smov.u32 s9  }
0x4d: {  	v1 =	vld [tilespmem:s31+$0x0];
	_ =	sdelay $0x1  }
0x4e: {  	v2 =	vld [tilespmem:s9+$0xFFFFFFC0]  }
0x4f: {  	v3 =	vld [tilespmem:s9+$0xFFFFFFD0]  }
0x50: {  	v4 =	vld [tilespmem:s9+$0xFFFFFFE0]  }
0x51: {  	v5 =	vbroadcast v1, $0x0  }
0x52: {  	v8 =	vld [tilespmem:s9+$0x10];
	v6 =	vbroadcast v1, $0x1  }
0x53: {  	v7 =	vld [tilespmem:s9+$0x0];
	v9 =	vbroadcast v1, $0x2;
	v2 =	vmul.f32 v5, v2  }
0x54: {  	v61 =	vld [tilespmem:s9+$0x20];
	v60 =	vbroadcast v1, $0x3;
	v3 =	vmul.f32 v3, v6  }
0x55: {  	v10 =	vld [tilespmem:s9+$0x30];
	v62 =	vbroadcast v1, $0x5;
	v4 =	vmul.f32 v4, v9;
	[tilespmem:s9+$0xFFFFFFC0] =	vst v2  }
0x56: {  	v0 =	vmul.f32 v0, v60;
	v2 =	vbroadcast v1, $0x4;
	[tilespmem:s9+$0xFFFFFFD0] =	vst v3  }
0x57: {  	v63 =	vmul.f32 v8, v62;
	v3 =	vbroadcast v1, $0x6;
	[tilespmem:s9+$0xFFFFFFE0] =	vst v4  }
0x58: {  	v1 =	vbroadcast v1, $0x7;
	[tilespmem:s9+$0xFFFFFFF0] =	vst v0;
	v2 =	vmul.f32 v7, v2  }
0x59: {  	[tilespmem:s9+$0x10] =	vst v63;
	v0 =	vmul.f32 v61, v3  }
0x5a: {  	v1 =	vmul.f32 v10, v1;
	[tilespmem:s9+$0x0] =	vst v2  }
0x5b: {  	[tilespmem:s17+$0x20] =	vst v0  }
0x5c: {  	s8 =	simm.s32 $0x9080;
	[tilespmem:s17+$0x30] =	vst v1  }
0x5d: {  	[spmem:s3] =	stream.indirect.scatter.add.f32 [tilespmem:s23], [sflag:$0x7], $0x80, s8, s22, $0xb8;
	[tilespmem:$0x1D400] =	vst v63  }
0x5e: {  	_ =	swait.ge [sflag:s18], $0x4000  }
0x5f: {  	[sflag:s18] =	ssyncset.done $0x0  }
0x60: {  	[sflag:s18] =	ssyncadd.s32 $0xFFFFC000  }
0x61: {  	_ =	swait.ge [sflag:s0], $0x800  }
0x62: {  	[sflag:s0] =	ssyncset.done $0x0  }
0x63: {  	[sflag:s0] =	ssyncadd.s32 $0xFFFFF800  }
0x64: {  	_ =	swait.ge [sflag:s0], $0x4000  }
0x65: {  	[sflag:s0] =	ssyncset.done $0x0  }
0x66: {  	s15 =	sor.u32 $0x2, s10;
	[sflag:s0] =	ssyncadd.s32 $0xFFFFC000  }
0x67: {  	s17 =	sadd.s32 $0x4, s10;
	s8 =	smin.u32 s15, s11;
	_ =	swait.ge [sflag:s2], $0x100  }
0x68: {  	s15 =	simm.s32 $0x0;
	s8 =	sshll.u32 s8, $0x8;
	[sflag:s2] =	ssyncset.done $0x0  }
0x69: {  	s9 =	smin.u32 s17, s11;
	s8 =	sadd.s32 s5, s8;
	[sflag:s2] =	ssyncadd.s32 $0xFFFFFF00  }
0x6a: {  	[tilespmem:s15], [sflag:$0x1] =	stream.linear.gather [hbm4b:s8+s15], $0x800, $0x38;
	[tilespmem:$0x1D400] =	vst v63  }
0x6b: {  	s8 =	sshll.u32 s9, $0x5  }
0x6c: {  	[tilespmem:s23], [sflag:$0x1] =	stream.indirect.gather [hbm4b:s6+s22], $0x80, s24, s22, $0xb8;
	[tilespmem:$0x1D400] =	vst v63  }
0x6d: {  	s17 =	simm.s32 $0x5040;
	s8 =	sadd.s32 s1, s8  }
0x6e: {  	[tilespmem:s19], [sflag:$0x3] =	stream.linear.gather [hbm4b:s8+s15], $0x100, $0x38;
	[tilespmem:$0x1D400] =	vst v63  }
0x6f: {  	s31 =	simm.s32 $0x40;
	s8 =	simm.s32 $0x0;
	s15 =	simm.s32 $0x5040;
	v0 =	vld [tilespmem:s17+$0xFFFFFFF0]  }
.LBB2_5:
0x70: {  	p0 =	sne.s32 s31, $0x1FC0;
	v1 =	vld [tilespmem:s8+$0x4800]  }
0x71: {  	v2 =	vld [tilespmem:s17+$0xFFFFFFD0]  }
0x72: {  	v3 =	vld [tilespmem:s17+$0xFFFFFFC0]  }
0x73: {  	v4 =	vld [tilespmem:s17+$0xFFFFFFE0]  }
0x74: {  	v5 =	vld [tilespmem:s17+$0x30]  }
0x75: {  	v6 =	vbroadcast v1, $0x0;
	v7 =	vbroadcast v1, $0x1;
	v8 =	vld [tilespmem:s17+$0x10]  }
0x76: {  	v9 =	vbroadcast v1, $0x2;
	v10 =	vbroadcast v1, $0x3;
	v11 =	vld [tilespmem:s17+$0x0]  }
0x77: {  	v3 =	vmul.f32 v6, v3;
	v2 =	vmul.f32 v2, v7;
	v6 =	vld [tilespmem:s17+$0x20]  }
0x78: {  	v0 =	vmul.f32 v0, v10;
	v4 =	vmul.f32 v4, v9  }
0x79: {  	v7 =	vbroadcast v1, $0x5;
	[tilespmem:s17+$0xFFFFFFC0] =	vst v3;
	v3 =	vbroadcast v1, $0x4  }
0x7a: {  	[tilespmem:s17+$0xFFFFFFD0] =	vst v2;
	v2 =	vbroadcast v1, $0x6;
	v1 =	vbroadcast v1, $0x7  }
0x7b: {  	[tilespmem:s17+$0xFFFFFFE0] =	vst v4;
	v3 =	vmul.f32 v11, v3;
	v4 =	vmul.f32 v8, v7  }
.Ltmp1:
0x7c: {  	[tilespmem:s17+$0xFFFFFFF0] =	vst v0;
	v0 =	vmul.f32 v6, v2;
	v1 =	vmul.f32 v5, v1;
	(pc) =	sbr.rel @p0 .LBB2_5-.Ltmp1, $4  }
0x7d: {  	[tilespmem:s17+$0x0] =	vst v3  }
0x7e: {  	[tilespmem:s17+$0x10] =	vst v4  }
0x7f: {  	s17 =	sadd.s32 $0x80, s17;
	[tilespmem:s15+$0x20] =	vst v0  }
0x80: {  	s8 =	sshra.s32 s31, $0x2;
	s31 =	sadd.s32 $0x40, s31;
	v0 =	vld [tilespmem:s17+$0xFFFFFFF0];
	[tilespmem:s15+$0x30] =	vst v1;
	s15 =	smov.u32 s17  }
0x81: {  	v1 =	vld [tilespmem:s8+$0x4800];
	_ =	sdelay $0x1  }
0x82: {  	v2 =	vld [tilespmem:s17+$0xFFFFFFC0]  }
0x83: {  	v3 =	vld [tilespmem:s17+$0xFFFFFFD0]  }
0x84: {  	v4 =	vld [tilespmem:s17+$0xFFFFFFE0]  }
0x85: {  	v5 =	vbroadcast v1, $0x0  }
0x86: {  	v8 =	vld [tilespmem:s17+$0x10];
	v6 =	vbroadcast v1, $0x1  }
0x87: {  	v7 =	vld [tilespmem:s17+$0x0];
	v9 =	vbroadcast v1, $0x2;
	v2 =	vmul.f32 v5, v2  }
0x88: {  	v61 =	vld [tilespmem:s17+$0x20];
	v60 =	vbroadcast v1, $0x3;
	v3 =	vmul.f32 v3, v6  }
0x89: {  	v10 =	vld [tilespmem:s17+$0x30];
	v62 =	vbroadcast v1, $0x5;
	v4 =	vmul.f32 v4, v9;
	[tilespmem:s17+$0xFFFFFFC0] =	vst v2  }
0x8a: {  	v0 =	vmul.f32 v0, v60;
	v2 =	vbroadcast v1, $0x4;
	[tilespmem:s17+$0xFFFFFFD0] =	vst v3  }
0x8b: {  	v63 =	vmul.f32 v8, v62;
	v3 =	vbroadcast v1, $0x6;
	[tilespmem:s17+$0xFFFFFFE0] =	vst v4  }
0x8c: {  	v1 =	vbroadcast v1, $0x7;
	[tilespmem:s17+$0xFFFFFFF0] =	vst v0;
	v2 =	vmul.f32 v7, v2  }
0x8d: {  	[tilespmem:s17+$0x10] =	vst v63;
	v0 =	vmul.f32 v61, v3  }
0x8e: {  	v1 =	vmul.f32 v10, v1;
	[tilespmem:s17+$0x0] =	vst v2  }
0x8f: {  	[tilespmem:s15+$0x20] =	vst v0  }
0x90: {  	[tilespmem:s15+$0x30] =	vst v1;
	s15 =	simm.s32 $0x9180  }
0x91: {  	[spmem:s3] =	stream.indirect.scatter.add.f32 [tilespmem:s29], [sflag:$0x7], $0x80, s15, s22, $0xb8;
	[tilespmem:$0x1D400] =	vst v63  }
0x92: {  	_ =	swait.ge [sflag:s18], $0x4000  }
0x93: {  	[sflag:s18] =	ssyncset.done $0x0  }
0x94: {  	[sflag:s18] =	ssyncadd.s32 $0xFFFFC000  }
0x95: {  	_ =	swait.ge [sflag:s25], $0x800  }
0x96: {  	[sflag:s25] =	ssyncset.done $0x0  }
0x97: {  	[sflag:s25] =	ssyncadd.s32 $0xFFFFF800  }
0x98: {  	_ =	swait.ge [sflag:s25], $0x4000  }
0x99: {  	[sflag:s25] =	ssyncset.done $0x0  }
0x9a: {  	[sflag:s25] =	ssyncadd.s32 $0xFFFFC000  }
0x9b: {  	_ =	swait.ge [sflag:s12], $0x100  }
0x9c: {  	s4 =	sshll.u32 s4, $0x8;
	s31 =	sadd.s32 $0x5, s10;
	[sflag:s12] =	ssyncset.done $0x0  }
0x9d: {  	s4 =	sadd.s32 s5, s4;
	s17 =	simm.s32 $0x0;
	[sflag:s12] =	ssyncadd.s32 $0xFFFFFF00  }
0x9e: {  	[tilespmem:s28], [sflag:$0x2] =	stream.linear.gather [hbm4b:s4+s17], $0x800, $0x38;
	[tilespmem:$0x1D400] =	vst v63  }
0x9f: {  	s4 =	smin.u32 s31, s11  }
0xa0: {  	s4 =	sshll.u32 s4, $0x5  }
0xa1: {  	[tilespmem:s29], [sflag:$0x2] =	stream.indirect.gather [hbm4b:s6+s22], $0x80, s30, s22, $0xb8;
	[tilespmem:$0x1D400] =	vst v63  }
0xa2: {  	s4 =	sadd.s32 s1, s4  }
0xa3: {  	[tilespmem:s20], [sflag:$0x4] =	stream.linear.gather [hbm4b:s4+s17], $0x100, $0x38;
	[tilespmem:$0x1D400] =	vst v63  }
0xa4: {  	s4 =	simm.s32 $0x840  }
0xa5: {  	s8 =	simm.s32 $0x0;
	s15 =	simm.s32 $0x840;
	s17 =	simm.s32 $0x40;
	v0 =	vld [tilespmem:s4+$0xFFFFFFF0]  }
.LBB2_7:
0xa6: {  	p0 =	sne.s32 s17, $0x1FC0;
	v1 =	vld [tilespmem:s8+$0x0]  }
0xa7: {  	v2 =	vld [tilespmem:s4+$0xFFFFFFD0]  }
0xa8: {  	v3 =	vld [tilespmem:s4+$0xFFFFFFC0]  }
0xa9: {  	v4 =	vld [tilespmem:s4+$0xFFFFFFE0]  }
0xaa: {  	v5 =	vld [tilespmem:s4+$0x30]  }
0xab: {  	v6 =	vbroadcast v1, $0x0;
	v7 =	vbroadcast v1, $0x1;
	v8 =	vld [tilespmem:s4+$0x10]  }
0xac: {  	v9 =	vbroadcast v1, $0x2;
	v10 =	vbroadcast v1, $0x3;
	v11 =	vld [tilespmem:s4+$0x0]  }
0xad: {  	v3 =	vmul.f32 v6, v3;
	v2 =	vmul.f32 v2, v7;
	v6 =	vld [tilespmem:s4+$0x20]  }
0xae: {  	v0 =	vmul.f32 v0, v10;
	v4 =	vmul.f32 v4, v9  }
0xaf: {  	v7 =	vbroadcast v1, $0x5;
	[tilespmem:s4+$0xFFFFFFC0] =	vst v3;
	v3 =	vbroadcast v1, $0x4  }
0xb0: {  	[tilespmem:s4+$0xFFFFFFD0] =	vst v2;
	v2 =	vbroadcast v1, $0x6;
	v1 =	vbroadcast v1, $0x7  }
0xb1: {  	[tilespmem:s4+$0xFFFFFFE0] =	vst v4;
	v3 =	vmul.f32 v11, v3;
	v4 =	vmul.f32 v8, v7  }
.Ltmp2:
0xb2: {  	[tilespmem:s4+$0xFFFFFFF0] =	vst v0;
	v0 =	vmul.f32 v6, v2;
	v1 =	vmul.f32 v5, v1;
	(pc) =	sbr.rel @p0 .LBB2_7-.Ltmp2, $4  }
0xb3: {  	[tilespmem:s4+$0x0] =	vst v3  }
0xb4: {  	[tilespmem:s4+$0x10] =	vst v4  }
0xb5: {  	s4 =	sadd.s32 $0x80, s4;
	[tilespmem:s15+$0x20] =	vst v0  }
0xb6: {  	s8 =	sshra.s32 s17, $0x2;
	s17 =	sadd.s32 $0x40, s17;
	v0 =	vld [tilespmem:s4+$0xFFFFFFF0];
	[tilespmem:s15+$0x30] =	vst v1;
	s15 =	smov.u32 s4  }
0xb7: {  	v1 =	vld [tilespmem:s8+$0x0];
	_ =	sdelay $0x1  }
0xb8: {  	v2 =	vld [tilespmem:s4+$0xFFFFFFC0]  }
0xb9: {  	v3 =	vld [tilespmem:s4+$0xFFFFFFD0]  }
0xba: {  	v4 =	vld [tilespmem:s4+$0xFFFFFFE0]  }
0xbb: {  	v5 =	vbroadcast v1, $0x0  }
0xbc: {  	v8 =	vld [tilespmem:s4+$0x10];
	v6 =	vbroadcast v1, $0x1  }
0xbd: {  	v7 =	vld [tilespmem:s4+$0x0];
	v9 =	vbroadcast v1, $0x2;
	v2 =	vmul.f32 v5, v2  }
0xbe: {  	v61 =	vld [tilespmem:s4+$0x20];
	v60 =	vbroadcast v1, $0x3;
	v3 =	vmul.f32 v3, v6  }
0xbf: {  	v10 =	vld [tilespmem:s4+$0x30];
	v62 =	vbroadcast v1, $0x5;
	v4 =	vmul.f32 v4, v9;
	[tilespmem:s4+$0xFFFFFFC0] =	vst v2  }
0xc0: {  	v0 =	vmul.f32 v0, v60;
	v2 =	vbroadcast v1, $0x4;
	[tilespmem:s4+$0xFFFFFFD0] =	vst v3  }
0xc1: {  	v63 =	vmul.f32 v8, v62;
	v3 =	vbroadcast v1, $0x6;
	[tilespmem:s4+$0xFFFFFFE0] =	vst v4  }
0xc2: {  	v1 =	vbroadcast v1, $0x7;
	[tilespmem:s4+$0xFFFFFFF0] =	vst v0;
	v2 =	vmul.f32 v7, v2  }
0xc3: {  	[tilespmem:s4+$0x10] =	vst v63;
	v0 =	vmul.f32 v61, v3  }
0xc4: {  	v1 =	vmul.f32 v10, v1;
	[tilespmem:s4+$0x0] =	vst v2  }
0xc5: {  	[tilespmem:s15+$0x20] =	vst v0  }
0xc6: {  	[tilespmem:s15+$0x30] =	vst v1  }
0xc7: {  	[spmem:s3] =	stream.indirect.scatter.add.f32 [tilespmem:s23], [sflag:$0x7], $0x80, s13, s22, $0xb8;
	[tilespmem:$0x1D400] =	vst v63  }
0xc8: {  	_ =	swait.ge [sflag:s18], $0x4000  }
0xc9: {  	[sflag:s18] =	ssyncset.done $0x0  }
0xca: {  	[sflag:s18] =	ssyncadd.s32 $0xFFFFC000  }
0xcb: {  	_ =	swait.ge [sflag:s0], $0x800  }
0xcc: {  	[sflag:s0] =	ssyncset.done $0x0  }
0xcd: {  	[sflag:s0] =	ssyncadd.s32 $0xFFFFF800  }
0xce: {  	_ =	swait.ge [sflag:s0], $0x4000  }
0xcf: {  	[sflag:s0] =	ssyncset.done $0x0  }
0xd0: {  	[sflag:s0] =	ssyncadd.s32 $0xFFFFC000  }
0xd1: {  	_ =	swait.ge [sflag:s21], $0x100  }
0xd2: {  	s17 =	simm.s32 $0x0;
	s15 =	sshll.u32 s9, $0x8;
	[sflag:s21] =	ssyncset.done $0x0  }
0xd3: {  	s31 =	sadd.s32 $0x6, s10;
	s4 =	sadd.s32 s5, s15;
	[sflag:s21] =	ssyncadd.s32 $0xFFFFFF00  }
0xd4: {  	[tilespmem:s17], [sflag:$0x1] =	stream.linear.gather [hbm4b:s4+s17], $0x800, $0x38;
	[tilespmem:$0x1D400] =	vst v63  }
0xd5: {  	s4 =	smin.u32 s31, s11  }
0xd6: {  	s4 =	sshll.u32 s4, $0x5  }
0xd7: {  	[tilespmem:s23], [sflag:$0x1] =	stream.indirect.gather [hbm4b:s6+s22], $0x80, s19, s22, $0xb8;
	[tilespmem:$0x1D400] =	vst v63  }
0xd8: {  	s4 =	sadd.s32 s1, s4  }
0xd9: {  	[tilespmem:s24], [sflag:$0x5] =	stream.linear.gather [hbm4b:s4+s17], $0x100, $0x38;
	[tilespmem:$0x1D400] =	vst v63  }
0xda: {  	s4 =	simm.s32 $0x5040  }
0xdb: {  	s8 =	simm.s32 $0x0;
	s10 =	simm.s32 $0x40;
	s9 =	simm.s32 $0x5040;
	v0 =	vld [tilespmem:s4+$0xFFFFFFF0]  }
.LBB2_9:
0xdc: {  	p0 =	sne.s32 s10, $0x1FC0;
	v1 =	vld [tilespmem:s8+$0x4800]  }
0xdd: {  	v2 =	vld [tilespmem:s4+$0xFFFFFFD0]  }
0xde: {  	v3 =	vld [tilespmem:s4+$0xFFFFFFC0]  }
0xdf: {  	v4 =	vld [tilespmem:s4+$0xFFFFFFE0]  }
0xe0: {  	v5 =	vld [tilespmem:s4+$0x30]  }
0xe1: {  	v6 =	vbroadcast v1, $0x0;
	v7 =	vbroadcast v1, $0x1;
	v8 =	vld [tilespmem:s4+$0x10]  }
0xe2: {  	v9 =	vbroadcast v1, $0x2;
	v10 =	vbroadcast v1, $0x3;
	v11 =	vld [tilespmem:s4+$0x0]  }
0xe3: {  	v3 =	vmul.f32 v6, v3;
	v2 =	vmul.f32 v2, v7;
	v6 =	vld [tilespmem:s4+$0x20]  }
0xe4: {  	v0 =	vmul.f32 v0, v10;
	v4 =	vmul.f32 v4, v9  }
0xe5: {  	v7 =	vbroadcast v1, $0x5;
	[tilespmem:s4+$0xFFFFFFC0] =	vst v3;
	v3 =	vbroadcast v1, $0x4  }
0xe6: {  	[tilespmem:s4+$0xFFFFFFD0] =	vst v2;
	v2 =	vbroadcast v1, $0x6;
	v1 =	vbroadcast v1, $0x7  }
0xe7: {  	[tilespmem:s4+$0xFFFFFFE0] =	vst v4;
	v3 =	vmul.f32 v11, v3;
	v4 =	vmul.f32 v8, v7  }
.Ltmp3:
0xe8: {  	[tilespmem:s4+$0xFFFFFFF0] =	vst v0;
	v0 =	vmul.f32 v6, v2;
	v1 =	vmul.f32 v5, v1;
	(pc) =	sbr.rel @p0 .LBB2_9-.Ltmp3, $4  }
0xe9: {  	[tilespmem:s4+$0x0] =	vst v3  }
0xea: {  	[tilespmem:s4+$0x10] =	vst v4  }
0xeb: {  	s4 =	sadd.s32 $0x80, s4;
	[tilespmem:s9+$0x20] =	vst v0  }
0xec: {  	s8 =	sshra.s32 s10, $0x2;
	s10 =	sadd.s32 $0x40, s10;
	v0 =	vld [tilespmem:s4+$0xFFFFFFF0];
	[tilespmem:s9+$0x30] =	vst v1;
	s9 =	smov.u32 s4  }
0xed: {  	v1 =	vld [tilespmem:s8+$0x4800];
	_ =	sdelay $0x1  }
0xee: {  	v2 =	vld [tilespmem:s4+$0xFFFFFFC0]  }
0xef: {  	v3 =	vld [tilespmem:s4+$0xFFFFFFD0]  }
0xf0: {  	v4 =	vld [tilespmem:s4+$0xFFFFFFE0]  }
0xf1: {  	v5 =	vbroadcast v1, $0x0  }
0xf2: {  	v8 =	vld [tilespmem:s4+$0x10];
	v6 =	vbroadcast v1, $0x1  }
0xf3: {  	v7 =	vld [tilespmem:s4+$0x0];
	v9 =	vbroadcast v1, $0x2;
	v2 =	vmul.f32 v5, v2  }
0xf4: {  	v58 =	vld [tilespmem:s4+$0x20];
	v57 =	vbroadcast v1, $0x3;
	v3 =	vmul.f32 v3, v6  }
0xf5: {  	v10 =	vld [tilespmem:s4+$0x30];
	v60 =	vbroadcast v1, $0x5;
	v4 =	vmul.f32 v4, v9;
	[tilespmem:s4+$0xFFFFFFC0] =	vst v2  }
0xf6: {  	v59 =	vbroadcast v1, $0x4;
	v0 =	vmul.f32 v0, v57;
	[tilespmem:s4+$0xFFFFFFD0] =	vst v3  }
0xf7: {  	v61 =	vbroadcast v1, $0x6;
	v62 =	vmul.f32 v8, v60;
	[tilespmem:s4+$0xFFFFFFE0] =	vst v4  }
0xf8: {  	v1 =	vbroadcast v1, $0x7;
	v2 =	vmul.f32 v7, v59;
	[tilespmem:s4+$0xFFFFFFF0] =	vst v0  }
0xf9: {  	v63 =	vmul.f32 v58, v61;
	[tilespmem:s4+$0x10] =	vst v62  }
0xfa: {  	s16 =	sadd.s32 $0x1, s16;
	v1 =	vmul.f32 v10, v1;
	[tilespmem:s4+$0x0] =	vst v2  }
0xfb: {  	p0 =	sne.s32 s16, $0x14;
	[tilespmem:s9+$0x20] =	vst v63  }
.Ltmp4:
0xfc: {  	[tilespmem:s9+$0x30] =	vst v1;
	(pc) =	sbr.rel @p0 .LBB2_2-.Ltmp4, $4  }
0xfd: {  	[spmem:s3] =	stream.indirect.scatter.add.f32 [tilespmem:s29], [sflag:$0x7], $0x80, s14, s22, $0xb8;
	[tilespmem:$0x1D400] =	vst v63  }
0xfe: {  	_ =	swait.ge [sflag:s18], $0x4000  }
0xff: {  	[sflag:s18] =	ssyncset.done $0x0  }
0x100: {  	[sflag:s18] =	ssyncadd.s32 $0xFFFFC000  }
0x101: {  	_ =	swait.ge [sflag:s25], $0x800  }
0x102: {  	[sflag:s25] =	ssyncset.done $0x0  }
0x103: {  	[sflag:s25] =	ssyncadd.s32 $0xFFFFF800  }
0x104: {  	_ =	swait.ge [sflag:s25], $0x4000  }
0x105: {  	[sflag:s25] =	ssyncset.done $0x0  }
0x106: {  	[sflag:s25] =	ssyncadd.s32 $0xFFFFC000  }
0x107: {  	_ =	swait.ge [sflag:s26], $0x100  }
0x108: {  	[sflag:s26] =	ssyncset.done $0x0  }
0x109: {  	[sflag:s26] =	ssyncadd.s32 $0xFFFFFF00  }
0x10a: {  	_ =	swait.ge [sflag:s2], $0x100  }
0x10b: {  	[sflag:s2] =	ssyncset.done $0x0  }
0x10c: {  	[sflag:s2] =	ssyncadd.s32 $0xFFFFFF00  }
0x10d: {  	[bflag:$0x0] =	sbarrier.arrive $0xFFFF  }
0x10e: {  	s9 =	rddreg [dreg:$0x5]  }
0x10f: {  	s4 =	rddreg [dreg:$0xa]  }
0x110: {  	s8 =	rddreg [dreg:$0xc]  }
0x111: {  	[hbm:s4], [sflag:s9] =	dma.local [spmem:s8], $0x2800  }
0x112: {  	_ =	swait.ge [sflag:s18], $0x2800  }
0x113: {  	s10 =	rddreg [dreg:$0xd]  }
0x114: {  	s31 =	rddreg [dreg:$0xb];
	s10 =	sadd.s32 $0x1, s10  }
0x115: {  	p0 =	sne.s32 s10, s31  }
.Ltmp5:
0x116: {  	_ = 	snop;
	(pc) =	sbr.rel @p0 .LBB2_1-.Ltmp5, $3  }
0x117: {  	_ =	sdelay $0x1  }
0x118: {  	[sflag:s18] =	ssyncset.done $0x0  }
0x119: {  	[sflag:s18] =	ssyncadd.s32 $0xFFFFD800  }
0x11a: {  	_ =	sfence.sel $0x180000  }
0x11b: {  	[bflag:$0x0] =	sbarrier.arrive $0xFFFF  }
0x11c: {  	_ =	strace $0x9000004A  }
0x11d: {  	s0 =	stileid.u32;
	[bflag:$0x2] =	sbarrier.arrive $0xFFFF  }
0x11e: {  	p0 =	sne.s32 s0, $0x0;
	s0 =	rddreg [dreg:$0x3]  }
0x11f: {  	s0 =	sadd.s32 @!p0 $0x100000, s0  }
0x120: {  	[sflag:s0] =	ssyncadd.tile.s32 @!p0 $0x1;
	_ =	shalt  }
.Lfunc_end2:
_tile_overlayer_lowered:
.L_overlay_start_2:
0x121: {  	(tag) =	ssettag $0x2  }
0x122: {  	s0 =	rddreg [dreg:$0x0];
	s2 =	stileid.u32  }
0x123: {  	s1 =	rddreg [dreg:$0x1];
	p0 =	sne.s32 s2, $0x0  }
0x124: {  	s3 =	rddreg [dreg:$0x2];
	[bflag:$0x3] =	sbarrier.arrive $0xFFFF;
	s2 =	simm.s32 @!p0 $0x1C07  }
0x125: {  	[timem:s3], [sflag:s2] =	dma.local @!p0 [hbm:s0], s1  }
0x126: {  	s0 =	simm.s32 @!p0 $0x7  }
0x127: {  	_ =	swait.ge @!p0 [sflag:s0], s1  }
0x128: {  	s1 =	ssub.s32 @!p0 $0x0, s1;
	[sflag:s0] =	ssyncset.done @!p0 $0x0  }
0x129: {  	[sflag:s0] =	ssyncadd.s32 @!p0 s1  }
0x12a: {  	[bflag:$0x3] =	sbarrier.arrive $0xFFFF  }
0x12b: {  	_ =	shalt  }

</sc_bundles>
